<compile_context>
chip_gen: v7x
topology: tpu7x:2x2x1
jax: 0.10.2.dev20260603
libtpu: 0.0.44.dev20260713+nightly
codegen_flags: <defaults>
</compile_context>

<pallas_src>
import functools

import jax
import jax.numpy as jnp
from jax import lax
from jax.experimental import pallas as pl
from jax.experimental.pallas import tpu as pltpu
from jax.experimental.pallas import tpu_sc as plsc

N_NODES = 10000
N_EDGES = 320000
D_FEAT = 128

NW = 32
PER_W = N_EDGES // NW
CHUNK = 80
NCHUNK = PER_W // CHUNK

LANES = 16
D_VECS = D_FEAT // LANES


def _sc_kernel_body(h_hbm, src_hbm, dst_hbm, out_hbm,
                    idx_s, idx_d, rows_s, rows_d, out_v, sem0, sem1):
    wid = lax.axis_index("s") * 2 + lax.axis_index("c")
    wbase = wid * PER_W
    lane_iota = lax.iota(jnp.int32, LANES)

    pltpu.sync_copy(src_hbm.at[pl.ds(wbase, PER_W)], idx_s)
    pltpu.sync_copy(dst_hbm.at[pl.ds(wbase, PER_W)], idx_d)

    def gather_copies(c, p, sem):
        cp_s = pltpu.make_async_copy(
            h_hbm.at[idx_s.at[pl.ds(c * CHUNK, CHUNK)]], rows_s.at[p], sem)
        cp_d = pltpu.make_async_copy(
            h_hbm.at[idx_d.at[pl.ds(c * CHUNK, CHUNK)]], rows_d.at[p], sem)
        return cp_s, cp_d

    def start(c, p, sem):
        cp_s, cp_d = gather_copies(c, p, sem)
        cp_s.start()
        cp_d.start()

    def wait(c, p, sem):
        cp_s, cp_d = gather_copies(c, p, sem)
        cp_s.wait()
        cp_d.wait()

    start(0, 0, sem0)
    start(1, 1, sem1)

    def chunk_body(c, carry):
        p = lax.rem(c, 2)

        def do_chunk(p_const, sem_p):
            wait(c, p_const, sem_p)

            shift16 = jnp.full((LANES,), 16, jnp.int32)
            rot_idx = {d: lane_iota ^ d for d in (8, 4, 2, 1)}
            sel_msk = {d: (lane_iota & d) == 0 for d in (8, 4, 2, 1)}

            def xmerge(x, y, d):
                xr = jnp.take_along_axis(x, rot_idx[d], axis=0,
                                         mode="promise_in_bounds")
                yr = jnp.take_along_axis(y, rot_idx[d], axis=0,
                                         mode="promise_in_bounds")
                m = sel_msk[d]
                return jnp.where(m, x, yr) + jnp.where(m, xr, y)

            def group_body(g, carry2):
                gbase = g * LANES
                accs = []
                for j in range(LANES):
                    acc = None
                    for k in range(D_FEAT // (2 * LANES)):
                        vs = rows_s[p_const, gbase + j, pl.ds(k * LANES, LANES)]
                        vd = rows_d[p_const, gbase + j, pl.ds(k * LANES, LANES)]
                        s_lo = plsc.bitcast(lax.shift_left(vs, shift16),
                                            jnp.float32)
                        d_lo = plsc.bitcast(lax.shift_left(vd, shift16),
                                            jnp.float32)
                        s_hi = plsc.bitcast(vs, jnp.float32)
                        d_hi = plsc.bitcast(vd, jnp.float32)
                        part = s_lo * d_lo + s_hi * d_hi
                        acc = part if acc is None else acc + part
                    accs.append(acc)
                for d in (8, 4, 2, 1):
                    accs = [xmerge(accs[i], accs[i + d], d)
                            for i in range(len(accs)) if not (i & d)]
                out_v[pl.ds(c * CHUNK + gbase, LANES)] = accs[0]
                return carry2

            lax.fori_loop(0, CHUNK // LANES, group_body, 0)

            @pl.when(c + 2 < NCHUNK)
            def _():
                start(c + 2, p_const, sem_p)

        @pl.when(p == 0)
        def _():
            do_chunk(0, sem0)

        @pl.when(p == 1)
        def _():
            do_chunk(1, sem1)

        return carry

    lax.fori_loop(0, NCHUNK, chunk_body, 0)
    pltpu.sync_copy(out_v, out_hbm.at[pl.ds(wbase, PER_W)])


@jax.jit
def _scores(h, src, dst):
    mesh = plsc.VectorSubcoreMesh(core_axis_name="c", subcore_axis_name="s")
    kfn = functools.partial(
        pl.kernel,
        mesh=mesh,
        compiler_params=pltpu.CompilerParams(
            needs_layout_passes=False, use_tc_tiling_on_sc=False),
        out_type=jax.ShapeDtypeStruct((N_EDGES,), jnp.float32),
        scratch_types=[
            pltpu.VMEM((PER_W,), jnp.int32),
            pltpu.VMEM((PER_W,), jnp.int32),
            pltpu.VMEM((2, CHUNK, D_FEAT // 2), jnp.int32),
            pltpu.VMEM((2, CHUNK, D_FEAT // 2), jnp.int32),
            pltpu.VMEM((PER_W,), jnp.float32),
            pltpu.SemaphoreType.DMA,
            pltpu.SemaphoreType.DMA,
        ],
    )(_sc_kernel_body)
    return kfn(h, src, dst)


def kernel(h, edge_index):
    src = edge_index[0].astype(jnp.int32)
    dst = edge_index[1].astype(jnp.int32)
    h_packed = lax.bitcast_convert_type(
        h.astype(jnp.bfloat16).reshape(N_NODES, D_FEAT // 2, 2), jnp.int32)
    scores = _scores(h_packed, src, dst)
    return scores.reshape(N_EDGES, 1)

# --- scband reference (transcript-rebuilt; emitter-appended) ---
"""Pipeline reference for scband-hetero-dot-product-predictor-25855703122642 (READ-ONLY COPY).

The authoritative reference and input builder live on the scoring server;
editing this copy changes nothing except your own understanding.
"""

import jax, jax.numpy as jnp
import numpy as np

N_NODES = 10000
N_EDGES = 320000
D_FEAT = 128

def setup_inputs(seed: int = 0) -> dict:
    key = jax.random.key(seed)
    k1, k2 = jax.random.split(key)
    h = jax.random.normal(k1, (N_NODES, D_FEAT), dtype=jnp.float32)
    edge_index = jax.random.randint(k2, (2, N_EDGES), 0, N_NODES, dtype=jnp.int64)
    return {"h": h, "edge_index": edge_index}

def reference(h, edge_index):
    # DGL HeteroDotProductPredictor: score[e] = <h[src[e]], h[dst[e]]>
    # apply_edges(fn.u_dot_v('h','h','score')) produces shape [E, 1]
    src = edge_index[0]
    dst = edge_index[1]
    h_src = jnp.take(h, src, axis=0)
    h_dst = jnp.take(h, dst, axis=0)
    score = jnp.sum(h_src * h_dst, axis=-1, keepdims=True)
    return score

if __name__ == "__main__":
    import jax
    _d = setup_inputs()
    print(jax.jit(kernel)(*tuple(_d.values())))

</pallas_src>

<mosaic_0001>
#map = affine_map<(d0, d1) -> (0, 0)>
#map1 = affine_map<(d0, d1) -> (0)>
module attributes {stable_mosaic.version = 14 : i64} {
  func.func @_sc_kernel_body(%arg0: i32, %arg1: i32, %arg2: memref<10000x64xi32, #tpu.memory_space<hbm>>, %arg3: memref<320000xi32, #tpu.memory_space<hbm>>, %arg4: memref<320000xi32, #tpu.memory_space<hbm>>, %arg5: memref<320000xf32, #tpu.memory_space<hbm>>, %arg6: memref<10000xi32, #tpu.memory_space<vmem>>, %arg7: memref<10000xi32, #tpu.memory_space<vmem>>, %arg8: memref<2x80x64xi32, #tpu.memory_space<vmem>>, %arg9: memref<2x80x64xi32, #tpu.memory_space<vmem>>, %arg10: memref<10000xf32, #tpu.memory_space<vmem>>, %arg11: memref<!tpu.dma_semaphore, #tpu.memory_space<semaphore_mem>>, %arg12: memref<!tpu.dma_semaphore, #tpu.memory_space<semaphore_mem>>) attributes {dimension_semantics = [#tpu.dimension_semantics<core_parallel>, #tpu.dimension_semantics<subcore_parallel>], iteration_bounds = array<i64: 2, 16>, scalar_prefetch = 0 : i64, scratch_operands = 7 : i64, tpu.core_type = #tpu.core_type<sc_vector_subcore>, window_params = [{transform_indices = #map}, {transform_indices = #map1}, {transform_indices = #map1}, {transform_indices = #map1}]} {
    %mul3A = arith.constant 2 : i32
    %mul3A_0 = arith.muli %arg1, %mul3A : i32
    %add3A = arith.addi %mul3A_0, %arg0 : i32
    %mul3A_1 = arith.constant 10000 : i32
    %mul3A_2 = arith.muli %add3A, %mul3A_1 : i32
    %iota3A = tpu.iota {dimensions = array<i32: 0>} : vector<16xi32>
    "tpu.region"() ({
      %run_scoped3A = tpu.sem_alloc : memref<!tpu.dma_semaphore, #tpu.memory_space<semaphore_mem>>
      %dma_start3A_47 = tpu.memref_slice %arg3[%mul3A_2] : memref<320000xi32, #tpu.memory_space<hbm>> -> memref<10000xi32, #tpu.memory_space<hbm>>
      %dma_start3A_48 = tpu.memref_slice %arg3[%mul3A_2] : memref<320000xi32, #tpu.memory_space<hbm>> -> memref<10000xi32, #tpu.memory_space<hbm>>
      tpu.enqueue_dma source(%dma_start3A_48 : memref<10000xi32, #tpu.memory_space<hbm>>) target(%arg6 : memref<10000xi32, #tpu.memory_space<vmem>>) target_semaphore(%run_scoped3A : memref<!tpu.dma_semaphore, #tpu.memory_space<semaphore_mem>>)
      %dma_wait3A = tpu.memref_slice %arg3[%mul3A_2] : memref<320000xi32, #tpu.memory_space<hbm>> -> memref<10000xi32, #tpu.memory_space<hbm>>
      %dma_wait3A_49 = tpu.memref_slice %arg3[%mul3A_2] : memref<320000xi32, #tpu.memory_space<hbm>> -> memref<10000xi32, #tpu.memory_space<hbm>>
      tpu.wait_dma2 semaphore(%run_scoped3A : memref<!tpu.dma_semaphore, #tpu.memory_space<semaphore_mem>>) src(%dma_wait3A_49 : memref<10000xi32, #tpu.memory_space<hbm>>) dst(%arg6 : memref<10000xi32, #tpu.memory_space<vmem>>)
      tpu.yield
    }) : () -> ()
    "tpu.region"() ({
      %run_scoped3A = tpu.sem_alloc : memref<!tpu.dma_semaphore, #tpu.memory_space<semaphore_mem>>
      %dma_start3A_47 = tpu.memref_slice %arg4[%mul3A_2] : memref<320000xi32, #tpu.memory_space<hbm>> -> memref<10000xi32, #tpu.memory_space<hbm>>
      %dma_start3A_48 = tpu.memref_slice %arg4[%mul3A_2] : memref<320000xi32, #tpu.memory_space<hbm>> -> memref<10000xi32, #tpu.memory_space<hbm>>
      tpu.enqueue_dma source(%dma_start3A_48 : memref<10000xi32, #tpu.memory_space<hbm>>) target(%arg7 : memref<10000xi32, #tpu.memory_space<vmem>>) target_semaphore(%run_scoped3A : memref<!tpu.dma_semaphore, #tpu.memory_space<semaphore_mem>>)
      %dma_wait3A = tpu.memref_slice %arg4[%mul3A_2] : memref<320000xi32, #tpu.memory_space<hbm>> -> memref<10000xi32, #tpu.memory_space<hbm>>
      %dma_wait3A_49 = tpu.memref_slice %arg4[%mul3A_2] : memref<320000xi32, #tpu.memory_space<hbm>> -> memref<10000xi32, #tpu.memory_space<hbm>>
      tpu.wait_dma2 semaphore(%run_scoped3A : memref<!tpu.dma_semaphore, #tpu.memory_space<semaphore_mem>>) src(%dma_wait3A_49 : memref<10000xi32, #tpu.memory_space<hbm>>) dst(%arg7 : memref<10000xi32, #tpu.memory_space<vmem>>)
      tpu.yield
    }) : () -> ()
    %dma_start3A = arith.constant 0 : i32
    %dma_start3A_3 = arith.constant 0 : i32
    %dma_start3A_4 = arith.constant 0 : i32
    %dma_start3A_5 = tpu.memref_slice %arg8[%dma_start3A, %dma_start3A_3, %dma_start3A_4] : memref<2x80x64xi32, #tpu.memory_space<vmem>> -> memref<1x80x64xi32, #tpu.memory_space<vmem>>
    %dma_start3A_6 = tpu.memref_squeeze %dma_start3A_5 : memref<1x80x64xi32, #tpu.memory_space<vmem>> -> memref<80x64xi32, #tpu.memory_space<vmem>>
    %dma_start3A_7 = arith.constant 0 : i32
    %dma_start3A_8 = tpu.memref_slice %arg6[%dma_start3A_7] : memref<10000xi32, #tpu.memory_space<vmem>> -> memref<80xi32, #tpu.memory_space<vmem>>
    %dma_start3A_9 = arith.constant 0 : i32
    %dma_start3A_10 = arith.constant 0 : i32
    %dma_start3A_11 = tpu.memref_slice %arg2[%dma_start3A_9, %dma_start3A_10] : memref<10000x64xi32, #tpu.memory_space<hbm>> -> memref<10000x64xi32, #tpu.memory_space<hbm>>
    tpu.enqueue_indirect_dma source(%dma_start3A_11 : memref<10000x64xi32, #tpu.memory_space<hbm>>) target(%dma_start3A_6 : memref<80x64xi32, #tpu.memory_space<vmem>>) offsets(%dma_start3A_8 : memref<80xi32, #tpu.memory_space<vmem>>) semaphore(%arg11 : memref<!tpu.dma_semaphore, #tpu.memory_space<semaphore_mem>>)
    %dma_start3A_12 = arith.constant 0 : i32
    %dma_start3A_13 = arith.constant 0 : i32
    %dma_start3A_14 = arith.constant 0 : i32
    %dma_start3A_15 = tpu.memref_slice %arg9[%dma_start3A_12, %dma_start3A_13, %dma_start3A_14] : memref<2x80x64xi32, #tpu.memory_space<vmem>> -> memref<1x80x64xi32, #tpu.memory_space<vmem>>
    %dma_start3A_16 = tpu.memref_squeeze %dma_start3A_15 : memref<1x80x64xi32, #tpu.memory_space<vmem>> -> memref<80x64xi32, #tpu.memory_space<vmem>>
    %dma_start3A_17 = arith.constant 0 : i32
    %dma_start3A_18 = tpu.memref_slice %arg7[%dma_start3A_17] : memref<10000xi32, #tpu.memory_space<vmem>> -> memref<80xi32, #tpu.memory_space<vmem>>
    %dma_start3A_19 = arith.constant 0 : i32
    %dma_start3A_20 = arith.constant 0 : i32
    %dma_start3A_21 = tpu.memref_slice %arg2[%dma_start3A_19, %dma_start3A_20] : memref<10000x64xi32, #tpu.memory_space<hbm>> -> memref<10000x64xi32, #tpu.memory_space<hbm>>
    tpu.enqueue_indirect_dma source(%dma_start3A_21 : memref<10000x64xi32, #tpu.memory_space<hbm>>) target(%dma_start3A_16 : memref<80x64xi32, #tpu.memory_space<vmem>>) offsets(%dma_start3A_18 : memref<80xi32, #tpu.memory_space<vmem>>) semaphore(%arg11 : memref<!tpu.dma_semaphore, #tpu.memory_space<semaphore_mem>>)
    %dma_start3A_22 = arith.constant 1 : i32
    %dma_start3A_23 = arith.constant 0 : i32
    %dma_start3A_24 = arith.constant 0 : i32
    %dma_start3A_25 = tpu.memref_slice %arg8[%dma_start3A_22, %dma_start3A_23, %dma_start3A_24] : memref<2x80x64xi32, #tpu.memory_space<vmem>> -> memref<1x80x64xi32, #tpu.memory_space<vmem>>
    %dma_start3A_26 = tpu.memref_squeeze %dma_start3A_25 : memref<1x80x64xi32, #tpu.memory_space<vmem>> -> memref<80x64xi32, #tpu.memory_space<vmem>>
    %dma_start3A_27 = arith.constant 80 : i32
    %dma_start3A_28 = tpu.memref_slice %arg6[%dma_start3A_27] : memref<10000xi32, #tpu.memory_space<vmem>> -> memref<80xi32, #tpu.memory_space<vmem>>
    %dma_start3A_29 = arith.constant 0 : i32
    %dma_start3A_30 = arith.constant 0 : i32
    %dma_start3A_31 = tpu.memref_slice %arg2[%dma_start3A_29, %dma_start3A_30] : memref<10000x64xi32, #tpu.memory_space<hbm>> -> memref<10000x64xi32, #tpu.memory_space<hbm>>
    tpu.enqueue_indirect_dma source(%dma_start3A_31 : memref<10000x64xi32, #tpu.memory_space<hbm>>) target(%dma_start3A_26 : memref<80x64xi32, #tpu.memory_space<vmem>>) offsets(%dma_start3A_28 : memref<80xi32, #tpu.memory_space<vmem>>) semaphore(%arg12 : memref<!tpu.dma_semaphore, #tpu.memory_space<semaphore_mem>>)
    %dma_start3A_32 = arith.constant 1 : i32
    %dma_start3A_33 = arith.constant 0 : i32
    %dma_start3A_34 = arith.constant 0 : i32
    %dma_start3A_35 = tpu.memref_slice %arg9[%dma_start3A_32, %dma_start3A_33, %dma_start3A_34] : memref<2x80x64xi32, #tpu.memory_space<vmem>> -> memref<1x80x64xi32, #tpu.memory_space<vmem>>
    %dma_start3A_36 = tpu.memref_squeeze %dma_start3A_35 : memref<1x80x64xi32, #tpu.memory_space<vmem>> -> memref<80x64xi32, #tpu.memory_space<vmem>>
    %dma_start3A_37 = arith.constant 80 : i32
    %dma_start3A_38 = tpu.memref_slice %arg7[%dma_start3A_37] : memref<10000xi32, #tpu.memory_space<vmem>> -> memref<80xi32, #tpu.memory_space<vmem>>
    %dma_start3A_39 = arith.constant 0 : i32
    %dma_start3A_40 = arith.constant 0 : i32
    %dma_start3A_41 = tpu.memref_slice %arg2[%dma_start3A_39, %dma_start3A_40] : memref<10000x64xi32, #tpu.memory_space<hbm>> -> memref<10000x64xi32, #tpu.memory_space<hbm>>
    tpu.enqueue_indirect_dma source(%dma_start3A_41 : memref<10000x64xi32, #tpu.memory_space<hbm>>) target(%dma_start3A_36 : memref<80x64xi32, #tpu.memory_space<vmem>>) offsets(%dma_start3A_38 : memref<80xi32, #tpu.memory_space<vmem>>) semaphore(%arg12 : memref<!tpu.dma_semaphore, #tpu.memory_space<semaphore_mem>>)
    %scan3A = arith.constant 0 : i32
    %scan3A_42 = arith.constant 0 : i32
    %scan3A_43 = arith.constant 125 : i32
    %scan3A_44 = arith.addi %scan3A_42, %scan3A_43 : i32
    %scan3A_45 = arith.constant 1 : i32
    scf.for %scan3A_47 = %scan3A_42 to %scan3A_44 step %scan3A_45  : i32 {
      %rem3A = arith.constant 2 : i32
      %rem3A_48 = arith.remsi %scan3A_47, %rem3A : i32
      %eq3A = arith.constant 0 : i32
      %eq3A_49 = arith.cmpi eq, %rem3A_48, %eq3A : i32
      %convert_element_type3A = arith.extui %eq3A_49 : i1 to i32
      %cond3A = arith.constant 0 : i32
      %cond3A_50 = arith.cmpi ne, %convert_element_type3A, %cond3A : i32
      scf.if %cond3A_50 {
        %mul3A_56 = arith.constant 80 : i32
        %mul3A_57 = arith.muli %scan3A_47, %mul3A_56 : i32
        %mul3A_58 = arith.constant 80 : i32
        %mul3A_59 = arith.muli %scan3A_47, %mul3A_58 : i32
        %dma_wait3A = arith.constant 0 : i32
        %dma_wait3A_60 = arith.constant 0 : i32
        %dma_wait3A_61 = arith.constant 0 : i32
        %dma_wait3A_62 = tpu.memref_slice %arg8[%dma_wait3A, %dma_wait3A_60, %dma_wait3A_61] : memref<2x80x64xi32, #tpu.memory_space<vmem>> -> memref<1x80x64xi32, #tpu.memory_space<vmem>>
        %dma_wait3A_63 = tpu.memref_squeeze %dma_wait3A_62 : memref<1x80x64xi32, #tpu.memory_space<vmem>> -> memref<80x64xi32, #tpu.memory_space<vmem>>
        %dma_wait3A_64 = tpu.memref_slice %arg6[%mul3A_57] : memref<10000xi32, #tpu.memory_space<vmem>> -> memref<80xi32, #tpu.memory_space<vmem>>
        %dma_wait3A_65 = arith.constant 0 : i32
        %dma_wait3A_66 = arith.constant 0 : i32
        %dma_wait3A_67 = tpu.memref_slice %arg2[%dma_wait3A_65, %dma_wait3A_66] : memref<10000x64xi32, #tpu.memory_space<hbm>> -> memref<10000x64xi32, #tpu.memory_space<hbm>>
        tpu.wait_indirect_dma semaphore(%arg11 : memref<!tpu.dma_semaphore, #tpu.memory_space<semaphore_mem>>) src(%dma_wait3A_67 : memref<10000x64xi32, #tpu.memory_space<hbm>>) dst(%dma_wait3A_63 : memref<80x64xi32, #tpu.memory_space<vmem>>)
        %dma_wait3A_68 = arith.constant 0 : i32
        %dma_wait3A_69 = arith.constant 0 : i32
        %dma_wait3A_70 = arith.constant 0 : i32
        %dma_wait3A_71 = tpu.memref_slice %arg9[%dma_wait3A_68, %dma_wait3A_69, %dma_wait3A_70] : memref<2x80x64xi32, #tpu.memory_space<vmem>> -> memref<1x80x64xi32, #tpu.memory_space<vmem>>
        %dma_wait3A_72 = tpu.memref_squeeze %dma_wait3A_71 : memref<1x80x64xi32, #tpu.memory_space<vmem>> -> memref<80x64xi32, #tpu.memory_space<vmem>>
        %dma_wait3A_73 = tpu.memref_slice %arg7[%mul3A_59] : memref<10000xi32, #tpu.memory_space<vmem>> -> memref<80xi32, #tpu.memory_space<vmem>>
        %dma_wait3A_74 = arith.constant 0 : i32
        %dma_wait3A_75 = arith.constant 0 : i32
        %dma_wait3A_76 = tpu.memref_slice %arg2[%dma_wait3A_74, %dma_wait3A_75] : memref<10000x64xi32, #tpu.memory_space<hbm>> -> memref<10000x64xi32, #tpu.memory_space<hbm>>
        tpu.wait_indirect_dma semaphore(%arg11 : memref<!tpu.dma_semaphore, #tpu.memory_space<semaphore_mem>>) src(%dma_wait3A_76 : memref<10000x64xi32, #tpu.memory_space<hbm>>) dst(%dma_wait3A_72 : memref<80x64xi32, #tpu.memory_space<vmem>>)
        %broadcast_in_dim3A = arith.constant 16 : i32
        %broadcast_in_dim3A_77 = vector.broadcast %broadcast_in_dim3A : i32 to vector<16xi32>
        %xor3A = arith.constant 8 : i32
        %xor3A_78 = vector.broadcast %xor3A : i32 to vector<16xi32>
        %xor3A_79 = arith.xori %iota3A, %xor3A_78 : vector<16xi32>
        %xor3A_80 = arith.constant 4 : i32
        %xor3A_81 = vector.broadcast %xor3A_80 : i32 to vector<16xi32>
        %xor3A_82 = arith.xori %iota3A, %xor3A_81 : vector<16xi32>
        %xor3A_83 = arith.constant 2 : i32
        %xor3A_84 = vector.broadcast %xor3A_83 : i32 to vector<16xi32>
        %xor3A_85 = arith.xori %iota3A, %xor3A_84 : vector<16xi32>
        %xor3A_86 = arith.constant 1 : i32
        %xor3A_87 = vector.broadcast %xor3A_86 : i32 to vector<16xi32>
        %xor3A_88 = arith.xori %iota3A, %xor3A_87 : vector<16xi32>
        %and3A = arith.constant 8 : i32
        %and3A_89 = vector.broadcast %and3A : i32 to vector<16xi32>
        %and3A_90 = arith.andi %iota3A, %and3A_89 : vector<16xi32>
        %eq3A_91 = arith.constant 0 : i32
        %eq3A_92 = vector.broadcast %eq3A_91 : i32 to vector<16xi32>
        %eq3A_93 = arith.cmpi eq, %and3A_90, %eq3A_92 : vector<16xi32>
        %and3A_94 = arith.constant 4 : i32
        %and3A_95 = vector.broadcast %and3A_94 : i32 to vector<16xi32>
        %and3A_96 = arith.andi %iota3A, %and3A_95 : vector<16xi32>
        %eq3A_97 = arith.constant 0 : i32
        %eq3A_98 = vector.broadcast %eq3A_97 : i32 to vector<16xi32>
        %eq3A_99 = arith.cmpi eq, %and3A_96, %eq3A_98 : vector<16xi32>
        %and3A_100 = arith.constant 2 : i32
        %and3A_101 = vector.broadcast %and3A_100 : i32 to vector<16xi32>
        %and3A_102 = arith.andi %iota3A, %and3A_101 : vector<16xi32>
        %eq3A_103 = arith.constant 0 : i32
        %eq3A_104 = vector.broadcast %eq3A_103 : i32 to vector<16xi32>
        %eq3A_105 = arith.cmpi eq, %and3A_102, %eq3A_104 : vector<16xi32>
        %and3A_106 = arith.constant 1 : i32
        %and3A_107 = vector.broadcast %and3A_106 : i32 to vector<16xi32>
        %and3A_108 = arith.andi %iota3A, %and3A_107 : vector<16xi32>
        %eq3A_109 = arith.constant 0 : i32
        %eq3A_110 = vector.broadcast %eq3A_109 : i32 to vector<16xi32>
        %eq3A_111 = arith.cmpi eq, %and3A_108, %eq3A_110 : vector<16xi32>
        %scan3A_112 = arith.constant 0 : i32
        %scan3A_113 = arith.constant 0 : i32
        %scan3A_114 = arith.constant 5 : i32
        %scan3A_115 = arith.addi %scan3A_113, %scan3A_114 : i32
        %scan3A_116 = arith.constant 1 : i32
        scf.for %scan3A_124 = %scan3A_113 to %scan3A_115 step %scan3A_116  : i32 {
          %mul3A_125 = arith.constant 16 : i32
          %mul3A_126 = arith.muli %scan3A_124, %mul3A_125 : i32
          %add3A_127 = arith.constant 0 : i32
          %add3A_128 = arith.addi %mul3A_126, %add3A_127 : i32
          %get3A = arith.constant 0 : i32
          %get3A_129 = arith.index_cast %get3A : i32 to index
          %get3A_130 = arith.index_cast %add3A_128 : i32 to index
          %get3A_131 = arith.constant 0 : index
          %get3A_132 = tpu.vector_load %arg8[%get3A_129, %get3A_130, %get3A_131] {strides = array<i32>} : memref<2x80x64xi32, #tpu.memory_space<vmem>>, vector<16xi32>,
          %add3A_133 = arith.constant 0 : i32
          %add3A_134 = arith.addi %mul3A_126, %add3A_133 : i32
          %get3A_135 = arith.constant 0 : i32
          %get3A_136 = arith.index_cast %get3A_135 : i32 to index
          %get3A_137 = arith.index_cast %add3A_134 : i32 to index
          %get3A_138 = arith.constant 0 : index
          %get3A_139 = tpu.vector_load %arg9[%get3A_136, %get3A_137, %get3A_138] {strides = array<i32>} : memref<2x80x64xi32, #tpu.memory_space<vmem>>, vector<16xi32>,
          %shift_left3A = arith.shli %get3A_132, %broadcast_in_dim3A_77 : vector<16xi32>
          %bitcast3A = vector.bitcast %shift_left3A : vector<16xi32> to vector<16xf32>
          %shift_left3A_140 = arith.shli %get3A_139, %broadcast_in_dim3A_77 : vector<16xi32>
          %bitcast3A_141 = vector.bitcast %shift_left3A_140 : vector<16xi32> to vector<16xf32>
          %bitcast3A_142 = vector.bitcast %get3A_132 : vector<16xi32> to vector<16xf32>
          %bitcast3A_143 = vector.bitcast %get3A_139 : vector<16xi32> to vector<16xf32>
          %mul3A_144 = arith.mulf %bitcast3A, %bitcast3A_141 : vector<16xf32>
          %mul3A_145 = arith.mulf %bitcast3A_142, %bitcast3A_143 : vector<16xf32>
          %add3A_146 = arith.addf %mul3A_144, %mul3A_145 : vector<16xf32>
          %add3A_147 = arith.constant 0 : i32
          %add3A_148 = arith.addi %mul3A_126, %add3A_147 : i32
          %get3A_149 = arith.constant 0 : i32
          %get3A_150 = arith.index_cast %get3A_149 : i32 to index
          %get3A_151 = arith.index_cast %add3A_148 : i32 to index
          %get3A_152 = arith.constant 16 : index
          %get3A_153 = tpu.vector_load %arg8[%get3A_150, %get3A_151, %get3A_152] {strides = array<i32>} : memref<2x80x64xi32, #tpu.memory_space<vmem>>, vector<16xi32>,
          %add3A_154 = arith.constant 0 : i32
          %add3A_155 = arith.addi %mul3A_126, %add3A_154 : i32
          %get3A_156 = arith.constant 0 : i32
          %get3A_157 = arith.index_cast %get3A_156 : i32 to index
          %get3A_158 = arith.index_cast %add3A_155 : i32 to index
          %get3A_159 = arith.constant 16 : index
          %get3A_160 = tpu.vector_load %arg9[%get3A_157, %get3A_158, %get3A_159] {strides = array<i32>} : memref<2x80x64xi32, #tpu.memory_space<vmem>>, vector<16xi32>,
          %shift_left3A_161 = arith.shli %get3A_153, %broadcast_in_dim3A_77 : vector<16xi32>
          %bitcast3A_162 = vector.bitcast %shift_left3A_161 : vector<16xi32> to vector<16xf32>
          %shift_left3A_163 = arith.shli %get3A_160, %broadcast_in_dim3A_77 : vector<16xi32>
          %bitcast3A_164 = vector.bitcast %shift_left3A_163 : vector<16xi32> to vector<16xf32>
          %bitcast3A_165 = vector.bitcast %get3A_153 : vector<16xi32> to vector<16xf32>
          %bitcast3A_166 = vector.bitcast %get3A_160 : vector<16xi32> to vector<16xf32>
          %mul3A_167 = arith.mulf %bitcast3A_162, %bitcast3A_164 : vector<16xf32>
          %mul3A_168 = arith.mulf %bitcast3A_165, %bitcast3A_166 : vector<16xf32>
          %add3A_169 = arith.addf %mul3A_167, %mul3A_168 : vector<16xf32>
          %add3A_170 = arith.addf %add3A_146, %add3A_169 : vector<16xf32>
          %add3A_171 = arith.constant 0 : i32
          %add3A_172 = arith.addi %mul3A_126, %add3A_171 : i32
          %get3A_173 = arith.constant 0 : i32
          %get3A_174 = arith.index_cast %get3A_173 : i32 to index
          %get3A_175 = arith.index_cast %add3A_172 : i32 to index
          %get3A_176 = arith.constant 32 : index
          %get3A_177 = tpu.vector_load %arg8[%get3A_174, %get3A_175, %get3A_176] {strides = array<i32>} : memref<2x80x64xi32, #tpu.memory_space<vmem>>, vector<16xi32>,
          %add3A_178 = arith.constant 0 : i32
          %add3A_179 = arith.addi %mul3A_126, %add3A_178 : i32
          %get3A_180 = arith.constant 0 : i32
          %get3A_181 = arith.index_cast %get3A_180 : i32 to index
          %get3A_182 = arith.index_cast %add3A_179 : i32 to index
          %get3A_183 = arith.constant 32 : index
          %get3A_184 = tpu.vector_load %arg9[%get3A_181, %get3A_182, %get3A_183] {strides = array<i32>} : memref<2x80x64xi32, #tpu.memory_space<vmem>>, vector<16xi32>,
          %shift_left3A_185 = arith.shli %get3A_177, %broadcast_in_dim3A_77 : vector<16xi32>
          %bitcast3A_186 = vector.bitcast %shift_left3A_185 : vector<16xi32> to vector<16xf32>
          %shift_left3A_187 = arith.shli %get3A_184, %broadcast_in_dim3A_77 : vector<16xi32>
          %bitcast3A_188 = vector.bitcast %shift_left3A_187 : vector<16xi32> to vector<16xf32>
          %bitcast3A_189 = vector.bitcast %get3A_177 : vector<16xi32> to vector<16xf32>
          %bitcast3A_190 = vector.bitcast %get3A_184 : vector<16xi32> to vector<16xf32>
          %mul3A_191 = arith.mulf %bitcast3A_186, %bitcast3A_188 : vector<16xf32>
          %mul3A_192 = arith.mulf %bitcast3A_189, %bitcast3A_190 : vector<16xf32>
          %add3A_193 = arith.addf %mul3A_191, %mul3A_192 : vector<16xf32>
          %add3A_194 = arith.addf %add3A_170, %add3A_193 : vector<16xf32>
          %add3A_195 = arith.constant 0 : i32
          %add3A_196 = arith.addi %mul3A_126, %add3A_195 : i32
          %get3A_197 = arith.constant 0 : i32
          %get3A_198 = arith.index_cast %get3A_197 : i32 to index
          %get3A_199 = arith.index_cast %add3A_196 : i32 to index
          %get3A_200 = arith.constant 48 : index
          %get3A_201 = tpu.vector_load %arg8[%get3A_198, %get3A_199, %get3A_200] {strides = array<i32>} : memref<2x80x64xi32, #tpu.memory_space<vmem>>, vector<16xi32>,
          %add3A_202 = arith.constant 0 : i32
          %add3A_203 = arith.addi %mul3A_126, %add3A_202 : i32
          %get3A_204 = arith.constant 0 : i32
          %get3A_205 = arith.index_cast %get3A_204 : i32 to index
          %get3A_206 = arith.index_cast %add3A_203 : i32 to index
          %get3A_207 = arith.constant 48 : index
          %get3A_208 = tpu.vector_load %arg9[%get3A_205, %get3A_206, %get3A_207] {strides = array<i32>} : memref<2x80x64xi32, #tpu.memory_space<vmem>>, vector<16xi32>,
          %shift_left3A_209 = arith.shli %get3A_201, %broadcast_in_dim3A_77 : vector<16xi32>
          %bitcast3A_210 = vector.bitcast %shift_left3A_209 : vector<16xi32> to vector<16xf32>
          %shift_left3A_211 = arith.shli %get3A_208, %broadcast_in_dim3A_77 : vector<16xi32>
          %bitcast3A_212 = vector.bitcast %shift_left3A_211 : vector<16xi32> to vector<16xf32>
          %bitcast3A_213 = vector.bitcast %get3A_201 : vector<16xi32> to vector<16xf32>
          %bitcast3A_214 = vector.bitcast %get3A_208 : vector<16xi32> to vector<16xf32>
          %mul3A_215 = arith.mulf %bitcast3A_210, %bitcast3A_212 : vector<16xf32>
          %mul3A_216 = arith.mulf %bitcast3A_213, %bitcast3A_214 : vector<16xf32>
          %add3A_217 = arith.addf %mul3A_215, %mul3A_216 : vector<16xf32>
          %add3A_218 = arith.addf %add3A_194, %add3A_217 : vector<16xf32>
          %add3A_219 = arith.constant 1 : i32
          %add3A_220 = arith.addi %mul3A_126, %add3A_219 : i32
          %get3A_221 = arith.constant 0 : i32
          %get3A_222 = arith.index_cast %get3A_221 : i32 to index
          %get3A_223 = arith.index_cast %add3A_220 : i32 to index
          %get3A_224 = arith.constant 0 : index
          %get3A_225 = tpu.vector_load %arg8[%get3A_222, %get3A_223, %get3A_224] {strides = array<i32>} : memref<2x80x64xi32, #tpu.memory_space<vmem>>, vector<16xi32>,
          %add3A_226 = arith.constant 1 : i32
          %add3A_227 = arith.addi %mul3A_126, %add3A_226 : i32
          %get3A_228 = arith.constant 0 : i32
          %get3A_229 = arith.index_cast %get3A_228 : i32 to index
          %get3A_230 = arith.index_cast %add3A_227 : i32 to index
          %get3A_231 = arith.constant 0 : index
          %get3A_232 = tpu.vector_load %arg9[%get3A_229, %get3A_230, %get3A_231] {strides = array<i32>} : memref<2x80x64xi32, #tpu.memory_space<vmem>>, vector<16xi32>,
          %shift_left3A_233 = arith.shli %get3A_225, %broadcast_in_dim3A_77 : vector<16xi32>
          %bitcast3A_234 = vector.bitcast %shift_left3A_233 : vector<16xi32> to vector<16xf32>
          %shift_left3A_235 = arith.shli %get3A_232, %broadcast_in_dim3A_77 : vector<16xi32>
          %bitcast3A_236 = vector.bitcast %shift_left3A_235 : vector<16xi32> to vector<16xf32>
          %bitcast3A_237 = vector.bitcast %get3A_225 : vector<16xi32> to vector<16xf32>
          %bitcast3A_238 = vector.bitcast %get3A_232 : vector<16xi32> to vector<16xf32>
          %mul3A_239 = arith.mulf %bitcast3A_234, %bitcast3A_236 : vector<16xf32>
          %mul3A_240 = arith.mulf %bitcast3A_237, %bitcast3A_238 : vector<16xf32>
          %add3A_241 = arith.addf %mul3A_239, %mul3A_240 : vector<16xf32>
          %add3A_242 = arith.constant 1 : i32
          %add3A_243 = arith.addi %mul3A_126, %add3A_242 : i32
          %get3A_244 = arith.constant 0 : i32
          %get3A_245 = arith.index_cast %get3A_244 : i32 to index
          %get3A_246 = arith.index_cast %add3A_243 : i32 to index
          %get3A_247 = arith.constant 16 : index
          %get3A_248 = tpu.vector_load %arg8[%get3A_245, %get3A_246, %get3A_247] {strides = array<i32>} : memref<2x80x64xi32, #tpu.memory_space<vmem>>, vector<16xi32>,
          %add3A_249 = arith.constant 1 : i32
          %add3A_250 = arith.addi %mul3A_126, %add3A_249 : i32
          %get3A_251 = arith.constant 0 : i32
          %get3A_252 = arith.index_cast %get3A_251 : i32 to index
          %get3A_253 = arith.index_cast %add3A_250 : i32 to index
          %get3A_254 = arith.constant 16 : index
          %get3A_255 = tpu.vector_load %arg9[%get3A_252, %get3A_253, %get3A_254] {strides = array<i32>} : memref<2x80x64xi32, #tpu.memory_space<vmem>>, vector<16xi32>,
          %shift_left3A_256 = arith.shli %get3A_248, %broadcast_in_dim3A_77 : vector<16xi32>
          %bitcast3A_257 = vector.bitcast %shift_left3A_256 : vector<16xi32> to vector<16xf32>
          %shift_left3A_258 = arith.shli %get3A_255, %broadcast_in_dim3A_77 : vector<16xi32>
          %bitcast3A_259 = vector.bitcast %shift_left3A_258 : vector<16xi32> to vector<16xf32>
          %bitcast3A_260 = vector.bitcast %get3A_248 : vector<16xi32> to vector<16xf32>
          %bitcast3A_261 = vector.bitcast %get3A_255 : vector<16xi32> to vector<16xf32>
          %mul3A_262 = arith.mulf %bitcast3A_257, %bitcast3A_259 : vector<16xf32>
          %mul3A_263 = arith.mulf %bitcast3A_260, %bitcast3A_261 : vector<16xf32>
          %add3A_264 = arith.addf %mul3A_262, %mul3A_263 : vector<16xf32>
          %add3A_265 = arith.addf %add3A_241, %add3A_264 : vector<16xf32>
          %add3A_266 = arith.constant 1 : i32
          %add3A_267 = arith.addi %mul3A_126, %add3A_266 : i32
          %get3A_268 = arith.constant 0 : i32
          %get3A_269 = arith.index_cast %get3A_268 : i32 to index
          %get3A_270 = arith.index_cast %add3A_267 : i32 to index
          %get3A_271 = arith.constant 32 : index
          %get3A_272 = tpu.vector_load %arg8[%get3A_269, %get3A_270, %get3A_271] {strides = array<i32>} : memref<2x80x64xi32, #tpu.memory_space<vmem>>, vector<16xi32>,
          %add3A_273 = arith.constant 1 : i32
          %add3A_274 = arith.addi %mul3A_126, %add3A_273 : i32
          %get3A_275 = arith.constant 0 : i32
          %get3A_276 = arith.index_cast %get3A_275 : i32 to index
          %get3A_277 = arith.index_cast %add3A_274 : i32 to index
          %get3A_278 = arith.constant 32 : index
          %get3A_279 = tpu.vector_load %arg9[%get3A_276, %get3A_277, %get3A_278] {strides = array<i32>} : memref<2x80x64xi32, #tpu.memory_space<vmem>>, vector<16xi32>,
          %shift_left3A_280 = arith.shli %get3A_272, %broadcast_in_dim3A_77 : vector<16xi32>
          %bitcast3A_281 = vector.bitcast %shift_left3A_280 : vector<16xi32> to vector<16xf32>
          %shift_left3A_282 = arith.shli %get3A_279, %broadcast_in_dim3A_77 : vector<16xi32>
          %bitcast3A_283 = vector.bitcast %shift_left3A_282 : vector<16xi32> to vector<16xf32>
          %bitcast3A_284 = vector.bitcast %get3A_272 : vector<16xi32> to vector<16xf32>
          %bitcast3A_285 = vector.bitcast %get3A_279 : vector<16xi32> to vector<16xf32>
          %mul3A_286 = arith.mulf %bitcast3A_281, %bitcast3A_283 : vector<16xf32>
          %mul3A_287 = arith.mulf %bitcast3A_284, %bitcast3A_285 : vector<16xf32>
          %add3A_288 = arith.addf %mul3A_286, %mul3A_287 : vector<16xf32>
          %add3A_289 = arith.addf %add3A_265, %add3A_288 : vector<16xf32>
          %add3A_290 = arith.constant 1 : i32
          %add3A_291 = arith.addi %mul3A_126, %add3A_290 : i32
          %get3A_292 = arith.constant 0 : i32
          %get3A_293 = arith.index_cast %get3A_292 : i32 to index
          %get3A_294 = arith.index_cast %add3A_291 : i32 to index
          %get3A_295 = arith.constant 48 : index
          %get3A_296 = tpu.vector_load %arg8[%get3A_293, %get3A_294, %get3A_295] {strides = array<i32>} : memref<2x80x64xi32, #tpu.memory_space<vmem>>, vector<16xi32>,
          %add3A_297 = arith.constant 1 : i32
          %add3A_298 = arith.addi %mul3A_126, %add3A_297 : i32
          %get3A_299 = arith.constant 0 : i32
          %get3A_300 = arith.index_cast %get3A_299 : i32 to index
          %get3A_301 = arith.index_cast %add3A_298 : i32 to index
          %get3A_302 = arith.constant 48 : index
          %get3A_303 = tpu.vector_load %arg9[%get3A_300, %get3A_301, %get3A_302] {strides = array<i32>} : memref<2x80x64xi32, #tpu.memory_space<vmem>>, vector<16xi32>,
          %shift_left3A_304 = arith.shli %get3A_296, %broadcast_in_dim3A_77 : vector<16xi32>
          %bitcast3A_305 = vector.bitcast %shift_left3A_304 : vector<16xi32> to vector<16xf32>
          %shift_left3A_306 = arith.shli %get3A_303, %broadcast_in_dim3A_77 : vector<16xi32>
          %bitcast3A_307 = vector.bitcast %shift_left3A_306 : vector<16xi32> to vector<16xf32>
          %bitcast3A_308 = vector.bitcast %get3A_296 : vector<16xi32> to vector<16xf32>
          %bitcast3A_309 = vector.bitcast %get3A_303 : vector<16xi32> to vector<16xf32>
          %mul3A_310 = arith.mulf %bitcast3A_305, %bitcast3A_307 : vector<16xf32>
          %mul3A_311 = arith.mulf %bitcast3A_308, %bitcast3A_309 : vector<16xf32>
          %add3A_312 = arith.addf %mul3A_310, %mul3A_311 : vector<16xf32>
          %add3A_313 = arith.addf %add3A_289, %add3A_312 : vector<16xf32>
          %add3A_314 = arith.constant 2 : i32
          %add3A_315 = arith.addi %mul3A_126, %add3A_314 : i32
          %get3A_316 = arith.constant 0 : i32
          %get3A_317 = arith.index_cast %get3A_316 : i32 to index
          %get3A_318 = arith.index_cast %add3A_315 : i32 to index
          %get3A_319 = arith.constant 0 : index
          %get3A_320 = tpu.vector_load %arg8[%get3A_317, %get3A_318, %get3A_319] {strides = array<i32>} : memref<2x80x64xi32, #tpu.memory_space<vmem>>, vector<16xi32>,
          %add3A_321 = arith.constant 2 : i32
          %add3A_322 = arith.addi %mul3A_126, %add3A_321 : i32
          %get3A_323 = arith.constant 0 : i32
          %get3A_324 = arith.index_cast %get3A_323 : i32 to index
          %get3A_325 = arith.index_cast %add3A_322 : i32 to index
          %get3A_326 = arith.constant 0 : index
          %get3A_327 = tpu.vector_load %arg9[%get3A_324, %get3A_325, %get3A_326] {strides = array<i32>} : memref<2x80x64xi32, #tpu.memory_space<vmem>>, vector<16xi32>,
          %shift_left3A_328 = arith.shli %get3A_320, %broadcast_in_dim3A_77 : vector<16xi32>
          %bitcast3A_329 = vector.bitcast %shift_left3A_328 : vector<16xi32> to vector<16xf32>
          %shift_left3A_330 = arith.shli %get3A_327, %broadcast_in_dim3A_77 : vector<16xi32>
          %bitcast3A_331 = vector.bitcast %shift_left3A_330 : vector<16xi32> to vector<16xf32>
          %bitcast3A_332 = vector.bitcast %get3A_320 : vector<16xi32> to vector<16xf32>
          %bitcast3A_333 = vector.bitcast %get3A_327 : vector<16xi32> to vector<16xf32>
          %mul3A_334 = arith.mulf %bitcast3A_329, %bitcast3A_331 : vector<16xf32>
          %mul3A_335 = arith.mulf %bitcast3A_332, %bitcast3A_333 : vector<16xf32>
          %add3A_336 = arith.addf %mul3A_334, %mul3A_335 : vector<16xf32>
          %add3A_337 = arith.constant 2 : i32
          %add3A_338 = arith.addi %mul3A_126, %add3A_337 : i32
          %get3A_339 = arith.constant 0 : i32
          %get3A_340 = arith.index_cast %get3A_339 : i32 to index
          %get3A_341 = arith.index_cast %add3A_338 : i32 to index
          %get3A_342 = arith.constant 16 : index
          %get3A_343 = tpu.vector_load %arg8[%get3A_340, %get3A_341, %get3A_342] {strides = array<i32>} : memref<2x80x64xi32, #tpu.memory_space<vmem>>, vector<16xi32>,
          %add3A_344 = arith.constant 2 : i32
          %add3A_345 = arith.addi %mul3A_126, %add3A_344 : i32
          %get3A_346 = arith.constant 0 : i32
          %get3A_347 = arith.index_cast %get3A_346 : i32 to index
          %get3A_348 = arith.index_cast %add3A_345 : i32 to index
          %get3A_349 = arith.constant 16 : index
          %get3A_350 = tpu.vector_load %arg9[%get3A_347, %get3A_348, %get3A_349] {strides = array<i32>} : memref<2x80x64xi32, #tpu.memory_space<vmem>>, vector<16xi32>,
          %shift_left3A_351 = arith.shli %get3A_343, %broadcast_in_dim3A_77 : vector<16xi32>
          %bitcast3A_352 = vector.bitcast %shift_left3A_351 : vector<16xi32> to vector<16xf32>
          %shift_left3A_353 = arith.shli %get3A_350, %broadcast_in_dim3A_77 : vector<16xi32>
          %bitcast3A_354 = vector.bitcast %shift_left3A_353 : vector<16xi32> to vector<16xf32>
          %bitcast3A_355 = vector.bitcast %get3A_343 : vector<16xi32> to vector<16xf32>
          %bitcast3A_356 = vector.bitcast %get3A_350 : vector<16xi32> to vector<16xf32>
          %mul3A_357 = arith.mulf %bitcast3A_352, %bitcast3A_354 : vector<16xf32>
          %mul3A_358 = arith.mulf %bitcast3A_355, %bitcast3A_356 : vector<16xf32>
          %add3A_359 = arith.addf %mul3A_357, %mul3A_358 : vector<16xf32>
          %add3A_360 = arith.addf %add3A_336, %add3A_359 : vector<16xf32>
          %add3A_361 = arith.constant 2 : i32
          %add3A_362 = arith.addi %mul3A_126, %add3A_361 : i32
          %get3A_363 = arith.constant 0 : i32
          %get3A_364 = arith.index_cast %get3A_363 : i32 to index
          %get3A_365 = arith.index_cast %add3A_362 : i32 to index
          %get3A_366 = arith.constant 32 : index
          %get3A_367 = tpu.vector_load %arg8[%get3A_364, %get3A_365, %get3A_366] {strides = array<i32>} : memref<2x80x64xi32, #tpu.memory_space<vmem>>, vector<16xi32>,
          %add3A_368 = arith.constant 2 : i32
          %add3A_369 = arith.addi %mul3A_126, %add3A_368 : i32
          %get3A_370 = arith.constant 0 : i32
          %get3A_371 = arith.index_cast %get3A_370 : i32 to index
          %get3A_372 = arith.index_cast %add3A_369 : i32 to index
          %get3A_373 = arith.constant 32 : index
          %get3A_374 = tpu.vector_load %arg9[%get3A_371, %get3A_372, %get3A_373] {strides = array<i32>} : memref<2x80x64xi32, #tpu.memory_space<vmem>>, vector<16xi32>,
          %shift_left3A_375 = arith.shli %get3A_367, %broadcast_in_dim3A_77 : vector<16xi32>
          %bitcast3A_376 = vector.bitcast %shift_left3A_375 : vector<16xi32> to vector<16xf32>
          %shift_left3A_377 = arith.shli %get3A_374, %broadcast_in_dim3A_77 : vector<16xi32>
          %bitcast3A_378 = vector.bitcast %shift_left3A_377 : vector<16xi32> to vector<16xf32>
          %bitcast3A_379 = vector.bitcast %get3A_367 : vector<16xi32> to vector<16xf32>
          %bitcast3A_380 = vector.bitcast %get3A_374 : vector<16xi32> to vector<16xf32>
          %mul3A_381 = arith.mulf %bitcast3A_376, %bitcast3A_378 : vector<16xf32>
          %mul3A_382 = arith.mulf %bitcast3A_379, %bitcast3A_380 : vector<16xf32>
          %add3A_383 = arith.addf %mul3A_381, %mul3A_382 : vector<16xf32>
          %add3A_384 = arith.addf %add3A_360, %add3A_383 : vector<16xf32>
          %add3A_385 = arith.constant 2 : i32
          %add3A_386 = arith.addi %mul3A_126, %add3A_385 : i32
          %get3A_387 = arith.constant 0 : i32
          %get3A_388 = arith.index_cast %get3A_387 : i32 to index
          %get3A_389 = arith.index_cast %add3A_386 : i32 to index
          %get3A_390 = arith.constant 48 : index
          %get3A_391 = tpu.vector_load %arg8[%get3A_388, %get3A_389, %get3A_390] {strides = array<i32>} : memref<2x80x64xi32, #tpu.memory_space<vmem>>, vector<16xi32>,
          %add3A_392 = arith.constant 2 : i32
          %add3A_393 = arith.addi %mul3A_126, %add3A_392 : i32
          %get3A_394 = arith.constant 0 : i32
          %get3A_395 = arith.index_cast %get3A_394 : i32 to index
          %get3A_396 = arith.index_cast %add3A_393 : i32 to index
          %get3A_397 = arith.constant 48 : index
          %get3A_398 = tpu.vector_load %arg9[%get3A_395, %get3A_396, %get3A_397] {strides = array<i32>} : memref<2x80x64xi32, #tpu.memory_space<vmem>>, vector<16xi32>,
          %shift_left3A_399 = arith.shli %get3A_391, %broadcast_in_dim3A_77 : vector<16xi32>
          %bitcast3A_400 = vector.bitcast %shift_left3A_399 : vector<16xi32> to vector<16xf32>
          %shift_left3A_401 = arith.shli %get3A_398, %broadcast_in_dim3A_77 : vector<16xi32>
          %bitcast3A_402 = vector.bitcast %shift_left3A_401 : vector<16xi32> to vector<16xf32>
          %bitcast3A_403 = vector.bitcast %get3A_391 : vector<16xi32> to vector<16xf32>
          %bitcast3A_404 = vector.bitcast %get3A_398 : vector<16xi32> to vector<16xf32>
          %mul3A_405 = arith.mulf %bitcast3A_400, %bitcast3A_402 : vector<16xf32>
          %mul3A_406 = arith.mulf %bitcast3A_403, %bitcast3A_404 : vector<16xf32>
          %add3A_407 = arith.addf %mul3A_405, %mul3A_406 : vector<16xf32>
          %add3A_408 = arith.addf %add3A_384, %add3A_407 : vector<16xf32>
          %add3A_409 = arith.constant 3 : i32
          %add3A_410 = arith.addi %mul3A_126, %add3A_409 : i32
          %get3A_411 = arith.constant 0 : i32
          %get3A_412 = arith.index_cast %get3A_411 : i32 to index
          %get3A_413 = arith.index_cast %add3A_410 : i32 to index
          %get3A_414 = arith.constant 0 : index
          %get3A_415 = tpu.vector_load %arg8[%get3A_412, %get3A_413, %get3A_414] {strides = array<i32>} : memref<2x80x64xi32, #tpu.memory_space<vmem>>, vector<16xi32>,
          %add3A_416 = arith.constant 3 : i32
          %add3A_417 = arith.addi %mul3A_126, %add3A_416 : i32
          %get3A_418 = arith.constant 0 : i32
          %get3A_419 = arith.index_cast %get3A_418 : i32 to index
          %get3A_420 = arith.index_cast %add3A_417 : i32 to index
          %get3A_421 = arith.constant 0 : index
          %get3A_422 = tpu.vector_load %arg9[%get3A_419, %get3A_420, %get3A_421] {strides = array<i32>} : memref<2x80x64xi32, #tpu.memory_space<vmem>>, vector<16xi32>,
          %shift_left3A_423 = arith.shli %get3A_415, %broadcast_in_dim3A_77 : vector<16xi32>
          %bitcast3A_424 = vector.bitcast %shift_left3A_423 : vector<16xi32> to vector<16xf32>
          %shift_left3A_425 = arith.shli %get3A_422, %broadcast_in_dim3A_77 : vector<16xi32>
          %bitcast3A_426 = vector.bitcast %shift_left3A_425 : vector<16xi32> to vector<16xf32>
          %bitcast3A_427 = vector.bitcast %get3A_415 : vector<16xi32> to vector<16xf32>
          %bitcast3A_428 = vector.bitcast %get3A_422 : vector<16xi32> to vector<16xf32>
          %mul3A_429 = arith.mulf %bitcast3A_424, %bitcast3A_426 : vector<16xf32>
          %mul3A_430 = arith.mulf %bitcast3A_427, %bitcast3A_428 : vector<16xf32>
          %add3A_431 = arith.addf %mul3A_429, %mul3A_430 : vector<16xf32>
          %add3A_432 = arith.constant 3 : i32
          %add3A_433 = arith.addi %mul3A_126, %add3A_432 : i32
          %get3A_434 = arith.constant 0 : i32
          %get3A_435 = arith.index_cast %get3A_434 : i32 to index
          %get3A_436 = arith.index_cast %add3A_433 : i32 to index
          %get3A_437 = arith.constant 16 : index
          %get3A_438 = tpu.vector_load %arg8[%get3A_435, %get3A_436, %get3A_437] {strides = array<i32>} : memref<2x80x64xi32, #tpu.memory_space<vmem>>, vector<16xi32>,
          %add3A_439 = arith.constant 3 : i32
          %add3A_440 = arith.addi %mul3A_126, %add3A_439 : i32
          %get3A_441 = arith.constant 0 : i32
          %get3A_442 = arith.index_cast %get3A_441 : i32 to index
          %get3A_443 = arith.index_cast %add3A_440 : i32 to index
          %get3A_444 = arith.constant 16 : index
          %get3A_445 = tpu.vector_load %arg9[%get3A_442, %get3A_443, %get3A_444] {strides = array<i32>} : memref<2x80x64xi32, #tpu.memory_space<vmem>>, vector<16xi32>,
          %shift_left3A_446 = arith.shli %get3A_438, %broadcast_in_dim3A_77 : vector<16xi32>
          %bitcast3A_447 = vector.bitcast %shift_left3A_446 : vector<16xi32> to vector<16xf32>
          %shift_left3A_448 = arith.shli %get3A_445, %broadcast_in_dim3A_77 : vector<16xi32>
          %bitcast3A_449 = vector.bitcast %shift_left3A_448 : vector<16xi32> to vector<16xf32>
          %bitcast3A_450 = vector.bitcast %get3A_438 : vector<16xi32> to vector<16xf32>
          %bitcast3A_451 = vector.bitcast %get3A_445 : vector<16xi32> to vector<16xf32>
          %mul3A_452 = arith.mulf %bitcast3A_447, %bitcast3A_449 : vector<16xf32>
          %mul3A_453 = arith.mulf %bitcast3A_450, %bitcast3A_451 : vector<16xf32>
          %add3A_454 = arith.addf %mul3A_452, %mul3A_453 : vector<16xf32>
          %add3A_455 = arith.addf %add3A_431, %add3A_454 : vector<16xf32>
          %add3A_456 = arith.constant 3 : i32
          %add3A_457 = arith.addi %mul3A_126, %add3A_456 : i32
          %get3A_458 = arith.constant 0 : i32
          %get3A_459 = arith.index_cast %get3A_458 : i32 to index
          %get3A_460 = arith.index_cast %add3A_457 : i32 to index
          %get3A_461 = arith.constant 32 : index
          %get3A_462 = tpu.vector_load %arg8[%get3A_459, %get3A_460, %get3A_461] {strides = array<i32>} : memref<2x80x64xi32, #tpu.memory_space<vmem>>, vector<16xi32>,
          %add3A_463 = arith.constant 3 : i32
          %add3A_464 = arith.addi %mul3A_126, %add3A_463 : i32
          %get3A_465 = arith.constant 0 : i32
          %get3A_466 = arith.index_cast %get3A_465 : i32 to index
          %get3A_467 = arith.index_cast %add3A_464 : i32 to index
          %get3A_468 = arith.constant 32 : index
          %get3A_469 = tpu.vector_load %arg9[%get3A_466, %get3A_467, %get3A_468] {strides = array<i32>} : memref<2x80x64xi32, #tpu.memory_space<vmem>>, vector<16xi32>,
          %shift_left3A_470 = arith.shli %get3A_462, %broadcast_in_dim3A_77 : vector<16xi32>
          %bitcast3A_471 = vector.bitcast %shift_left3A_470 : vector<16xi32> to vector<16xf32>
          %shift_left3A_472 = arith.shli %get3A_469, %broadcast_in_dim3A_77 : vector<16xi32>
          %bitcast3A_473 = vector.bitcast %shift_left3A_472 : vector<16xi32> to vector<16xf32>
          %bitcast3A_474 = vector.bitcast %get3A_462 : vector<16xi32> to vector<16xf32>
          %bitcast3A_475 = vector.bitcast %get3A_469 : vector<16xi32> to vector<16xf32>
          %mul3A_476 = arith.mulf %bitcast3A_471, %bitcast3A_473 : vector<16xf32>
          %mul3A_477 = arith.mulf %bitcast3A_474, %bitcast3A_475 : vector<16xf32>
          %add3A_478 = arith.addf %mul3A_476, %mul3A_477 : vector<16xf32>
          %add3A_479 = arith.addf %add3A_455, %add3A_478 : vector<16xf32>
          %add3A_480 = arith.constant 3 : i32
          %add3A_481 = arith.addi %mul3A_126, %add3A_480 : i32
          %get3A_482 = arith.constant 0 : i32
          %get3A_483 = arith.index_cast %get3A_482 : i32 to index
          %get3A_484 = arith.index_cast %add3A_481 : i32 to index
          %get3A_485 = arith.constant 48 : index
          %get3A_486 = tpu.vector_load %arg8[%get3A_483, %get3A_484, %get3A_485] {strides = array<i32>} : memref<2x80x64xi32, #tpu.memory_space<vmem>>, vector<16xi32>,
          %add3A_487 = arith.constant 3 : i32
          %add3A_488 = arith.addi %mul3A_126, %add3A_487 : i32
          %get3A_489 = arith.constant 0 : i32
          %get3A_490 = arith.index_cast %get3A_489 : i32 to index
          %get3A_491 = arith.index_cast %add3A_488 : i32 to index
          %get3A_492 = arith.constant 48 : index
          %get3A_493 = tpu.vector_load %arg9[%get3A_490, %get3A_491, %get3A_492] {strides = array<i32>} : memref<2x80x64xi32, #tpu.memory_space<vmem>>, vector<16xi32>,
          %shift_left3A_494 = arith.shli %get3A_486, %broadcast_in_dim3A_77 : vector<16xi32>
          %bitcast3A_495 = vector.bitcast %shift_left3A_494 : vector<16xi32> to vector<16xf32>
          %shift_left3A_496 = arith.shli %get3A_493, %broadcast_in_dim3A_77 : vector<16xi32>
          %bitcast3A_497 = vector.bitcast %shift_left3A_496 : vector<16xi32> to vector<16xf32>
          %bitcast3A_498 = vector.bitcast %get3A_486 : vector<16xi32> to vector<16xf32>
          %bitcast3A_499 = vector.bitcast %get3A_493 : vector<16xi32> to vector<16xf32>
          %mul3A_500 = arith.mulf %bitcast3A_495, %bitcast3A_497 : vector<16xf32>
          %mul3A_501 = arith.mulf %bitcast3A_498, %bitcast3A_499 : vector<16xf32>
          %add3A_502 = arith.addf %mul3A_500, %mul3A_501 : vector<16xf32>
          %add3A_503 = arith.addf %add3A_479, %add3A_502 : vector<16xf32>
          %add3A_504 = arith.constant 4 : i32
          %add3A_505 = arith.addi %mul3A_126, %add3A_504 : i32
          %get3A_506 = arith.constant 0 : i32
          %get3A_507 = arith.index_cast %get3A_506 : i32 to index
          %get3A_508 = arith.index_cast %add3A_505 : i32 to index
          %get3A_509 = arith.constant 0 : index
          %get3A_510 = tpu.vector_load %arg8[%get3A_507, %get3A_508, %get3A_509] {strides = array<i32>} : memref<2x80x64xi32, #tpu.memory_space<vmem>>, vector<16xi32>,
          %add3A_511 = arith.constant 4 : i32
          %add3A_512 = arith.addi %mul3A_126, %add3A_511 : i32
          %get3A_513 = arith.constant 0 : i32
          %get3A_514 = arith.index_cast %get3A_513 : i32 to index
          %get3A_515 = arith.index_cast %add3A_512 : i32 to index
          %get3A_516 = arith.constant 0 : index
          %get3A_517 = tpu.vector_load %arg9[%get3A_514, %get3A_515, %get3A_516] {strides = array<i32>} : memref<2x80x64xi32, #tpu.memory_space<vmem>>, vector<16xi32>,
          %shift_left3A_518 = arith.shli %get3A_510, %broadcast_in_dim3A_77 : vector<16xi32>
          %bitcast3A_519 = vector.bitcast %shift_left3A_518 : vector<16xi32> to vector<16xf32>
          %shift_left3A_520 = arith.shli %get3A_517, %broadcast_in_dim3A_77 : vector<16xi32>
          %bitcast3A_521 = vector.bitcast %shift_left3A_520 : vector<16xi32> to vector<16xf32>
          %bitcast3A_522 = vector.bitcast %get3A_510 : vector<16xi32> to vector<16xf32>
          %bitcast3A_523 = vector.bitcast %get3A_517 : vector<16xi32> to vector<16xf32>
          %mul3A_524 = arith.mulf %bitcast3A_519, %bitcast3A_521 : vector<16xf32>
          %mul3A_525 = arith.mulf %bitcast3A_522, %bitcast3A_523 : vector<16xf32>
          %add3A_526 = arith.addf %mul3A_524, %mul3A_525 : vector<16xf32>
          %add3A_527 = arith.constant 4 : i32
          %add3A_528 = arith.addi %mul3A_126, %add3A_527 : i32
          %get3A_529 = arith.constant 0 : i32
          %get3A_530 = arith.index_cast %get3A_529 : i32 to index
          %get3A_531 = arith.index_cast %add3A_528 : i32 to index
          %get3A_532 = arith.constant 16 : index
          %get3A_533 = tpu.vector_load %arg8[%get3A_530, %get3A_531, %get3A_532] {strides = array<i32>} : memref<2x80x64xi32, #tpu.memory_space<vmem>>, vector<16xi32>,
          %add3A_534 = arith.constant 4 : i32
          %add3A_535 = arith.addi %mul3A_126, %add3A_534 : i32
          %get3A_536 = arith.constant 0 : i32
          %get3A_537 = arith.index_cast %get3A_536 : i32 to index
          %get3A_538 = arith.index_cast %add3A_535 : i32 to index
          %get3A_539 = arith.constant 16 : index
          %get3A_540 = tpu.vector_load %arg9[%get3A_537, %get3A_538, %get3A_539] {strides = array<i32>} : memref<2x80x64xi32, #tpu.memory_space<vmem>>, vector<16xi32>,
          %shift_left3A_541 = arith.shli %get3A_533, %broadcast_in_dim3A_77 : vector<16xi32>
          %bitcast3A_542 = vector.bitcast %shift_left3A_541 : vector<16xi32> to vector<16xf32>
          %shift_left3A_543 = arith.shli %get3A_540, %broadcast_in_dim3A_77 : vector<16xi32>
          %bitcast3A_544 = vector.bitcast %shift_left3A_543 : vector<16xi32> to vector<16xf32>
          %bitcast3A_545 = vector.bitcast %get3A_533 : vector<16xi32> to vector<16xf32>
          %bitcast3A_546 = vector.bitcast %get3A_540 : vector<16xi32> to vector<16xf32>
          %mul3A_547 = arith.mulf %bitcast3A_542, %bitcast3A_544 : vector<16xf32>
          %mul3A_548 = arith.mulf %bitcast3A_545, %bitcast3A_546 : vector<16xf32>
          %add3A_549 = arith.addf %mul3A_547, %mul3A_548 : vector<16xf32>
          %add3A_550 = arith.addf %add3A_526, %add3A_549 : vector<16xf32>
          %add3A_551 = arith.constant 4 : i32
          %add3A_552 = arith.addi %mul3A_126, %add3A_551 : i32
          %get3A_553 = arith.constant 0 : i32
          %get3A_554 = arith.index_cast %get3A_553 : i32 to index
          %get3A_555 = arith.index_cast %add3A_552 : i32 to index
          %get3A_556 = arith.constant 32 : index
          %get3A_557 = tpu.vector_load %arg8[%get3A_554, %get3A_555, %get3A_556] {strides = array<i32>} : memref<2x80x64xi32, #tpu.memory_space<vmem>>, vector<16xi32>,
          %add3A_558 = arith.constant 4 : i32
          %add3A_559 = arith.addi %mul3A_126, %add3A_558 : i32
          %get3A_560 = arith.constant 0 : i32
          %get3A_561 = arith.index_cast %get3A_560 : i32 to index
          %get3A_562 = arith.index_cast %add3A_559 : i32 to index
          %get3A_563 = arith.constant 32 : index
          %get3A_564 = tpu.vector_load %arg9[%get3A_561, %get3A_562, %get3A_563] {strides = array<i32>} : memref<2x80x64xi32, #tpu.memory_space<vmem>>, vector<16xi32>,
          %shift_left3A_565 = arith.shli %get3A_557, %broadcast_in_dim3A_77 : vector<16xi32>
          %bitcast3A_566 = vector.bitcast %shift_left3A_565 : vector<16xi32> to vector<16xf32>
          %shift_left3A_567 = arith.shli %get3A_564, %broadcast_in_dim3A_77 : vector<16xi32>
          %bitcast3A_568 = vector.bitcast %shift_left3A_567 : vector<16xi32> to vector<16xf32>
          %bitcast3A_569 = vector.bitcast %get3A_557 : vector<16xi32> to vector<16xf32>
          %bitcast3A_570 = vector.bitcast %get3A_564 : vector<16xi32> to vector<16xf32>
          %mul3A_571 = arith.mulf %bitcast3A_566, %bitcast3A_568 : vector<16xf32>
          %mul3A_572 = arith.mulf %bitcast3A_569, %bitcast3A_570 : vector<16xf32>
          %add3A_573 = arith.addf %mul3A_571, %mul3A_572 : vector<16xf32>
          %add3A_574 = arith.addf %add3A_550, %add3A_573 : vector<16xf32>
          %add3A_575 = arith.constant 4 : i32
          %add3A_576 = arith.addi %mul3A_126, %add3A_575 : i32
          %get3A_577 = arith.constant 0 : i32
          %get3A_578 = arith.index_cast %get3A_577 : i32 to index
          %get3A_579 = arith.index_cast %add3A_576 : i32 to index
          %get3A_580 = arith.constant 48 : index
          %get3A_581 = tpu.vector_load %arg8[%get3A_578, %get3A_579, %get3A_580] {strides = array<i32>} : memref<2x80x64xi32, #tpu.memory_space<vmem>>, vector<16xi32>,
          %add3A_582 = arith.constant 4 : i32
          %add3A_583 = arith.addi %mul3A_126, %add3A_582 : i32
          %get3A_584 = arith.constant 0 : i32
          %get3A_585 = arith.index_cast %get3A_584 : i32 to index
          %get3A_586 = arith.index_cast %add3A_583 : i32 to index
          %get3A_587 = arith.constant 48 : index
          %get3A_588 = tpu.vector_load %arg9[%get3A_585, %get3A_586, %get3A_587] {strides = array<i32>} : memref<2x80x64xi32, #tpu.memory_space<vmem>>, vector<16xi32>,
          %shift_left3A_589 = arith.shli %get3A_581, %broadcast_in_dim3A_77 : vector<16xi32>
          %bitcast3A_590 = vector.bitcast %shift_left3A_589 : vector<16xi32> to vector<16xf32>
          %shift_left3A_591 = arith.shli %get3A_588, %broadcast_in_dim3A_77 : vector<16xi32>
          %bitcast3A_592 = vector.bitcast %shift_left3A_591 : vector<16xi32> to vector<16xf32>
          %bitcast3A_593 = vector.bitcast %get3A_581 : vector<16xi32> to vector<16xf32>
          %bitcast3A_594 = vector.bitcast %get3A_588 : vector<16xi32> to vector<16xf32>
          %mul3A_595 = arith.mulf %bitcast3A_590, %bitcast3A_592 : vector<16xf32>
          %mul3A_596 = arith.mulf %bitcast3A_593, %bitcast3A_594 : vector<16xf32>
          %add3A_597 = arith.addf %mul3A_595, %mul3A_596 : vector<16xf32>
          %add3A_598 = arith.addf %add3A_574, %add3A_597 : vector<16xf32>
          %add3A_599 = arith.constant 5 : i32
          %add3A_600 = arith.addi %mul3A_126, %add3A_599 : i32
          %get3A_601 = arith.constant 0 : i32
          %get3A_602 = arith.index_cast %get3A_601 : i32 to index
          %get3A_603 = arith.index_cast %add3A_600 : i32 to index
          %get3A_604 = arith.constant 0 : index
          %get3A_605 = tpu.vector_load %arg8[%get3A_602, %get3A_603, %get3A_604] {strides = array<i32>} : memref<2x80x64xi32, #tpu.memory_space<vmem>>, vector<16xi32>,
          %add3A_606 = arith.constant 5 : i32
          %add3A_607 = arith.addi %mul3A_126, %add3A_606 : i32
          %get3A_608 = arith.constant 0 : i32
          %get3A_609 = arith.index_cast %get3A_608 : i32 to index
          %get3A_610 = arith.index_cast %add3A_607 : i32 to index
          %get3A_611 = arith.constant 0 : index
          %get3A_612 = tpu.vector_load %arg9[%get3A_609, %get3A_610, %get3A_611] {strides = array<i32>} : memref<2x80x64xi32, #tpu.memory_space<vmem>>, vector<16xi32>,
          %shift_left3A_613 = arith.shli %get3A_605, %broadcast_in_dim3A_77 : vector<16xi32>
          %bitcast3A_614 = vector.bitcast %shift_left3A_613 : vector<16xi32> to vector<16xf32>
          %shift_left3A_615 = arith.shli %get3A_612, %broadcast_in_dim3A_77 : vector<16xi32>
          %bitcast3A_616 = vector.bitcast %shift_left3A_615 : vector<16xi32> to vector<16xf32>
          %bitcast3A_617 = vector.bitcast %get3A_605 : vector<16xi32> to vector<16xf32>
          %bitcast3A_618 = vector.bitcast %get3A_612 : vector<16xi32> to vector<16xf32>
          %mul3A_619 = arith.mulf %bitcast3A_614, %bitcast3A_616 : vector<16xf32>
          %mul3A_620 = arith.mulf %bitcast3A_617, %bitcast3A_618 : vector<16xf32>
          %add3A_621 = arith.addf %mul3A_619, %mul3A_620 : vector<16xf32>
          %add3A_622 = arith.constant 5 : i32
          %add3A_623 = arith.addi %mul3A_126, %add3A_622 : i32
          %get3A_624 = arith.constant 0 : i32
          %get3A_625 = arith.index_cast %get3A_624 : i32 to index
          %get3A_626 = arith.index_cast %add3A_623 : i32 to index
          %get3A_627 = arith.constant 16 : index
          %get3A_628 = tpu.vector_load %arg8[%get3A_625, %get3A_626, %get3A_627] {strides = array<i32>} : memref<2x80x64xi32, #tpu.memory_space<vmem>>, vector<16xi32>,
          %add3A_629 = arith.constant 5 : i32
          %add3A_630 = arith.addi %mul3A_126, %add3A_629 : i32
          %get3A_631 = arith.constant 0 : i32
          %get3A_632 = arith.index_cast %get3A_631 : i32 to index
          %get3A_633 = arith.index_cast %add3A_630 : i32 to index
          %get3A_634 = arith.constant 16 : index
          %get3A_635 = tpu.vector_load %arg9[%get3A_632, %get3A_633, %get3A_634] {strides = array<i32>} : memref<2x80x64xi32, #tpu.memory_space<vmem>>, vector<16xi32>,
          %shift_left3A_636 = arith.shli %get3A_628, %broadcast_in_dim3A_77 : vector<16xi32>
          %bitcast3A_637 = vector.bitcast %shift_left3A_636 : vector<16xi32> to vector<16xf32>
          %shift_left3A_638 = arith.shli %get3A_635, %broadcast_in_dim3A_77 : vector<16xi32>
          %bitcast3A_639 = vector.bitcast %shift_left3A_638 : vector<16xi32> to vector<16xf32>
          %bitcast3A_640 = vector.bitcast %get3A_628 : vector<16xi32> to vector<16xf32>
          %bitcast3A_641 = vector.bitcast %get3A_635 : vector<16xi32> to vector<16xf32>
          %mul3A_642 = arith.mulf %bitcast3A_637, %bitcast3A_639 : vector<16xf32>
          %mul3A_643 = arith.mulf %bitcast3A_640, %bitcast3A_641 : vector<16xf32>
          %add3A_644 = arith.addf %mul3A_642, %mul3A_643 : vector<16xf32>
          %add3A_645 = arith.addf %add3A_621, %add3A_644 : vector<16xf32>
          %add3A_646 = arith.constant 5 : i32
          %add3A_647 = arith.addi %mul3A_126, %add3A_646 : i32
          %get3A_648 = arith.constant 0 : i32
          %get3A_649 = arith.index_cast %get3A_648 : i32 to index
          %get3A_650 = arith.index_cast %add3A_647 : i32 to index
          %get3A_651 = arith.constant 32 : index
          %get3A_652 = tpu.vector_load %arg8[%get3A_649, %get3A_650, %get3A_651] {strides = array<i32>} : memref<2x80x64xi32, #tpu.memory_space<vmem>>, vector<16xi32>,
          %add3A_653 = arith.constant 5 : i32
          %add3A_654 = arith.addi %mul3A_126, %add3A_653 : i32
          %get3A_655 = arith.constant 0 : i32
          %get3A_656 = arith.index_cast %get3A_655 : i32 to index
          %get3A_657 = arith.index_cast %add3A_654 : i32 to index
          %get3A_658 = arith.constant 32 : index
          %get3A_659 = tpu.vector_load %arg9[%get3A_656, %get3A_657, %get3A_658] {strides = array<i32>} : memref<2x80x64xi32, #tpu.memory_space<vmem>>, vector<16xi32>,
          %shift_left3A_660 = arith.shli %get3A_652, %broadcast_in_dim3A_77 : vector<16xi32>
          %bitcast3A_661 = vector.bitcast %shift_left3A_660 : vector<16xi32> to vector<16xf32>
          %shift_left3A_662 = arith.shli %get3A_659, %broadcast_in_dim3A_77 : vector<16xi32>
          %bitcast3A_663 = vector.bitcast %shift_left3A_662 : vector<16xi32> to vector<16xf32>
          %bitcast3A_664 = vector.bitcast %get3A_652 : vector<16xi32> to vector<16xf32>
          %bitcast3A_665 = vector.bitcast %get3A_659 : vector<16xi32> to vector<16xf32>
          %mul3A_666 = arith.mulf %bitcast3A_661, %bitcast3A_663 : vector<16xf32>
          %mul3A_667 = arith.mulf %bitcast3A_664, %bitcast3A_665 : vector<16xf32>
          %add3A_668 = arith.addf %mul3A_666, %mul3A_667 : vector<16xf32>
          %add3A_669 = arith.addf %add3A_645, %add3A_668 : vector<16xf32>
          %add3A_670 = arith.constant 5 : i32
          %add3A_671 = arith.addi %mul3A_126, %add3A_670 : i32
          %get3A_672 = arith.constant 0 : i32
          %get3A_673 = arith.index_cast %get3A_672 : i32 to index
          %get3A_674 = arith.index_cast %add3A_671 : i32 to index
          %get3A_675 = arith.constant 48 : index
          %get3A_676 = tpu.vector_load %arg8[%get3A_673, %get3A_674, %get3A_675] {strides = array<i32>} : memref<2x80x64xi32, #tpu.memory_space<vmem>>, vector<16xi32>,
          %add3A_677 = arith.constant 5 : i32
          %add3A_678 = arith.addi %mul3A_126, %add3A_677 : i32
          %get3A_679 = arith.constant 0 : i32
          %get3A_680 = arith.index_cast %get3A_679 : i32 to index
          %get3A_681 = arith.index_cast %add3A_678 : i32 to index
          %get3A_682 = arith.constant 48 : index
          %get3A_683 = tpu.vector_load %arg9[%get3A_680, %get3A_681, %get3A_682] {strides = array<i32>} : memref<2x80x64xi32, #tpu.memory_space<vmem>>, vector<16xi32>,
          %shift_left3A_684 = arith.shli %get3A_676, %broadcast_in_dim3A_77 : vector<16xi32>
          %bitcast3A_685 = vector.bitcast %shift_left3A_684 : vector<16xi32> to vector<16xf32>
          %shift_left3A_686 = arith.shli %get3A_683, %broadcast_in_dim3A_77 : vector<16xi32>
          %bitcast3A_687 = vector.bitcast %shift_left3A_686 : vector<16xi32> to vector<16xf32>
          %bitcast3A_688 = vector.bitcast %get3A_676 : vector<16xi32> to vector<16xf32>
          %bitcast3A_689 = vector.bitcast %get3A_683 : vector<16xi32> to vector<16xf32>
          %mul3A_690 = arith.mulf %bitcast3A_685, %bitcast3A_687 : vector<16xf32>
          %mul3A_691 = arith.mulf %bitcast3A_688, %bitcast3A_689 : vector<16xf32>
          %add3A_692 = arith.addf %mul3A_690, %mul3A_691 : vector<16xf32>
          %add3A_693 = arith.addf %add3A_669, %add3A_692 : vector<16xf32>
          %add3A_694 = arith.constant 6 : i32
          %add3A_695 = arith.addi %mul3A_126, %add3A_694 : i32
          %get3A_696 = arith.constant 0 : i32
          %get3A_697 = arith.index_cast %get3A_696 : i32 to index
          %get3A_698 = arith.index_cast %add3A_695 : i32 to index
          %get3A_699 = arith.constant 0 : index
          %get3A_700 = tpu.vector_load %arg8[%get3A_697, %get3A_698, %get3A_699] {strides = array<i32>} : memref<2x80x64xi32, #tpu.memory_space<vmem>>, vector<16xi32>,
          %add3A_701 = arith.constant 6 : i32
          %add3A_702 = arith.addi %mul3A_126, %add3A_701 : i32
          %get3A_703 = arith.constant 0 : i32
          %get3A_704 = arith.index_cast %get3A_703 : i32 to index
          %get3A_705 = arith.index_cast %add3A_702 : i32 to index
          %get3A_706 = arith.constant 0 : index
          %get3A_707 = tpu.vector_load %arg9[%get3A_704, %get3A_705, %get3A_706] {strides = array<i32>} : memref<2x80x64xi32, #tpu.memory_space<vmem>>, vector<16xi32>,
          %shift_left3A_708 = arith.shli %get3A_700, %broadcast_in_dim3A_77 : vector<16xi32>
          %bitcast3A_709 = vector.bitcast %shift_left3A_708 : vector<16xi32> to vector<16xf32>
          %shift_left3A_710 = arith.shli %get3A_707, %broadcast_in_dim3A_77 : vector<16xi32>
          %bitcast3A_711 = vector.bitcast %shift_left3A_710 : vector<16xi32> to vector<16xf32>
          %bitcast3A_712 = vector.bitcast %get3A_700 : vector<16xi32> to vector<16xf32>
          %bitcast3A_713 = vector.bitcast %get3A_707 : vector<16xi32> to vector<16xf32>
          %mul3A_714 = arith.mulf %bitcast3A_709, %bitcast3A_711 : vector<16xf32>
          %mul3A_715 = arith.mulf %bitcast3A_712, %bitcast3A_713 : vector<16xf32>
          %add3A_716 = arith.addf %mul3A_714, %mul3A_715 : vector<16xf32>
          %add3A_717 = arith.constant 6 : i32
          %add3A_718 = arith.addi %mul3A_126, %add3A_717 : i32
          %get3A_719 = arith.constant 0 : i32
          %get3A_720 = arith.index_cast %get3A_719 : i32 to index
          %get3A_721 = arith.index_cast %add3A_718 : i32 to index
          %get3A_722 = arith.constant 16 : index
          %get3A_723 = tpu.vector_load %arg8[%get3A_720, %get3A_721, %get3A_722] {strides = array<i32>} : memref<2x80x64xi32, #tpu.memory_space<vmem>>, vector<16xi32>,
          %add3A_724 = arith.constant 6 : i32
          %add3A_725 = arith.addi %mul3A_126, %add3A_724 : i32
          %get3A_726 = arith.constant 0 : i32
          %get3A_727 = arith.index_cast %get3A_726 : i32 to index
          %get3A_728 = arith.index_cast %add3A_725 : i32 to index
          %get3A_729 = arith.constant 16 : index
          %get3A_730 = tpu.vector_load %arg9[%get3A_727, %get3A_728, %get3A_729] {strides = array<i32>} : memref<2x80x64xi32, #tpu.memory_space<vmem>>, vector<16xi32>,
          %shift_left3A_731 = arith.shli %get3A_723, %broadcast_in_dim3A_77 : vector<16xi32>
          %bitcast3A_732 = vector.bitcast %shift_left3A_731 : vector<16xi32> to vector<16xf32>
          %shift_left3A_733 = arith.shli %get3A_730, %broadcast_in_dim3A_77 : vector<16xi32>
          %bitcast3A_734 = vector.bitcast %shift_left3A_733 : vector<16xi32> to vector<16xf32>
          %bitcast3A_735 = vector.bitcast %get3A_723 : vector<16xi32> to vector<16xf32>
          %bitcast3A_736 = vector.bitcast %get3A_730 : vector<16xi32> to vector<16xf32>
          %mul3A_737 = arith.mulf %bitcast3A_732, %bitcast3A_734 : vector<16xf32>
          %mul3A_738 = arith.mulf %bitcast3A_735, %bitcast3A_736 : vector<16xf32>
          %add3A_739 = arith.addf %mul3A_737, %mul3A_738 : vector<16xf32>
          %add3A_740 = arith.addf %add3A_716, %add3A_739 : vector<16xf32>
          %add3A_741 = arith.constant 6 : i32
          %add3A_742 = arith.addi %mul3A_126, %add3A_741 : i32
          %get3A_743 = arith.constant 0 : i32
          %get3A_744 = arith.index_cast %get3A_743 : i32 to index
          %get3A_745 = arith.index_cast %add3A_742 : i32 to index
          %get3A_746 = arith.constant 32 : index
          %get3A_747 = tpu.vector_load %arg8[%get3A_744, %get3A_745, %get3A_746] {strides = array<i32>} : memref<2x80x64xi32, #tpu.memory_space<vmem>>, vector<16xi32>,
          %add3A_748 = arith.constant 6 : i32
          %add3A_749 = arith.addi %mul3A_126, %add3A_748 : i32
          %get3A_750 = arith.constant 0 : i32
          %get3A_751 = arith.index_cast %get3A_750 : i32 to index
          %get3A_752 = arith.index_cast %add3A_749 : i32 to index
          %get3A_753 = arith.constant 32 : index
          %get3A_754 = tpu.vector_load %arg9[%get3A_751, %get3A_752, %get3A_753] {strides = array<i32>} : memref<2x80x64xi32, #tpu.memory_space<vmem>>, vector<16xi32>,
          %shift_left3A_755 = arith.shli %get3A_747, %broadcast_in_dim3A_77 : vector<16xi32>
          %bitcast3A_756 = vector.bitcast %shift_left3A_755 : vector<16xi32> to vector<16xf32>
          %shift_left3A_757 = arith.shli %get3A_754, %broadcast_in_dim3A_77 : vector<16xi32>
          %bitcast3A_758 = vector.bitcast %shift_left3A_757 : vector<16xi32> to vector<16xf32>
          %bitcast3A_759 = vector.bitcast %get3A_747 : vector<16xi32> to vector<16xf32>
          %bitcast3A_760 = vector.bitcast %get3A_754 : vector<16xi32> to vector<16xf32>
          %mul3A_761 = arith.mulf %bitcast3A_756, %bitcast3A_758 : vector<16xf32>
          %mul3A_762 = arith.mulf %bitcast3A_759, %bitcast3A_760 : vector<16xf32>
          %add3A_763 = arith.addf %mul3A_761, %mul3A_762 : vector<16xf32>
          %add3A_764 = arith.addf %add3A_740, %add3A_763 : vector<16xf32>
          %add3A_765 = arith.constant 6 : i32
          %add3A_766 = arith.addi %mul3A_126, %add3A_765 : i32
          %get3A_767 = arith.constant 0 : i32
          %get3A_768 = arith.index_cast %get3A_767 : i32 to index
          %get3A_769 = arith.index_cast %add3A_766 : i32 to index
          %get3A_770 = arith.constant 48 : index
          %get3A_771 = tpu.vector_load %arg8[%get3A_768, %get3A_769, %get3A_770] {strides = array<i32>} : memref<2x80x64xi32, #tpu.memory_space<vmem>>, vector<16xi32>,
          %add3A_772 = arith.constant 6 : i32
          %add3A_773 = arith.addi %mul3A_126, %add3A_772 : i32
          %get3A_774 = arith.constant 0 : i32
          %get3A_775 = arith.index_cast %get3A_774 : i32 to index
          %get3A_776 = arith.index_cast %add3A_773 : i32 to index
          %get3A_777 = arith.constant 48 : index
          %get3A_778 = tpu.vector_load %arg9[%get3A_775, %get3A_776, %get3A_777] {strides = array<i32>} : memref<2x80x64xi32, #tpu.memory_space<vmem>>, vector<16xi32>,
          %shift_left3A_779 = arith.shli %get3A_771, %broadcast_in_dim3A_77 : vector<16xi32>
          %bitcast3A_780 = vector.bitcast %shift_left3A_779 : vector<16xi32> to vector<16xf32>
          %shift_left3A_781 = arith.shli %get3A_778, %broadcast_in_dim3A_77 : vector<16xi32>
          %bitcast3A_782 = vector.bitcast %shift_left3A_781 : vector<16xi32> to vector<16xf32>
          %bitcast3A_783 = vector.bitcast %get3A_771 : vector<16xi32> to vector<16xf32>
          %bitcast3A_784 = vector.bitcast %get3A_778 : vector<16xi32> to vector<16xf32>
          %mul3A_785 = arith.mulf %bitcast3A_780, %bitcast3A_782 : vector<16xf32>
          %mul3A_786 = arith.mulf %bitcast3A_783, %bitcast3A_784 : vector<16xf32>
          %add3A_787 = arith.addf %mul3A_785, %mul3A_786 : vector<16xf32>
          %add3A_788 = arith.addf %add3A_764, %add3A_787 : vector<16xf32>
          %add3A_789 = arith.constant 7 : i32
          %add3A_790 = arith.addi %mul3A_126, %add3A_789 : i32
          %get3A_791 = arith.constant 0 : i32
          %get3A_792 = arith.index_cast %get3A_791 : i32 to index
          %get3A_793 = arith.index_cast %add3A_790 : i32 to index
          %get3A_794 = arith.constant 0 : index
          %get3A_795 = tpu.vector_load %arg8[%get3A_792, %get3A_793, %get3A_794] {strides = array<i32>} : memref<2x80x64xi32, #tpu.memory_space<vmem>>, vector<16xi32>,
          %add3A_796 = arith.constant 7 : i32
          %add3A_797 = arith.addi %mul3A_126, %add3A_796 : i32
          %get3A_798 = arith.constant 0 : i32
          %get3A_799 = arith.index_cast %get3A_798 : i32 to index
          %get3A_800 = arith.index_cast %add3A_797 : i32 to index
          %get3A_801 = arith.constant 0 : index
          %get3A_802 = tpu.vector_load %arg9[%get3A_799, %get3A_800, %get3A_801] {strides = array<i32>} : memref<2x80x64xi32, #tpu.memory_space<vmem>>, vector<16xi32>,
          %shift_left3A_803 = arith.shli %get3A_795, %broadcast_in_dim3A_77 : vector<16xi32>
          %bitcast3A_804 = vector.bitcast %shift_left3A_803 : vector<16xi32> to vector<16xf32>
          %shift_left3A_805 = arith.shli %get3A_802, %broadcast_in_dim3A_77 : vector<16xi32>
          %bitcast3A_806 = vector.bitcast %shift_left3A_805 : vector<16xi32> to vector<16xf32>
          %bitcast3A_807 = vector.bitcast %get3A_795 : vector<16xi32> to vector<16xf32>
          %bitcast3A_808 = vector.bitcast %get3A_802 : vector<16xi32> to vector<16xf32>
          %mul3A_809 = arith.mulf %bitcast3A_804, %bitcast3A_806 : vector<16xf32>
          %mul3A_810 = arith.mulf %bitcast3A_807, %bitcast3A_808 : vector<16xf32>
          %add3A_811 = arith.addf %mul3A_809, %mul3A_810 : vector<16xf32>
          %add3A_812 = arith.constant 7 : i32
          %add3A_813 = arith.addi %mul3A_126, %add3A_812 : i32
          %get3A_814 = arith.constant 0 : i32
          %get3A_815 = arith.index_cast %get3A_814 : i32 to index
          %get3A_816 = arith.index_cast %add3A_813 : i32 to index
          %get3A_817 = arith.constant 16 : index
          %get3A_818 = tpu.vector_load %arg8[%get3A_815, %get3A_816, %get3A_817] {strides = array<i32>} : memref<2x80x64xi32, #tpu.memory_space<vmem>>, vector<16xi32>,
          %add3A_819 = arith.constant 7 : i32
          %add3A_820 = arith.addi %mul3A_126, %add3A_819 : i32
          %get3A_821 = arith.constant 0 : i32
          %get3A_822 = arith.index_cast %get3A_821 : i32 to index
          %get3A_823 = arith.index_cast %add3A_820 : i32 to index
          %get3A_824 = arith.constant 16 : index
          %get3A_825 = tpu.vector_load %arg9[%get3A_822, %get3A_823, %get3A_824] {strides = array<i32>} : memref<2x80x64xi32, #tpu.memory_space<vmem>>, vector<16xi32>,
          %shift_left3A_826 = arith.shli %get3A_818, %broadcast_in_dim3A_77 : vector<16xi32>
          %bitcast3A_827 = vector.bitcast %shift_left3A_826 : vector<16xi32> to vector<16xf32>
          %shift_left3A_828 = arith.shli %get3A_825, %broadcast_in_dim3A_77 : vector<16xi32>
          %bitcast3A_829 = vector.bitcast %shift_left3A_828 : vector<16xi32> to vector<16xf32>
          %bitcast3A_830 = vector.bitcast %get3A_818 : vector<16xi32> to vector<16xf32>
          %bitcast3A_831 = vector.bitcast %get3A_825 : vector<16xi32> to vector<16xf32>
          %mul3A_832 = arith.mulf %bitcast3A_827, %bitcast3A_829 : vector<16xf32>
          %mul3A_833 = arith.mulf %bitcast3A_830, %bitcast3A_831 : vector<16xf32>
          %add3A_834 = arith.addf %mul3A_832, %mul3A_833 : vector<16xf32>
          %add3A_835 = arith.addf %add3A_811, %add3A_834 : vector<16xf32>
          %add3A_836 = arith.constant 7 : i32
          %add3A_837 = arith.addi %mul3A_126, %add3A_836 : i32
          %get3A_838 = arith.constant 0 : i32
          %get3A_839 = arith.index_cast %get3A_838 : i32 to index
          %get3A_840 = arith.index_cast %add3A_837 : i32 to index
          %get3A_841 = arith.constant 32 : index
          %get3A_842 = tpu.vector_load %arg8[%get3A_839, %get3A_840, %get3A_841] {strides = array<i32>} : memref<2x80x64xi32, #tpu.memory_space<vmem>>, vector<16xi32>,
          %add3A_843 = arith.constant 7 : i32
          %add3A_844 = arith.addi %mul3A_126, %add3A_843 : i32
          %get3A_845 = arith.constant 0 : i32
          %get3A_846 = arith.index_cast %get3A_845 : i32 to index
          %get3A_847 = arith.index_cast %add3A_844 : i32 to index
          %get3A_848 = arith.constant 32 : index
          %get3A_849 = tpu.vector_load %arg9[%get3A_846, %get3A_847, %get3A_848] {strides = array<i32>} : memref<2x80x64xi32, #tpu.memory_space<vmem>>, vector<16xi32>,
          %shift_left3A_850 = arith.shli %get3A_842, %broadcast_in_dim3A_77 : vector<16xi32>
          %bitcast3A_851 = vector.bitcast %shift_left3A_850 : vector<16xi32> to vector<16xf32>
          %shift_left3A_852 = arith.shli %get3A_849, %broadcast_in_dim3A_77 : vector<16xi32>
          %bitcast3A_853 = vector.bitcast %shift_left3A_852 : vector<16xi32> to vector<16xf32>
          %bitcast3A_854 = vector.bitcast %get3A_842 : vector<16xi32> to vector<16xf32>
          %bitcast3A_855 = vector.bitcast %get3A_849 : vector<16xi32> to vector<16xf32>
          %mul3A_856 = arith.mulf %bitcast3A_851, %bitcast3A_853 : vector<16xf32>
          %mul3A_857 = arith.mulf %bitcast3A_854, %bitcast3A_855 : vector<16xf32>
          %add3A_858 = arith.addf %mul3A_856, %mul3A_857 : vector<16xf32>
          %add3A_859 = arith.addf %add3A_835, %add3A_858 : vector<16xf32>
          %add3A_860 = arith.constant 7 : i32
          %add3A_861 = arith.addi %mul3A_126, %add3A_860 : i32
          %get3A_862 = arith.constant 0 : i32
          %get3A_863 = arith.index_cast %get3A_862 : i32 to index
          %get3A_864 = arith.index_cast %add3A_861 : i32 to index
          %get3A_865 = arith.constant 48 : index
          %get3A_866 = tpu.vector_load %arg8[%get3A_863, %get3A_864, %get3A_865] {strides = array<i32>} : memref<2x80x64xi32, #tpu.memory_space<vmem>>, vector<16xi32>,
          %add3A_867 = arith.constant 7 : i32
          %add3A_868 = arith.addi %mul3A_126, %add3A_867 : i32
          %get3A_869 = arith.constant 0 : i32
          %get3A_870 = arith.index_cast %get3A_869 : i32 to index
          %get3A_871 = arith.index_cast %add3A_868 : i32 to index
          %get3A_872 = arith.constant 48 : index
          %get3A_873 = tpu.vector_load %arg9[%get3A_870, %get3A_871, %get3A_872] {strides = array<i32>} : memref<2x80x64xi32, #tpu.memory_space<vmem>>, vector<16xi32>,
          %shift_left3A_874 = arith.shli %get3A_866, %broadcast_in_dim3A_77 : vector<16xi32>
          %bitcast3A_875 = vector.bitcast %shift_left3A_874 : vector<16xi32> to vector<16xf32>
          %shift_left3A_876 = arith.shli %get3A_873, %broadcast_in_dim3A_77 : vector<16xi32>
          %bitcast3A_877 = vector.bitcast %shift_left3A_876 : vector<16xi32> to vector<16xf32>
          %bitcast3A_878 = vector.bitcast %get3A_866 : vector<16xi32> to vector<16xf32>
          %bitcast3A_879 = vector.bitcast %get3A_873 : vector<16xi32> to vector<16xf32>
          %mul3A_880 = arith.mulf %bitcast3A_875, %bitcast3A_877 : vector<16xf32>
          %mul3A_881 = arith.mulf %bitcast3A_878, %bitcast3A_879 : vector<16xf32>
          %add3A_882 = arith.addf %mul3A_880, %mul3A_881 : vector<16xf32>
          %add3A_883 = arith.addf %add3A_859, %add3A_882 : vector<16xf32>
          %add3A_884 = arith.constant 8 : i32
          %add3A_885 = arith.addi %mul3A_126, %add3A_884 : i32
          %get3A_886 = arith.constant 0 : i32
          %get3A_887 = arith.index_cast %get3A_886 : i32 to index
          %get3A_888 = arith.index_cast %add3A_885 : i32 to index
          %get3A_889 = arith.constant 0 : index
          %get3A_890 = tpu.vector_load %arg8[%get3A_887, %get3A_888, %get3A_889] {strides = array<i32>} : memref<2x80x64xi32, #tpu.memory_space<vmem>>, vector<16xi32>,
          %add3A_891 = arith.constant 8 : i32
          %add3A_892 = arith.addi %mul3A_126, %add3A_891 : i32
          %get3A_893 = arith.constant 0 : i32
          %get3A_894 = arith.index_cast %get3A_893 : i32 to index
          %get3A_895 = arith.index_cast %add3A_892 : i32 to index
          %get3A_896 = arith.constant 0 : index
          %get3A_897 = tpu.vector_load %arg9[%get3A_894, %get3A_895, %get3A_896] {strides = array<i32>} : memref<2x80x64xi32, #tpu.memory_space<vmem>>, vector<16xi32>,
          %shift_left3A_898 = arith.shli %get3A_890, %broadcast_in_dim3A_77 : vector<16xi32>
          %bitcast3A_899 = vector.bitcast %shift_left3A_898 : vector<16xi32> to vector<16xf32>
          %shift_left3A_900 = arith.shli %get3A_897, %broadcast_in_dim3A_77 : vector<16xi32>
          %bitcast3A_901 = vector.bitcast %shift_left3A_900 : vector<16xi32> to vector<16xf32>
          %bitcast3A_902 = vector.bitcast %get3A_890 : vector<16xi32> to vector<16xf32>
          %bitcast3A_903 = vector.bitcast %get3A_897 : vector<16xi32> to vector<16xf32>
          %mul3A_904 = arith.mulf %bitcast3A_899, %bitcast3A_901 : vector<16xf32>
          %mul3A_905 = arith.mulf %bitcast3A_902, %bitcast3A_903 : vector<16xf32>
          %add3A_906 = arith.addf %mul3A_904, %mul3A_905 : vector<16xf32>
          %add3A_907 = arith.constant 8 : i32
          %add3A_908 = arith.addi %mul3A_126, %add3A_907 : i32
          %get3A_909 = arith.constant 0 : i32
          %get3A_910 = arith.index_cast %get3A_909 : i32 to index
          %get3A_911 = arith.index_cast %add3A_908 : i32 to index
          %get3A_912 = arith.constant 16 : index
          %get3A_913 = tpu.vector_load %arg8[%get3A_910, %get3A_911, %get3A_912] {strides = array<i32>} : memref<2x80x64xi32, #tpu.memory_space<vmem>>, vector<16xi32>,
          %add3A_914 = arith.constant 8 : i32
          %add3A_915 = arith.addi %mul3A_126, %add3A_914 : i32
          %get3A_916 = arith.constant 0 : i32
          %get3A_917 = arith.index_cast %get3A_916 : i32 to index
          %get3A_918 = arith.index_cast %add3A_915 : i32 to index
          %get3A_919 = arith.constant 16 : index
          %get3A_920 = tpu.vector_load %arg9[%get3A_917, %get3A_918, %get3A_919] {strides = array<i32>} : memref<2x80x64xi32, #tpu.memory_space<vmem>>, vector<16xi32>,
          %shift_left3A_921 = arith.shli %get3A_913, %broadcast_in_dim3A_77 : vector<16xi32>
          %bitcast3A_922 = vector.bitcast %shift_left3A_921 : vector<16xi32> to vector<16xf32>
          %shift_left3A_923 = arith.shli %get3A_920, %broadcast_in_dim3A_77 : vector<16xi32>
          %bitcast3A_924 = vector.bitcast %shift_left3A_923 : vector<16xi32> to vector<16xf32>
          %bitcast3A_925 = vector.bitcast %get3A_913 : vector<16xi32> to vector<16xf32>
          %bitcast3A_926 = vector.bitcast %get3A_920 : vector<16xi32> to vector<16xf32>
          %mul3A_927 = arith.mulf %bitcast3A_922, %bitcast3A_924 : vector<16xf32>
          %mul3A_928 = arith.mulf %bitcast3A_925, %bitcast3A_926 : vector<16xf32>
          %add3A_929 = arith.addf %mul3A_927, %mul3A_928 : vector<16xf32>
          %add3A_930 = arith.addf %add3A_906, %add3A_929 : vector<16xf32>
          %add3A_931 = arith.constant 8 : i32
          %add3A_932 = arith.addi %mul3A_126, %add3A_931 : i32
          %get3A_933 = arith.constant 0 : i32
          %get3A_934 = arith.index_cast %get3A_933 : i32 to index
          %get3A_935 = arith.index_cast %add3A_932 : i32 to index
          %get3A_936 = arith.constant 32 : index
          %get3A_937 = tpu.vector_load %arg8[%get3A_934, %get3A_935, %get3A_936] {strides = array<i32>} : memref<2x80x64xi32, #tpu.memory_space<vmem>>, vector<16xi32>,
          %add3A_938 = arith.constant 8 : i32
          %add3A_939 = arith.addi %mul3A_126, %add3A_938 : i32
          %get3A_940 = arith.constant 0 : i32
          %get3A_941 = arith.index_cast %get3A_940 : i32 to index
          %get3A_942 = arith.index_cast %add3A_939 : i32 to index
          %get3A_943 = arith.constant 32 : index
          %get3A_944 = tpu.vector_load %arg9[%get3A_941, %get3A_942, %get3A_943] {strides = array<i32>} : memref<2x80x64xi32, #tpu.memory_space<vmem>>, vector<16xi32>,
          %shift_left3A_945 = arith.shli %get3A_937, %broadcast_in_dim3A_77 : vector<16xi32>
          %bitcast3A_946 = vector.bitcast %shift_left3A_945 : vector<16xi32> to vector<16xf32>
          %shift_left3A_947 = arith.shli %get3A_944, %broadcast_in_dim3A_77 : vector<16xi32>
          %bitcast3A_948 = vector.bitcast %shift_left3A_947 : vector<16xi32> to vector<16xf32>
          %bitcast3A_949 = vector.bitcast %get3A_937 : vector<16xi32> to vector<16xf32>
          %bitcast3A_950 = vector.bitcast %get3A_944 : vector<16xi32> to vector<16xf32>
          %mul3A_951 = arith.mulf %bitcast3A_946, %bitcast3A_948 : vector<16xf32>
          %mul3A_952 = arith.mulf %bitcast3A_949, %bitcast3A_950 : vector<16xf32>
          %add3A_953 = arith.addf %mul3A_951, %mul3A_952 : vector<16xf32>
          %add3A_954 = arith.addf %add3A_930, %add3A_953 : vector<16xf32>
          %add3A_955 = arith.constant 8 : i32
          %add3A_956 = arith.addi %mul3A_126, %add3A_955 : i32
          %get3A_957 = arith.constant 0 : i32
          %get3A_958 = arith.index_cast %get3A_957 : i32 to index
          %get3A_959 = arith.index_cast %add3A_956 : i32 to index
          %get3A_960 = arith.constant 48 : index
          %get3A_961 = tpu.vector_load %arg8[%get3A_958, %get3A_959, %get3A_960] {strides = array<i32>} : memref<2x80x64xi32, #tpu.memory_space<vmem>>, vector<16xi32>,
          %add3A_962 = arith.constant 8 : i32
          %add3A_963 = arith.addi %mul3A_126, %add3A_962 : i32
          %get3A_964 = arith.constant 0 : i32
          %get3A_965 = arith.index_cast %get3A_964 : i32 to index
          %get3A_966 = arith.index_cast %add3A_963 : i32 to index
          %get3A_967 = arith.constant 48 : index
          %get3A_968 = tpu.vector_load %arg9[%get3A_965, %get3A_966, %get3A_967] {strides = array<i32>} : memref<2x80x64xi32, #tpu.memory_space<vmem>>, vector<16xi32>,
          %shift_left3A_969 = arith.shli %get3A_961, %broadcast_in_dim3A_77 : vector<16xi32>
          %bitcast3A_970 = vector.bitcast %shift_left3A_969 : vector<16xi32> to vector<16xf32>
          %shift_left3A_971 = arith.shli %get3A_968, %broadcast_in_dim3A_77 : vector<16xi32>
          %bitcast3A_972 = vector.bitcast %shift_left3A_971 : vector<16xi32> to vector<16xf32>
          %bitcast3A_973 = vector.bitcast %get3A_961 : vector<16xi32> to vector<16xf32>
          %bitcast3A_974 = vector.bitcast %get3A_968 : vector<16xi32> to vector<16xf32>
          %mul3A_975 = arith.mulf %bitcast3A_970, %bitcast3A_972 : vector<16xf32>
          %mul3A_976 = arith.mulf %bitcast3A_973, %bitcast3A_974 : vector<16xf32>
          %add3A_977 = arith.addf %mul3A_975, %mul3A_976 : vector<16xf32>
          %add3A_978 = arith.addf %add3A_954, %add3A_977 : vector<16xf32>
          %add3A_979 = arith.constant 9 : i32
          %add3A_980 = arith.addi %mul3A_126, %add3A_979 : i32
          %get3A_981 = arith.constant 0 : i32
          %get3A_982 = arith.index_cast %get3A_981 : i32 to index
          %get3A_983 = arith.index_cast %add3A_980 : i32 to index
          %get3A_984 = arith.constant 0 : index
          %get3A_985 = tpu.vector_load %arg8[%get3A_982, %get3A_983, %get3A_984] {strides = array<i32>} : memref<2x80x64xi32, #tpu.memory_space<vmem>>, vector<16xi32>,
          %add3A_986 = arith.constant 9 : i32
          %add3A_987 = arith.addi %mul3A_126, %add3A_986 : i32
          %get3A_988 = arith.constant 0 : i32
          %get3A_989 = arith.index_cast %get3A_988 : i32 to index
          %get3A_990 = arith.index_cast %add3A_987 : i32 to index
          %get3A_991 = arith.constant 0 : index
          %get3A_992 = tpu.vector_load %arg9[%get3A_989, %get3A_990, %get3A_991] {strides = array<i32>} : memref<2x80x64xi32, #tpu.memory_space<vmem>>, vector<16xi32>,
          %shift_left3A_993 = arith.shli %get3A_985, %broadcast_in_dim3A_77 : vector<16xi32>
          %bitcast3A_994 = vector.bitcast %shift_left3A_993 : vector<16xi32> to vector<16xf32>
          %shift_left3A_995 = arith.shli %get3A_992, %broadcast_in_dim3A_77 : vector<16xi32>
          %bitcast3A_996 = vector.bitcast %shift_left3A_995 : vector<16xi32> to vector<16xf32>
          %bitcast3A_997 = vector.bitcast %get3A_985 : vector<16xi32> to vector<16xf32>
          %bitcast3A_998 = vector.bitcast %get3A_992 : vector<16xi32> to vector<16xf32>
          %mul3A_999 = arith.mulf %bitcast3A_994, %bitcast3A_996 : vector<16xf32>
          %mul3A_1000 = arith.mulf %bitcast3A_997, %bitcast3A_998 : vector<16xf32>
          %add3A_1001 = arith.addf %mul3A_999, %mul3A_1000 : vector<16xf32>
          %add3A_1002 = arith.constant 9 : i32
          %add3A_1003 = arith.addi %mul3A_126, %add3A_1002 : i32
          %get3A_1004 = arith.constant 0 : i32
          %get3A_1005 = arith.index_cast %get3A_1004 : i32 to index
          %get3A_1006 = arith.index_cast %add3A_1003 : i32 to index
          %get3A_1007 = arith.constant 16 : index
          %get3A_1008 = tpu.vector_load %arg8[%get3A_1005, %get3A_1006, %get3A_1007] {strides = array<i32>} : memref<2x80x64xi32, #tpu.memory_space<vmem>>, vector<16xi32>,
          %add3A_1009 = arith.constant 9 : i32
          %add3A_1010 = arith.addi %mul3A_126, %add3A_1009 : i32
          %get3A_1011 = arith.constant 0 : i32
          %get3A_1012 = arith.index_cast %get3A_1011 : i32 to index
          %get3A_1013 = arith.index_cast %add3A_1010 : i32 to index
          %get3A_1014 = arith.constant 16 : index
          %get3A_1015 = tpu.vector_load %arg9[%get3A_1012, %get3A_1013, %get3A_1014] {strides = array<i32>} : memref<2x80x64xi32, #tpu.memory_space<vmem>>, vector<16xi32>,
          %shift_left3A_1016 = arith.shli %get3A_1008, %broadcast_in_dim3A_77 : vector<16xi32>
          %bitcast3A_1017 = vector.bitcast %shift_left3A_1016 : vector<16xi32> to vector<16xf32>
          %shift_left3A_1018 = arith.shli %get3A_1015, %broadcast_in_dim3A_77 : vector<16xi32>
          %bitcast3A_1019 = vector.bitcast %shift_left3A_1018 : vector<16xi32> to vector<16xf32>
          %bitcast3A_1020 = vector.bitcast %get3A_1008 : vector<16xi32> to vector<16xf32>
          %bitcast3A_1021 = vector.bitcast %get3A_1015 : vector<16xi32> to vector<16xf32>
          %mul3A_1022 = arith.mulf %bitcast3A_1017, %bitcast3A_1019 : vector<16xf32>
          %mul3A_1023 = arith.mulf %bitcast3A_1020, %bitcast3A_1021 : vector<16xf32>
          %add3A_1024 = arith.addf %mul3A_1022, %mul3A_1023 : vector<16xf32>
          %add3A_1025 = arith.addf %add3A_1001, %add3A_1024 : vector<16xf32>
          %add3A_1026 = arith.constant 9 : i32
          %add3A_1027 = arith.addi %mul3A_126, %add3A_1026 : i32
          %get3A_1028 = arith.constant 0 : i32
          %get3A_1029 = arith.index_cast %get3A_1028 : i32 to index
          %get3A_1030 = arith.index_cast %add3A_1027 : i32 to index
          %get3A_1031 = arith.constant 32 : index
          %get3A_1032 = tpu.vector_load %arg8[%get3A_1029, %get3A_1030, %get3A_1031] {strides = array<i32>} : memref<2x80x64xi32, #tpu.memory_space<vmem>>, vector<16xi32>,
          %add3A_1033 = arith.constant 9 : i32
          %add3A_1034 = arith.addi %mul3A_126, %add3A_1033 : i32
          %get3A_1035 = arith.constant 0 : i32
          %get3A_1036 = arith.index_cast %get3A_1035 : i32 to index
          %get3A_1037 = arith.index_cast %add3A_1034 : i32 to index
          %get3A_1038 = arith.constant 32 : index
          %get3A_1039 = tpu.vector_load %arg9[%get3A_1036, %get3A_1037, %get3A_1038] {strides = array<i32>} : memref<2x80x64xi32, #tpu.memory_space<vmem>>, vector<16xi32>,
          %shift_left3A_1040 = arith.shli %get3A_1032, %broadcast_in_dim3A_77 : vector<16xi32>
          %bitcast3A_1041 = vector.bitcast %shift_left3A_1040 : vector<16xi32> to vector<16xf32>
          %shift_left3A_1042 = arith.shli %get3A_1039, %broadcast_in_dim3A_77 : vector<16xi32>
          %bitcast3A_1043 = vector.bitcast %shift_left3A_1042 : vector<16xi32> to vector<16xf32>
          %bitcast3A_1044 = vector.bitcast %get3A_1032 : vector<16xi32> to vector<16xf32>
          %bitcast3A_1045 = vector.bitcast %get3A_1039 : vector<16xi32> to vector<16xf32>
          %mul3A_1046 = arith.mulf %bitcast3A_1041, %bitcast3A_1043 : vector<16xf32>
          %mul3A_1047 = arith.mulf %bitcast3A_1044, %bitcast3A_1045 : vector<16xf32>
          %add3A_1048 = arith.addf %mul3A_1046, %mul3A_1047 : vector<16xf32>
          %add3A_1049 = arith.addf %add3A_1025, %add3A_1048 : vector<16xf32>
          %add3A_1050 = arith.constant 9 : i32
          %add3A_1051 = arith.addi %mul3A_126, %add3A_1050 : i32
          %get3A_1052 = arith.constant 0 : i32
          %get3A_1053 = arith.index_cast %get3A_1052 : i32 to index
          %get3A_1054 = arith.index_cast %add3A_1051 : i32 to index
          %get3A_1055 = arith.constant 48 : index
          %get3A_1056 = tpu.vector_load %arg8[%get3A_1053, %get3A_1054, %get3A_1055] {strides = array<i32>} : memref<2x80x64xi32, #tpu.memory_space<vmem>>, vector<16xi32>,
          %add3A_1057 = arith.constant 9 : i32
          %add3A_1058 = arith.addi %mul3A_126, %add3A_1057 : i32
          %get3A_1059 = arith.constant 0 : i32
          %get3A_1060 = arith.index_cast %get3A_1059 : i32 to index
          %get3A_1061 = arith.index_cast %add3A_1058 : i32 to index
          %get3A_1062 = arith.constant 48 : index
          %get3A_1063 = tpu.vector_load %arg9[%get3A_1060, %get3A_1061, %get3A_1062] {strides = array<i32>} : memref<2x80x64xi32, #tpu.memory_space<vmem>>, vector<16xi32>,
          %shift_left3A_1064 = arith.shli %get3A_1056, %broadcast_in_dim3A_77 : vector<16xi32>
          %bitcast3A_1065 = vector.bitcast %shift_left3A_1064 : vector<16xi32> to vector<16xf32>
          %shift_left3A_1066 = arith.shli %get3A_1063, %broadcast_in_dim3A_77 : vector<16xi32>
          %bitcast3A_1067 = vector.bitcast %shift_left3A_1066 : vector<16xi32> to vector<16xf32>
          %bitcast3A_1068 = vector.bitcast %get3A_1056 : vector<16xi32> to vector<16xf32>
          %bitcast3A_1069 = vector.bitcast %get3A_1063 : vector<16xi32> to vector<16xf32>
          %mul3A_1070 = arith.mulf %bitcast3A_1065, %bitcast3A_1067 : vector<16xf32>
          %mul3A_1071 = arith.mulf %bitcast3A_1068, %bitcast3A_1069 : vector<16xf32>
          %add3A_1072 = arith.addf %mul3A_1070, %mul3A_1071 : vector<16xf32>
          %add3A_1073 = arith.addf %add3A_1049, %add3A_1072 : vector<16xf32>
          %add3A_1074 = arith.constant 10 : i32
          %add3A_1075 = arith.addi %mul3A_126, %add3A_1074 : i32
          %get3A_1076 = arith.constant 0 : i32
          %get3A_1077 = arith.index_cast %get3A_1076 : i32 to index
          %get3A_1078 = arith.index_cast %add3A_1075 : i32 to index
          %get3A_1079 = arith.constant 0 : index
          %get3A_1080 = tpu.vector_load %arg8[%get3A_1077, %get3A_1078, %get3A_1079] {strides = array<i32>} : memref<2x80x64xi32, #tpu.memory_space<vmem>>, vector<16xi32>,
          %add3A_1081 = arith.constant 10 : i32
          %add3A_1082 = arith.addi %mul3A_126, %add3A_1081 : i32
          %get3A_1083 = arith.constant 0 : i32
          %get3A_1084 = arith.index_cast %get3A_1083 : i32 to index
          %get3A_1085 = arith.index_cast %add3A_1082 : i32 to index
          %get3A_1086 = arith.constant 0 : index
          %get3A_1087 = tpu.vector_load %arg9[%get3A_1084, %get3A_1085, %get3A_1086] {strides = array<i32>} : memref<2x80x64xi32, #tpu.memory_space<vmem>>, vector<16xi32>,
          %shift_left3A_1088 = arith.shli %get3A_1080, %broadcast_in_dim3A_77 : vector<16xi32>
          %bitcast3A_1089 = vector.bitcast %shift_left3A_1088 : vector<16xi32> to vector<16xf32>
          %shift_left3A_1090 = arith.shli %get3A_1087, %broadcast_in_dim3A_77 : vector<16xi32>
          %bitcast3A_1091 = vector.bitcast %shift_left3A_1090 : vector<16xi32> to vector<16xf32>
          %bitcast3A_1092 = vector.bitcast %get3A_1080 : vector<16xi32> to vector<16xf32>
          %bitcast3A_1093 = vector.bitcast %get3A_1087 : vector<16xi32> to vector<16xf32>
          %mul3A_1094 = arith.mulf %bitcast3A_1089, %bitcast3A_1091 : vector<16xf32>
          %mul3A_1095 = arith.mulf %bitcast3A_1092, %bitcast3A_1093 : vector<16xf32>
          %add3A_1096 = arith.addf %mul3A_1094, %mul3A_1095 : vector<16xf32>
          %add3A_1097 = arith.constant 10 : i32
          %add3A_1098 = arith.addi %mul3A_126, %add3A_1097 : i32
          %get3A_1099 = arith.constant 0 : i32
          %get3A_1100 = arith.index_cast %get3A_1099 : i32 to index
          %get3A_1101 = arith.index_cast %add3A_1098 : i32 to index
          %get3A_1102 = arith.constant 16 : index
          %get3A_1103 = tpu.vector_load %arg8[%get3A_1100, %get3A_1101, %get3A_1102] {strides = array<i32>} : memref<2x80x64xi32, #tpu.memory_space<vmem>>, vector<16xi32>,
          %add3A_1104 = arith.constant 10 : i32
          %add3A_1105 = arith.addi %mul3A_126, %add3A_1104 : i32
          %get3A_1106 = arith.constant 0 : i32
          %get3A_1107 = arith.index_cast %get3A_1106 : i32 to index
          %get3A_1108 = arith.index_cast %add3A_1105 : i32 to index
          %get3A_1109 = arith.constant 16 : index
          %get3A_1110 = tpu.vector_load %arg9[%get3A_1107, %get3A_1108, %get3A_1109] {strides = array<i32>} : memref<2x80x64xi32, #tpu.memory_space<vmem>>, vector<16xi32>,
          %shift_left3A_1111 = arith.shli %get3A_1103, %broadcast_in_dim3A_77 : vector<16xi32>
          %bitcast3A_1112 = vector.bitcast %shift_left3A_1111 : vector<16xi32> to vector<16xf32>
          %shift_left3A_1113 = arith.shli %get3A_1110, %broadcast_in_dim3A_77 : vector<16xi32>
          %bitcast3A_1114 = vector.bitcast %shift_left3A_1113 : vector<16xi32> to vector<16xf32>
          %bitcast3A_1115 = vector.bitcast %get3A_1103 : vector<16xi32> to vector<16xf32>
          %bitcast3A_1116 = vector.bitcast %get3A_1110 : vector<16xi32> to vector<16xf32>
          %mul3A_1117 = arith.mulf %bitcast3A_1112, %bitcast3A_1114 : vector<16xf32>
          %mul3A_1118 = arith.mulf %bitcast3A_1115, %bitcast3A_1116 : vector<16xf32>
          %add3A_1119 = arith.addf %mul3A_1117, %mul3A_1118 : vector<16xf32>
          %add3A_1120 = arith.addf %add3A_1096, %add3A_1119 : vector<16xf32>
          %add3A_1121 = arith.constant 10 : i32
          %add3A_1122 = arith.addi %mul3A_126, %add3A_1121 : i32
          %get3A_1123 = arith.constant 0 : i32
          %get3A_1124 = arith.index_cast %get3A_1123 : i32 to index
          %get3A_1125 = arith.index_cast %add3A_1122 : i32 to index
          %get3A_1126 = arith.constant 32 : index
          %get3A_1127 = tpu.vector_load %arg8[%get3A_1124, %get3A_1125, %get3A_1126] {strides = array<i32>} : memref<2x80x64xi32, #tpu.memory_space<vmem>>, vector<16xi32>,
          %add3A_1128 = arith.constant 10 : i32
          %add3A_1129 = arith.addi %mul3A_126, %add3A_1128 : i32
          %get3A_1130 = arith.constant 0 : i32
          %get3A_1131 = arith.index_cast %get3A_1130 : i32 to index
          %get3A_1132 = arith.index_cast %add3A_1129 : i32 to index
          %get3A_1133 = arith.constant 32 : index
          %get3A_1134 = tpu.vector_load %arg9[%get3A_1131, %get3A_1132, %get3A_1133] {strides = array<i32>} : memref<2x80x64xi32, #tpu.memory_space<vmem>>, vector<16xi32>,
          %shift_left3A_1135 = arith.shli %get3A_1127, %broadcast_in_dim3A_77 : vector<16xi32>
          %bitcast3A_1136 = vector.bitcast %shift_left3A_1135 : vector<16xi32> to vector<16xf32>
          %shift_left3A_1137 = arith.shli %get3A_1134, %broadcast_in_dim3A_77 : vector<16xi32>
          %bitcast3A_1138 = vector.bitcast %shift_left3A_1137 : vector<16xi32> to vector<16xf32>
          %bitcast3A_1139 = vector.bitcast %get3A_1127 : vector<16xi32> to vector<16xf32>
          %bitcast3A_1140 = vector.bitcast %get3A_1134 : vector<16xi32> to vector<16xf32>
          %mul3A_1141 = arith.mulf %bitcast3A_1136, %bitcast3A_1138 : vector<16xf32>
          %mul3A_1142 = arith.mulf %bitcast3A_1139, %bitcast3A_1140 : vector<16xf32>
          %add3A_1143 = arith.addf %mul3A_1141, %mul3A_1142 : vector<16xf32>
          %add3A_1144 = arith.addf %add3A_1120, %add3A_1143 : vector<16xf32>
          %add3A_1145 = arith.constant 10 : i32
          %add3A_1146 = arith.addi %mul3A_126, %add3A_1145 : i32
          %get3A_1147 = arith.constant 0 : i32
          %get3A_1148 = arith.index_cast %get3A_1147 : i32 to index
          %get3A_1149 = arith.index_cast %add3A_1146 : i32 to index
          %get3A_1150 = arith.constant 48 : index
          %get3A_1151 = tpu.vector_load %arg8[%get3A_1148, %get3A_1149, %get3A_1150] {strides = array<i32>} : memref<2x80x64xi32, #tpu.memory_space<vmem>>, vector<16xi32>,
          %add3A_1152 = arith.constant 10 : i32
          %add3A_1153 = arith.addi %mul3A_126, %add3A_1152 : i32
          %get3A_1154 = arith.constant 0 : i32
          %get3A_1155 = arith.index_cast %get3A_1154 : i32 to index
          %get3A_1156 = arith.index_cast %add3A_1153 : i32 to index
          %get3A_1157 = arith.constant 48 : index
          %get3A_1158 = tpu.vector_load %arg9[%get3A_1155, %get3A_1156, %get3A_1157] {strides = array<i32>} : memref<2x80x64xi32, #tpu.memory_space<vmem>>, vector<16xi32>,
          %shift_left3A_1159 = arith.shli %get3A_1151, %broadcast_in_dim3A_77 : vector<16xi32>
          %bitcast3A_1160 = vector.bitcast %shift_left3A_1159 : vector<16xi32> to vector<16xf32>
          %shift_left3A_1161 = arith.shli %get3A_1158, %broadcast_in_dim3A_77 : vector<16xi32>
          %bitcast3A_1162 = vector.bitcast %shift_left3A_1161 : vector<16xi32> to vector<16xf32>
          %bitcast3A_1163 = vector.bitcast %get3A_1151 : vector<16xi32> to vector<16xf32>
          %bitcast3A_1164 = vector.bitcast %get3A_1158 : vector<16xi32> to vector<16xf32>
          %mul3A_1165 = arith.mulf %bitcast3A_1160, %bitcast3A_1162 : vector<16xf32>
          %mul3A_1166 = arith.mulf %bitcast3A_1163, %bitcast3A_1164 : vector<16xf32>
          %add3A_1167 = arith.addf %mul3A_1165, %mul3A_1166 : vector<16xf32>
          %add3A_1168 = arith.addf %add3A_1144, %add3A_1167 : vector<16xf32>
          %add3A_1169 = arith.constant 11 : i32
          %add3A_1170 = arith.addi %mul3A_126, %add3A_1169 : i32
          %get3A_1171 = arith.constant 0 : i32
          %get3A_1172 = arith.index_cast %get3A_1171 : i32 to index
          %get3A_1173 = arith.index_cast %add3A_1170 : i32 to index
          %get3A_1174 = arith.constant 0 : index
          %get3A_1175 = tpu.vector_load %arg8[%get3A_1172, %get3A_1173, %get3A_1174] {strides = array<i32>} : memref<2x80x64xi32, #tpu.memory_space<vmem>>, vector<16xi32>,
          %add3A_1176 = arith.constant 11 : i32
          %add3A_1177 = arith.addi %mul3A_126, %add3A_1176 : i32
          %get3A_1178 = arith.constant 0 : i32
          %get3A_1179 = arith.index_cast %get3A_1178 : i32 to index
          %get3A_1180 = arith.index_cast %add3A_1177 : i32 to index
          %get3A_1181 = arith.constant 0 : index
          %get3A_1182 = tpu.vector_load %arg9[%get3A_1179, %get3A_1180, %get3A_1181] {strides = array<i32>} : memref<2x80x64xi32, #tpu.memory_space<vmem>>, vector<16xi32>,
          %shift_left3A_1183 = arith.shli %get3A_1175, %broadcast_in_dim3A_77 : vector<16xi32>
          %bitcast3A_1184 = vector.bitcast %shift_left3A_1183 : vector<16xi32> to vector<16xf32>
          %shift_left3A_1185 = arith.shli %get3A_1182, %broadcast_in_dim3A_77 : vector<16xi32>
          %bitcast3A_1186 = vector.bitcast %shift_left3A_1185 : vector<16xi32> to vector<16xf32>
          %bitcast3A_1187 = vector.bitcast %get3A_1175 : vector<16xi32> to vector<16xf32>
          %bitcast3A_1188 = vector.bitcast %get3A_1182 : vector<16xi32> to vector<16xf32>
          %mul3A_1189 = arith.mulf %bitcast3A_1184, %bitcast3A_1186 : vector<16xf32>
          %mul3A_1190 = arith.mulf %bitcast3A_1187, %bitcast3A_1188 : vector<16xf32>
          %add3A_1191 = arith.addf %mul3A_1189, %mul3A_1190 : vector<16xf32>
          %add3A_1192 = arith.constant 11 : i32
          %add3A_1193 = arith.addi %mul3A_126, %add3A_1192 : i32
          %get3A_1194 = arith.constant 0 : i32
          %get3A_1195 = arith.index_cast %get3A_1194 : i32 to index
          %get3A_1196 = arith.index_cast %add3A_1193 : i32 to index
          %get3A_1197 = arith.constant 16 : index
          %get3A_1198 = tpu.vector_load %arg8[%get3A_1195, %get3A_1196, %get3A_1197] {strides = array<i32>} : memref<2x80x64xi32, #tpu.memory_space<vmem>>, vector<16xi32>,
          %add3A_1199 = arith.constant 11 : i32
          %add3A_1200 = arith.addi %mul3A_126, %add3A_1199 : i32
          %get3A_1201 = arith.constant 0 : i32
          %get3A_1202 = arith.index_cast %get3A_1201 : i32 to index
          %get3A_1203 = arith.index_cast %add3A_1200 : i32 to index
          %get3A_1204 = arith.constant 16 : index
          %get3A_1205 = tpu.vector_load %arg9[%get3A_1202, %get3A_1203, %get3A_1204] {strides = array<i32>} : memref<2x80x64xi32, #tpu.memory_space<vmem>>, vector<16xi32>,
          %shift_left3A_1206 = arith.shli %get3A_1198, %broadcast_in_dim3A_77 : vector<16xi32>
          %bitcast3A_1207 = vector.bitcast %shift_left3A_1206 : vector<16xi32> to vector<16xf32>
          %shift_left3A_1208 = arith.shli %get3A_1205, %broadcast_in_dim3A_77 : vector<16xi32>
          %bitcast3A_1209 = vector.bitcast %shift_left3A_1208 : vector<16xi32> to vector<16xf32>
          %bitcast3A_1210 = vector.bitcast %get3A_1198 : vector<16xi32> to vector<16xf32>
          %bitcast3A_1211 = vector.bitcast %get3A_1205 : vector<16xi32> to vector<16xf32>
          %mul3A_1212 = arith.mulf %bitcast3A_1207, %bitcast3A_1209 : vector<16xf32>
          %mul3A_1213 = arith.mulf %bitcast3A_1210, %bitcast3A_1211 : vector<16xf32>
          %add3A_1214 = arith.addf %mul3A_1212, %mul3A_1213 : vector<16xf32>
          %add3A_1215 = arith.addf %add3A_1191, %add3A_1214 : vector<16xf32>
          %add3A_1216 = arith.constant 11 : i32
          %add3A_1217 = arith.addi %mul3A_126, %add3A_1216 : i32
          %get3A_1218 = arith.constant 0 : i32
          %get3A_1219 = arith.index_cast %get3A_1218 : i32 to index
          %get3A_1220 = arith.index_cast %add3A_1217 : i32 to index
          %get3A_1221 = arith.constant 32 : index
          %get3A_1222 = tpu.vector_load %arg8[%get3A_1219, %get3A_1220, %get3A_1221] {strides = array<i32>} : memref<2x80x64xi32, #tpu.memory_space<vmem>>, vector<16xi32>,
          %add3A_1223 = arith.constant 11 : i32
          %add3A_1224 = arith.addi %mul3A_126, %add3A_1223 : i32
          %get3A_1225 = arith.constant 0 : i32
          %get3A_1226 = arith.index_cast %get3A_1225 : i32 to index
          %get3A_1227 = arith.index_cast %add3A_1224 : i32 to index
          %get3A_1228 = arith.constant 32 : index
          %get3A_1229 = tpu.vector_load %arg9[%get3A_1226, %get3A_1227, %get3A_1228] {strides = array<i32>} : memref<2x80x64xi32, #tpu.memory_space<vmem>>, vector<16xi32>,
          %shift_left3A_1230 = arith.shli %get3A_1222, %broadcast_in_dim3A_77 : vector<16xi32>
          %bitcast3A_1231 = vector.bitcast %shift_left3A_1230 : vector<16xi32> to vector<16xf32>
          %shift_left3A_1232 = arith.shli %get3A_1229, %broadcast_in_dim3A_77 : vector<16xi32>
          %bitcast3A_1233 = vector.bitcast %shift_left3A_1232 : vector<16xi32> to vector<16xf32>
          %bitcast3A_1234 = vector.bitcast %get3A_1222 : vector<16xi32> to vector<16xf32>
          %bitcast3A_1235 = vector.bitcast %get3A_1229 : vector<16xi32> to vector<16xf32>
          %mul3A_1236 = arith.mulf %bitcast3A_1231, %bitcast3A_1233 : vector<16xf32>
          %mul3A_1237 = arith.mulf %bitcast3A_1234, %bitcast3A_1235 : vector<16xf32>
          %add3A_1238 = arith.addf %mul3A_1236, %mul3A_1237 : vector<16xf32>
          %add3A_1239 = arith.addf %add3A_1215, %add3A_1238 : vector<16xf32>
          %add3A_1240 = arith.constant 11 : i32
          %add3A_1241 = arith.addi %mul3A_126, %add3A_1240 : i32
          %get3A_1242 = arith.constant 0 : i32
          %get3A_1243 = arith.index_cast %get3A_1242 : i32 to index
          %get3A_1244 = arith.index_cast %add3A_1241 : i32 to index
          %get3A_1245 = arith.constant 48 : index
          %get3A_1246 = tpu.vector_load %arg8[%get3A_1243, %get3A_1244, %get3A_1245] {strides = array<i32>} : memref<2x80x64xi32, #tpu.memory_space<vmem>>, vector<16xi32>,
          %add3A_1247 = arith.constant 11 : i32
          %add3A_1248 = arith.addi %mul3A_126, %add3A_1247 : i32
          %get3A_1249 = arith.constant 0 : i32
          %get3A_1250 = arith.index_cast %get3A_1249 : i32 to index
          %get3A_1251 = arith.index_cast %add3A_1248 : i32 to index
          %get3A_1252 = arith.constant 48 : index
          %get3A_1253 = tpu.vector_load %arg9[%get3A_1250, %get3A_1251, %get3A_1252] {strides = array<i32>} : memref<2x80x64xi32, #tpu.memory_space<vmem>>, vector<16xi32>,
          %shift_left3A_1254 = arith.shli %get3A_1246, %broadcast_in_dim3A_77 : vector<16xi32>
          %bitcast3A_1255 = vector.bitcast %shift_left3A_1254 : vector<16xi32> to vector<16xf32>
          %shift_left3A_1256 = arith.shli %get3A_1253, %broadcast_in_dim3A_77 : vector<16xi32>
          %bitcast3A_1257 = vector.bitcast %shift_left3A_1256 : vector<16xi32> to vector<16xf32>
          %bitcast3A_1258 = vector.bitcast %get3A_1246 : vector<16xi32> to vector<16xf32>
          %bitcast3A_1259 = vector.bitcast %get3A_1253 : vector<16xi32> to vector<16xf32>
          %mul3A_1260 = arith.mulf %bitcast3A_1255, %bitcast3A_1257 : vector<16xf32>
          %mul3A_1261 = arith.mulf %bitcast3A_1258, %bitcast3A_1259 : vector<16xf32>
          %add3A_1262 = arith.addf %mul3A_1260, %mul3A_1261 : vector<16xf32>
          %add3A_1263 = arith.addf %add3A_1239, %add3A_1262 : vector<16xf32>
          %add3A_1264 = arith.constant 12 : i32
          %add3A_1265 = arith.addi %mul3A_126, %add3A_1264 : i32
          %get3A_1266 = arith.constant 0 : i32
          %get3A_1267 = arith.index_cast %get3A_1266 : i32 to index
          %get3A_1268 = arith.index_cast %add3A_1265 : i32 to index
          %get3A_1269 = arith.constant 0 : index
          %get3A_1270 = tpu.vector_load %arg8[%get3A_1267, %get3A_1268, %get3A_1269] {strides = array<i32>} : memref<2x80x64xi32, #tpu.memory_space<vmem>>, vector<16xi32>,
          %add3A_1271 = arith.constant 12 : i32
          %add3A_1272 = arith.addi %mul3A_126, %add3A_1271 : i32
          %get3A_1273 = arith.constant 0 : i32
          %get3A_1274 = arith.index_cast %get3A_1273 : i32 to index
          %get3A_1275 = arith.index_cast %add3A_1272 : i32 to index
          %get3A_1276 = arith.constant 0 : index
          %get3A_1277 = tpu.vector_load %arg9[%get3A_1274, %get3A_1275, %get3A_1276] {strides = array<i32>} : memref<2x80x64xi32, #tpu.memory_space<vmem>>, vector<16xi32>,
          %shift_left3A_1278 = arith.shli %get3A_1270, %broadcast_in_dim3A_77 : vector<16xi32>
          %bitcast3A_1279 = vector.bitcast %shift_left3A_1278 : vector<16xi32> to vector<16xf32>
          %shift_left3A_1280 = arith.shli %get3A_1277, %broadcast_in_dim3A_77 : vector<16xi32>
          %bitcast3A_1281 = vector.bitcast %shift_left3A_1280 : vector<16xi32> to vector<16xf32>
          %bitcast3A_1282 = vector.bitcast %get3A_1270 : vector<16xi32> to vector<16xf32>
          %bitcast3A_1283 = vector.bitcast %get3A_1277 : vector<16xi32> to vector<16xf32>
          %mul3A_1284 = arith.mulf %bitcast3A_1279, %bitcast3A_1281 : vector<16xf32>
          %mul3A_1285 = arith.mulf %bitcast3A_1282, %bitcast3A_1283 : vector<16xf32>
          %add3A_1286 = arith.addf %mul3A_1284, %mul3A_1285 : vector<16xf32>
          %add3A_1287 = arith.constant 12 : i32
          %add3A_1288 = arith.addi %mul3A_126, %add3A_1287 : i32
          %get3A_1289 = arith.constant 0 : i32
          %get3A_1290 = arith.index_cast %get3A_1289 : i32 to index
          %get3A_1291 = arith.index_cast %add3A_1288 : i32 to index
          %get3A_1292 = arith.constant 16 : index
          %get3A_1293 = tpu.vector_load %arg8[%get3A_1290, %get3A_1291, %get3A_1292] {strides = array<i32>} : memref<2x80x64xi32, #tpu.memory_space<vmem>>, vector<16xi32>,
          %add3A_1294 = arith.constant 12 : i32
          %add3A_1295 = arith.addi %mul3A_126, %add3A_1294 : i32
          %get3A_1296 = arith.constant 0 : i32
          %get3A_1297 = arith.index_cast %get3A_1296 : i32 to index
          %get3A_1298 = arith.index_cast %add3A_1295 : i32 to index
          %get3A_1299 = arith.constant 16 : index
          %get3A_1300 = tpu.vector_load %arg9[%get3A_1297, %get3A_1298, %get3A_1299] {strides = array<i32>} : memref<2x80x64xi32, #tpu.memory_space<vmem>>, vector<16xi32>,
          %shift_left3A_1301 = arith.shli %get3A_1293, %broadcast_in_dim3A_77 : vector<16xi32>
          %bitcast3A_1302 = vector.bitcast %shift_left3A_1301 : vector<16xi32> to vector<16xf32>
          %shift_left3A_1303 = arith.shli %get3A_1300, %broadcast_in_dim3A_77 : vector<16xi32>
          %bitcast3A_1304 = vector.bitcast %shift_left3A_1303 : vector<16xi32> to vector<16xf32>
          %bitcast3A_1305 = vector.bitcast %get3A_1293 : vector<16xi32> to vector<16xf32>
          %bitcast3A_1306 = vector.bitcast %get3A_1300 : vector<16xi32> to vector<16xf32>
          %mul3A_1307 = arith.mulf %bitcast3A_1302, %bitcast3A_1304 : vector<16xf32>
          %mul3A_1308 = arith.mulf %bitcast3A_1305, %bitcast3A_1306 : vector<16xf32>
          %add3A_1309 = arith.addf %mul3A_1307, %mul3A_1308 : vector<16xf32>
          %add3A_1310 = arith.addf %add3A_1286, %add3A_1309 : vector<16xf32>
          %add3A_1311 = arith.constant 12 : i32
          %add3A_1312 = arith.addi %mul3A_126, %add3A_1311 : i32
          %get3A_1313 = arith.constant 0 : i32
          %get3A_1314 = arith.index_cast %get3A_1313 : i32 to index
          %get3A_1315 = arith.index_cast %add3A_1312 : i32 to index
          %get3A_1316 = arith.constant 32 : index
          %get3A_1317 = tpu.vector_load %arg8[%get3A_1314, %get3A_1315, %get3A_1316] {strides = array<i32>} : memref<2x80x64xi32, #tpu.memory_space<vmem>>, vector<16xi32>,
          %add3A_1318 = arith.constant 12 : i32
          %add3A_1319 = arith.addi %mul3A_126, %add3A_1318 : i32
          %get3A_1320 = arith.constant 0 : i32
          %get3A_1321 = arith.index_cast %get3A_1320 : i32 to index
          %get3A_1322 = arith.index_cast %add3A_1319 : i32 to index
          %get3A_1323 = arith.constant 32 : index
          %get3A_1324 = tpu.vector_load %arg9[%get3A_1321, %get3A_1322, %get3A_1323] {strides = array<i32>} : memref<2x80x64xi32, #tpu.memory_space<vmem>>, vector<16xi32>,
          %shift_left3A_1325 = arith.shli %get3A_1317, %broadcast_in_dim3A_77 : vector<16xi32>
          %bitcast3A_1326 = vector.bitcast %shift_left3A_1325 : vector<16xi32> to vector<16xf32>
          %shift_left3A_1327 = arith.shli %get3A_1324, %broadcast_in_dim3A_77 : vector<16xi32>
          %bitcast3A_1328 = vector.bitcast %shift_left3A_1327 : vector<16xi32> to vector<16xf32>
          %bitcast3A_1329 = vector.bitcast %get3A_1317 : vector<16xi32> to vector<16xf32>
          %bitcast3A_1330 = vector.bitcast %get3A_1324 : vector<16xi32> to vector<16xf32>
          %mul3A_1331 = arith.mulf %bitcast3A_1326, %bitcast3A_1328 : vector<16xf32>
          %mul3A_1332 = arith.mulf %bitcast3A_1329, %bitcast3A_1330 : vector<16xf32>
          %add3A_1333 = arith.addf %mul3A_1331, %mul3A_1332 : vector<16xf32>
          %add3A_1334 = arith.addf %add3A_1310, %add3A_1333 : vector<16xf32>
          %add3A_1335 = arith.constant 12 : i32
          %add3A_1336 = arith.addi %mul3A_126, %add3A_1335 : i32
          %get3A_1337 = arith.constant 0 : i32
          %get3A_1338 = arith.index_cast %get3A_1337 : i32 to index
          %get3A_1339 = arith.index_cast %add3A_1336 : i32 to index
          %get3A_1340 = arith.constant 48 : index
          %get3A_1341 = tpu.vector_load %arg8[%get3A_1338, %get3A_1339, %get3A_1340] {strides = array<i32>} : memref<2x80x64xi32, #tpu.memory_space<vmem>>, vector<16xi32>,
          %add3A_1342 = arith.constant 12 : i32
          %add3A_1343 = arith.addi %mul3A_126, %add3A_1342 : i32
          %get3A_1344 = arith.constant 0 : i32
          %get3A_1345 = arith.index_cast %get3A_1344 : i32 to index
          %get3A_1346 = arith.index_cast %add3A_1343 : i32 to index
          %get3A_1347 = arith.constant 48 : index
          %get3A_1348 = tpu.vector_load %arg9[%get3A_1345, %get3A_1346, %get3A_1347] {strides = array<i32>} : memref<2x80x64xi32, #tpu.memory_space<vmem>>, vector<16xi32>,
          %shift_left3A_1349 = arith.shli %get3A_1341, %broadcast_in_dim3A_77 : vector<16xi32>
          %bitcast3A_1350 = vector.bitcast %shift_left3A_1349 : vector<16xi32> to vector<16xf32>
          %shift_left3A_1351 = arith.shli %get3A_1348, %broadcast_in_dim3A_77 : vector<16xi32>
          %bitcast3A_1352 = vector.bitcast %shift_left3A_1351 : vector<16xi32> to vector<16xf32>
          %bitcast3A_1353 = vector.bitcast %get3A_1341 : vector<16xi32> to vector<16xf32>
          %bitcast3A_1354 = vector.bitcast %get3A_1348 : vector<16xi32> to vector<16xf32>
          %mul3A_1355 = arith.mulf %bitcast3A_1350, %bitcast3A_1352 : vector<16xf32>
          %mul3A_1356 = arith.mulf %bitcast3A_1353, %bitcast3A_1354 : vector<16xf32>
          %add3A_1357 = arith.addf %mul3A_1355, %mul3A_1356 : vector<16xf32>
          %add3A_1358 = arith.addf %add3A_1334, %add3A_1357 : vector<16xf32>
          %add3A_1359 = arith.constant 13 : i32
          %add3A_1360 = arith.addi %mul3A_126, %add3A_1359 : i32
          %get3A_1361 = arith.constant 0 : i32
          %get3A_1362 = arith.index_cast %get3A_1361 : i32 to index
          %get3A_1363 = arith.index_cast %add3A_1360 : i32 to index
          %get3A_1364 = arith.constant 0 : index
          %get3A_1365 = tpu.vector_load %arg8[%get3A_1362, %get3A_1363, %get3A_1364] {strides = array<i32>} : memref<2x80x64xi32, #tpu.memory_space<vmem>>, vector<16xi32>,
          %add3A_1366 = arith.constant 13 : i32
          %add3A_1367 = arith.addi %mul3A_126, %add3A_1366 : i32
          %get3A_1368 = arith.constant 0 : i32
          %get3A_1369 = arith.index_cast %get3A_1368 : i32 to index
          %get3A_1370 = arith.index_cast %add3A_1367 : i32 to index
          %get3A_1371 = arith.constant 0 : index
          %get3A_1372 = tpu.vector_load %arg9[%get3A_1369, %get3A_1370, %get3A_1371] {strides = array<i32>} : memref<2x80x64xi32, #tpu.memory_space<vmem>>, vector<16xi32>,
          %shift_left3A_1373 = arith.shli %get3A_1365, %broadcast_in_dim3A_77 : vector<16xi32>
          %bitcast3A_1374 = vector.bitcast %shift_left3A_1373 : vector<16xi32> to vector<16xf32>
          %shift_left3A_1375 = arith.shli %get3A_1372, %broadcast_in_dim3A_77 : vector<16xi32>
          %bitcast3A_1376 = vector.bitcast %shift_left3A_1375 : vector<16xi32> to vector<16xf32>
          %bitcast3A_1377 = vector.bitcast %get3A_1365 : vector<16xi32> to vector<16xf32>
          %bitcast3A_1378 = vector.bitcast %get3A_1372 : vector<16xi32> to vector<16xf32>
          %mul3A_1379 = arith.mulf %bitcast3A_1374, %bitcast3A_1376 : vector<16xf32>
          %mul3A_1380 = arith.mulf %bitcast3A_1377, %bitcast3A_1378 : vector<16xf32>
          %add3A_1381 = arith.addf %mul3A_1379, %mul3A_1380 : vector<16xf32>
          %add3A_1382 = arith.constant 13 : i32
          %add3A_1383 = arith.addi %mul3A_126, %add3A_1382 : i32
          %get3A_1384 = arith.constant 0 : i32
          %get3A_1385 = arith.index_cast %get3A_1384 : i32 to index
          %get3A_1386 = arith.index_cast %add3A_1383 : i32 to index
          %get3A_1387 = arith.constant 16 : index
          %get3A_1388 = tpu.vector_load %arg8[%get3A_1385, %get3A_1386, %get3A_1387] {strides = array<i32>} : memref<2x80x64xi32, #tpu.memory_space<vmem>>, vector<16xi32>,
          %add3A_1389 = arith.constant 13 : i32
          %add3A_1390 = arith.addi %mul3A_126, %add3A_1389 : i32
          %get3A_1391 = arith.constant 0 : i32
          %get3A_1392 = arith.index_cast %get3A_1391 : i32 to index
          %get3A_1393 = arith.index_cast %add3A_1390 : i32 to index
          %get3A_1394 = arith.constant 16 : index
          %get3A_1395 = tpu.vector_load %arg9[%get3A_1392, %get3A_1393, %get3A_1394] {strides = array<i32>} : memref<2x80x64xi32, #tpu.memory_space<vmem>>, vector<16xi32>,
          %shift_left3A_1396 = arith.shli %get3A_1388, %broadcast_in_dim3A_77 : vector<16xi32>
          %bitcast3A_1397 = vector.bitcast %shift_left3A_1396 : vector<16xi32> to vector<16xf32>
          %shift_left3A_1398 = arith.shli %get3A_1395, %broadcast_in_dim3A_77 : vector<16xi32>
          %bitcast3A_1399 = vector.bitcast %shift_left3A_1398 : vector<16xi32> to vector<16xf32>
          %bitcast3A_1400 = vector.bitcast %get3A_1388 : vector<16xi32> to vector<16xf32>
          %bitcast3A_1401 = vector.bitcast %get3A_1395 : vector<16xi32> to vector<16xf32>
          %mul3A_1402 = arith.mulf %bitcast3A_1397, %bitcast3A_1399 : vector<16xf32>
          %mul3A_1403 = arith.mulf %bitcast3A_1400, %bitcast3A_1401 : vector<16xf32>
          %add3A_1404 = arith.addf %mul3A_1402, %mul3A_1403 : vector<16xf32>
          %add3A_1405 = arith.addf %add3A_1381, %add3A_1404 : vector<16xf32>
          %add3A_1406 = arith.constant 13 : i32
          %add3A_1407 = arith.addi %mul3A_126, %add3A_1406 : i32
          %get3A_1408 = arith.constant 0 : i32
          %get3A_1409 = arith.index_cast %get3A_1408 : i32 to index
          %get3A_1410 = arith.index_cast %add3A_1407 : i32 to index
          %get3A_1411 = arith.constant 32 : index
          %get3A_1412 = tpu.vector_load %arg8[%get3A_1409, %get3A_1410, %get3A_1411] {strides = array<i32>} : memref<2x80x64xi32, #tpu.memory_space<vmem>>, vector<16xi32>,
          %add3A_1413 = arith.constant 13 : i32
          %add3A_1414 = arith.addi %mul3A_126, %add3A_1413 : i32
          %get3A_1415 = arith.constant 0 : i32
          %get3A_1416 = arith.index_cast %get3A_1415 : i32 to index
          %get3A_1417 = arith.index_cast %add3A_1414 : i32 to index
          %get3A_1418 = arith.constant 32 : index
          %get3A_1419 = tpu.vector_load %arg9[%get3A_1416, %get3A_1417, %get3A_1418] {strides = array<i32>} : memref<2x80x64xi32, #tpu.memory_space<vmem>>, vector<16xi32>,
          %shift_left3A_1420 = arith.shli %get3A_1412, %broadcast_in_dim3A_77 : vector<16xi32>
          %bitcast3A_1421 = vector.bitcast %shift_left3A_1420 : vector<16xi32> to vector<16xf32>
          %shift_left3A_1422 = arith.shli %get3A_1419, %broadcast_in_dim3A_77 : vector<16xi32>
          %bitcast3A_1423 = vector.bitcast %shift_left3A_1422 : vector<16xi32> to vector<16xf32>
          %bitcast3A_1424 = vector.bitcast %get3A_1412 : vector<16xi32> to vector<16xf32>
          %bitcast3A_1425 = vector.bitcast %get3A_1419 : vector<16xi32> to vector<16xf32>
          %mul3A_1426 = arith.mulf %bitcast3A_1421, %bitcast3A_1423 : vector<16xf32>
          %mul3A_1427 = arith.mulf %bitcast3A_1424, %bitcast3A_1425 : vector<16xf32>
          %add3A_1428 = arith.addf %mul3A_1426, %mul3A_1427 : vector<16xf32>
          %add3A_1429 = arith.addf %add3A_1405, %add3A_1428 : vector<16xf32>
          %add3A_1430 = arith.constant 13 : i32
          %add3A_1431 = arith.addi %mul3A_126, %add3A_1430 : i32
          %get3A_1432 = arith.constant 0 : i32
          %get3A_1433 = arith.index_cast %get3A_1432 : i32 to index
          %get3A_1434 = arith.index_cast %add3A_1431 : i32 to index
          %get3A_1435 = arith.constant 48 : index
          %get3A_1436 = tpu.vector_load %arg8[%get3A_1433, %get3A_1434, %get3A_1435] {strides = array<i32>} : memref<2x80x64xi32, #tpu.memory_space<vmem>>, vector<16xi32>,
          %add3A_1437 = arith.constant 13 : i32
          %add3A_1438 = arith.addi %mul3A_126, %add3A_1437 : i32
          %get3A_1439 = arith.constant 0 : i32
          %get3A_1440 = arith.index_cast %get3A_1439 : i32 to index
          %get3A_1441 = arith.index_cast %add3A_1438 : i32 to index
          %get3A_1442 = arith.constant 48 : index
          %get3A_1443 = tpu.vector_load %arg9[%get3A_1440, %get3A_1441, %get3A_1442] {strides = array<i32>} : memref<2x80x64xi32, #tpu.memory_space<vmem>>, vector<16xi32>,
          %shift_left3A_1444 = arith.shli %get3A_1436, %broadcast_in_dim3A_77 : vector<16xi32>
          %bitcast3A_1445 = vector.bitcast %shift_left3A_1444 : vector<16xi32> to vector<16xf32>
          %shift_left3A_1446 = arith.shli %get3A_1443, %broadcast_in_dim3A_77 : vector<16xi32>
          %bitcast3A_1447 = vector.bitcast %shift_left3A_1446 : vector<16xi32> to vector<16xf32>
          %bitcast3A_1448 = vector.bitcast %get3A_1436 : vector<16xi32> to vector<16xf32>
          %bitcast3A_1449 = vector.bitcast %get3A_1443 : vector<16xi32> to vector<16xf32>
          %mul3A_1450 = arith.mulf %bitcast3A_1445, %bitcast3A_1447 : vector<16xf32>
          %mul3A_1451 = arith.mulf %bitcast3A_1448, %bitcast3A_1449 : vector<16xf32>
          %add3A_1452 = arith.addf %mul3A_1450, %mul3A_1451 : vector<16xf32>
          %add3A_1453 = arith.addf %add3A_1429, %add3A_1452 : vector<16xf32>
          %add3A_1454 = arith.constant 14 : i32
          %add3A_1455 = arith.addi %mul3A_126, %add3A_1454 : i32
          %get3A_1456 = arith.constant 0 : i32
          %get3A_1457 = arith.index_cast %get3A_1456 : i32 to index
          %get3A_1458 = arith.index_cast %add3A_1455 : i32 to index
          %get3A_1459 = arith.constant 0 : index
          %get3A_1460 = tpu.vector_load %arg8[%get3A_1457, %get3A_1458, %get3A_1459] {strides = array<i32>} : memref<2x80x64xi32, #tpu.memory_space<vmem>>, vector<16xi32>,
          %add3A_1461 = arith.constant 14 : i32
          %add3A_1462 = arith.addi %mul3A_126, %add3A_1461 : i32
          %get3A_1463 = arith.constant 0 : i32
          %get3A_1464 = arith.index_cast %get3A_1463 : i32 to index
          %get3A_1465 = arith.index_cast %add3A_1462 : i32 to index
          %get3A_1466 = arith.constant 0 : index
          %get3A_1467 = tpu.vector_load %arg9[%get3A_1464, %get3A_1465, %get3A_1466] {strides = array<i32>} : memref<2x80x64xi32, #tpu.memory_space<vmem>>, vector<16xi32>,
          %shift_left3A_1468 = arith.shli %get3A_1460, %broadcast_in_dim3A_77 : vector<16xi32>
          %bitcast3A_1469 = vector.bitcast %shift_left3A_1468 : vector<16xi32> to vector<16xf32>
          %shift_left3A_1470 = arith.shli %get3A_1467, %broadcast_in_dim3A_77 : vector<16xi32>
          %bitcast3A_1471 = vector.bitcast %shift_left3A_1470 : vector<16xi32> to vector<16xf32>
          %bitcast3A_1472 = vector.bitcast %get3A_1460 : vector<16xi32> to vector<16xf32>
          %bitcast3A_1473 = vector.bitcast %get3A_1467 : vector<16xi32> to vector<16xf32>
          %mul3A_1474 = arith.mulf %bitcast3A_1469, %bitcast3A_1471 : vector<16xf32>
          %mul3A_1475 = arith.mulf %bitcast3A_1472, %bitcast3A_1473 : vector<16xf32>
          %add3A_1476 = arith.addf %mul3A_1474, %mul3A_1475 : vector<16xf32>
          %add3A_1477 = arith.constant 14 : i32
          %add3A_1478 = arith.addi %mul3A_126, %add3A_1477 : i32
          %get3A_1479 = arith.constant 0 : i32
          %get3A_1480 = arith.index_cast %get3A_1479 : i32 to index
          %get3A_1481 = arith.index_cast %add3A_1478 : i32 to index
          %get3A_1482 = arith.constant 16 : index
          %get3A_1483 = tpu.vector_load %arg8[%get3A_1480, %get3A_1481, %get3A_1482] {strides = array<i32>} : memref<2x80x64xi32, #tpu.memory_space<vmem>>, vector<16xi32>,
          %add3A_1484 = arith.constant 14 : i32
          %add3A_1485 = arith.addi %mul3A_126, %add3A_1484 : i32
          %get3A_1486 = arith.constant 0 : i32
          %get3A_1487 = arith.index_cast %get3A_1486 : i32 to index
          %get3A_1488 = arith.index_cast %add3A_1485 : i32 to index
          %get3A_1489 = arith.constant 16 : index
          %get3A_1490 = tpu.vector_load %arg9[%get3A_1487, %get3A_1488, %get3A_1489] {strides = array<i32>} : memref<2x80x64xi32, #tpu.memory_space<vmem>>, vector<16xi32>,
          %shift_left3A_1491 = arith.shli %get3A_1483, %broadcast_in_dim3A_77 : vector<16xi32>
          %bitcast3A_1492 = vector.bitcast %shift_left3A_1491 : vector<16xi32> to vector<16xf32>
          %shift_left3A_1493 = arith.shli %get3A_1490, %broadcast_in_dim3A_77 : vector<16xi32>
          %bitcast3A_1494 = vector.bitcast %shift_left3A_1493 : vector<16xi32> to vector<16xf32>
          %bitcast3A_1495 = vector.bitcast %get3A_1483 : vector<16xi32> to vector<16xf32>
          %bitcast3A_1496 = vector.bitcast %get3A_1490 : vector<16xi32> to vector<16xf32>
          %mul3A_1497 = arith.mulf %bitcast3A_1492, %bitcast3A_1494 : vector<16xf32>
          %mul3A_1498 = arith.mulf %bitcast3A_1495, %bitcast3A_1496 : vector<16xf32>
          %add3A_1499 = arith.addf %mul3A_1497, %mul3A_1498 : vector<16xf32>
          %add3A_1500 = arith.addf %add3A_1476, %add3A_1499 : vector<16xf32>
          %add3A_1501 = arith.constant 14 : i32
          %add3A_1502 = arith.addi %mul3A_126, %add3A_1501 : i32
          %get3A_1503 = arith.constant 0 : i32
          %get3A_1504 = arith.index_cast %get3A_1503 : i32 to index
          %get3A_1505 = arith.index_cast %add3A_1502 : i32 to index
          %get3A_1506 = arith.constant 32 : index
          %get3A_1507 = tpu.vector_load %arg8[%get3A_1504, %get3A_1505, %get3A_1506] {strides = array<i32>} : memref<2x80x64xi32, #tpu.memory_space<vmem>>, vector<16xi32>,
          %add3A_1508 = arith.constant 14 : i32
          %add3A_1509 = arith.addi %mul3A_126, %add3A_1508 : i32
          %get3A_1510 = arith.constant 0 : i32
          %get3A_1511 = arith.index_cast %get3A_1510 : i32 to index
          %get3A_1512 = arith.index_cast %add3A_1509 : i32 to index
          %get3A_1513 = arith.constant 32 : index
          %get3A_1514 = tpu.vector_load %arg9[%get3A_1511, %get3A_1512, %get3A_1513] {strides = array<i32>} : memref<2x80x64xi32, #tpu.memory_space<vmem>>, vector<16xi32>,
          %shift_left3A_1515 = arith.shli %get3A_1507, %broadcast_in_dim3A_77 : vector<16xi32>
          %bitcast3A_1516 = vector.bitcast %shift_left3A_1515 : vector<16xi32> to vector<16xf32>
          %shift_left3A_1517 = arith.shli %get3A_1514, %broadcast_in_dim3A_77 : vector<16xi32>
          %bitcast3A_1518 = vector.bitcast %shift_left3A_1517 : vector<16xi32> to vector<16xf32>
          %bitcast3A_1519 = vector.bitcast %get3A_1507 : vector<16xi32> to vector<16xf32>
          %bitcast3A_1520 = vector.bitcast %get3A_1514 : vector<16xi32> to vector<16xf32>
          %mul3A_1521 = arith.mulf %bitcast3A_1516, %bitcast3A_1518 : vector<16xf32>
          %mul3A_1522 = arith.mulf %bitcast3A_1519, %bitcast3A_1520 : vector<16xf32>
          %add3A_1523 = arith.addf %mul3A_1521, %mul3A_1522 : vector<16xf32>
          %add3A_1524 = arith.addf %add3A_1500, %add3A_1523 : vector<16xf32>
          %add3A_1525 = arith.constant 14 : i32
          %add3A_1526 = arith.addi %mul3A_126, %add3A_1525 : i32
          %get3A_1527 = arith.constant 0 : i32
          %get3A_1528 = arith.index_cast %get3A_1527 : i32 to index
          %get3A_1529 = arith.index_cast %add3A_1526 : i32 to index
          %get3A_1530 = arith.constant 48 : index
          %get3A_1531 = tpu.vector_load %arg8[%get3A_1528, %get3A_1529, %get3A_1530] {strides = array<i32>} : memref<2x80x64xi32, #tpu.memory_space<vmem>>, vector<16xi32>,
          %add3A_1532 = arith.constant 14 : i32
          %add3A_1533 = arith.addi %mul3A_126, %add3A_1532 : i32
          %get3A_1534 = arith.constant 0 : i32
          %get3A_1535 = arith.index_cast %get3A_1534 : i32 to index
          %get3A_1536 = arith.index_cast %add3A_1533 : i32 to index
          %get3A_1537 = arith.constant 48 : index
          %get3A_1538 = tpu.vector_load %arg9[%get3A_1535, %get3A_1536, %get3A_1537] {strides = array<i32>} : memref<2x80x64xi32, #tpu.memory_space<vmem>>, vector<16xi32>,
          %shift_left3A_1539 = arith.shli %get3A_1531, %broadcast_in_dim3A_77 : vector<16xi32>
          %bitcast3A_1540 = vector.bitcast %shift_left3A_1539 : vector<16xi32> to vector<16xf32>
          %shift_left3A_1541 = arith.shli %get3A_1538, %broadcast_in_dim3A_77 : vector<16xi32>
          %bitcast3A_1542 = vector.bitcast %shift_left3A_1541 : vector<16xi32> to vector<16xf32>
          %bitcast3A_1543 = vector.bitcast %get3A_1531 : vector<16xi32> to vector<16xf32>
          %bitcast3A_1544 = vector.bitcast %get3A_1538 : vector<16xi32> to vector<16xf32>
          %mul3A_1545 = arith.mulf %bitcast3A_1540, %bitcast3A_1542 : vector<16xf32>
          %mul3A_1546 = arith.mulf %bitcast3A_1543, %bitcast3A_1544 : vector<16xf32>
          %add3A_1547 = arith.addf %mul3A_1545, %mul3A_1546 : vector<16xf32>
          %add3A_1548 = arith.addf %add3A_1524, %add3A_1547 : vector<16xf32>
          %add3A_1549 = arith.constant 15 : i32
          %add3A_1550 = arith.addi %mul3A_126, %add3A_1549 : i32
          %get3A_1551 = arith.constant 0 : i32
          %get3A_1552 = arith.index_cast %get3A_1551 : i32 to index
          %get3A_1553 = arith.index_cast %add3A_1550 : i32 to index
          %get3A_1554 = arith.constant 0 : index
          %get3A_1555 = tpu.vector_load %arg8[%get3A_1552, %get3A_1553, %get3A_1554] {strides = array<i32>} : memref<2x80x64xi32, #tpu.memory_space<vmem>>, vector<16xi32>,
          %add3A_1556 = arith.constant 15 : i32
          %add3A_1557 = arith.addi %mul3A_126, %add3A_1556 : i32
          %get3A_1558 = arith.constant 0 : i32
          %get3A_1559 = arith.index_cast %get3A_1558 : i32 to index
          %get3A_1560 = arith.index_cast %add3A_1557 : i32 to index
          %get3A_1561 = arith.constant 0 : index
          %get3A_1562 = tpu.vector_load %arg9[%get3A_1559, %get3A_1560, %get3A_1561] {strides = array<i32>} : memref<2x80x64xi32, #tpu.memory_space<vmem>>, vector<16xi32>,
          %shift_left3A_1563 = arith.shli %get3A_1555, %broadcast_in_dim3A_77 : vector<16xi32>
          %bitcast3A_1564 = vector.bitcast %shift_left3A_1563 : vector<16xi32> to vector<16xf32>
          %shift_left3A_1565 = arith.shli %get3A_1562, %broadcast_in_dim3A_77 : vector<16xi32>
          %bitcast3A_1566 = vector.bitcast %shift_left3A_1565 : vector<16xi32> to vector<16xf32>
          %bitcast3A_1567 = vector.bitcast %get3A_1555 : vector<16xi32> to vector<16xf32>
          %bitcast3A_1568 = vector.bitcast %get3A_1562 : vector<16xi32> to vector<16xf32>
          %mul3A_1569 = arith.mulf %bitcast3A_1564, %bitcast3A_1566 : vector<16xf32>
          %mul3A_1570 = arith.mulf %bitcast3A_1567, %bitcast3A_1568 : vector<16xf32>
          %add3A_1571 = arith.addf %mul3A_1569, %mul3A_1570 : vector<16xf32>
          %add3A_1572 = arith.constant 15 : i32
          %add3A_1573 = arith.addi %mul3A_126, %add3A_1572 : i32
          %get3A_1574 = arith.constant 0 : i32
          %get3A_1575 = arith.index_cast %get3A_1574 : i32 to index
          %get3A_1576 = arith.index_cast %add3A_1573 : i32 to index
          %get3A_1577 = arith.constant 16 : index
          %get3A_1578 = tpu.vector_load %arg8[%get3A_1575, %get3A_1576, %get3A_1577] {strides = array<i32>} : memref<2x80x64xi32, #tpu.memory_space<vmem>>, vector<16xi32>,
          %add3A_1579 = arith.constant 15 : i32
          %add3A_1580 = arith.addi %mul3A_126, %add3A_1579 : i32
          %get3A_1581 = arith.constant 0 : i32
          %get3A_1582 = arith.index_cast %get3A_1581 : i32 to index
          %get3A_1583 = arith.index_cast %add3A_1580 : i32 to index
          %get3A_1584 = arith.constant 16 : index
          %get3A_1585 = tpu.vector_load %arg9[%get3A_1582, %get3A_1583, %get3A_1584] {strides = array<i32>} : memref<2x80x64xi32, #tpu.memory_space<vmem>>, vector<16xi32>,
          %shift_left3A_1586 = arith.shli %get3A_1578, %broadcast_in_dim3A_77 : vector<16xi32>
          %bitcast3A_1587 = vector.bitcast %shift_left3A_1586 : vector<16xi32> to vector<16xf32>
          %shift_left3A_1588 = arith.shli %get3A_1585, %broadcast_in_dim3A_77 : vector<16xi32>
          %bitcast3A_1589 = vector.bitcast %shift_left3A_1588 : vector<16xi32> to vector<16xf32>
          %bitcast3A_1590 = vector.bitcast %get3A_1578 : vector<16xi32> to vector<16xf32>
          %bitcast3A_1591 = vector.bitcast %get3A_1585 : vector<16xi32> to vector<16xf32>
          %mul3A_1592 = arith.mulf %bitcast3A_1587, %bitcast3A_1589 : vector<16xf32>
          %mul3A_1593 = arith.mulf %bitcast3A_1590, %bitcast3A_1591 : vector<16xf32>
          %add3A_1594 = arith.addf %mul3A_1592, %mul3A_1593 : vector<16xf32>
          %add3A_1595 = arith.addf %add3A_1571, %add3A_1594 : vector<16xf32>
          %add3A_1596 = arith.constant 15 : i32
          %add3A_1597 = arith.addi %mul3A_126, %add3A_1596 : i32
          %get3A_1598 = arith.constant 0 : i32
          %get3A_1599 = arith.index_cast %get3A_1598 : i32 to index
          %get3A_1600 = arith.index_cast %add3A_1597 : i32 to index
          %get3A_1601 = arith.constant 32 : index
          %get3A_1602 = tpu.vector_load %arg8[%get3A_1599, %get3A_1600, %get3A_1601] {strides = array<i32>} : memref<2x80x64xi32, #tpu.memory_space<vmem>>, vector<16xi32>,
          %add3A_1603 = arith.constant 15 : i32
          %add3A_1604 = arith.addi %mul3A_126, %add3A_1603 : i32
          %get3A_1605 = arith.constant 0 : i32
          %get3A_1606 = arith.index_cast %get3A_1605 : i32 to index
          %get3A_1607 = arith.index_cast %add3A_1604 : i32 to index
          %get3A_1608 = arith.constant 32 : index
          %get3A_1609 = tpu.vector_load %arg9[%get3A_1606, %get3A_1607, %get3A_1608] {strides = array<i32>} : memref<2x80x64xi32, #tpu.memory_space<vmem>>, vector<16xi32>,
          %shift_left3A_1610 = arith.shli %get3A_1602, %broadcast_in_dim3A_77 : vector<16xi32>
          %bitcast3A_1611 = vector.bitcast %shift_left3A_1610 : vector<16xi32> to vector<16xf32>
          %shift_left3A_1612 = arith.shli %get3A_1609, %broadcast_in_dim3A_77 : vector<16xi32>
          %bitcast3A_1613 = vector.bitcast %shift_left3A_1612 : vector<16xi32> to vector<16xf32>
          %bitcast3A_1614 = vector.bitcast %get3A_1602 : vector<16xi32> to vector<16xf32>
          %bitcast3A_1615 = vector.bitcast %get3A_1609 : vector<16xi32> to vector<16xf32>
          %mul3A_1616 = arith.mulf %bitcast3A_1611, %bitcast3A_1613 : vector<16xf32>
          %mul3A_1617 = arith.mulf %bitcast3A_1614, %bitcast3A_1615 : vector<16xf32>
          %add3A_1618 = arith.addf %mul3A_1616, %mul3A_1617 : vector<16xf32>
          %add3A_1619 = arith.addf %add3A_1595, %add3A_1618 : vector<16xf32>
          %add3A_1620 = arith.constant 15 : i32
          %add3A_1621 = arith.addi %mul3A_126, %add3A_1620 : i32
          %get3A_1622 = arith.constant 0 : i32
          %get3A_1623 = arith.index_cast %get3A_1622 : i32 to index
          %get3A_1624 = arith.index_cast %add3A_1621 : i32 to index
          %get3A_1625 = arith.constant 48 : index
          %get3A_1626 = tpu.vector_load %arg8[%get3A_1623, %get3A_1624, %get3A_1625] {strides = array<i32>} : memref<2x80x64xi32, #tpu.memory_space<vmem>>, vector<16xi32>,
          %add3A_1627 = arith.constant 15 : i32
          %add3A_1628 = arith.addi %mul3A_126, %add3A_1627 : i32
          %get3A_1629 = arith.constant 0 : i32
          %get3A_1630 = arith.index_cast %get3A_1629 : i32 to index
          %get3A_1631 = arith.index_cast %add3A_1628 : i32 to index
          %get3A_1632 = arith.constant 48 : index
          %get3A_1633 = tpu.vector_load %arg9[%get3A_1630, %get3A_1631, %get3A_1632] {strides = array<i32>} : memref<2x80x64xi32, #tpu.memory_space<vmem>>, vector<16xi32>,
          %shift_left3A_1634 = arith.shli %get3A_1626, %broadcast_in_dim3A_77 : vector<16xi32>
          %bitcast3A_1635 = vector.bitcast %shift_left3A_1634 : vector<16xi32> to vector<16xf32>
          %shift_left3A_1636 = arith.shli %get3A_1633, %broadcast_in_dim3A_77 : vector<16xi32>
          %bitcast3A_1637 = vector.bitcast %shift_left3A_1636 : vector<16xi32> to vector<16xf32>
          %bitcast3A_1638 = vector.bitcast %get3A_1626 : vector<16xi32> to vector<16xf32>
          %bitcast3A_1639 = vector.bitcast %get3A_1633 : vector<16xi32> to vector<16xf32>
          %mul3A_1640 = arith.mulf %bitcast3A_1635, %bitcast3A_1637 : vector<16xf32>
          %mul3A_1641 = arith.mulf %bitcast3A_1638, %bitcast3A_1639 : vector<16xf32>
          %add3A_1642 = arith.addf %mul3A_1640, %mul3A_1641 : vector<16xf32>
          %add3A_1643 = arith.addf %add3A_1619, %add3A_1642 : vector<16xf32>
          %reshape3A = vector.shape_cast %xor3A_79 : vector<16xi32> to vector<16x1xi32>
          %gather3A = vector.shape_cast %reshape3A : vector<16x1xi32> to vector<16xi32>
          %gather3A_1644 = tpu.dynamic_gather %add3A_218[%gather3A] in [0] : vector<16xf32>, vector<16xi32> -> vector<16xf32>
          %reshape3A_1645 = vector.shape_cast %xor3A_79 : vector<16xi32> to vector<16x1xi32>
          %gather3A_1646 = vector.shape_cast %reshape3A_1645 : vector<16x1xi32> to vector<16xi32>
          %gather3A_1647 = tpu.dynamic_gather %add3A_978[%gather3A_1646] in [0] : vector<16xf32>, vector<16xi32> -> vector<16xf32>
          %select_n3A = arith.select %eq3A_93, %add3A_218, %gather3A_1647 : vector<16xi1>, vector<16xf32>
          %select_n3A_1648 = arith.select %eq3A_93, %gather3A_1644, %add3A_978 : vector<16xi1>, vector<16xf32>
          %add3A_1649 = arith.addf %select_n3A, %select_n3A_1648 : vector<16xf32>
          %reshape3A_1650 = vector.shape_cast %xor3A_79 : vector<16xi32> to vector<16x1xi32>
          %gather3A_1651 = vector.shape_cast %reshape3A_1650 : vector<16x1xi32> to vector<16xi32>
          %gather3A_1652 = tpu.dynamic_gather %add3A_313[%gather3A_1651] in [0] : vector<16xf32>, vector<16xi32> -> vector<16xf32>
          %reshape3A_1653 = vector.shape_cast %xor3A_79 : vector<16xi32> to vector<16x1xi32>
          %gather3A_1654 = vector.shape_cast %reshape3A_1653 : vector<16x1xi32> to vector<16xi32>
          %gather3A_1655 = tpu.dynamic_gather %add3A_1073[%gather3A_1654] in [0] : vector<16xf32>, vector<16xi32> -> vector<16xf32>
          %select_n3A_1656 = arith.select %eq3A_93, %add3A_313, %gather3A_1655 : vector<16xi1>, vector<16xf32>
          %select_n3A_1657 = arith.select %eq3A_93, %gather3A_1652, %add3A_1073 : vector<16xi1>, vector<16xf32>
          %add3A_1658 = arith.addf %select_n3A_1656, %select_n3A_1657 : vector<16xf32>
          %reshape3A_1659 = vector.shape_cast %xor3A_79 : vector<16xi32> to vector<16x1xi32>
          %gather3A_1660 = vector.shape_cast %reshape3A_1659 : vector<16x1xi32> to vector<16xi32>
          %gather3A_1661 = tpu.dynamic_gather %add3A_408[%gather3A_1660] in [0] : vector<16xf32>, vector<16xi32> -> vector<16xf32>
          %reshape3A_1662 = vector.shape_cast %xor3A_79 : vector<16xi32> to vector<16x1xi32>
          %gather3A_1663 = vector.shape_cast %reshape3A_1662 : vector<16x1xi32> to vector<16xi32>
          %gather3A_1664 = tpu.dynamic_gather %add3A_1168[%gather3A_1663] in [0] : vector<16xf32>, vector<16xi32> -> vector<16xf32>
          %select_n3A_1665 = arith.select %eq3A_93, %add3A_408, %gather3A_1664 : vector<16xi1>, vector<16xf32>
          %select_n3A_1666 = arith.select %eq3A_93, %gather3A_1661, %add3A_1168 : vector<16xi1>, vector<16xf32>
          %add3A_1667 = arith.addf %select_n3A_1665, %select_n3A_1666 : vector<16xf32>
          %reshape3A_1668 = vector.shape_cast %xor3A_79 : vector<16xi32> to vector<16x1xi32>
          %gather3A_1669 = vector.shape_cast %reshape3A_1668 : vector<16x1xi32> to vector<16xi32>
          %gather3A_1670 = tpu.dynamic_gather %add3A_503[%gather3A_1669] in [0] : vector<16xf32>, vector<16xi32> -> vector<16xf32>
          %reshape3A_1671 = vector.shape_cast %xor3A_79 : vector<16xi32> to vector<16x1xi32>
          %gather3A_1672 = vector.shape_cast %reshape3A_1671 : vector<16x1xi32> to vector<16xi32>
          %gather3A_1673 = tpu.dynamic_gather %add3A_1263[%gather3A_1672] in [0] : vector<16xf32>, vector<16xi32> -> vector<16xf32>
          %select_n3A_1674 = arith.select %eq3A_93, %add3A_503, %gather3A_1673 : vector<16xi1>, vector<16xf32>
          %select_n3A_1675 = arith.select %eq3A_93, %gather3A_1670, %add3A_1263 : vector<16xi1>, vector<16xf32>
          %add3A_1676 = arith.addf %select_n3A_1674, %select_n3A_1675 : vector<16xf32>
          %reshape3A_1677 = vector.shape_cast %xor3A_79 : vector<16xi32> to vector<16x1xi32>
          %gather3A_1678 = vector.shape_cast %reshape3A_1677 : vector<16x1xi32> to vector<16xi32>
          %gather3A_1679 = tpu.dynamic_gather %add3A_598[%gather3A_1678] in [0] : vector<16xf32>, vector<16xi32> -> vector<16xf32>
          %reshape3A_1680 = vector.shape_cast %xor3A_79 : vector<16xi32> to vector<16x1xi32>
          %gather3A_1681 = vector.shape_cast %reshape3A_1680 : vector<16x1xi32> to vector<16xi32>
          %gather3A_1682 = tpu.dynamic_gather %add3A_1358[%gather3A_1681] in [0] : vector<16xf32>, vector<16xi32> -> vector<16xf32>
          %select_n3A_1683 = arith.select %eq3A_93, %add3A_598, %gather3A_1682 : vector<16xi1>, vector<16xf32>
          %select_n3A_1684 = arith.select %eq3A_93, %gather3A_1679, %add3A_1358 : vector<16xi1>, vector<16xf32>
          %add3A_1685 = arith.addf %select_n3A_1683, %select_n3A_1684 : vector<16xf32>
          %reshape3A_1686 = vector.shape_cast %xor3A_79 : vector<16xi32> to vector<16x1xi32>
          %gather3A_1687 = vector.shape_cast %reshape3A_1686 : vector<16x1xi32> to vector<16xi32>
          %gather3A_1688 = tpu.dynamic_gather %add3A_693[%gather3A_1687] in [0] : vector<16xf32>, vector<16xi32> -> vector<16xf32>
          %reshape3A_1689 = vector.shape_cast %xor3A_79 : vector<16xi32> to vector<16x1xi32>
          %gather3A_1690 = vector.shape_cast %reshape3A_1689 : vector<16x1xi32> to vector<16xi32>
          %gather3A_1691 = tpu.dynamic_gather %add3A_1453[%gather3A_1690] in [0] : vector<16xf32>, vector<16xi32> -> vector<16xf32>
          %select_n3A_1692 = arith.select %eq3A_93, %add3A_693, %gather3A_1691 : vector<16xi1>, vector<16xf32>
          %select_n3A_1693 = arith.select %eq3A_93, %gather3A_1688, %add3A_1453 : vector<16xi1>, vector<16xf32>
          %add3A_1694 = arith.addf %select_n3A_1692, %select_n3A_1693 : vector<16xf32>
          %reshape3A_1695 = vector.shape_cast %xor3A_79 : vector<16xi32> to vector<16x1xi32>
          %gather3A_1696 = vector.shape_cast %reshape3A_1695 : vector<16x1xi32> to vector<16xi32>
          %gather3A_1697 = tpu.dynamic_gather %add3A_788[%gather3A_1696] in [0] : vector<16xf32>, vector<16xi32> -> vector<16xf32>
          %reshape3A_1698 = vector.shape_cast %xor3A_79 : vector<16xi32> to vector<16x1xi32>
          %gather3A_1699 = vector.shape_cast %reshape3A_1698 : vector<16x1xi32> to vector<16xi32>
          %gather3A_1700 = tpu.dynamic_gather %add3A_1548[%gather3A_1699] in [0] : vector<16xf32>, vector<16xi32> -> vector<16xf32>
          %select_n3A_1701 = arith.select %eq3A_93, %add3A_788, %gather3A_1700 : vector<16xi1>, vector<16xf32>
          %select_n3A_1702 = arith.select %eq3A_93, %gather3A_1697, %add3A_1548 : vector<16xi1>, vector<16xf32>
          %add3A_1703 = arith.addf %select_n3A_1701, %select_n3A_1702 : vector<16xf32>
          %reshape3A_1704 = vector.shape_cast %xor3A_79 : vector<16xi32> to vector<16x1xi32>
          %gather3A_1705 = vector.shape_cast %reshape3A_1704 : vector<16x1xi32> to vector<16xi32>
          %gather3A_1706 = tpu.dynamic_gather %add3A_883[%gather3A_1705] in [0] : vector<16xf32>, vector<16xi32> -> vector<16xf32>
          %reshape3A_1707 = vector.shape_cast %xor3A_79 : vector<16xi32> to vector<16x1xi32>
          %gather3A_1708 = vector.shape_cast %reshape3A_1707 : vector<16x1xi32> to vector<16xi32>
          %gather3A_1709 = tpu.dynamic_gather %add3A_1643[%gather3A_1708] in [0] : vector<16xf32>, vector<16xi32> -> vector<16xf32>
          %select_n3A_1710 = arith.select %eq3A_93, %add3A_883, %gather3A_1709 : vector<16xi1>, vector<16xf32>
          %select_n3A_1711 = arith.select %eq3A_93, %gather3A_1706, %add3A_1643 : vector<16xi1>, vector<16xf32>
          %add3A_1712 = arith.addf %select_n3A_1710, %select_n3A_1711 : vector<16xf32>
          %reshape3A_1713 = vector.shape_cast %xor3A_82 : vector<16xi32> to vector<16x1xi32>
          %gather3A_1714 = vector.shape_cast %reshape3A_1713 : vector<16x1xi32> to vector<16xi32>
          %gather3A_1715 = tpu.dynamic_gather %add3A_1649[%gather3A_1714] in [0] : vector<16xf32>, vector<16xi32> -> vector<16xf32>
          %reshape3A_1716 = vector.shape_cast %xor3A_82 : vector<16xi32> to vector<16x1xi32>
          %gather3A_1717 = vector.shape_cast %reshape3A_1716 : vector<16x1xi32> to vector<16xi32>
          %gather3A_1718 = tpu.dynamic_gather %add3A_1685[%gather3A_1717] in [0] : vector<16xf32>, vector<16xi32> -> vector<16xf32>
          %select_n3A_1719 = arith.select %eq3A_99, %add3A_1649, %gather3A_1718 : vector<16xi1>, vector<16xf32>
          %select_n3A_1720 = arith.select %eq3A_99, %gather3A_1715, %add3A_1685 : vector<16xi1>, vector<16xf32>
          %add3A_1721 = arith.addf %select_n3A_1719, %select_n3A_1720 : vector<16xf32>
          %reshape3A_1722 = vector.shape_cast %xor3A_82 : vector<16xi32> to vector<16x1xi32>
          %gather3A_1723 = vector.shape_cast %reshape3A_1722 : vector<16x1xi32> to vector<16xi32>
          %gather3A_1724 = tpu.dynamic_gather %add3A_1658[%gather3A_1723] in [0] : vector<16xf32>, vector<16xi32> -> vector<16xf32>
          %reshape3A_1725 = vector.shape_cast %xor3A_82 : vector<16xi32> to vector<16x1xi32>
          %gather3A_1726 = vector.shape_cast %reshape3A_1725 : vector<16x1xi32> to vector<16xi32>
          %gather3A_1727 = tpu.dynamic_gather %add3A_1694[%gather3A_1726] in [0] : vector<16xf32>, vector<16xi32> -> vector<16xf32>
          %select_n3A_1728 = arith.select %eq3A_99, %add3A_1658, %gather3A_1727 : vector<16xi1>, vector<16xf32>
          %select_n3A_1729 = arith.select %eq3A_99, %gather3A_1724, %add3A_1694 : vector<16xi1>, vector<16xf32>
          %add3A_1730 = arith.addf %select_n3A_1728, %select_n3A_1729 : vector<16xf32>
          %reshape3A_1731 = vector.shape_cast %xor3A_82 : vector<16xi32> to vector<16x1xi32>
          %gather3A_1732 = vector.shape_cast %reshape3A_1731 : vector<16x1xi32> to vector<16xi32>
          %gather3A_1733 = tpu.dynamic_gather %add3A_1667[%gather3A_1732] in [0] : vector<16xf32>, vector<16xi32> -> vector<16xf32>
          %reshape3A_1734 = vector.shape_cast %xor3A_82 : vector<16xi32> to vector<16x1xi32>
          %gather3A_1735 = vector.shape_cast %reshape3A_1734 : vector<16x1xi32> to vector<16xi32>
          %gather3A_1736 = tpu.dynamic_gather %add3A_1703[%gather3A_1735] in [0] : vector<16xf32>, vector<16xi32> -> vector<16xf32>
          %select_n3A_1737 = arith.select %eq3A_99, %add3A_1667, %gather3A_1736 : vector<16xi1>, vector<16xf32>
          %select_n3A_1738 = arith.select %eq3A_99, %gather3A_1733, %add3A_1703 : vector<16xi1>, vector<16xf32>
          %add3A_1739 = arith.addf %select_n3A_1737, %select_n3A_1738 : vector<16xf32>
          %reshape3A_1740 = vector.shape_cast %xor3A_82 : vector<16xi32> to vector<16x1xi32>
          %gather3A_1741 = vector.shape_cast %reshape3A_1740 : vector<16x1xi32> to vector<16xi32>
          %gather3A_1742 = tpu.dynamic_gather %add3A_1676[%gather3A_1741] in [0] : vector<16xf32>, vector<16xi32> -> vector<16xf32>
          %reshape3A_1743 = vector.shape_cast %xor3A_82 : vector<16xi32> to vector<16x1xi32>
          %gather3A_1744 = vector.shape_cast %reshape3A_1743 : vector<16x1xi32> to vector<16xi32>
          %gather3A_1745 = tpu.dynamic_gather %add3A_1712[%gather3A_1744] in [0] : vector<16xf32>, vector<16xi32> -> vector<16xf32>
          %select_n3A_1746 = arith.select %eq3A_99, %add3A_1676, %gather3A_1745 : vector<16xi1>, vector<16xf32>
          %select_n3A_1747 = arith.select %eq3A_99, %gather3A_1742, %add3A_1712 : vector<16xi1>, vector<16xf32>
          %add3A_1748 = arith.addf %select_n3A_1746, %select_n3A_1747 : vector<16xf32>
          %reshape3A_1749 = vector.shape_cast %xor3A_85 : vector<16xi32> to vector<16x1xi32>
          %gather3A_1750 = vector.shape_cast %reshape3A_1749 : vector<16x1xi32> to vector<16xi32>
          %gather3A_1751 = tpu.dynamic_gather %add3A_1721[%gather3A_1750] in [0] : vector<16xf32>, vector<16xi32> -> vector<16xf32>
          %reshape3A_1752 = vector.shape_cast %xor3A_85 : vector<16xi32> to vector<16x1xi32>
          %gather3A_1753 = vector.shape_cast %reshape3A_1752 : vector<16x1xi32> to vector<16xi32>
          %gather3A_1754 = tpu.dynamic_gather %add3A_1739[%gather3A_1753] in [0] : vector<16xf32>, vector<16xi32> -> vector<16xf32>
          %select_n3A_1755 = arith.select %eq3A_105, %add3A_1721, %gather3A_1754 : vector<16xi1>, vector<16xf32>
          %select_n3A_1756 = arith.select %eq3A_105, %gather3A_1751, %add3A_1739 : vector<16xi1>, vector<16xf32>
          %add3A_1757 = arith.addf %select_n3A_1755, %select_n3A_1756 : vector<16xf32>
          %reshape3A_1758 = vector.shape_cast %xor3A_85 : vector<16xi32> to vector<16x1xi32>
          %gather3A_1759 = vector.shape_cast %reshape3A_1758 : vector<16x1xi32> to vector<16xi32>
          %gather3A_1760 = tpu.dynamic_gather %add3A_1730[%gather3A_1759] in [0] : vector<16xf32>, vector<16xi32> -> vector<16xf32>
          %reshape3A_1761 = vector.shape_cast %xor3A_85 : vector<16xi32> to vector<16x1xi32>
          %gather3A_1762 = vector.shape_cast %reshape3A_1761 : vector<16x1xi32> to vector<16xi32>
          %gather3A_1763 = tpu.dynamic_gather %add3A_1748[%gather3A_1762] in [0] : vector<16xf32>, vector<16xi32> -> vector<16xf32>
          %select_n3A_1764 = arith.select %eq3A_105, %add3A_1730, %gather3A_1763 : vector<16xi1>, vector<16xf32>
          %select_n3A_1765 = arith.select %eq3A_105, %gather3A_1760, %add3A_1748 : vector<16xi1>, vector<16xf32>
          %add3A_1766 = arith.addf %select_n3A_1764, %select_n3A_1765 : vector<16xf32>
          %reshape3A_1767 = vector.shape_cast %xor3A_88 : vector<16xi32> to vector<16x1xi32>
          %gather3A_1768 = vector.shape_cast %reshape3A_1767 : vector<16x1xi32> to vector<16xi32>
          %gather3A_1769 = tpu.dynamic_gather %add3A_1757[%gather3A_1768] in [0] : vector<16xf32>, vector<16xi32> -> vector<16xf32>
          %reshape3A_1770 = vector.shape_cast %xor3A_88 : vector<16xi32> to vector<16x1xi32>
          %gather3A_1771 = vector.shape_cast %reshape3A_1770 : vector<16x1xi32> to vector<16xi32>
          %gather3A_1772 = tpu.dynamic_gather %add3A_1766[%gather3A_1771] in [0] : vector<16xf32>, vector<16xi32> -> vector<16xf32>
          %select_n3A_1773 = arith.select %eq3A_111, %add3A_1757, %gather3A_1772 : vector<16xi1>, vector<16xf32>
          %select_n3A_1774 = arith.select %eq3A_111, %gather3A_1769, %add3A_1766 : vector<16xi1>, vector<16xf32>
          %add3A_1775 = arith.addf %select_n3A_1773, %select_n3A_1774 : vector<16xf32>
          %mul3A_1776 = arith.constant 80 : i32
          %mul3A_1777 = arith.muli %scan3A_47, %mul3A_1776 : i32
          %add3A_1778 = arith.addi %mul3A_1777, %mul3A_126 : i32
          %swap3A = arith.index_cast %add3A_1778 : i32 to index
          %swap3A_1779 = tpu.vector_load %arg10[%swap3A] {strides = array<i32>} : memref<10000xf32, #tpu.memory_space<vmem>>, vector<16xf32>,
          tpu.vector_store %arg10[%swap3A], %add3A_1775 {strides = array<i32>} : memref<10000xf32, #tpu.memory_space<vmem>>, vector<16xf32>,
        }
        %scan3A_117 = arith.constant 5 : i32
        %add3A_118 = arith.constant 2 : i32
        %add3A_119 = arith.addi %scan3A_47, %add3A_118 : i32
        %lt3A = arith.constant 125 : i32
        %lt3A_120 = arith.cmpi slt, %add3A_119, %lt3A : i32
        %convert_element_type3A_121 = arith.extui %lt3A_120 : i1 to i32
        %cond3A_122 = arith.constant 0 : i32
        %cond3A_123 = arith.cmpi ne, %convert_element_type3A_121, %cond3A_122 : i32
        scf.if %cond3A_123 {
          %add3A_124 = arith.constant 2 : i32
          %add3A_125 = arith.addi %scan3A_47, %add3A_124 : i32
          %mul3A_126 = arith.constant 80 : i32
          %mul3A_127 = arith.muli %add3A_125, %mul3A_126 : i32
          %mul3A_128 = arith.constant 80 : i32
          %mul3A_129 = arith.muli %add3A_125, %mul3A_128 : i32
          %dma_start3A_130 = arith.constant 0 : i32
          %dma_start3A_131 = arith.constant 0 : i32
          %dma_start3A_132 = arith.constant 0 : i32
          %dma_start3A_133 = tpu.memref_slice %arg8[%dma_start3A_130, %dma_start3A_131, %dma_start3A_132] : memref<2x80x64xi32, #tpu.memory_space<vmem>> -> memref<1x80x64xi32, #tpu.memory_space<vmem>>
          %dma_start3A_134 = tpu.memref_squeeze %dma_start3A_133 : memref<1x80x64xi32, #tpu.memory_space<vmem>> -> memref<80x64xi32, #tpu.memory_space<vmem>>
          %dma_start3A_135 = tpu.memref_slice %arg6[%mul3A_127] : memref<10000xi32, #tpu.memory_space<vmem>> -> memref<80xi32, #tpu.memory_space<vmem>>
          %dma_start3A_136 = arith.constant 0 : i32
          %dma_start3A_137 = arith.constant 0 : i32
          %dma_start3A_138 = tpu.memref_slice %arg2[%dma_start3A_136, %dma_start3A_137] : memref<10000x64xi32, #tpu.memory_space<hbm>> -> memref<10000x64xi32, #tpu.memory_space<hbm>>
          tpu.enqueue_indirect_dma source(%dma_start3A_138 : memref<10000x64xi32, #tpu.memory_space<hbm>>) target(%dma_start3A_134 : memref<80x64xi32, #tpu.memory_space<vmem>>) offsets(%dma_start3A_135 : memref<80xi32, #tpu.memory_space<vmem>>) semaphore(%arg11 : memref<!tpu.dma_semaphore, #tpu.memory_space<semaphore_mem>>)
          %dma_start3A_139 = arith.constant 0 : i32
          %dma_start3A_140 = arith.constant 0 : i32
          %dma_start3A_141 = arith.constant 0 : i32
          %dma_start3A_142 = tpu.memref_slice %arg9[%dma_start3A_139, %dma_start3A_140, %dma_start3A_141] : memref<2x80x64xi32, #tpu.memory_space<vmem>> -> memref<1x80x64xi32, #tpu.memory_space<vmem>>
          %dma_start3A_143 = tpu.memref_squeeze %dma_start3A_142 : memref<1x80x64xi32, #tpu.memory_space<vmem>> -> memref<80x64xi32, #tpu.memory_space<vmem>>
          %dma_start3A_144 = tpu.memref_slice %arg7[%mul3A_129] : memref<10000xi32, #tpu.memory_space<vmem>> -> memref<80xi32, #tpu.memory_space<vmem>>
          %dma_start3A_145 = arith.constant 0 : i32
          %dma_start3A_146 = arith.constant 0 : i32
          %dma_start3A_147 = tpu.memref_slice %arg2[%dma_start3A_145, %dma_start3A_146] : memref<10000x64xi32, #tpu.memory_space<hbm>> -> memref<10000x64xi32, #tpu.memory_space<hbm>>
          tpu.enqueue_indirect_dma source(%dma_start3A_147 : memref<10000x64xi32, #tpu.memory_space<hbm>>) target(%dma_start3A_143 : memref<80x64xi32, #tpu.memory_space<vmem>>) offsets(%dma_start3A_144 : memref<80xi32, #tpu.memory_space<vmem>>) semaphore(%arg11 : memref<!tpu.dma_semaphore, #tpu.memory_space<semaphore_mem>>)
        } else {
        }
      } else {
      }
      %eq3A_51 = arith.constant 1 : i32
      %eq3A_52 = arith.cmpi eq, %rem3A_48, %eq3A_51 : i32
      %convert_element_type3A_53 = arith.extui %eq3A_52 : i1 to i32
      %cond3A_54 = arith.constant 0 : i32
      %cond3A_55 = arith.cmpi ne, %convert_element_type3A_53, %cond3A_54 : i32
      scf.if %cond3A_55 {
        %mul3A_56 = arith.constant 80 : i32
        %mul3A_57 = arith.muli %scan3A_47, %mul3A_56 : i32
        %mul3A_58 = arith.constant 80 : i32
        %mul3A_59 = arith.muli %scan3A_47, %mul3A_58 : i32
        %dma_wait3A = arith.constant 1 : i32
        %dma_wait3A_60 = arith.constant 0 : i32
        %dma_wait3A_61 = arith.constant 0 : i32
        %dma_wait3A_62 = tpu.memref_slice %arg8[%dma_wait3A, %dma_wait3A_60, %dma_wait3A_61] : memref<2x80x64xi32, #tpu.memory_space<vmem>> -> memref<1x80x64xi32, #tpu.memory_space<vmem>>
        %dma_wait3A_63 = tpu.memref_squeeze %dma_wait3A_62 : memref<1x80x64xi32, #tpu.memory_space<vmem>> -> memref<80x64xi32, #tpu.memory_space<vmem>>
        %dma_wait3A_64 = tpu.memref_slice %arg6[%mul3A_57] : memref<10000xi32, #tpu.memory_space<vmem>> -> memref<80xi32, #tpu.memory_space<vmem>>
        %dma_wait3A_65 = arith.constant 0 : i32
        %dma_wait3A_66 = arith.constant 0 : i32
        %dma_wait3A_67 = tpu.memref_slice %arg2[%dma_wait3A_65, %dma_wait3A_66] : memref<10000x64xi32, #tpu.memory_space<hbm>> -> memref<10000x64xi32, #tpu.memory_space<hbm>>
        tpu.wait_indirect_dma semaphore(%arg12 : memref<!tpu.dma_semaphore, #tpu.memory_space<semaphore_mem>>) src(%dma_wait3A_67 : memref<10000x64xi32, #tpu.memory_space<hbm>>) dst(%dma_wait3A_63 : memref<80x64xi32, #tpu.memory_space<vmem>>)
        %dma_wait3A_68 = arith.constant 1 : i32
        %dma_wait3A_69 = arith.constant 0 : i32
        %dma_wait3A_70 = arith.constant 0 : i32
        %dma_wait3A_71 = tpu.memref_slice %arg9[%dma_wait3A_68, %dma_wait3A_69, %dma_wait3A_70] : memref<2x80x64xi32, #tpu.memory_space<vmem>> -> memref<1x80x64xi32, #tpu.memory_space<vmem>>
        %dma_wait3A_72 = tpu.memref_squeeze %dma_wait3A_71 : memref<1x80x64xi32, #tpu.memory_space<vmem>> -> memref<80x64xi32, #tpu.memory_space<vmem>>
        %dma_wait3A_73 = tpu.memref_slice %arg7[%mul3A_59] : memref<10000xi32, #tpu.memory_space<vmem>> -> memref<80xi32, #tpu.memory_space<vmem>>
        %dma_wait3A_74 = arith.constant 0 : i32
        %dma_wait3A_75 = arith.constant 0 : i32
        %dma_wait3A_76 = tpu.memref_slice %arg2[%dma_wait3A_74, %dma_wait3A_75] : memref<10000x64xi32, #tpu.memory_space<hbm>> -> memref<10000x64xi32, #tpu.memory_space<hbm>>
        tpu.wait_indirect_dma semaphore(%arg12 : memref<!tpu.dma_semaphore, #tpu.memory_space<semaphore_mem>>) src(%dma_wait3A_76 : memref<10000x64xi32, #tpu.memory_space<hbm>>) dst(%dma_wait3A_72 : memref<80x64xi32, #tpu.memory_space<vmem>>)
        %broadcast_in_dim3A = arith.constant 16 : i32
        %broadcast_in_dim3A_77 = vector.broadcast %broadcast_in_dim3A : i32 to vector<16xi32>
        %xor3A = arith.constant 8 : i32
        %xor3A_78 = vector.broadcast %xor3A : i32 to vector<16xi32>
        %xor3A_79 = arith.xori %iota3A, %xor3A_78 : vector<16xi32>
        %xor3A_80 = arith.constant 4 : i32
        %xor3A_81 = vector.broadcast %xor3A_80 : i32 to vector<16xi32>
        %xor3A_82 = arith.xori %iota3A, %xor3A_81 : vector<16xi32>
        %xor3A_83 = arith.constant 2 : i32
        %xor3A_84 = vector.broadcast %xor3A_83 : i32 to vector<16xi32>
        %xor3A_85 = arith.xori %iota3A, %xor3A_84 : vector<16xi32>
        %xor3A_86 = arith.constant 1 : i32
        %xor3A_87 = vector.broadcast %xor3A_86 : i32 to vector<16xi32>
        %xor3A_88 = arith.xori %iota3A, %xor3A_87 : vector<16xi32>
        %and3A = arith.constant 8 : i32
        %and3A_89 = vector.broadcast %and3A : i32 to vector<16xi32>
        %and3A_90 = arith.andi %iota3A, %and3A_89 : vector<16xi32>
        %eq3A_91 = arith.constant 0 : i32
        %eq3A_92 = vector.broadcast %eq3A_91 : i32 to vector<16xi32>
        %eq3A_93 = arith.cmpi eq, %and3A_90, %eq3A_92 : vector<16xi32>
        %and3A_94 = arith.constant 4 : i32
        %and3A_95 = vector.broadcast %and3A_94 : i32 to vector<16xi32>
        %and3A_96 = arith.andi %iota3A, %and3A_95 : vector<16xi32>
        %eq3A_97 = arith.constant 0 : i32
        %eq3A_98 = vector.broadcast %eq3A_97 : i32 to vector<16xi32>
        %eq3A_99 = arith.cmpi eq, %and3A_96, %eq3A_98 : vector<16xi32>
        %and3A_100 = arith.constant 2 : i32
        %and3A_101 = vector.broadcast %and3A_100 : i32 to vector<16xi32>
        %and3A_102 = arith.andi %iota3A, %and3A_101 : vector<16xi32>
        %eq3A_103 = arith.constant 0 : i32
        %eq3A_104 = vector.broadcast %eq3A_103 : i32 to vector<16xi32>
        %eq3A_105 = arith.cmpi eq, %and3A_102, %eq3A_104 : vector<16xi32>
        %and3A_106 = arith.constant 1 : i32
        %and3A_107 = vector.broadcast %and3A_106 : i32 to vector<16xi32>
        %and3A_108 = arith.andi %iota3A, %and3A_107 : vector<16xi32>
        %eq3A_109 = arith.constant 0 : i32
        %eq3A_110 = vector.broadcast %eq3A_109 : i32 to vector<16xi32>
        %eq3A_111 = arith.cmpi eq, %and3A_108, %eq3A_110 : vector<16xi32>
        %scan3A_112 = arith.constant 0 : i32
        %scan3A_113 = arith.constant 0 : i32
        %scan3A_114 = arith.constant 5 : i32
        %scan3A_115 = arith.addi %scan3A_113, %scan3A_114 : i32
        %scan3A_116 = arith.constant 1 : i32
        scf.for %scan3A_124 = %scan3A_113 to %scan3A_115 step %scan3A_116  : i32 {
          %mul3A_125 = arith.constant 16 : i32
          %mul3A_126 = arith.muli %scan3A_124, %mul3A_125 : i32
          %add3A_127 = arith.constant 0 : i32
          %add3A_128 = arith.addi %mul3A_126, %add3A_127 : i32
          %get3A = arith.constant 1 : i32
          %get3A_129 = arith.index_cast %get3A : i32 to index
          %get3A_130 = arith.index_cast %add3A_128 : i32 to index
          %get3A_131 = arith.constant 0 : index
          %get3A_132 = tpu.vector_load %arg8[%get3A_129, %get3A_130, %get3A_131] {strides = array<i32>} : memref<2x80x64xi32, #tpu.memory_space<vmem>>, vector<16xi32>,
          %add3A_133 = arith.constant 0 : i32
          %add3A_134 = arith.addi %mul3A_126, %add3A_133 : i32
          %get3A_135 = arith.constant 1 : i32
          %get3A_136 = arith.index_cast %get3A_135 : i32 to index
          %get3A_137 = arith.index_cast %add3A_134 : i32 to index
          %get3A_138 = arith.constant 0 : index
          %get3A_139 = tpu.vector_load %arg9[%get3A_136, %get3A_137, %get3A_138] {strides = array<i32>} : memref<2x80x64xi32, #tpu.memory_space<vmem>>, vector<16xi32>,
          %shift_left3A = arith.shli %get3A_132, %broadcast_in_dim3A_77 : vector<16xi32>
          %bitcast3A = vector.bitcast %shift_left3A : vector<16xi32> to vector<16xf32>
          %shift_left3A_140 = arith.shli %get3A_139, %broadcast_in_dim3A_77 : vector<16xi32>
          %bitcast3A_141 = vector.bitcast %shift_left3A_140 : vector<16xi32> to vector<16xf32>
          %bitcast3A_142 = vector.bitcast %get3A_132 : vector<16xi32> to vector<16xf32>
          %bitcast3A_143 = vector.bitcast %get3A_139 : vector<16xi32> to vector<16xf32>
          %mul3A_144 = arith.mulf %bitcast3A, %bitcast3A_141 : vector<16xf32>
          %mul3A_145 = arith.mulf %bitcast3A_142, %bitcast3A_143 : vector<16xf32>
          %add3A_146 = arith.addf %mul3A_144, %mul3A_145 : vector<16xf32>
          %add3A_147 = arith.constant 0 : i32
          %add3A_148 = arith.addi %mul3A_126, %add3A_147 : i32
          %get3A_149 = arith.constant 1 : i32
          %get3A_150 = arith.index_cast %get3A_149 : i32 to index
          %get3A_151 = arith.index_cast %add3A_148 : i32 to index
          %get3A_152 = arith.constant 16 : index
          %get3A_153 = tpu.vector_load %arg8[%get3A_150, %get3A_151, %get3A_152] {strides = array<i32>} : memref<2x80x64xi32, #tpu.memory_space<vmem>>, vector<16xi32>,
          %add3A_154 = arith.constant 0 : i32
          %add3A_155 = arith.addi %mul3A_126, %add3A_154 : i32
          %get3A_156 = arith.constant 1 : i32
          %get3A_157 = arith.index_cast %get3A_156 : i32 to index
          %get3A_158 = arith.index_cast %add3A_155 : i32 to index
          %get3A_159 = arith.constant 16 : index
          %get3A_160 = tpu.vector_load %arg9[%get3A_157, %get3A_158, %get3A_159] {strides = array<i32>} : memref<2x80x64xi32, #tpu.memory_space<vmem>>, vector<16xi32>,
          %shift_left3A_161 = arith.shli %get3A_153, %broadcast_in_dim3A_77 : vector<16xi32>
          %bitcast3A_162 = vector.bitcast %shift_left3A_161 : vector<16xi32> to vector<16xf32>
          %shift_left3A_163 = arith.shli %get3A_160, %broadcast_in_dim3A_77 : vector<16xi32>
          %bitcast3A_164 = vector.bitcast %shift_left3A_163 : vector<16xi32> to vector<16xf32>
          %bitcast3A_165 = vector.bitcast %get3A_153 : vector<16xi32> to vector<16xf32>
          %bitcast3A_166 = vector.bitcast %get3A_160 : vector<16xi32> to vector<16xf32>
          %mul3A_167 = arith.mulf %bitcast3A_162, %bitcast3A_164 : vector<16xf32>
          %mul3A_168 = arith.mulf %bitcast3A_165, %bitcast3A_166 : vector<16xf32>
          %add3A_169 = arith.addf %mul3A_167, %mul3A_168 : vector<16xf32>
          %add3A_170 = arith.addf %add3A_146, %add3A_169 : vector<16xf32>
          %add3A_171 = arith.constant 0 : i32
          %add3A_172 = arith.addi %mul3A_126, %add3A_171 : i32
          %get3A_173 = arith.constant 1 : i32
          %get3A_174 = arith.index_cast %get3A_173 : i32 to index
          %get3A_175 = arith.index_cast %add3A_172 : i32 to index
          %get3A_176 = arith.constant 32 : index
          %get3A_177 = tpu.vector_load %arg8[%get3A_174, %get3A_175, %get3A_176] {strides = array<i32>} : memref<2x80x64xi32, #tpu.memory_space<vmem>>, vector<16xi32>,
          %add3A_178 = arith.constant 0 : i32
          %add3A_179 = arith.addi %mul3A_126, %add3A_178 : i32
          %get3A_180 = arith.constant 1 : i32
          %get3A_181 = arith.index_cast %get3A_180 : i32 to index
          %get3A_182 = arith.index_cast %add3A_179 : i32 to index
          %get3A_183 = arith.constant 32 : index
          %get3A_184 = tpu.vector_load %arg9[%get3A_181, %get3A_182, %get3A_183] {strides = array<i32>} : memref<2x80x64xi32, #tpu.memory_space<vmem>>, vector<16xi32>,
          %shift_left3A_185 = arith.shli %get3A_177, %broadcast_in_dim3A_77 : vector<16xi32>
          %bitcast3A_186 = vector.bitcast %shift_left3A_185 : vector<16xi32> to vector<16xf32>
          %shift_left3A_187 = arith.shli %get3A_184, %broadcast_in_dim3A_77 : vector<16xi32>
          %bitcast3A_188 = vector.bitcast %shift_left3A_187 : vector<16xi32> to vector<16xf32>
          %bitcast3A_189 = vector.bitcast %get3A_177 : vector<16xi32> to vector<16xf32>
          %bitcast3A_190 = vector.bitcast %get3A_184 : vector<16xi32> to vector<16xf32>
          %mul3A_191 = arith.mulf %bitcast3A_186, %bitcast3A_188 : vector<16xf32>
          %mul3A_192 = arith.mulf %bitcast3A_189, %bitcast3A_190 : vector<16xf32>
          %add3A_193 = arith.addf %mul3A_191, %mul3A_192 : vector<16xf32>
          %add3A_194 = arith.addf %add3A_170, %add3A_193 : vector<16xf32>
          %add3A_195 = arith.constant 0 : i32
          %add3A_196 = arith.addi %mul3A_126, %add3A_195 : i32
          %get3A_197 = arith.constant 1 : i32
          %get3A_198 = arith.index_cast %get3A_197 : i32 to index
          %get3A_199 = arith.index_cast %add3A_196 : i32 to index
          %get3A_200 = arith.constant 48 : index
          %get3A_201 = tpu.vector_load %arg8[%get3A_198, %get3A_199, %get3A_200] {strides = array<i32>} : memref<2x80x64xi32, #tpu.memory_space<vmem>>, vector<16xi32>,
          %add3A_202 = arith.constant 0 : i32
          %add3A_203 = arith.addi %mul3A_126, %add3A_202 : i32
          %get3A_204 = arith.constant 1 : i32
          %get3A_205 = arith.index_cast %get3A_204 : i32 to index
          %get3A_206 = arith.index_cast %add3A_203 : i32 to index
          %get3A_207 = arith.constant 48 : index
          %get3A_208 = tpu.vector_load %arg9[%get3A_205, %get3A_206, %get3A_207] {strides = array<i32>} : memref<2x80x64xi32, #tpu.memory_space<vmem>>, vector<16xi32>,
          %shift_left3A_209 = arith.shli %get3A_201, %broadcast_in_dim3A_77 : vector<16xi32>
          %bitcast3A_210 = vector.bitcast %shift_left3A_209 : vector<16xi32> to vector<16xf32>
          %shift_left3A_211 = arith.shli %get3A_208, %broadcast_in_dim3A_77 : vector<16xi32>
          %bitcast3A_212 = vector.bitcast %shift_left3A_211 : vector<16xi32> to vector<16xf32>
          %bitcast3A_213 = vector.bitcast %get3A_201 : vector<16xi32> to vector<16xf32>
          %bitcast3A_214 = vector.bitcast %get3A_208 : vector<16xi32> to vector<16xf32>
          %mul3A_215 = arith.mulf %bitcast3A_210, %bitcast3A_212 : vector<16xf32>
          %mul3A_216 = arith.mulf %bitcast3A_213, %bitcast3A_214 : vector<16xf32>
          %add3A_217 = arith.addf %mul3A_215, %mul3A_216 : vector<16xf32>
          %add3A_218 = arith.addf %add3A_194, %add3A_217 : vector<16xf32>
          %add3A_219 = arith.constant 1 : i32
          %add3A_220 = arith.addi %mul3A_126, %add3A_219 : i32
          %get3A_221 = arith.constant 1 : i32
          %get3A_222 = arith.index_cast %get3A_221 : i32 to index
          %get3A_223 = arith.index_cast %add3A_220 : i32 to index
          %get3A_224 = arith.constant 0 : index
          %get3A_225 = tpu.vector_load %arg8[%get3A_222, %get3A_223, %get3A_224] {strides = array<i32>} : memref<2x80x64xi32, #tpu.memory_space<vmem>>, vector<16xi32>,
          %add3A_226 = arith.constant 1 : i32
          %add3A_227 = arith.addi %mul3A_126, %add3A_226 : i32
          %get3A_228 = arith.constant 1 : i32
          %get3A_229 = arith.index_cast %get3A_228 : i32 to index
          %get3A_230 = arith.index_cast %add3A_227 : i32 to index
          %get3A_231 = arith.constant 0 : index
          %get3A_232 = tpu.vector_load %arg9[%get3A_229, %get3A_230, %get3A_231] {strides = array<i32>} : memref<2x80x64xi32, #tpu.memory_space<vmem>>, vector<16xi32>,
          %shift_left3A_233 = arith.shli %get3A_225, %broadcast_in_dim3A_77 : vector<16xi32>
          %bitcast3A_234 = vector.bitcast %shift_left3A_233 : vector<16xi32> to vector<16xf32>
          %shift_left3A_235 = arith.shli %get3A_232, %broadcast_in_dim3A_77 : vector<16xi32>
          %bitcast3A_236 = vector.bitcast %shift_left3A_235 : vector<16xi32> to vector<16xf32>
          %bitcast3A_237 = vector.bitcast %get3A_225 : vector<16xi32> to vector<16xf32>
          %bitcast3A_238 = vector.bitcast %get3A_232 : vector<16xi32> to vector<16xf32>
          %mul3A_239 = arith.mulf %bitcast3A_234, %bitcast3A_236 : vector<16xf32>
          %mul3A_240 = arith.mulf %bitcast3A_237, %bitcast3A_238 : vector<16xf32>
          %add3A_241 = arith.addf %mul3A_239, %mul3A_240 : vector<16xf32>
          %add3A_242 = arith.constant 1 : i32
          %add3A_243 = arith.addi %mul3A_126, %add3A_242 : i32
          %get3A_244 = arith.constant 1 : i32
          %get3A_245 = arith.index_cast %get3A_244 : i32 to index
          %get3A_246 = arith.index_cast %add3A_243 : i32 to index
          %get3A_247 = arith.constant 16 : index
          %get3A_248 = tpu.vector_load %arg8[%get3A_245, %get3A_246, %get3A_247] {strides = array<i32>} : memref<2x80x64xi32, #tpu.memory_space<vmem>>, vector<16xi32>,
          %add3A_249 = arith.constant 1 : i32
          %add3A_250 = arith.addi %mul3A_126, %add3A_249 : i32
          %get3A_251 = arith.constant 1 : i32
          %get3A_252 = arith.index_cast %get3A_251 : i32 to index
          %get3A_253 = arith.index_cast %add3A_250 : i32 to index
          %get3A_254 = arith.constant 16 : index
          %get3A_255 = tpu.vector_load %arg9[%get3A_252, %get3A_253, %get3A_254] {strides = array<i32>} : memref<2x80x64xi32, #tpu.memory_space<vmem>>, vector<16xi32>,
          %shift_left3A_256 = arith.shli %get3A_248, %broadcast_in_dim3A_77 : vector<16xi32>
          %bitcast3A_257 = vector.bitcast %shift_left3A_256 : vector<16xi32> to vector<16xf32>
          %shift_left3A_258 = arith.shli %get3A_255, %broadcast_in_dim3A_77 : vector<16xi32>
          %bitcast3A_259 = vector.bitcast %shift_left3A_258 : vector<16xi32> to vector<16xf32>
          %bitcast3A_260 = vector.bitcast %get3A_248 : vector<16xi32> to vector<16xf32>
          %bitcast3A_261 = vector.bitcast %get3A_255 : vector<16xi32> to vector<16xf32>
          %mul3A_262 = arith.mulf %bitcast3A_257, %bitcast3A_259 : vector<16xf32>
          %mul3A_263 = arith.mulf %bitcast3A_260, %bitcast3A_261 : vector<16xf32>
          %add3A_264 = arith.addf %mul3A_262, %mul3A_263 : vector<16xf32>
          %add3A_265 = arith.addf %add3A_241, %add3A_264 : vector<16xf32>
          %add3A_266 = arith.constant 1 : i32
          %add3A_267 = arith.addi %mul3A_126, %add3A_266 : i32
          %get3A_268 = arith.constant 1 : i32
          %get3A_269 = arith.index_cast %get3A_268 : i32 to index
          %get3A_270 = arith.index_cast %add3A_267 : i32 to index
          %get3A_271 = arith.constant 32 : index
          %get3A_272 = tpu.vector_load %arg8[%get3A_269, %get3A_270, %get3A_271] {strides = array<i32>} : memref<2x80x64xi32, #tpu.memory_space<vmem>>, vector<16xi32>,
          %add3A_273 = arith.constant 1 : i32
          %add3A_274 = arith.addi %mul3A_126, %add3A_273 : i32
          %get3A_275 = arith.constant 1 : i32
          %get3A_276 = arith.index_cast %get3A_275 : i32 to index
          %get3A_277 = arith.index_cast %add3A_274 : i32 to index
          %get3A_278 = arith.constant 32 : index
          %get3A_279 = tpu.vector_load %arg9[%get3A_276, %get3A_277, %get3A_278] {strides = array<i32>} : memref<2x80x64xi32, #tpu.memory_space<vmem>>, vector<16xi32>,
          %shift_left3A_280 = arith.shli %get3A_272, %broadcast_in_dim3A_77 : vector<16xi32>
          %bitcast3A_281 = vector.bitcast %shift_left3A_280 : vector<16xi32> to vector<16xf32>
          %shift_left3A_282 = arith.shli %get3A_279, %broadcast_in_dim3A_77 : vector<16xi32>
          %bitcast3A_283 = vector.bitcast %shift_left3A_282 : vector<16xi32> to vector<16xf32>
          %bitcast3A_284 = vector.bitcast %get3A_272 : vector<16xi32> to vector<16xf32>
          %bitcast3A_285 = vector.bitcast %get3A_279 : vector<16xi32> to vector<16xf32>
          %mul3A_286 = arith.mulf %bitcast3A_281, %bitcast3A_283 : vector<16xf32>
          %mul3A_287 = arith.mulf %bitcast3A_284, %bitcast3A_285 : vector<16xf32>
          %add3A_288 = arith.addf %mul3A_286, %mul3A_287 : vector<16xf32>
          %add3A_289 = arith.addf %add3A_265, %add3A_288 : vector<16xf32>
          %add3A_290 = arith.constant 1 : i32
          %add3A_291 = arith.addi %mul3A_126, %add3A_290 : i32
          %get3A_292 = arith.constant 1 : i32
          %get3A_293 = arith.index_cast %get3A_292 : i32 to index
          %get3A_294 = arith.index_cast %add3A_291 : i32 to index
          %get3A_295 = arith.constant 48 : index
          %get3A_296 = tpu.vector_load %arg8[%get3A_293, %get3A_294, %get3A_295] {strides = array<i32>} : memref<2x80x64xi32, #tpu.memory_space<vmem>>, vector<16xi32>,
          %add3A_297 = arith.constant 1 : i32
          %add3A_298 = arith.addi %mul3A_126, %add3A_297 : i32
          %get3A_299 = arith.constant 1 : i32
          %get3A_300 = arith.index_cast %get3A_299 : i32 to index
          %get3A_301 = arith.index_cast %add3A_298 : i32 to index
          %get3A_302 = arith.constant 48 : index
          %get3A_303 = tpu.vector_load %arg9[%get3A_300, %get3A_301, %get3A_302] {strides = array<i32>} : memref<2x80x64xi32, #tpu.memory_space<vmem>>, vector<16xi32>,
          %shift_left3A_304 = arith.shli %get3A_296, %broadcast_in_dim3A_77 : vector<16xi32>
          %bitcast3A_305 = vector.bitcast %shift_left3A_304 : vector<16xi32> to vector<16xf32>
          %shift_left3A_306 = arith.shli %get3A_303, %broadcast_in_dim3A_77 : vector<16xi32>
          %bitcast3A_307 = vector.bitcast %shift_left3A_306 : vector<16xi32> to vector<16xf32>
          %bitcast3A_308 = vector.bitcast %get3A_296 : vector<16xi32> to vector<16xf32>
          %bitcast3A_309 = vector.bitcast %get3A_303 : vector<16xi32> to vector<16xf32>
          %mul3A_310 = arith.mulf %bitcast3A_305, %bitcast3A_307 : vector<16xf32>
          %mul3A_311 = arith.mulf %bitcast3A_308, %bitcast3A_309 : vector<16xf32>
          %add3A_312 = arith.addf %mul3A_310, %mul3A_311 : vector<16xf32>
          %add3A_313 = arith.addf %add3A_289, %add3A_312 : vector<16xf32>
          %add3A_314 = arith.constant 2 : i32
          %add3A_315 = arith.addi %mul3A_126, %add3A_314 : i32
          %get3A_316 = arith.constant 1 : i32
          %get3A_317 = arith.index_cast %get3A_316 : i32 to index
          %get3A_318 = arith.index_cast %add3A_315 : i32 to index
          %get3A_319 = arith.constant 0 : index
          %get3A_320 = tpu.vector_load %arg8[%get3A_317, %get3A_318, %get3A_319] {strides = array<i32>} : memref<2x80x64xi32, #tpu.memory_space<vmem>>, vector<16xi32>,
          %add3A_321 = arith.constant 2 : i32
          %add3A_322 = arith.addi %mul3A_126, %add3A_321 : i32
          %get3A_323 = arith.constant 1 : i32
          %get3A_324 = arith.index_cast %get3A_323 : i32 to index
          %get3A_325 = arith.index_cast %add3A_322 : i32 to index
          %get3A_326 = arith.constant 0 : index
          %get3A_327 = tpu.vector_load %arg9[%get3A_324, %get3A_325, %get3A_326] {strides = array<i32>} : memref<2x80x64xi32, #tpu.memory_space<vmem>>, vector<16xi32>,
          %shift_left3A_328 = arith.shli %get3A_320, %broadcast_in_dim3A_77 : vector<16xi32>
          %bitcast3A_329 = vector.bitcast %shift_left3A_328 : vector<16xi32> to vector<16xf32>
          %shift_left3A_330 = arith.shli %get3A_327, %broadcast_in_dim3A_77 : vector<16xi32>
          %bitcast3A_331 = vector.bitcast %shift_left3A_330 : vector<16xi32> to vector<16xf32>
          %bitcast3A_332 = vector.bitcast %get3A_320 : vector<16xi32> to vector<16xf32>
          %bitcast3A_333 = vector.bitcast %get3A_327 : vector<16xi32> to vector<16xf32>
          %mul3A_334 = arith.mulf %bitcast3A_329, %bitcast3A_331 : vector<16xf32>
          %mul3A_335 = arith.mulf %bitcast3A_332, %bitcast3A_333 : vector<16xf32>
          %add3A_336 = arith.addf %mul3A_334, %mul3A_335 : vector<16xf32>
          %add3A_337 = arith.constant 2 : i32
          %add3A_338 = arith.addi %mul3A_126, %add3A_337 : i32
          %get3A_339 = arith.constant 1 : i32
          %get3A_340 = arith.index_cast %get3A_339 : i32 to index
          %get3A_341 = arith.index_cast %add3A_338 : i32 to index
          %get3A_342 = arith.constant 16 : index
          %get3A_343 = tpu.vector_load %arg8[%get3A_340, %get3A_341, %get3A_342] {strides = array<i32>} : memref<2x80x64xi32, #tpu.memory_space<vmem>>, vector<16xi32>,
          %add3A_344 = arith.constant 2 : i32
          %add3A_345 = arith.addi %mul3A_126, %add3A_344 : i32
          %get3A_346 = arith.constant 1 : i32
          %get3A_347 = arith.index_cast %get3A_346 : i32 to index
          %get3A_348 = arith.index_cast %add3A_345 : i32 to index
          %get3A_349 = arith.constant 16 : index
          %get3A_350 = tpu.vector_load %arg9[%get3A_347, %get3A_348, %get3A_349] {strides = array<i32>} : memref<2x80x64xi32, #tpu.memory_space<vmem>>, vector<16xi32>,
          %shift_left3A_351 = arith.shli %get3A_343, %broadcast_in_dim3A_77 : vector<16xi32>
          %bitcast3A_352 = vector.bitcast %shift_left3A_351 : vector<16xi32> to vector<16xf32>
          %shift_left3A_353 = arith.shli %get3A_350, %broadcast_in_dim3A_77 : vector<16xi32>
          %bitcast3A_354 = vector.bitcast %shift_left3A_353 : vector<16xi32> to vector<16xf32>
          %bitcast3A_355 = vector.bitcast %get3A_343 : vector<16xi32> to vector<16xf32>
          %bitcast3A_356 = vector.bitcast %get3A_350 : vector<16xi32> to vector<16xf32>
          %mul3A_357 = arith.mulf %bitcast3A_352, %bitcast3A_354 : vector<16xf32>
          %mul3A_358 = arith.mulf %bitcast3A_355, %bitcast3A_356 : vector<16xf32>
          %add3A_359 = arith.addf %mul3A_357, %mul3A_358 : vector<16xf32>
          %add3A_360 = arith.addf %add3A_336, %add3A_359 : vector<16xf32>
          %add3A_361 = arith.constant 2 : i32
          %add3A_362 = arith.addi %mul3A_126, %add3A_361 : i32
          %get3A_363 = arith.constant 1 : i32
          %get3A_364 = arith.index_cast %get3A_363 : i32 to index
          %get3A_365 = arith.index_cast %add3A_362 : i32 to index
          %get3A_366 = arith.constant 32 : index
          %get3A_367 = tpu.vector_load %arg8[%get3A_364, %get3A_365, %get3A_366] {strides = array<i32>} : memref<2x80x64xi32, #tpu.memory_space<vmem>>, vector<16xi32>,
          %add3A_368 = arith.constant 2 : i32
          %add3A_369 = arith.addi %mul3A_126, %add3A_368 : i32
          %get3A_370 = arith.constant 1 : i32
          %get3A_371 = arith.index_cast %get3A_370 : i32 to index
          %get3A_372 = arith.index_cast %add3A_369 : i32 to index
          %get3A_373 = arith.constant 32 : index
          %get3A_374 = tpu.vector_load %arg9[%get3A_371, %get3A_372, %get3A_373] {strides = array<i32>} : memref<2x80x64xi32, #tpu.memory_space<vmem>>, vector<16xi32>,
          %shift_left3A_375 = arith.shli %get3A_367, %broadcast_in_dim3A_77 : vector<16xi32>
          %bitcast3A_376 = vector.bitcast %shift_left3A_375 : vector<16xi32> to vector<16xf32>
          %shift_left3A_377 = arith.shli %get3A_374, %broadcast_in_dim3A_77 : vector<16xi32>
          %bitcast3A_378 = vector.bitcast %shift_left3A_377 : vector<16xi32> to vector<16xf32>
          %bitcast3A_379 = vector.bitcast %get3A_367 : vector<16xi32> to vector<16xf32>
          %bitcast3A_380 = vector.bitcast %get3A_374 : vector<16xi32> to vector<16xf32>
          %mul3A_381 = arith.mulf %bitcast3A_376, %bitcast3A_378 : vector<16xf32>
          %mul3A_382 = arith.mulf %bitcast3A_379, %bitcast3A_380 : vector<16xf32>
          %add3A_383 = arith.addf %mul3A_381, %mul3A_382 : vector<16xf32>
          %add3A_384 = arith.addf %add3A_360, %add3A_383 : vector<16xf32>
          %add3A_385 = arith.constant 2 : i32
          %add3A_386 = arith.addi %mul3A_126, %add3A_385 : i32
          %get3A_387 = arith.constant 1 : i32
          %get3A_388 = arith.index_cast %get3A_387 : i32 to index
          %get3A_389 = arith.index_cast %add3A_386 : i32 to index
          %get3A_390 = arith.constant 48 : index
          %get3A_391 = tpu.vector_load %arg8[%get3A_388, %get3A_389, %get3A_390] {strides = array<i32>} : memref<2x80x64xi32, #tpu.memory_space<vmem>>, vector<16xi32>,
          %add3A_392 = arith.constant 2 : i32
          %add3A_393 = arith.addi %mul3A_126, %add3A_392 : i32
          %get3A_394 = arith.constant 1 : i32
          %get3A_395 = arith.index_cast %get3A_394 : i32 to index
          %get3A_396 = arith.index_cast %add3A_393 : i32 to index
          %get3A_397 = arith.constant 48 : index
          %get3A_398 = tpu.vector_load %arg9[%get3A_395, %get3A_396, %get3A_397] {strides = array<i32>} : memref<2x80x64xi32, #tpu.memory_space<vmem>>, vector<16xi32>,
          %shift_left3A_399 = arith.shli %get3A_391, %broadcast_in_dim3A_77 : vector<16xi32>
          %bitcast3A_400 = vector.bitcast %shift_left3A_399 : vector<16xi32> to vector<16xf32>
          %shift_left3A_401 = arith.shli %get3A_398, %broadcast_in_dim3A_77 : vector<16xi32>
          %bitcast3A_402 = vector.bitcast %shift_left3A_401 : vector<16xi32> to vector<16xf32>
          %bitcast3A_403 = vector.bitcast %get3A_391 : vector<16xi32> to vector<16xf32>
          %bitcast3A_404 = vector.bitcast %get3A_398 : vector<16xi32> to vector<16xf32>
          %mul3A_405 = arith.mulf %bitcast3A_400, %bitcast3A_402 : vector<16xf32>
          %mul3A_406 = arith.mulf %bitcast3A_403, %bitcast3A_404 : vector<16xf32>
          %add3A_407 = arith.addf %mul3A_405, %mul3A_406 : vector<16xf32>
          %add3A_408 = arith.addf %add3A_384, %add3A_407 : vector<16xf32>
          %add3A_409 = arith.constant 3 : i32
          %add3A_410 = arith.addi %mul3A_126, %add3A_409 : i32
          %get3A_411 = arith.constant 1 : i32
          %get3A_412 = arith.index_cast %get3A_411 : i32 to index
          %get3A_413 = arith.index_cast %add3A_410 : i32 to index
          %get3A_414 = arith.constant 0 : index
          %get3A_415 = tpu.vector_load %arg8[%get3A_412, %get3A_413, %get3A_414] {strides = array<i32>} : memref<2x80x64xi32, #tpu.memory_space<vmem>>, vector<16xi32>,
          %add3A_416 = arith.constant 3 : i32
          %add3A_417 = arith.addi %mul3A_126, %add3A_416 : i32
          %get3A_418 = arith.constant 1 : i32
          %get3A_419 = arith.index_cast %get3A_418 : i32 to index
          %get3A_420 = arith.index_cast %add3A_417 : i32 to index
          %get3A_421 = arith.constant 0 : index
          %get3A_422 = tpu.vector_load %arg9[%get3A_419, %get3A_420, %get3A_421] {strides = array<i32>} : memref<2x80x64xi32, #tpu.memory_space<vmem>>, vector<16xi32>,
          %shift_left3A_423 = arith.shli %get3A_415, %broadcast_in_dim3A_77 : vector<16xi32>
          %bitcast3A_424 = vector.bitcast %shift_left3A_423 : vector<16xi32> to vector<16xf32>
          %shift_left3A_425 = arith.shli %get3A_422, %broadcast_in_dim3A_77 : vector<16xi32>
          %bitcast3A_426 = vector.bitcast %shift_left3A_425 : vector<16xi32> to vector<16xf32>
          %bitcast3A_427 = vector.bitcast %get3A_415 : vector<16xi32> to vector<16xf32>
          %bitcast3A_428 = vector.bitcast %get3A_422 : vector<16xi32> to vector<16xf32>
          %mul3A_429 = arith.mulf %bitcast3A_424, %bitcast3A_426 : vector<16xf32>
          %mul3A_430 = arith.mulf %bitcast3A_427, %bitcast3A_428 : vector<16xf32>
          %add3A_431 = arith.addf %mul3A_429, %mul3A_430 : vector<16xf32>
          %add3A_432 = arith.constant 3 : i32
          %add3A_433 = arith.addi %mul3A_126, %add3A_432 : i32
          %get3A_434 = arith.constant 1 : i32
          %get3A_435 = arith.index_cast %get3A_434 : i32 to index
          %get3A_436 = arith.index_cast %add3A_433 : i32 to index
          %get3A_437 = arith.constant 16 : index
          %get3A_438 = tpu.vector_load %arg8[%get3A_435, %get3A_436, %get3A_437] {strides = array<i32>} : memref<2x80x64xi32, #tpu.memory_space<vmem>>, vector<16xi32>,
          %add3A_439 = arith.constant 3 : i32
          %add3A_440 = arith.addi %mul3A_126, %add3A_439 : i32
          %get3A_441 = arith.constant 1 : i32
          %get3A_442 = arith.index_cast %get3A_441 : i32 to index
          %get3A_443 = arith.index_cast %add3A_440 : i32 to index
          %get3A_444 = arith.constant 16 : index
          %get3A_445 = tpu.vector_load %arg9[%get3A_442, %get3A_443, %get3A_444] {strides = array<i32>} : memref<2x80x64xi32, #tpu.memory_space<vmem>>, vector<16xi32>,
          %shift_left3A_446 = arith.shli %get3A_438, %broadcast_in_dim3A_77 : vector<16xi32>
          %bitcast3A_447 = vector.bitcast %shift_left3A_446 : vector<16xi32> to vector<16xf32>
          %shift_left3A_448 = arith.shli %get3A_445, %broadcast_in_dim3A_77 : vector<16xi32>
          %bitcast3A_449 = vector.bitcast %shift_left3A_448 : vector<16xi32> to vector<16xf32>
          %bitcast3A_450 = vector.bitcast %get3A_438 : vector<16xi32> to vector<16xf32>
          %bitcast3A_451 = vector.bitcast %get3A_445 : vector<16xi32> to vector<16xf32>
          %mul3A_452 = arith.mulf %bitcast3A_447, %bitcast3A_449 : vector<16xf32>
          %mul3A_453 = arith.mulf %bitcast3A_450, %bitcast3A_451 : vector<16xf32>
          %add3A_454 = arith.addf %mul3A_452, %mul3A_453 : vector<16xf32>
          %add3A_455 = arith.addf %add3A_431, %add3A_454 : vector<16xf32>
          %add3A_456 = arith.constant 3 : i32
          %add3A_457 = arith.addi %mul3A_126, %add3A_456 : i32
          %get3A_458 = arith.constant 1 : i32
          %get3A_459 = arith.index_cast %get3A_458 : i32 to index
          %get3A_460 = arith.index_cast %add3A_457 : i32 to index
          %get3A_461 = arith.constant 32 : index
          %get3A_462 = tpu.vector_load %arg8[%get3A_459, %get3A_460, %get3A_461] {strides = array<i32>} : memref<2x80x64xi32, #tpu.memory_space<vmem>>, vector<16xi32>,
          %add3A_463 = arith.constant 3 : i32
          %add3A_464 = arith.addi %mul3A_126, %add3A_463 : i32
          %get3A_465 = arith.constant 1 : i32
          %get3A_466 = arith.index_cast %get3A_465 : i32 to index
          %get3A_467 = arith.index_cast %add3A_464 : i32 to index
          %get3A_468 = arith.constant 32 : index
          %get3A_469 = tpu.vector_load %arg9[%get3A_466, %get3A_467, %get3A_468] {strides = array<i32>} : memref<2x80x64xi32, #tpu.memory_space<vmem>>, vector<16xi32>,
          %shift_left3A_470 = arith.shli %get3A_462, %broadcast_in_dim3A_77 : vector<16xi32>
          %bitcast3A_471 = vector.bitcast %shift_left3A_470 : vector<16xi32> to vector<16xf32>
          %shift_left3A_472 = arith.shli %get3A_469, %broadcast_in_dim3A_77 : vector<16xi32>
          %bitcast3A_473 = vector.bitcast %shift_left3A_472 : vector<16xi32> to vector<16xf32>
          %bitcast3A_474 = vector.bitcast %get3A_462 : vector<16xi32> to vector<16xf32>
          %bitcast3A_475 = vector.bitcast %get3A_469 : vector<16xi32> to vector<16xf32>
          %mul3A_476 = arith.mulf %bitcast3A_471, %bitcast3A_473 : vector<16xf32>
          %mul3A_477 = arith.mulf %bitcast3A_474, %bitcast3A_475 : vector<16xf32>
          %add3A_478 = arith.addf %mul3A_476, %mul3A_477 : vector<16xf32>
          %add3A_479 = arith.addf %add3A_455, %add3A_478 : vector<16xf32>
          %add3A_480 = arith.constant 3 : i32
          %add3A_481 = arith.addi %mul3A_126, %add3A_480 : i32
          %get3A_482 = arith.constant 1 : i32
          %get3A_483 = arith.index_cast %get3A_482 : i32 to index
          %get3A_484 = arith.index_cast %add3A_481 : i32 to index
          %get3A_485 = arith.constant 48 : index
          %get3A_486 = tpu.vector_load %arg8[%get3A_483, %get3A_484, %get3A_485] {strides = array<i32>} : memref<2x80x64xi32, #tpu.memory_space<vmem>>, vector<16xi32>,
          %add3A_487 = arith.constant 3 : i32
          %add3A_488 = arith.addi %mul3A_126, %add3A_487 : i32
          %get3A_489 = arith.constant 1 : i32
          %get3A_490 = arith.index_cast %get3A_489 : i32 to index
          %get3A_491 = arith.index_cast %add3A_488 : i32 to index
          %get3A_492 = arith.constant 48 : index
          %get3A_493 = tpu.vector_load %arg9[%get3A_490, %get3A_491, %get3A_492] {strides = array<i32>} : memref<2x80x64xi32, #tpu.memory_space<vmem>>, vector<16xi32>,
          %shift_left3A_494 = arith.shli %get3A_486, %broadcast_in_dim3A_77 : vector<16xi32>
          %bitcast3A_495 = vector.bitcast %shift_left3A_494 : vector<16xi32> to vector<16xf32>
          %shift_left3A_496 = arith.shli %get3A_493, %broadcast_in_dim3A_77 : vector<16xi32>
          %bitcast3A_497 = vector.bitcast %shift_left3A_496 : vector<16xi32> to vector<16xf32>
          %bitcast3A_498 = vector.bitcast %get3A_486 : vector<16xi32> to vector<16xf32>
          %bitcast3A_499 = vector.bitcast %get3A_493 : vector<16xi32> to vector<16xf32>
          %mul3A_500 = arith.mulf %bitcast3A_495, %bitcast3A_497 : vector<16xf32>
          %mul3A_501 = arith.mulf %bitcast3A_498, %bitcast3A_499 : vector<16xf32>
          %add3A_502 = arith.addf %mul3A_500, %mul3A_501 : vector<16xf32>
          %add3A_503 = arith.addf %add3A_479, %add3A_502 : vector<16xf32>
          %add3A_504 = arith.constant 4 : i32
          %add3A_505 = arith.addi %mul3A_126, %add3A_504 : i32
          %get3A_506 = arith.constant 1 : i32
          %get3A_507 = arith.index_cast %get3A_506 : i32 to index
          %get3A_508 = arith.index_cast %add3A_505 : i32 to index
          %get3A_509 = arith.constant 0 : index
          %get3A_510 = tpu.vector_load %arg8[%get3A_507, %get3A_508, %get3A_509] {strides = array<i32>} : memref<2x80x64xi32, #tpu.memory_space<vmem>>, vector<16xi32>,
          %add3A_511 = arith.constant 4 : i32
          %add3A_512 = arith.addi %mul3A_126, %add3A_511 : i32
          %get3A_513 = arith.constant 1 : i32
          %get3A_514 = arith.index_cast %get3A_513 : i32 to index
          %get3A_515 = arith.index_cast %add3A_512 : i32 to index
          %get3A_516 = arith.constant 0 : index
          %get3A_517 = tpu.vector_load %arg9[%get3A_514, %get3A_515, %get3A_516] {strides = array<i32>} : memref<2x80x64xi32, #tpu.memory_space<vmem>>, vector<16xi32>,
          %shift_left3A_518 = arith.shli %get3A_510, %broadcast_in_dim3A_77 : vector<16xi32>
          %bitcast3A_519 = vector.bitcast %shift_left3A_518 : vector<16xi32> to vector<16xf32>
          %shift_left3A_520 = arith.shli %get3A_517, %broadcast_in_dim3A_77 : vector<16xi32>
          %bitcast3A_521 = vector.bitcast %shift_left3A_520 : vector<16xi32> to vector<16xf32>
          %bitcast3A_522 = vector.bitcast %get3A_510 : vector<16xi32> to vector<16xf32>
          %bitcast3A_523 = vector.bitcast %get3A_517 : vector<16xi32> to vector<16xf32>
          %mul3A_524 = arith.mulf %bitcast3A_519, %bitcast3A_521 : vector<16xf32>
          %mul3A_525 = arith.mulf %bitcast3A_522, %bitcast3A_523 : vector<16xf32>
          %add3A_526 = arith.addf %mul3A_524, %mul3A_525 : vector<16xf32>
          %add3A_527 = arith.constant 4 : i32
          %add3A_528 = arith.addi %mul3A_126, %add3A_527 : i32
          %get3A_529 = arith.constant 1 : i32
          %get3A_530 = arith.index_cast %get3A_529 : i32 to index
          %get3A_531 = arith.index_cast %add3A_528 : i32 to index
          %get3A_532 = arith.constant 16 : index
          %get3A_533 = tpu.vector_load %arg8[%get3A_530, %get3A_531, %get3A_532] {strides = array<i32>} : memref<2x80x64xi32, #tpu.memory_space<vmem>>, vector<16xi32>,
          %add3A_534 = arith.constant 4 : i32
          %add3A_535 = arith.addi %mul3A_126, %add3A_534 : i32
          %get3A_536 = arith.constant 1 : i32
          %get3A_537 = arith.index_cast %get3A_536 : i32 to index
          %get3A_538 = arith.index_cast %add3A_535 : i32 to index
          %get3A_539 = arith.constant 16 : index
          %get3A_540 = tpu.vector_load %arg9[%get3A_537, %get3A_538, %get3A_539] {strides = array<i32>} : memref<2x80x64xi32, #tpu.memory_space<vmem>>, vector<16xi32>,
          %shift_left3A_541 = arith.shli %get3A_533, %broadcast_in_dim3A_77 : vector<16xi32>
          %bitcast3A_542 = vector.bitcast %shift_left3A_541 : vector<16xi32> to vector<16xf32>
          %shift_left3A_543 = arith.shli %get3A_540, %broadcast_in_dim3A_77 : vector<16xi32>
          %bitcast3A_544 = vector.bitcast %shift_left3A_543 : vector<16xi32> to vector<16xf32>
          %bitcast3A_545 = vector.bitcast %get3A_533 : vector<16xi32> to vector<16xf32>
          %bitcast3A_546 = vector.bitcast %get3A_540 : vector<16xi32> to vector<16xf32>
          %mul3A_547 = arith.mulf %bitcast3A_542, %bitcast3A_544 : vector<16xf32>
          %mul3A_548 = arith.mulf %bitcast3A_545, %bitcast3A_546 : vector<16xf32>
          %add3A_549 = arith.addf %mul3A_547, %mul3A_548 : vector<16xf32>
          %add3A_550 = arith.addf %add3A_526, %add3A_549 : vector<16xf32>
          %add3A_551 = arith.constant 4 : i32
          %add3A_552 = arith.addi %mul3A_126, %add3A_551 : i32
          %get3A_553 = arith.constant 1 : i32
          %get3A_554 = arith.index_cast %get3A_553 : i32 to index
          %get3A_555 = arith.index_cast %add3A_552 : i32 to index
          %get3A_556 = arith.constant 32 : index
          %get3A_557 = tpu.vector_load %arg8[%get3A_554, %get3A_555, %get3A_556] {strides = array<i32>} : memref<2x80x64xi32, #tpu.memory_space<vmem>>, vector<16xi32>,
          %add3A_558 = arith.constant 4 : i32
          %add3A_559 = arith.addi %mul3A_126, %add3A_558 : i32
          %get3A_560 = arith.constant 1 : i32
          %get3A_561 = arith.index_cast %get3A_560 : i32 to index
          %get3A_562 = arith.index_cast %add3A_559 : i32 to index
          %get3A_563 = arith.constant 32 : index
          %get3A_564 = tpu.vector_load %arg9[%get3A_561, %get3A_562, %get3A_563] {strides = array<i32>} : memref<2x80x64xi32, #tpu.memory_space<vmem>>, vector<16xi32>,
          %shift_left3A_565 = arith.shli %get3A_557, %broadcast_in_dim3A_77 : vector<16xi32>
          %bitcast3A_566 = vector.bitcast %shift_left3A_565 : vector<16xi32> to vector<16xf32>
          %shift_left3A_567 = arith.shli %get3A_564, %broadcast_in_dim3A_77 : vector<16xi32>
          %bitcast3A_568 = vector.bitcast %shift_left3A_567 : vector<16xi32> to vector<16xf32>
          %bitcast3A_569 = vector.bitcast %get3A_557 : vector<16xi32> to vector<16xf32>
          %bitcast3A_570 = vector.bitcast %get3A_564 : vector<16xi32> to vector<16xf32>
          %mul3A_571 = arith.mulf %bitcast3A_566, %bitcast3A_568 : vector<16xf32>
          %mul3A_572 = arith.mulf %bitcast3A_569, %bitcast3A_570 : vector<16xf32>
          %add3A_573 = arith.addf %mul3A_571, %mul3A_572 : vector<16xf32>
          %add3A_574 = arith.addf %add3A_550, %add3A_573 : vector<16xf32>
          %add3A_575 = arith.constant 4 : i32
          %add3A_576 = arith.addi %mul3A_126, %add3A_575 : i32
          %get3A_577 = arith.constant 1 : i32
          %get3A_578 = arith.index_cast %get3A_577 : i32 to index
          %get3A_579 = arith.index_cast %add3A_576 : i32 to index
          %get3A_580 = arith.constant 48 : index
          %get3A_581 = tpu.vector_load %arg8[%get3A_578, %get3A_579, %get3A_580] {strides = array<i32>} : memref<2x80x64xi32, #tpu.memory_space<vmem>>, vector<16xi32>,
          %add3A_582 = arith.constant 4 : i32
          %add3A_583 = arith.addi %mul3A_126, %add3A_582 : i32
          %get3A_584 = arith.constant 1 : i32
          %get3A_585 = arith.index_cast %get3A_584 : i32 to index
          %get3A_586 = arith.index_cast %add3A_583 : i32 to index
          %get3A_587 = arith.constant 48 : index
          %get3A_588 = tpu.vector_load %arg9[%get3A_585, %get3A_586, %get3A_587] {strides = array<i32>} : memref<2x80x64xi32, #tpu.memory_space<vmem>>, vector<16xi32>,
          %shift_left3A_589 = arith.shli %get3A_581, %broadcast_in_dim3A_77 : vector<16xi32>
          %bitcast3A_590 = vector.bitcast %shift_left3A_589 : vector<16xi32> to vector<16xf32>
          %shift_left3A_591 = arith.shli %get3A_588, %broadcast_in_dim3A_77 : vector<16xi32>
          %bitcast3A_592 = vector.bitcast %shift_left3A_591 : vector<16xi32> to vector<16xf32>
          %bitcast3A_593 = vector.bitcast %get3A_581 : vector<16xi32> to vector<16xf32>
          %bitcast3A_594 = vector.bitcast %get3A_588 : vector<16xi32> to vector<16xf32>
          %mul3A_595 = arith.mulf %bitcast3A_590, %bitcast3A_592 : vector<16xf32>
          %mul3A_596 = arith.mulf %bitcast3A_593, %bitcast3A_594 : vector<16xf32>
          %add3A_597 = arith.addf %mul3A_595, %mul3A_596 : vector<16xf32>
          %add3A_598 = arith.addf %add3A_574, %add3A_597 : vector<16xf32>
          %add3A_599 = arith.constant 5 : i32
          %add3A_600 = arith.addi %mul3A_126, %add3A_599 : i32
          %get3A_601 = arith.constant 1 : i32
          %get3A_602 = arith.index_cast %get3A_601 : i32 to index
          %get3A_603 = arith.index_cast %add3A_600 : i32 to index
          %get3A_604 = arith.constant 0 : index
          %get3A_605 = tpu.vector_load %arg8[%get3A_602, %get3A_603, %get3A_604] {strides = array<i32>} : memref<2x80x64xi32, #tpu.memory_space<vmem>>, vector<16xi32>,
          %add3A_606 = arith.constant 5 : i32
          %add3A_607 = arith.addi %mul3A_126, %add3A_606 : i32
          %get3A_608 = arith.constant 1 : i32
          %get3A_609 = arith.index_cast %get3A_608 : i32 to index
          %get3A_610 = arith.index_cast %add3A_607 : i32 to index
          %get3A_611 = arith.constant 0 : index
          %get3A_612 = tpu.vector_load %arg9[%get3A_609, %get3A_610, %get3A_611] {strides = array<i32>} : memref<2x80x64xi32, #tpu.memory_space<vmem>>, vector<16xi32>,
          %shift_left3A_613 = arith.shli %get3A_605, %broadcast_in_dim3A_77 : vector<16xi32>
          %bitcast3A_614 = vector.bitcast %shift_left3A_613 : vector<16xi32> to vector<16xf32>
          %shift_left3A_615 = arith.shli %get3A_612, %broadcast_in_dim3A_77 : vector<16xi32>
          %bitcast3A_616 = vector.bitcast %shift_left3A_615 : vector<16xi32> to vector<16xf32>
          %bitcast3A_617 = vector.bitcast %get3A_605 : vector<16xi32> to vector<16xf32>
          %bitcast3A_618 = vector.bitcast %get3A_612 : vector<16xi32> to vector<16xf32>
          %mul3A_619 = arith.mulf %bitcast3A_614, %bitcast3A_616 : vector<16xf32>
          %mul3A_620 = arith.mulf %bitcast3A_617, %bitcast3A_618 : vector<16xf32>
          %add3A_621 = arith.addf %mul3A_619, %mul3A_620 : vector<16xf32>
          %add3A_622 = arith.constant 5 : i32
          %add3A_623 = arith.addi %mul3A_126, %add3A_622 : i32
          %get3A_624 = arith.constant 1 : i32
          %get3A_625 = arith.index_cast %get3A_624 : i32 to index
          %get3A_626 = arith.index_cast %add3A_623 : i32 to index
          %get3A_627 = arith.constant 16 : index
          %get3A_628 = tpu.vector_load %arg8[%get3A_625, %get3A_626, %get3A_627] {strides = array<i32>} : memref<2x80x64xi32, #tpu.memory_space<vmem>>, vector<16xi32>,
          %add3A_629 = arith.constant 5 : i32
          %add3A_630 = arith.addi %mul3A_126, %add3A_629 : i32
          %get3A_631 = arith.constant 1 : i32
          %get3A_632 = arith.index_cast %get3A_631 : i32 to index
          %get3A_633 = arith.index_cast %add3A_630 : i32 to index
          %get3A_634 = arith.constant 16 : index
          %get3A_635 = tpu.vector_load %arg9[%get3A_632, %get3A_633, %get3A_634] {strides = array<i32>} : memref<2x80x64xi32, #tpu.memory_space<vmem>>, vector<16xi32>,
          %shift_left3A_636 = arith.shli %get3A_628, %broadcast_in_dim3A_77 : vector<16xi32>
          %bitcast3A_637 = vector.bitcast %shift_left3A_636 : vector<16xi32> to vector<16xf32>
          %shift_left3A_638 = arith.shli %get3A_635, %broadcast_in_dim3A_77 : vector<16xi32>
          %bitcast3A_639 = vector.bitcast %shift_left3A_638 : vector<16xi32> to vector<16xf32>
          %bitcast3A_640 = vector.bitcast %get3A_628 : vector<16xi32> to vector<16xf32>
          %bitcast3A_641 = vector.bitcast %get3A_635 : vector<16xi32> to vector<16xf32>
          %mul3A_642 = arith.mulf %bitcast3A_637, %bitcast3A_639 : vector<16xf32>
          %mul3A_643 = arith.mulf %bitcast3A_640, %bitcast3A_641 : vector<16xf32>
          %add3A_644 = arith.addf %mul3A_642, %mul3A_643 : vector<16xf32>
          %add3A_645 = arith.addf %add3A_621, %add3A_644 : vector<16xf32>
          %add3A_646 = arith.constant 5 : i32
          %add3A_647 = arith.addi %mul3A_126, %add3A_646 : i32
          %get3A_648 = arith.constant 1 : i32
          %get3A_649 = arith.index_cast %get3A_648 : i32 to index
          %get3A_650 = arith.index_cast %add3A_647 : i32 to index
          %get3A_651 = arith.constant 32 : index
          %get3A_652 = tpu.vector_load %arg8[%get3A_649, %get3A_650, %get3A_651] {strides = array<i32>} : memref<2x80x64xi32, #tpu.memory_space<vmem>>, vector<16xi32>,
          %add3A_653 = arith.constant 5 : i32
          %add3A_654 = arith.addi %mul3A_126, %add3A_653 : i32
          %get3A_655 = arith.constant 1 : i32
          %get3A_656 = arith.index_cast %get3A_655 : i32 to index
          %get3A_657 = arith.index_cast %add3A_654 : i32 to index
          %get3A_658 = arith.constant 32 : index
          %get3A_659 = tpu.vector_load %arg9[%get3A_656, %get3A_657, %get3A_658] {strides = array<i32>} : memref<2x80x64xi32, #tpu.memory_space<vmem>>, vector<16xi32>,
          %shift_left3A_660 = arith.shli %get3A_652, %broadcast_in_dim3A_77 : vector<16xi32>
          %bitcast3A_661 = vector.bitcast %shift_left3A_660 : vector<16xi32> to vector<16xf32>
          %shift_left3A_662 = arith.shli %get3A_659, %broadcast_in_dim3A_77 : vector<16xi32>
          %bitcast3A_663 = vector.bitcast %shift_left3A_662 : vector<16xi32> to vector<16xf32>
          %bitcast3A_664 = vector.bitcast %get3A_652 : vector<16xi32> to vector<16xf32>
          %bitcast3A_665 = vector.bitcast %get3A_659 : vector<16xi32> to vector<16xf32>
          %mul3A_666 = arith.mulf %bitcast3A_661, %bitcast3A_663 : vector<16xf32>
          %mul3A_667 = arith.mulf %bitcast3A_664, %bitcast3A_665 : vector<16xf32>
          %add3A_668 = arith.addf %mul3A_666, %mul3A_667 : vector<16xf32>
          %add3A_669 = arith.addf %add3A_645, %add3A_668 : vector<16xf32>
          %add3A_670 = arith.constant 5 : i32
          %add3A_671 = arith.addi %mul3A_126, %add3A_670 : i32
          %get3A_672 = arith.constant 1 : i32
          %get3A_673 = arith.index_cast %get3A_672 : i32 to index
          %get3A_674 = arith.index_cast %add3A_671 : i32 to index
          %get3A_675 = arith.constant 48 : index
          %get3A_676 = tpu.vector_load %arg8[%get3A_673, %get3A_674, %get3A_675] {strides = array<i32>} : memref<2x80x64xi32, #tpu.memory_space<vmem>>, vector<16xi32>,
          %add3A_677 = arith.constant 5 : i32
          %add3A_678 = arith.addi %mul3A_126, %add3A_677 : i32
          %get3A_679 = arith.constant 1 : i32
          %get3A_680 = arith.index_cast %get3A_679 : i32 to index
          %get3A_681 = arith.index_cast %add3A_678 : i32 to index
          %get3A_682 = arith.constant 48 : index
          %get3A_683 = tpu.vector_load %arg9[%get3A_680, %get3A_681, %get3A_682] {strides = array<i32>} : memref<2x80x64xi32, #tpu.memory_space<vmem>>, vector<16xi32>,
          %shift_left3A_684 = arith.shli %get3A_676, %broadcast_in_dim3A_77 : vector<16xi32>
          %bitcast3A_685 = vector.bitcast %shift_left3A_684 : vector<16xi32> to vector<16xf32>
          %shift_left3A_686 = arith.shli %get3A_683, %broadcast_in_dim3A_77 : vector<16xi32>
          %bitcast3A_687 = vector.bitcast %shift_left3A_686 : vector<16xi32> to vector<16xf32>
          %bitcast3A_688 = vector.bitcast %get3A_676 : vector<16xi32> to vector<16xf32>
          %bitcast3A_689 = vector.bitcast %get3A_683 : vector<16xi32> to vector<16xf32>
          %mul3A_690 = arith.mulf %bitcast3A_685, %bitcast3A_687 : vector<16xf32>
          %mul3A_691 = arith.mulf %bitcast3A_688, %bitcast3A_689 : vector<16xf32>
          %add3A_692 = arith.addf %mul3A_690, %mul3A_691 : vector<16xf32>
          %add3A_693 = arith.addf %add3A_669, %add3A_692 : vector<16xf32>
          %add3A_694 = arith.constant 6 : i32
          %add3A_695 = arith.addi %mul3A_126, %add3A_694 : i32
          %get3A_696 = arith.constant 1 : i32
          %get3A_697 = arith.index_cast %get3A_696 : i32 to index
          %get3A_698 = arith.index_cast %add3A_695 : i32 to index
          %get3A_699 = arith.constant 0 : index
          %get3A_700 = tpu.vector_load %arg8[%get3A_697, %get3A_698, %get3A_699] {strides = array<i32>} : memref<2x80x64xi32, #tpu.memory_space<vmem>>, vector<16xi32>,
          %add3A_701 = arith.constant 6 : i32
          %add3A_702 = arith.addi %mul3A_126, %add3A_701 : i32
          %get3A_703 = arith.constant 1 : i32
          %get3A_704 = arith.index_cast %get3A_703 : i32 to index
          %get3A_705 = arith.index_cast %add3A_702 : i32 to index
          %get3A_706 = arith.constant 0 : index
          %get3A_707 = tpu.vector_load %arg9[%get3A_704, %get3A_705, %get3A_706] {strides = array<i32>} : memref<2x80x64xi32, #tpu.memory_space<vmem>>, vector<16xi32>,
          %shift_left3A_708 = arith.shli %get3A_700, %broadcast_in_dim3A_77 : vector<16xi32>
          %bitcast3A_709 = vector.bitcast %shift_left3A_708 : vector<16xi32> to vector<16xf32>
          %shift_left3A_710 = arith.shli %get3A_707, %broadcast_in_dim3A_77 : vector<16xi32>
          %bitcast3A_711 = vector.bitcast %shift_left3A_710 : vector<16xi32> to vector<16xf32>
          %bitcast3A_712 = vector.bitcast %get3A_700 : vector<16xi32> to vector<16xf32>
          %bitcast3A_713 = vector.bitcast %get3A_707 : vector<16xi32> to vector<16xf32>
          %mul3A_714 = arith.mulf %bitcast3A_709, %bitcast3A_711 : vector<16xf32>
          %mul3A_715 = arith.mulf %bitcast3A_712, %bitcast3A_713 : vector<16xf32>
          %add3A_716 = arith.addf %mul3A_714, %mul3A_715 : vector<16xf32>
          %add3A_717 = arith.constant 6 : i32
          %add3A_718 = arith.addi %mul3A_126, %add3A_717 : i32
          %get3A_719 = arith.constant 1 : i32
          %get3A_720 = arith.index_cast %get3A_719 : i32 to index
          %get3A_721 = arith.index_cast %add3A_718 : i32 to index
          %get3A_722 = arith.constant 16 : index
          %get3A_723 = tpu.vector_load %arg8[%get3A_720, %get3A_721, %get3A_722] {strides = array<i32>} : memref<2x80x64xi32, #tpu.memory_space<vmem>>, vector<16xi32>,
          %add3A_724 = arith.constant 6 : i32
          %add3A_725 = arith.addi %mul3A_126, %add3A_724 : i32
          %get3A_726 = arith.constant 1 : i32
          %get3A_727 = arith.index_cast %get3A_726 : i32 to index
          %get3A_728 = arith.index_cast %add3A_725 : i32 to index
          %get3A_729 = arith.constant 16 : index
          %get3A_730 = tpu.vector_load %arg9[%get3A_727, %get3A_728, %get3A_729] {strides = array<i32>} : memref<2x80x64xi32, #tpu.memory_space<vmem>>, vector<16xi32>,
          %shift_left3A_731 = arith.shli %get3A_723, %broadcast_in_dim3A_77 : vector<16xi32>
          %bitcast3A_732 = vector.bitcast %shift_left3A_731 : vector<16xi32> to vector<16xf32>
          %shift_left3A_733 = arith.shli %get3A_730, %broadcast_in_dim3A_77 : vector<16xi32>
          %bitcast3A_734 = vector.bitcast %shift_left3A_733 : vector<16xi32> to vector<16xf32>
          %bitcast3A_735 = vector.bitcast %get3A_723 : vector<16xi32> to vector<16xf32>
          %bitcast3A_736 = vector.bitcast %get3A_730 : vector<16xi32> to vector<16xf32>
          %mul3A_737 = arith.mulf %bitcast3A_732, %bitcast3A_734 : vector<16xf32>
          %mul3A_738 = arith.mulf %bitcast3A_735, %bitcast3A_736 : vector<16xf32>
          %add3A_739 = arith.addf %mul3A_737, %mul3A_738 : vector<16xf32>
          %add3A_740 = arith.addf %add3A_716, %add3A_739 : vector<16xf32>
          %add3A_741 = arith.constant 6 : i32
          %add3A_742 = arith.addi %mul3A_126, %add3A_741 : i32
          %get3A_743 = arith.constant 1 : i32
          %get3A_744 = arith.index_cast %get3A_743 : i32 to index
          %get3A_745 = arith.index_cast %add3A_742 : i32 to index
          %get3A_746 = arith.constant 32 : index
          %get3A_747 = tpu.vector_load %arg8[%get3A_744, %get3A_745, %get3A_746] {strides = array<i32>} : memref<2x80x64xi32, #tpu.memory_space<vmem>>, vector<16xi32>,
          %add3A_748 = arith.constant 6 : i32
          %add3A_749 = arith.addi %mul3A_126, %add3A_748 : i32
          %get3A_750 = arith.constant 1 : i32
          %get3A_751 = arith.index_cast %get3A_750 : i32 to index
          %get3A_752 = arith.index_cast %add3A_749 : i32 to index
          %get3A_753 = arith.constant 32 : index
          %get3A_754 = tpu.vector_load %arg9[%get3A_751, %get3A_752, %get3A_753] {strides = array<i32>} : memref<2x80x64xi32, #tpu.memory_space<vmem>>, vector<16xi32>,
          %shift_left3A_755 = arith.shli %get3A_747, %broadcast_in_dim3A_77 : vector<16xi32>
          %bitcast3A_756 = vector.bitcast %shift_left3A_755 : vector<16xi32> to vector<16xf32>
          %shift_left3A_757 = arith.shli %get3A_754, %broadcast_in_dim3A_77 : vector<16xi32>
          %bitcast3A_758 = vector.bitcast %shift_left3A_757 : vector<16xi32> to vector<16xf32>
          %bitcast3A_759 = vector.bitcast %get3A_747 : vector<16xi32> to vector<16xf32>
          %bitcast3A_760 = vector.bitcast %get3A_754 : vector<16xi32> to vector<16xf32>
          %mul3A_761 = arith.mulf %bitcast3A_756, %bitcast3A_758 : vector<16xf32>
          %mul3A_762 = arith.mulf %bitcast3A_759, %bitcast3A_760 : vector<16xf32>
          %add3A_763 = arith.addf %mul3A_761, %mul3A_762 : vector<16xf32>
          %add3A_764 = arith.addf %add3A_740, %add3A_763 : vector<16xf32>
          %add3A_765 = arith.constant 6 : i32
          %add3A_766 = arith.addi %mul3A_126, %add3A_765 : i32
          %get3A_767 = arith.constant 1 : i32
          %get3A_768 = arith.index_cast %get3A_767 : i32 to index
          %get3A_769 = arith.index_cast %add3A_766 : i32 to index
          %get3A_770 = arith.constant 48 : index
          %get3A_771 = tpu.vector_load %arg8[%get3A_768, %get3A_769, %get3A_770] {strides = array<i32>} : memref<2x80x64xi32, #tpu.memory_space<vmem>>, vector<16xi32>,
          %add3A_772 = arith.constant 6 : i32
          %add3A_773 = arith.addi %mul3A_126, %add3A_772 : i32
          %get3A_774 = arith.constant 1 : i32
          %get3A_775 = arith.index_cast %get3A_774 : i32 to index
          %get3A_776 = arith.index_cast %add3A_773 : i32 to index
          %get3A_777 = arith.constant 48 : index
          %get3A_778 = tpu.vector_load %arg9[%get3A_775, %get3A_776, %get3A_777] {strides = array<i32>} : memref<2x80x64xi32, #tpu.memory_space<vmem>>, vector<16xi32>,
          %shift_left3A_779 = arith.shli %get3A_771, %broadcast_in_dim3A_77 : vector<16xi32>
          %bitcast3A_780 = vector.bitcast %shift_left3A_779 : vector<16xi32> to vector<16xf32>
          %shift_left3A_781 = arith.shli %get3A_778, %broadcast_in_dim3A_77 : vector<16xi32>
          %bitcast3A_782 = vector.bitcast %shift_left3A_781 : vector<16xi32> to vector<16xf32>
          %bitcast3A_783 = vector.bitcast %get3A_771 : vector<16xi32> to vector<16xf32>
          %bitcast3A_784 = vector.bitcast %get3A_778 : vector<16xi32> to vector<16xf32>
          %mul3A_785 = arith.mulf %bitcast3A_780, %bitcast3A_782 : vector<16xf32>
          %mul3A_786 = arith.mulf %bitcast3A_783, %bitcast3A_784 : vector<16xf32>
          %add3A_787 = arith.addf %mul3A_785, %mul3A_786 : vector<16xf32>
          %add3A_788 = arith.addf %add3A_764, %add3A_787 : vector<16xf32>
          %add3A_789 = arith.constant 7 : i32
          %add3A_790 = arith.addi %mul3A_126, %add3A_789 : i32
          %get3A_791 = arith.constant 1 : i32
          %get3A_792 = arith.index_cast %get3A_791 : i32 to index
          %get3A_793 = arith.index_cast %add3A_790 : i32 to index
          %get3A_794 = arith.constant 0 : index
          %get3A_795 = tpu.vector_load %arg8[%get3A_792, %get3A_793, %get3A_794] {strides = array<i32>} : memref<2x80x64xi32, #tpu.memory_space<vmem>>, vector<16xi32>,
          %add3A_796 = arith.constant 7 : i32
          %add3A_797 = arith.addi %mul3A_126, %add3A_796 : i32
          %get3A_798 = arith.constant 1 : i32
          %get3A_799 = arith.index_cast %get3A_798 : i32 to index
          %get3A_800 = arith.index_cast %add3A_797 : i32 to index
          %get3A_801 = arith.constant 0 : index
          %get3A_802 = tpu.vector_load %arg9[%get3A_799, %get3A_800, %get3A_801] {strides = array<i32>} : memref<2x80x64xi32, #tpu.memory_space<vmem>>, vector<16xi32>,
          %shift_left3A_803 = arith.shli %get3A_795, %broadcast_in_dim3A_77 : vector<16xi32>
          %bitcast3A_804 = vector.bitcast %shift_left3A_803 : vector<16xi32> to vector<16xf32>
          %shift_left3A_805 = arith.shli %get3A_802, %broadcast_in_dim3A_77 : vector<16xi32>
          %bitcast3A_806 = vector.bitcast %shift_left3A_805 : vector<16xi32> to vector<16xf32>
          %bitcast3A_807 = vector.bitcast %get3A_795 : vector<16xi32> to vector<16xf32>
          %bitcast3A_808 = vector.bitcast %get3A_802 : vector<16xi32> to vector<16xf32>
          %mul3A_809 = arith.mulf %bitcast3A_804, %bitcast3A_806 : vector<16xf32>
          %mul3A_810 = arith.mulf %bitcast3A_807, %bitcast3A_808 : vector<16xf32>
          %add3A_811 = arith.addf %mul3A_809, %mul3A_810 : vector<16xf32>
          %add3A_812 = arith.constant 7 : i32
          %add3A_813 = arith.addi %mul3A_126, %add3A_812 : i32
          %get3A_814 = arith.constant 1 : i32
          %get3A_815 = arith.index_cast %get3A_814 : i32 to index
          %get3A_816 = arith.index_cast %add3A_813 : i32 to index
          %get3A_817 = arith.constant 16 : index
          %get3A_818 = tpu.vector_load %arg8[%get3A_815, %get3A_816, %get3A_817] {strides = array<i32>} : memref<2x80x64xi32, #tpu.memory_space<vmem>>, vector<16xi32>,
          %add3A_819 = arith.constant 7 : i32
          %add3A_820 = arith.addi %mul3A_126, %add3A_819 : i32
          %get3A_821 = arith.constant 1 : i32
          %get3A_822 = arith.index_cast %get3A_821 : i32 to index
          %get3A_823 = arith.index_cast %add3A_820 : i32 to index
          %get3A_824 = arith.constant 16 : index
          %get3A_825 = tpu.vector_load %arg9[%get3A_822, %get3A_823, %get3A_824] {strides = array<i32>} : memref<2x80x64xi32, #tpu.memory_space<vmem>>, vector<16xi32>,
          %shift_left3A_826 = arith.shli %get3A_818, %broadcast_in_dim3A_77 : vector<16xi32>
          %bitcast3A_827 = vector.bitcast %shift_left3A_826 : vector<16xi32> to vector<16xf32>
          %shift_left3A_828 = arith.shli %get3A_825, %broadcast_in_dim3A_77 : vector<16xi32>
          %bitcast3A_829 = vector.bitcast %shift_left3A_828 : vector<16xi32> to vector<16xf32>
          %bitcast3A_830 = vector.bitcast %get3A_818 : vector<16xi32> to vector<16xf32>
          %bitcast3A_831 = vector.bitcast %get3A_825 : vector<16xi32> to vector<16xf32>
          %mul3A_832 = arith.mulf %bitcast3A_827, %bitcast3A_829 : vector<16xf32>
          %mul3A_833 = arith.mulf %bitcast3A_830, %bitcast3A_831 : vector<16xf32>
          %add3A_834 = arith.addf %mul3A_832, %mul3A_833 : vector<16xf32>
          %add3A_835 = arith.addf %add3A_811, %add3A_834 : vector<16xf32>
          %add3A_836 = arith.constant 7 : i32
          %add3A_837 = arith.addi %mul3A_126, %add3A_836 : i32
          %get3A_838 = arith.constant 1 : i32
          %get3A_839 = arith.index_cast %get3A_838 : i32 to index
          %get3A_840 = arith.index_cast %add3A_837 : i32 to index
          %get3A_841 = arith.constant 32 : index
          %get3A_842 = tpu.vector_load %arg8[%get3A_839, %get3A_840, %get3A_841] {strides = array<i32>} : memref<2x80x64xi32, #tpu.memory_space<vmem>>, vector<16xi32>,
          %add3A_843 = arith.constant 7 : i32
          %add3A_844 = arith.addi %mul3A_126, %add3A_843 : i32
          %get3A_845 = arith.constant 1 : i32
          %get3A_846 = arith.index_cast %get3A_845 : i32 to index
          %get3A_847 = arith.index_cast %add3A_844 : i32 to index
          %get3A_848 = arith.constant 32 : index
          %get3A_849 = tpu.vector_load %arg9[%get3A_846, %get3A_847, %get3A_848] {strides = array<i32>} : memref<2x80x64xi32, #tpu.memory_space<vmem>>, vector<16xi32>,
          %shift_left3A_850 = arith.shli %get3A_842, %broadcast_in_dim3A_77 : vector<16xi32>
          %bitcast3A_851 = vector.bitcast %shift_left3A_850 : vector<16xi32> to vector<16xf32>
          %shift_left3A_852 = arith.shli %get3A_849, %broadcast_in_dim3A_77 : vector<16xi32>
          %bitcast3A_853 = vector.bitcast %shift_left3A_852 : vector<16xi32> to vector<16xf32>
          %bitcast3A_854 = vector.bitcast %get3A_842 : vector<16xi32> to vector<16xf32>
          %bitcast3A_855 = vector.bitcast %get3A_849 : vector<16xi32> to vector<16xf32>
          %mul3A_856 = arith.mulf %bitcast3A_851, %bitcast3A_853 : vector<16xf32>
          %mul3A_857 = arith.mulf %bitcast3A_854, %bitcast3A_855 : vector<16xf32>
          %add3A_858 = arith.addf %mul3A_856, %mul3A_857 : vector<16xf32>
          %add3A_859 = arith.addf %add3A_835, %add3A_858 : vector<16xf32>
          %add3A_860 = arith.constant 7 : i32
          %add3A_861 = arith.addi %mul3A_126, %add3A_860 : i32
          %get3A_862 = arith.constant 1 : i32
          %get3A_863 = arith.index_cast %get3A_862 : i32 to index
          %get3A_864 = arith.index_cast %add3A_861 : i32 to index
          %get3A_865 = arith.constant 48 : index
          %get3A_866 = tpu.vector_load %arg8[%get3A_863, %get3A_864, %get3A_865] {strides = array<i32>} : memref<2x80x64xi32, #tpu.memory_space<vmem>>, vector<16xi32>,
          %add3A_867 = arith.constant 7 : i32
          %add3A_868 = arith.addi %mul3A_126, %add3A_867 : i32
          %get3A_869 = arith.constant 1 : i32
          %get3A_870 = arith.index_cast %get3A_869 : i32 to index
          %get3A_871 = arith.index_cast %add3A_868 : i32 to index
          %get3A_872 = arith.constant 48 : index
          %get3A_873 = tpu.vector_load %arg9[%get3A_870, %get3A_871, %get3A_872] {strides = array<i32>} : memref<2x80x64xi32, #tpu.memory_space<vmem>>, vector<16xi32>,
          %shift_left3A_874 = arith.shli %get3A_866, %broadcast_in_dim3A_77 : vector<16xi32>
          %bitcast3A_875 = vector.bitcast %shift_left3A_874 : vector<16xi32> to vector<16xf32>
          %shift_left3A_876 = arith.shli %get3A_873, %broadcast_in_dim3A_77 : vector<16xi32>
          %bitcast3A_877 = vector.bitcast %shift_left3A_876 : vector<16xi32> to vector<16xf32>
          %bitcast3A_878 = vector.bitcast %get3A_866 : vector<16xi32> to vector<16xf32>
          %bitcast3A_879 = vector.bitcast %get3A_873 : vector<16xi32> to vector<16xf32>
          %mul3A_880 = arith.mulf %bitcast3A_875, %bitcast3A_877 : vector<16xf32>
          %mul3A_881 = arith.mulf %bitcast3A_878, %bitcast3A_879 : vector<16xf32>
          %add3A_882 = arith.addf %mul3A_880, %mul3A_881 : vector<16xf32>
          %add3A_883 = arith.addf %add3A_859, %add3A_882 : vector<16xf32>
          %add3A_884 = arith.constant 8 : i32
          %add3A_885 = arith.addi %mul3A_126, %add3A_884 : i32
          %get3A_886 = arith.constant 1 : i32
          %get3A_887 = arith.index_cast %get3A_886 : i32 to index
          %get3A_888 = arith.index_cast %add3A_885 : i32 to index
          %get3A_889 = arith.constant 0 : index
          %get3A_890 = tpu.vector_load %arg8[%get3A_887, %get3A_888, %get3A_889] {strides = array<i32>} : memref<2x80x64xi32, #tpu.memory_space<vmem>>, vector<16xi32>,
          %add3A_891 = arith.constant 8 : i32
          %add3A_892 = arith.addi %mul3A_126, %add3A_891 : i32
          %get3A_893 = arith.constant 1 : i32
          %get3A_894 = arith.index_cast %get3A_893 : i32 to index
          %get3A_895 = arith.index_cast %add3A_892 : i32 to index
          %get3A_896 = arith.constant 0 : index
          %get3A_897 = tpu.vector_load %arg9[%get3A_894, %get3A_895, %get3A_896] {strides = array<i32>} : memref<2x80x64xi32, #tpu.memory_space<vmem>>, vector<16xi32>,
          %shift_left3A_898 = arith.shli %get3A_890, %broadcast_in_dim3A_77 : vector<16xi32>
          %bitcast3A_899 = vector.bitcast %shift_left3A_898 : vector<16xi32> to vector<16xf32>
          %shift_left3A_900 = arith.shli %get3A_897, %broadcast_in_dim3A_77 : vector<16xi32>
          %bitcast3A_901 = vector.bitcast %shift_left3A_900 : vector<16xi32> to vector<16xf32>
          %bitcast3A_902 = vector.bitcast %get3A_890 : vector<16xi32> to vector<16xf32>
          %bitcast3A_903 = vector.bitcast %get3A_897 : vector<16xi32> to vector<16xf32>
          %mul3A_904 = arith.mulf %bitcast3A_899, %bitcast3A_901 : vector<16xf32>
          %mul3A_905 = arith.mulf %bitcast3A_902, %bitcast3A_903 : vector<16xf32>
          %add3A_906 = arith.addf %mul3A_904, %mul3A_905 : vector<16xf32>
          %add3A_907 = arith.constant 8 : i32
          %add3A_908 = arith.addi %mul3A_126, %add3A_907 : i32
          %get3A_909 = arith.constant 1 : i32
          %get3A_910 = arith.index_cast %get3A_909 : i32 to index
          %get3A_911 = arith.index_cast %add3A_908 : i32 to index
          %get3A_912 = arith.constant 16 : index
          %get3A_913 = tpu.vector_load %arg8[%get3A_910, %get3A_911, %get3A_912] {strides = array<i32>} : memref<2x80x64xi32, #tpu.memory_space<vmem>>, vector<16xi32>,
          %add3A_914 = arith.constant 8 : i32
          %add3A_915 = arith.addi %mul3A_126, %add3A_914 : i32
          %get3A_916 = arith.constant 1 : i32
          %get3A_917 = arith.index_cast %get3A_916 : i32 to index
          %get3A_918 = arith.index_cast %add3A_915 : i32 to index
          %get3A_919 = arith.constant 16 : index
          %get3A_920 = tpu.vector_load %arg9[%get3A_917, %get3A_918, %get3A_919] {strides = array<i32>} : memref<2x80x64xi32, #tpu.memory_space<vmem>>, vector<16xi32>,
          %shift_left3A_921 = arith.shli %get3A_913, %broadcast_in_dim3A_77 : vector<16xi32>
          %bitcast3A_922 = vector.bitcast %shift_left3A_921 : vector<16xi32> to vector<16xf32>
          %shift_left3A_923 = arith.shli %get3A_920, %broadcast_in_dim3A_77 : vector<16xi32>
          %bitcast3A_924 = vector.bitcast %shift_left3A_923 : vector<16xi32> to vector<16xf32>
          %bitcast3A_925 = vector.bitcast %get3A_913 : vector<16xi32> to vector<16xf32>
          %bitcast3A_926 = vector.bitcast %get3A_920 : vector<16xi32> to vector<16xf32>
          %mul3A_927 = arith.mulf %bitcast3A_922, %bitcast3A_924 : vector<16xf32>
          %mul3A_928 = arith.mulf %bitcast3A_925, %bitcast3A_926 : vector<16xf32>
          %add3A_929 = arith.addf %mul3A_927, %mul3A_928 : vector<16xf32>
          %add3A_930 = arith.addf %add3A_906, %add3A_929 : vector<16xf32>
          %add3A_931 = arith.constant 8 : i32
          %add3A_932 = arith.addi %mul3A_126, %add3A_931 : i32
          %get3A_933 = arith.constant 1 : i32
          %get3A_934 = arith.index_cast %get3A_933 : i32 to index
          %get3A_935 = arith.index_cast %add3A_932 : i32 to index
          %get3A_936 = arith.constant 32 : index
          %get3A_937 = tpu.vector_load %arg8[%get3A_934, %get3A_935, %get3A_936] {strides = array<i32>} : memref<2x80x64xi32, #tpu.memory_space<vmem>>, vector<16xi32>,
          %add3A_938 = arith.constant 8 : i32
          %add3A_939 = arith.addi %mul3A_126, %add3A_938 : i32
          %get3A_940 = arith.constant 1 : i32
          %get3A_941 = arith.index_cast %get3A_940 : i32 to index
          %get3A_942 = arith.index_cast %add3A_939 : i32 to index
          %get3A_943 = arith.constant 32 : index
          %get3A_944 = tpu.vector_load %arg9[%get3A_941, %get3A_942, %get3A_943] {strides = array<i32>} : memref<2x80x64xi32, #tpu.memory_space<vmem>>, vector<16xi32>,
          %shift_left3A_945 = arith.shli %get3A_937, %broadcast_in_dim3A_77 : vector<16xi32>
          %bitcast3A_946 = vector.bitcast %shift_left3A_945 : vector<16xi32> to vector<16xf32>
          %shift_left3A_947 = arith.shli %get3A_944, %broadcast_in_dim3A_77 : vector<16xi32>
          %bitcast3A_948 = vector.bitcast %shift_left3A_947 : vector<16xi32> to vector<16xf32>
          %bitcast3A_949 = vector.bitcast %get3A_937 : vector<16xi32> to vector<16xf32>
          %bitcast3A_950 = vector.bitcast %get3A_944 : vector<16xi32> to vector<16xf32>
          %mul3A_951 = arith.mulf %bitcast3A_946, %bitcast3A_948 : vector<16xf32>
          %mul3A_952 = arith.mulf %bitcast3A_949, %bitcast3A_950 : vector<16xf32>
          %add3A_953 = arith.addf %mul3A_951, %mul3A_952 : vector<16xf32>
          %add3A_954 = arith.addf %add3A_930, %add3A_953 : vector<16xf32>
          %add3A_955 = arith.constant 8 : i32
          %add3A_956 = arith.addi %mul3A_126, %add3A_955 : i32
          %get3A_957 = arith.constant 1 : i32
          %get3A_958 = arith.index_cast %get3A_957 : i32 to index
          %get3A_959 = arith.index_cast %add3A_956 : i32 to index
          %get3A_960 = arith.constant 48 : index
          %get3A_961 = tpu.vector_load %arg8[%get3A_958, %get3A_959, %get3A_960] {strides = array<i32>} : memref<2x80x64xi32, #tpu.memory_space<vmem>>, vector<16xi32>,
          %add3A_962 = arith.constant 8 : i32
          %add3A_963 = arith.addi %mul3A_126, %add3A_962 : i32
          %get3A_964 = arith.constant 1 : i32
          %get3A_965 = arith.index_cast %get3A_964 : i32 to index
          %get3A_966 = arith.index_cast %add3A_963 : i32 to index
          %get3A_967 = arith.constant 48 : index
          %get3A_968 = tpu.vector_load %arg9[%get3A_965, %get3A_966, %get3A_967] {strides = array<i32>} : memref<2x80x64xi32, #tpu.memory_space<vmem>>, vector<16xi32>,
          %shift_left3A_969 = arith.shli %get3A_961, %broadcast_in_dim3A_77 : vector<16xi32>
          %bitcast3A_970 = vector.bitcast %shift_left3A_969 : vector<16xi32> to vector<16xf32>
          %shift_left3A_971 = arith.shli %get3A_968, %broadcast_in_dim3A_77 : vector<16xi32>
          %bitcast3A_972 = vector.bitcast %shift_left3A_971 : vector<16xi32> to vector<16xf32>
          %bitcast3A_973 = vector.bitcast %get3A_961 : vector<16xi32> to vector<16xf32>
          %bitcast3A_974 = vector.bitcast %get3A_968 : vector<16xi32> to vector<16xf32>
          %mul3A_975 = arith.mulf %bitcast3A_970, %bitcast3A_972 : vector<16xf32>
          %mul3A_976 = arith.mulf %bitcast3A_973, %bitcast3A_974 : vector<16xf32>
          %add3A_977 = arith.addf %mul3A_975, %mul3A_976 : vector<16xf32>
          %add3A_978 = arith.addf %add3A_954, %add3A_977 : vector<16xf32>
          %add3A_979 = arith.constant 9 : i32
          %add3A_980 = arith.addi %mul3A_126, %add3A_979 : i32
          %get3A_981 = arith.constant 1 : i32
          %get3A_982 = arith.index_cast %get3A_981 : i32 to index
          %get3A_983 = arith.index_cast %add3A_980 : i32 to index
          %get3A_984 = arith.constant 0 : index
          %get3A_985 = tpu.vector_load %arg8[%get3A_982, %get3A_983, %get3A_984] {strides = array<i32>} : memref<2x80x64xi32, #tpu.memory_space<vmem>>, vector<16xi32>,
          %add3A_986 = arith.constant 9 : i32
          %add3A_987 = arith.addi %mul3A_126, %add3A_986 : i32
          %get3A_988 = arith.constant 1 : i32
          %get3A_989 = arith.index_cast %get3A_988 : i32 to index
          %get3A_990 = arith.index_cast %add3A_987 : i32 to index
          %get3A_991 = arith.constant 0 : index
          %get3A_992 = tpu.vector_load %arg9[%get3A_989, %get3A_990, %get3A_991] {strides = array<i32>} : memref<2x80x64xi32, #tpu.memory_space<vmem>>, vector<16xi32>,
          %shift_left3A_993 = arith.shli %get3A_985, %broadcast_in_dim3A_77 : vector<16xi32>
          %bitcast3A_994 = vector.bitcast %shift_left3A_993 : vector<16xi32> to vector<16xf32>
          %shift_left3A_995 = arith.shli %get3A_992, %broadcast_in_dim3A_77 : vector<16xi32>
          %bitcast3A_996 = vector.bitcast %shift_left3A_995 : vector<16xi32> to vector<16xf32>
          %bitcast3A_997 = vector.bitcast %get3A_985 : vector<16xi32> to vector<16xf32>
          %bitcast3A_998 = vector.bitcast %get3A_992 : vector<16xi32> to vector<16xf32>
          %mul3A_999 = arith.mulf %bitcast3A_994, %bitcast3A_996 : vector<16xf32>
          %mul3A_1000 = arith.mulf %bitcast3A_997, %bitcast3A_998 : vector<16xf32>
          %add3A_1001 = arith.addf %mul3A_999, %mul3A_1000 : vector<16xf32>
          %add3A_1002 = arith.constant 9 : i32
          %add3A_1003 = arith.addi %mul3A_126, %add3A_1002 : i32
          %get3A_1004 = arith.constant 1 : i32
          %get3A_1005 = arith.index_cast %get3A_1004 : i32 to index
          %get3A_1006 = arith.index_cast %add3A_1003 : i32 to index
          %get3A_1007 = arith.constant 16 : index
          %get3A_1008 = tpu.vector_load %arg8[%get3A_1005, %get3A_1006, %get3A_1007] {strides = array<i32>} : memref<2x80x64xi32, #tpu.memory_space<vmem>>, vector<16xi32>,
          %add3A_1009 = arith.constant 9 : i32
          %add3A_1010 = arith.addi %mul3A_126, %add3A_1009 : i32
          %get3A_1011 = arith.constant 1 : i32
          %get3A_1012 = arith.index_cast %get3A_1011 : i32 to index
          %get3A_1013 = arith.index_cast %add3A_1010 : i32 to index
          %get3A_1014 = arith.constant 16 : index
          %get3A_1015 = tpu.vector_load %arg9[%get3A_1012, %get3A_1013, %get3A_1014] {strides = array<i32>} : memref<2x80x64xi32, #tpu.memory_space<vmem>>, vector<16xi32>,
          %shift_left3A_1016 = arith.shli %get3A_1008, %broadcast_in_dim3A_77 : vector<16xi32>
          %bitcast3A_1017 = vector.bitcast %shift_left3A_1016 : vector<16xi32> to vector<16xf32>
          %shift_left3A_1018 = arith.shli %get3A_1015, %broadcast_in_dim3A_77 : vector<16xi32>
          %bitcast3A_1019 = vector.bitcast %shift_left3A_1018 : vector<16xi32> to vector<16xf32>
          %bitcast3A_1020 = vector.bitcast %get3A_1008 : vector<16xi32> to vector<16xf32>
          %bitcast3A_1021 = vector.bitcast %get3A_1015 : vector<16xi32> to vector<16xf32>
          %mul3A_1022 = arith.mulf %bitcast3A_1017, %bitcast3A_1019 : vector<16xf32>
          %mul3A_1023 = arith.mulf %bitcast3A_1020, %bitcast3A_1021 : vector<16xf32>
          %add3A_1024 = arith.addf %mul3A_1022, %mul3A_1023 : vector<16xf32>
          %add3A_1025 = arith.addf %add3A_1001, %add3A_1024 : vector<16xf32>
          %add3A_1026 = arith.constant 9 : i32
          %add3A_1027 = arith.addi %mul3A_126, %add3A_1026 : i32
          %get3A_1028 = arith.constant 1 : i32
          %get3A_1029 = arith.index_cast %get3A_1028 : i32 to index
          %get3A_1030 = arith.index_cast %add3A_1027 : i32 to index
          %get3A_1031 = arith.constant 32 : index
          %get3A_1032 = tpu.vector_load %arg8[%get3A_1029, %get3A_1030, %get3A_1031] {strides = array<i32>} : memref<2x80x64xi32, #tpu.memory_space<vmem>>, vector<16xi32>,
          %add3A_1033 = arith.constant 9 : i32
          %add3A_1034 = arith.addi %mul3A_126, %add3A_1033 : i32
          %get3A_1035 = arith.constant 1 : i32
          %get3A_1036 = arith.index_cast %get3A_1035 : i32 to index
          %get3A_1037 = arith.index_cast %add3A_1034 : i32 to index
          %get3A_1038 = arith.constant 32 : index
          %get3A_1039 = tpu.vector_load %arg9[%get3A_1036, %get3A_1037, %get3A_1038] {strides = array<i32>} : memref<2x80x64xi32, #tpu.memory_space<vmem>>, vector<16xi32>,
          %shift_left3A_1040 = arith.shli %get3A_1032, %broadcast_in_dim3A_77 : vector<16xi32>
          %bitcast3A_1041 = vector.bitcast %shift_left3A_1040 : vector<16xi32> to vector<16xf32>
          %shift_left3A_1042 = arith.shli %get3A_1039, %broadcast_in_dim3A_77 : vector<16xi32>
          %bitcast3A_1043 = vector.bitcast %shift_left3A_1042 : vector<16xi32> to vector<16xf32>
          %bitcast3A_1044 = vector.bitcast %get3A_1032 : vector<16xi32> to vector<16xf32>
          %bitcast3A_1045 = vector.bitcast %get3A_1039 : vector<16xi32> to vector<16xf32>
          %mul3A_1046 = arith.mulf %bitcast3A_1041, %bitcast3A_1043 : vector<16xf32>
          %mul3A_1047 = arith.mulf %bitcast3A_1044, %bitcast3A_1045 : vector<16xf32>
          %add3A_1048 = arith.addf %mul3A_1046, %mul3A_1047 : vector<16xf32>
          %add3A_1049 = arith.addf %add3A_1025, %add3A_1048 : vector<16xf32>
          %add3A_1050 = arith.constant 9 : i32
          %add3A_1051 = arith.addi %mul3A_126, %add3A_1050 : i32
          %get3A_1052 = arith.constant 1 : i32
          %get3A_1053 = arith.index_cast %get3A_1052 : i32 to index
          %get3A_1054 = arith.index_cast %add3A_1051 : i32 to index
          %get3A_1055 = arith.constant 48 : index
          %get3A_1056 = tpu.vector_load %arg8[%get3A_1053, %get3A_1054, %get3A_1055] {strides = array<i32>} : memref<2x80x64xi32, #tpu.memory_space<vmem>>, vector<16xi32>,
          %add3A_1057 = arith.constant 9 : i32
          %add3A_1058 = arith.addi %mul3A_126, %add3A_1057 : i32
          %get3A_1059 = arith.constant 1 : i32
          %get3A_1060 = arith.index_cast %get3A_1059 : i32 to index
          %get3A_1061 = arith.index_cast %add3A_1058 : i32 to index
          %get3A_1062 = arith.constant 48 : index
          %get3A_1063 = tpu.vector_load %arg9[%get3A_1060, %get3A_1061, %get3A_1062] {strides = array<i32>} : memref<2x80x64xi32, #tpu.memory_space<vmem>>, vector<16xi32>,
          %shift_left3A_1064 = arith.shli %get3A_1056, %broadcast_in_dim3A_77 : vector<16xi32>
          %bitcast3A_1065 = vector.bitcast %shift_left3A_1064 : vector<16xi32> to vector<16xf32>
          %shift_left3A_1066 = arith.shli %get3A_1063, %broadcast_in_dim3A_77 : vector<16xi32>
          %bitcast3A_1067 = vector.bitcast %shift_left3A_1066 : vector<16xi32> to vector<16xf32>
          %bitcast3A_1068 = vector.bitcast %get3A_1056 : vector<16xi32> to vector<16xf32>
          %bitcast3A_1069 = vector.bitcast %get3A_1063 : vector<16xi32> to vector<16xf32>
          %mul3A_1070 = arith.mulf %bitcast3A_1065, %bitcast3A_1067 : vector<16xf32>
          %mul3A_1071 = arith.mulf %bitcast3A_1068, %bitcast3A_1069 : vector<16xf32>
          %add3A_1072 = arith.addf %mul3A_1070, %mul3A_1071 : vector<16xf32>
          %add3A_1073 = arith.addf %add3A_1049, %add3A_1072 : vector<16xf32>
          %add3A_1074 = arith.constant 10 : i32
          %add3A_1075 = arith.addi %mul3A_126, %add3A_1074 : i32
          %get3A_1076 = arith.constant 1 : i32
          %get3A_1077 = arith.index_cast %get3A_1076 : i32 to index
          %get3A_1078 = arith.index_cast %add3A_1075 : i32 to index
          %get3A_1079 = arith.constant 0 : index
          %get3A_1080 = tpu.vector_load %arg8[%get3A_1077, %get3A_1078, %get3A_1079] {strides = array<i32>} : memref<2x80x64xi32, #tpu.memory_space<vmem>>, vector<16xi32>,
          %add3A_1081 = arith.constant 10 : i32
          %add3A_1082 = arith.addi %mul3A_126, %add3A_1081 : i32
          %get3A_1083 = arith.constant 1 : i32
          %get3A_1084 = arith.index_cast %get3A_1083 : i32 to index
          %get3A_1085 = arith.index_cast %add3A_1082 : i32 to index
          %get3A_1086 = arith.constant 0 : index
          %get3A_1087 = tpu.vector_load %arg9[%get3A_1084, %get3A_1085, %get3A_1086] {strides = array<i32>} : memref<2x80x64xi32, #tpu.memory_space<vmem>>, vector<16xi32>,
          %shift_left3A_1088 = arith.shli %get3A_1080, %broadcast_in_dim3A_77 : vector<16xi32>
          %bitcast3A_1089 = vector.bitcast %shift_left3A_1088 : vector<16xi32> to vector<16xf32>
          %shift_left3A_1090 = arith.shli %get3A_1087, %broadcast_in_dim3A_77 : vector<16xi32>
          %bitcast3A_1091 = vector.bitcast %shift_left3A_1090 : vector<16xi32> to vector<16xf32>
          %bitcast3A_1092 = vector.bitcast %get3A_1080 : vector<16xi32> to vector<16xf32>
          %bitcast3A_1093 = vector.bitcast %get3A_1087 : vector<16xi32> to vector<16xf32>
          %mul3A_1094 = arith.mulf %bitcast3A_1089, %bitcast3A_1091 : vector<16xf32>
          %mul3A_1095 = arith.mulf %bitcast3A_1092, %bitcast3A_1093 : vector<16xf32>
          %add3A_1096 = arith.addf %mul3A_1094, %mul3A_1095 : vector<16xf32>
          %add3A_1097 = arith.constant 10 : i32
          %add3A_1098 = arith.addi %mul3A_126, %add3A_1097 : i32
          %get3A_1099 = arith.constant 1 : i32
          %get3A_1100 = arith.index_cast %get3A_1099 : i32 to index
          %get3A_1101 = arith.index_cast %add3A_1098 : i32 to index
          %get3A_1102 = arith.constant 16 : index
          %get3A_1103 = tpu.vector_load %arg8[%get3A_1100, %get3A_1101, %get3A_1102] {strides = array<i32>} : memref<2x80x64xi32, #tpu.memory_space<vmem>>, vector<16xi32>,
          %add3A_1104 = arith.constant 10 : i32
          %add3A_1105 = arith.addi %mul3A_126, %add3A_1104 : i32
          %get3A_1106 = arith.constant 1 : i32
          %get3A_1107 = arith.index_cast %get3A_1106 : i32 to index
          %get3A_1108 = arith.index_cast %add3A_1105 : i32 to index
          %get3A_1109 = arith.constant 16 : index
          %get3A_1110 = tpu.vector_load %arg9[%get3A_1107, %get3A_1108, %get3A_1109] {strides = array<i32>} : memref<2x80x64xi32, #tpu.memory_space<vmem>>, vector<16xi32>,
          %shift_left3A_1111 = arith.shli %get3A_1103, %broadcast_in_dim3A_77 : vector<16xi32>
          %bitcast3A_1112 = vector.bitcast %shift_left3A_1111 : vector<16xi32> to vector<16xf32>
          %shift_left3A_1113 = arith.shli %get3A_1110, %broadcast_in_dim3A_77 : vector<16xi32>
          %bitcast3A_1114 = vector.bitcast %shift_left3A_1113 : vector<16xi32> to vector<16xf32>
          %bitcast3A_1115 = vector.bitcast %get3A_1103 : vector<16xi32> to vector<16xf32>
          %bitcast3A_1116 = vector.bitcast %get3A_1110 : vector<16xi32> to vector<16xf32>
          %mul3A_1117 = arith.mulf %bitcast3A_1112, %bitcast3A_1114 : vector<16xf32>
          %mul3A_1118 = arith.mulf %bitcast3A_1115, %bitcast3A_1116 : vector<16xf32>
          %add3A_1119 = arith.addf %mul3A_1117, %mul3A_1118 : vector<16xf32>
          %add3A_1120 = arith.addf %add3A_1096, %add3A_1119 : vector<16xf32>
          %add3A_1121 = arith.constant 10 : i32
          %add3A_1122 = arith.addi %mul3A_126, %add3A_1121 : i32
          %get3A_1123 = arith.constant 1 : i32
          %get3A_1124 = arith.index_cast %get3A_1123 : i32 to index
          %get3A_1125 = arith.index_cast %add3A_1122 : i32 to index
          %get3A_1126 = arith.constant 32 : index
          %get3A_1127 = tpu.vector_load %arg8[%get3A_1124, %get3A_1125, %get3A_1126] {strides = array<i32>} : memref<2x80x64xi32, #tpu.memory_space<vmem>>, vector<16xi32>,
          %add3A_1128 = arith.constant 10 : i32
          %add3A_1129 = arith.addi %mul3A_126, %add3A_1128 : i32
          %get3A_1130 = arith.constant 1 : i32
          %get3A_1131 = arith.index_cast %get3A_1130 : i32 to index
          %get3A_1132 = arith.index_cast %add3A_1129 : i32 to index
          %get3A_1133 = arith.constant 32 : index
          %get3A_1134 = tpu.vector_load %arg9[%get3A_1131, %get3A_1132, %get3A_1133] {strides = array<i32>} : memref<2x80x64xi32, #tpu.memory_space<vmem>>, vector<16xi32>,
          %shift_left3A_1135 = arith.shli %get3A_1127, %broadcast_in_dim3A_77 : vector<16xi32>
          %bitcast3A_1136 = vector.bitcast %shift_left3A_1135 : vector<16xi32> to vector<16xf32>
          %shift_left3A_1137 = arith.shli %get3A_1134, %broadcast_in_dim3A_77 : vector<16xi32>
          %bitcast3A_1138 = vector.bitcast %shift_left3A_1137 : vector<16xi32> to vector<16xf32>
          %bitcast3A_1139 = vector.bitcast %get3A_1127 : vector<16xi32> to vector<16xf32>
          %bitcast3A_1140 = vector.bitcast %get3A_1134 : vector<16xi32> to vector<16xf32>
          %mul3A_1141 = arith.mulf %bitcast3A_1136, %bitcast3A_1138 : vector<16xf32>
          %mul3A_1142 = arith.mulf %bitcast3A_1139, %bitcast3A_1140 : vector<16xf32>
          %add3A_1143 = arith.addf %mul3A_1141, %mul3A_1142 : vector<16xf32>
          %add3A_1144 = arith.addf %add3A_1120, %add3A_1143 : vector<16xf32>
          %add3A_1145 = arith.constant 10 : i32
          %add3A_1146 = arith.addi %mul3A_126, %add3A_1145 : i32
          %get3A_1147 = arith.constant 1 : i32
          %get3A_1148 = arith.index_cast %get3A_1147 : i32 to index
          %get3A_1149 = arith.index_cast %add3A_1146 : i32 to index
          %get3A_1150 = arith.constant 48 : index
          %get3A_1151 = tpu.vector_load %arg8[%get3A_1148, %get3A_1149, %get3A_1150] {strides = array<i32>} : memref<2x80x64xi32, #tpu.memory_space<vmem>>, vector<16xi32>,
          %add3A_1152 = arith.constant 10 : i32
          %add3A_1153 = arith.addi %mul3A_126, %add3A_1152 : i32
          %get3A_1154 = arith.constant 1 : i32
          %get3A_1155 = arith.index_cast %get3A_1154 : i32 to index
          %get3A_1156 = arith.index_cast %add3A_1153 : i32 to index
          %get3A_1157 = arith.constant 48 : index
          %get3A_1158 = tpu.vector_load %arg9[%get3A_1155, %get3A_1156, %get3A_1157] {strides = array<i32>} : memref<2x80x64xi32, #tpu.memory_space<vmem>>, vector<16xi32>,
          %shift_left3A_1159 = arith.shli %get3A_1151, %broadcast_in_dim3A_77 : vector<16xi32>
          %bitcast3A_1160 = vector.bitcast %shift_left3A_1159 : vector<16xi32> to vector<16xf32>
          %shift_left3A_1161 = arith.shli %get3A_1158, %broadcast_in_dim3A_77 : vector<16xi32>
          %bitcast3A_1162 = vector.bitcast %shift_left3A_1161 : vector<16xi32> to vector<16xf32>
          %bitcast3A_1163 = vector.bitcast %get3A_1151 : vector<16xi32> to vector<16xf32>
          %bitcast3A_1164 = vector.bitcast %get3A_1158 : vector<16xi32> to vector<16xf32>
          %mul3A_1165 = arith.mulf %bitcast3A_1160, %bitcast3A_1162 : vector<16xf32>
          %mul3A_1166 = arith.mulf %bitcast3A_1163, %bitcast3A_1164 : vector<16xf32>
          %add3A_1167 = arith.addf %mul3A_1165, %mul3A_1166 : vector<16xf32>
          %add3A_1168 = arith.addf %add3A_1144, %add3A_1167 : vector<16xf32>
          %add3A_1169 = arith.constant 11 : i32
          %add3A_1170 = arith.addi %mul3A_126, %add3A_1169 : i32
          %get3A_1171 = arith.constant 1 : i32
          %get3A_1172 = arith.index_cast %get3A_1171 : i32 to index
          %get3A_1173 = arith.index_cast %add3A_1170 : i32 to index
          %get3A_1174 = arith.constant 0 : index
          %get3A_1175 = tpu.vector_load %arg8[%get3A_1172, %get3A_1173, %get3A_1174] {strides = array<i32>} : memref<2x80x64xi32, #tpu.memory_space<vmem>>, vector<16xi32>,
          %add3A_1176 = arith.constant 11 : i32
          %add3A_1177 = arith.addi %mul3A_126, %add3A_1176 : i32
          %get3A_1178 = arith.constant 1 : i32
          %get3A_1179 = arith.index_cast %get3A_1178 : i32 to index
          %get3A_1180 = arith.index_cast %add3A_1177 : i32 to index
          %get3A_1181 = arith.constant 0 : index
          %get3A_1182 = tpu.vector_load %arg9[%get3A_1179, %get3A_1180, %get3A_1181] {strides = array<i32>} : memref<2x80x64xi32, #tpu.memory_space<vmem>>, vector<16xi32>,
          %shift_left3A_1183 = arith.shli %get3A_1175, %broadcast_in_dim3A_77 : vector<16xi32>
          %bitcast3A_1184 = vector.bitcast %shift_left3A_1183 : vector<16xi32> to vector<16xf32>
          %shift_left3A_1185 = arith.shli %get3A_1182, %broadcast_in_dim3A_77 : vector<16xi32>
          %bitcast3A_1186 = vector.bitcast %shift_left3A_1185 : vector<16xi32> to vector<16xf32>
          %bitcast3A_1187 = vector.bitcast %get3A_1175 : vector<16xi32> to vector<16xf32>
          %bitcast3A_1188 = vector.bitcast %get3A_1182 : vector<16xi32> to vector<16xf32>
          %mul3A_1189 = arith.mulf %bitcast3A_1184, %bitcast3A_1186 : vector<16xf32>
          %mul3A_1190 = arith.mulf %bitcast3A_1187, %bitcast3A_1188 : vector<16xf32>
          %add3A_1191 = arith.addf %mul3A_1189, %mul3A_1190 : vector<16xf32>
          %add3A_1192 = arith.constant 11 : i32
          %add3A_1193 = arith.addi %mul3A_126, %add3A_1192 : i32
          %get3A_1194 = arith.constant 1 : i32
          %get3A_1195 = arith.index_cast %get3A_1194 : i32 to index
          %get3A_1196 = arith.index_cast %add3A_1193 : i32 to index
          %get3A_1197 = arith.constant 16 : index
          %get3A_1198 = tpu.vector_load %arg8[%get3A_1195, %get3A_1196, %get3A_1197] {strides = array<i32>} : memref<2x80x64xi32, #tpu.memory_space<vmem>>, vector<16xi32>,
          %add3A_1199 = arith.constant 11 : i32
          %add3A_1200 = arith.addi %mul3A_126, %add3A_1199 : i32
          %get3A_1201 = arith.constant 1 : i32
          %get3A_1202 = arith.index_cast %get3A_1201 : i32 to index
          %get3A_1203 = arith.index_cast %add3A_1200 : i32 to index
          %get3A_1204 = arith.constant 16 : index
          %get3A_1205 = tpu.vector_load %arg9[%get3A_1202, %get3A_1203, %get3A_1204] {strides = array<i32>} : memref<2x80x64xi32, #tpu.memory_space<vmem>>, vector<16xi32>,
          %shift_left3A_1206 = arith.shli %get3A_1198, %broadcast_in_dim3A_77 : vector<16xi32>
          %bitcast3A_1207 = vector.bitcast %shift_left3A_1206 : vector<16xi32> to vector<16xf32>
          %shift_left3A_1208 = arith.shli %get3A_1205, %broadcast_in_dim3A_77 : vector<16xi32>
          %bitcast3A_1209 = vector.bitcast %shift_left3A_1208 : vector<16xi32> to vector<16xf32>
          %bitcast3A_1210 = vector.bitcast %get3A_1198 : vector<16xi32> to vector<16xf32>
          %bitcast3A_1211 = vector.bitcast %get3A_1205 : vector<16xi32> to vector<16xf32>
          %mul3A_1212 = arith.mulf %bitcast3A_1207, %bitcast3A_1209 : vector<16xf32>
          %mul3A_1213 = arith.mulf %bitcast3A_1210, %bitcast3A_1211 : vector<16xf32>
          %add3A_1214 = arith.addf %mul3A_1212, %mul3A_1213 : vector<16xf32>
          %add3A_1215 = arith.addf %add3A_1191, %add3A_1214 : vector<16xf32>
          %add3A_1216 = arith.constant 11 : i32
          %add3A_1217 = arith.addi %mul3A_126, %add3A_1216 : i32
          %get3A_1218 = arith.constant 1 : i32
          %get3A_1219 = arith.index_cast %get3A_1218 : i32 to index
          %get3A_1220 = arith.index_cast %add3A_1217 : i32 to index
          %get3A_1221 = arith.constant 32 : index
          %get3A_1222 = tpu.vector_load %arg8[%get3A_1219, %get3A_1220, %get3A_1221] {strides = array<i32>} : memref<2x80x64xi32, #tpu.memory_space<vmem>>, vector<16xi32>,
          %add3A_1223 = arith.constant 11 : i32
          %add3A_1224 = arith.addi %mul3A_126, %add3A_1223 : i32
          %get3A_1225 = arith.constant 1 : i32
          %get3A_1226 = arith.index_cast %get3A_1225 : i32 to index
          %get3A_1227 = arith.index_cast %add3A_1224 : i32 to index
          %get3A_1228 = arith.constant 32 : index
          %get3A_1229 = tpu.vector_load %arg9[%get3A_1226, %get3A_1227, %get3A_1228] {strides = array<i32>} : memref<2x80x64xi32, #tpu.memory_space<vmem>>, vector<16xi32>,
          %shift_left3A_1230 = arith.shli %get3A_1222, %broadcast_in_dim3A_77 : vector<16xi32>
          %bitcast3A_1231 = vector.bitcast %shift_left3A_1230 : vector<16xi32> to vector<16xf32>
          %shift_left3A_1232 = arith.shli %get3A_1229, %broadcast_in_dim3A_77 : vector<16xi32>
          %bitcast3A_1233 = vector.bitcast %shift_left3A_1232 : vector<16xi32> to vector<16xf32>
          %bitcast3A_1234 = vector.bitcast %get3A_1222 : vector<16xi32> to vector<16xf32>
          %bitcast3A_1235 = vector.bitcast %get3A_1229 : vector<16xi32> to vector<16xf32>
          %mul3A_1236 = arith.mulf %bitcast3A_1231, %bitcast3A_1233 : vector<16xf32>
          %mul3A_1237 = arith.mulf %bitcast3A_1234, %bitcast3A_1235 : vector<16xf32>
          %add3A_1238 = arith.addf %mul3A_1236, %mul3A_1237 : vector<16xf32>
          %add3A_1239 = arith.addf %add3A_1215, %add3A_1238 : vector<16xf32>
          %add3A_1240 = arith.constant 11 : i32
          %add3A_1241 = arith.addi %mul3A_126, %add3A_1240 : i32
          %get3A_1242 = arith.constant 1 : i32
          %get3A_1243 = arith.index_cast %get3A_1242 : i32 to index
          %get3A_1244 = arith.index_cast %add3A_1241 : i32 to index
          %get3A_1245 = arith.constant 48 : index
          %get3A_1246 = tpu.vector_load %arg8[%get3A_1243, %get3A_1244, %get3A_1245] {strides = array<i32>} : memref<2x80x64xi32, #tpu.memory_space<vmem>>, vector<16xi32>,
          %add3A_1247 = arith.constant 11 : i32
          %add3A_1248 = arith.addi %mul3A_126, %add3A_1247 : i32
          %get3A_1249 = arith.constant 1 : i32
          %get3A_1250 = arith.index_cast %get3A_1249 : i32 to index
          %get3A_1251 = arith.index_cast %add3A_1248 : i32 to index
          %get3A_1252 = arith.constant 48 : index
          %get3A_1253 = tpu.vector_load %arg9[%get3A_1250, %get3A_1251, %get3A_1252] {strides = array<i32>} : memref<2x80x64xi32, #tpu.memory_space<vmem>>, vector<16xi32>,
          %shift_left3A_1254 = arith.shli %get3A_1246, %broadcast_in_dim3A_77 : vector<16xi32>
          %bitcast3A_1255 = vector.bitcast %shift_left3A_1254 : vector<16xi32> to vector<16xf32>
          %shift_left3A_1256 = arith.shli %get3A_1253, %broadcast_in_dim3A_77 : vector<16xi32>
          %bitcast3A_1257 = vector.bitcast %shift_left3A_1256 : vector<16xi32> to vector<16xf32>
          %bitcast3A_1258 = vector.bitcast %get3A_1246 : vector<16xi32> to vector<16xf32>
          %bitcast3A_1259 = vector.bitcast %get3A_1253 : vector<16xi32> to vector<16xf32>
          %mul3A_1260 = arith.mulf %bitcast3A_1255, %bitcast3A_1257 : vector<16xf32>
          %mul3A_1261 = arith.mulf %bitcast3A_1258, %bitcast3A_1259 : vector<16xf32>
          %add3A_1262 = arith.addf %mul3A_1260, %mul3A_1261 : vector<16xf32>
          %add3A_1263 = arith.addf %add3A_1239, %add3A_1262 : vector<16xf32>
          %add3A_1264 = arith.constant 12 : i32
          %add3A_1265 = arith.addi %mul3A_126, %add3A_1264 : i32
          %get3A_1266 = arith.constant 1 : i32
          %get3A_1267 = arith.index_cast %get3A_1266 : i32 to index
          %get3A_1268 = arith.index_cast %add3A_1265 : i32 to index
          %get3A_1269 = arith.constant 0 : index
          %get3A_1270 = tpu.vector_load %arg8[%get3A_1267, %get3A_1268, %get3A_1269] {strides = array<i32>} : memref<2x80x64xi32, #tpu.memory_space<vmem>>, vector<16xi32>,
          %add3A_1271 = arith.constant 12 : i32
          %add3A_1272 = arith.addi %mul3A_126, %add3A_1271 : i32
          %get3A_1273 = arith.constant 1 : i32
          %get3A_1274 = arith.index_cast %get3A_1273 : i32 to index
          %get3A_1275 = arith.index_cast %add3A_1272 : i32 to index
          %get3A_1276 = arith.constant 0 : index
          %get3A_1277 = tpu.vector_load %arg9[%get3A_1274, %get3A_1275, %get3A_1276] {strides = array<i32>} : memref<2x80x64xi32, #tpu.memory_space<vmem>>, vector<16xi32>,
          %shift_left3A_1278 = arith.shli %get3A_1270, %broadcast_in_dim3A_77 : vector<16xi32>
          %bitcast3A_1279 = vector.bitcast %shift_left3A_1278 : vector<16xi32> to vector<16xf32>
          %shift_left3A_1280 = arith.shli %get3A_1277, %broadcast_in_dim3A_77 : vector<16xi32>
          %bitcast3A_1281 = vector.bitcast %shift_left3A_1280 : vector<16xi32> to vector<16xf32>
          %bitcast3A_1282 = vector.bitcast %get3A_1270 : vector<16xi32> to vector<16xf32>
          %bitcast3A_1283 = vector.bitcast %get3A_1277 : vector<16xi32> to vector<16xf32>
          %mul3A_1284 = arith.mulf %bitcast3A_1279, %bitcast3A_1281 : vector<16xf32>
          %mul3A_1285 = arith.mulf %bitcast3A_1282, %bitcast3A_1283 : vector<16xf32>
          %add3A_1286 = arith.addf %mul3A_1284, %mul3A_1285 : vector<16xf32>
          %add3A_1287 = arith.constant 12 : i32
          %add3A_1288 = arith.addi %mul3A_126, %add3A_1287 : i32
          %get3A_1289 = arith.constant 1 : i32
          %get3A_1290 = arith.index_cast %get3A_1289 : i32 to index
          %get3A_1291 = arith.index_cast %add3A_1288 : i32 to index
          %get3A_1292 = arith.constant 16 : index
          %get3A_1293 = tpu.vector_load %arg8[%get3A_1290, %get3A_1291, %get3A_1292] {strides = array<i32>} : memref<2x80x64xi32, #tpu.memory_space<vmem>>, vector<16xi32>,
          %add3A_1294 = arith.constant 12 : i32
          %add3A_1295 = arith.addi %mul3A_126, %add3A_1294 : i32
          %get3A_1296 = arith.constant 1 : i32
          %get3A_1297 = arith.index_cast %get3A_1296 : i32 to index
          %get3A_1298 = arith.index_cast %add3A_1295 : i32 to index
          %get3A_1299 = arith.constant 16 : index
          %get3A_1300 = tpu.vector_load %arg9[%get3A_1297, %get3A_1298, %get3A_1299] {strides = array<i32>} : memref<2x80x64xi32, #tpu.memory_space<vmem>>, vector<16xi32>,
          %shift_left3A_1301 = arith.shli %get3A_1293, %broadcast_in_dim3A_77 : vector<16xi32>
          %bitcast3A_1302 = vector.bitcast %shift_left3A_1301 : vector<16xi32> to vector<16xf32>
          %shift_left3A_1303 = arith.shli %get3A_1300, %broadcast_in_dim3A_77 : vector<16xi32>
          %bitcast3A_1304 = vector.bitcast %shift_left3A_1303 : vector<16xi32> to vector<16xf32>
          %bitcast3A_1305 = vector.bitcast %get3A_1293 : vector<16xi32> to vector<16xf32>
          %bitcast3A_1306 = vector.bitcast %get3A_1300 : vector<16xi32> to vector<16xf32>
          %mul3A_1307 = arith.mulf %bitcast3A_1302, %bitcast3A_1304 : vector<16xf32>
          %mul3A_1308 = arith.mulf %bitcast3A_1305, %bitcast3A_1306 : vector<16xf32>
          %add3A_1309 = arith.addf %mul3A_1307, %mul3A_1308 : vector<16xf32>
          %add3A_1310 = arith.addf %add3A_1286, %add3A_1309 : vector<16xf32>
          %add3A_1311 = arith.constant 12 : i32
          %add3A_1312 = arith.addi %mul3A_126, %add3A_1311 : i32
          %get3A_1313 = arith.constant 1 : i32
          %get3A_1314 = arith.index_cast %get3A_1313 : i32 to index
          %get3A_1315 = arith.index_cast %add3A_1312 : i32 to index
          %get3A_1316 = arith.constant 32 : index
          %get3A_1317 = tpu.vector_load %arg8[%get3A_1314, %get3A_1315, %get3A_1316] {strides = array<i32>} : memref<2x80x64xi32, #tpu.memory_space<vmem>>, vector<16xi32>,
          %add3A_1318 = arith.constant 12 : i32
          %add3A_1319 = arith.addi %mul3A_126, %add3A_1318 : i32
          %get3A_1320 = arith.constant 1 : i32
          %get3A_1321 = arith.index_cast %get3A_1320 : i32 to index
          %get3A_1322 = arith.index_cast %add3A_1319 : i32 to index
          %get3A_1323 = arith.constant 32 : index
          %get3A_1324 = tpu.vector_load %arg9[%get3A_1321, %get3A_1322, %get3A_1323] {strides = array<i32>} : memref<2x80x64xi32, #tpu.memory_space<vmem>>, vector<16xi32>,
          %shift_left3A_1325 = arith.shli %get3A_1317, %broadcast_in_dim3A_77 : vector<16xi32>
          %bitcast3A_1326 = vector.bitcast %shift_left3A_1325 : vector<16xi32> to vector<16xf32>
          %shift_left3A_1327 = arith.shli %get3A_1324, %broadcast_in_dim3A_77 : vector<16xi32>
          %bitcast3A_1328 = vector.bitcast %shift_left3A_1327 : vector<16xi32> to vector<16xf32>
          %bitcast3A_1329 = vector.bitcast %get3A_1317 : vector<16xi32> to vector<16xf32>
          %bitcast3A_1330 = vector.bitcast %get3A_1324 : vector<16xi32> to vector<16xf32>
          %mul3A_1331 = arith.mulf %bitcast3A_1326, %bitcast3A_1328 : vector<16xf32>
          %mul3A_1332 = arith.mulf %bitcast3A_1329, %bitcast3A_1330 : vector<16xf32>
          %add3A_1333 = arith.addf %mul3A_1331, %mul3A_1332 : vector<16xf32>
          %add3A_1334 = arith.addf %add3A_1310, %add3A_1333 : vector<16xf32>
          %add3A_1335 = arith.constant 12 : i32
          %add3A_1336 = arith.addi %mul3A_126, %add3A_1335 : i32
          %get3A_1337 = arith.constant 1 : i32
          %get3A_1338 = arith.index_cast %get3A_1337 : i32 to index
          %get3A_1339 = arith.index_cast %add3A_1336 : i32 to index
          %get3A_1340 = arith.constant 48 : index
          %get3A_1341 = tpu.vector_load %arg8[%get3A_1338, %get3A_1339, %get3A_1340] {strides = array<i32>} : memref<2x80x64xi32, #tpu.memory_space<vmem>>, vector<16xi32>,
          %add3A_1342 = arith.constant 12 : i32
          %add3A_1343 = arith.addi %mul3A_126, %add3A_1342 : i32
          %get3A_1344 = arith.constant 1 : i32
          %get3A_1345 = arith.index_cast %get3A_1344 : i32 to index
          %get3A_1346 = arith.index_cast %add3A_1343 : i32 to index
          %get3A_1347 = arith.constant 48 : index
          %get3A_1348 = tpu.vector_load %arg9[%get3A_1345, %get3A_1346, %get3A_1347] {strides = array<i32>} : memref<2x80x64xi32, #tpu.memory_space<vmem>>, vector<16xi32>,
          %shift_left3A_1349 = arith.shli %get3A_1341, %broadcast_in_dim3A_77 : vector<16xi32>
          %bitcast3A_1350 = vector.bitcast %shift_left3A_1349 : vector<16xi32> to vector<16xf32>
          %shift_left3A_1351 = arith.shli %get3A_1348, %broadcast_in_dim3A_77 : vector<16xi32>
          %bitcast3A_1352 = vector.bitcast %shift_left3A_1351 : vector<16xi32> to vector<16xf32>
          %bitcast3A_1353 = vector.bitcast %get3A_1341 : vector<16xi32> to vector<16xf32>
          %bitcast3A_1354 = vector.bitcast %get3A_1348 : vector<16xi32> to vector<16xf32>
          %mul3A_1355 = arith.mulf %bitcast3A_1350, %bitcast3A_1352 : vector<16xf32>
          %mul3A_1356 = arith.mulf %bitcast3A_1353, %bitcast3A_1354 : vector<16xf32>
          %add3A_1357 = arith.addf %mul3A_1355, %mul3A_1356 : vector<16xf32>
          %add3A_1358 = arith.addf %add3A_1334, %add3A_1357 : vector<16xf32>
          %add3A_1359 = arith.constant 13 : i32
          %add3A_1360 = arith.addi %mul3A_126, %add3A_1359 : i32
          %get3A_1361 = arith.constant 1 : i32
          %get3A_1362 = arith.index_cast %get3A_1361 : i32 to index
          %get3A_1363 = arith.index_cast %add3A_1360 : i32 to index
          %get3A_1364 = arith.constant 0 : index
          %get3A_1365 = tpu.vector_load %arg8[%get3A_1362, %get3A_1363, %get3A_1364] {strides = array<i32>} : memref<2x80x64xi32, #tpu.memory_space<vmem>>, vector<16xi32>,
          %add3A_1366 = arith.constant 13 : i32
          %add3A_1367 = arith.addi %mul3A_126, %add3A_1366 : i32
          %get3A_1368 = arith.constant 1 : i32
          %get3A_1369 = arith.index_cast %get3A_1368 : i32 to index
          %get3A_1370 = arith.index_cast %add3A_1367 : i32 to index
          %get3A_1371 = arith.constant 0 : index
          %get3A_1372 = tpu.vector_load %arg9[%get3A_1369, %get3A_1370, %get3A_1371] {strides = array<i32>} : memref<2x80x64xi32, #tpu.memory_space<vmem>>, vector<16xi32>,
          %shift_left3A_1373 = arith.shli %get3A_1365, %broadcast_in_dim3A_77 : vector<16xi32>
          %bitcast3A_1374 = vector.bitcast %shift_left3A_1373 : vector<16xi32> to vector<16xf32>
          %shift_left3A_1375 = arith.shli %get3A_1372, %broadcast_in_dim3A_77 : vector<16xi32>
          %bitcast3A_1376 = vector.bitcast %shift_left3A_1375 : vector<16xi32> to vector<16xf32>
          %bitcast3A_1377 = vector.bitcast %get3A_1365 : vector<16xi32> to vector<16xf32>
          %bitcast3A_1378 = vector.bitcast %get3A_1372 : vector<16xi32> to vector<16xf32>
          %mul3A_1379 = arith.mulf %bitcast3A_1374, %bitcast3A_1376 : vector<16xf32>
          %mul3A_1380 = arith.mulf %bitcast3A_1377, %bitcast3A_1378 : vector<16xf32>
          %add3A_1381 = arith.addf %mul3A_1379, %mul3A_1380 : vector<16xf32>
          %add3A_1382 = arith.constant 13 : i32
          %add3A_1383 = arith.addi %mul3A_126, %add3A_1382 : i32
          %get3A_1384 = arith.constant 1 : i32
          %get3A_1385 = arith.index_cast %get3A_1384 : i32 to index
          %get3A_1386 = arith.index_cast %add3A_1383 : i32 to index
          %get3A_1387 = arith.constant 16 : index
          %get3A_1388 = tpu.vector_load %arg8[%get3A_1385, %get3A_1386, %get3A_1387] {strides = array<i32>} : memref<2x80x64xi32, #tpu.memory_space<vmem>>, vector<16xi32>,
          %add3A_1389 = arith.constant 13 : i32
          %add3A_1390 = arith.addi %mul3A_126, %add3A_1389 : i32
          %get3A_1391 = arith.constant 1 : i32
          %get3A_1392 = arith.index_cast %get3A_1391 : i32 to index
          %get3A_1393 = arith.index_cast %add3A_1390 : i32 to index
          %get3A_1394 = arith.constant 16 : index
          %get3A_1395 = tpu.vector_load %arg9[%get3A_1392, %get3A_1393, %get3A_1394] {strides = array<i32>} : memref<2x80x64xi32, #tpu.memory_space<vmem>>, vector<16xi32>,
          %shift_left3A_1396 = arith.shli %get3A_1388, %broadcast_in_dim3A_77 : vector<16xi32>
          %bitcast3A_1397 = vector.bitcast %shift_left3A_1396 : vector<16xi32> to vector<16xf32>
          %shift_left3A_1398 = arith.shli %get3A_1395, %broadcast_in_dim3A_77 : vector<16xi32>
          %bitcast3A_1399 = vector.bitcast %shift_left3A_1398 : vector<16xi32> to vector<16xf32>
          %bitcast3A_1400 = vector.bitcast %get3A_1388 : vector<16xi32> to vector<16xf32>
          %bitcast3A_1401 = vector.bitcast %get3A_1395 : vector<16xi32> to vector<16xf32>
          %mul3A_1402 = arith.mulf %bitcast3A_1397, %bitcast3A_1399 : vector<16xf32>
          %mul3A_1403 = arith.mulf %bitcast3A_1400, %bitcast3A_1401 : vector<16xf32>
          %add3A_1404 = arith.addf %mul3A_1402, %mul3A_1403 : vector<16xf32>
          %add3A_1405 = arith.addf %add3A_1381, %add3A_1404 : vector<16xf32>
          %add3A_1406 = arith.constant 13 : i32
          %add3A_1407 = arith.addi %mul3A_126, %add3A_1406 : i32
          %get3A_1408 = arith.constant 1 : i32
          %get3A_1409 = arith.index_cast %get3A_1408 : i32 to index
          %get3A_1410 = arith.index_cast %add3A_1407 : i32 to index
          %get3A_1411 = arith.constant 32 : index
          %get3A_1412 = tpu.vector_load %arg8[%get3A_1409, %get3A_1410, %get3A_1411] {strides = array<i32>} : memref<2x80x64xi32, #tpu.memory_space<vmem>>, vector<16xi32>,
          %add3A_1413 = arith.constant 13 : i32
          %add3A_1414 = arith.addi %mul3A_126, %add3A_1413 : i32
          %get3A_1415 = arith.constant 1 : i32
          %get3A_1416 = arith.index_cast %get3A_1415 : i32 to index
          %get3A_1417 = arith.index_cast %add3A_1414 : i32 to index
          %get3A_1418 = arith.constant 32 : index
          %get3A_1419 = tpu.vector_load %arg9[%get3A_1416, %get3A_1417, %get3A_1418] {strides = array<i32>} : memref<2x80x64xi32, #tpu.memory_space<vmem>>, vector<16xi32>,
          %shift_left3A_1420 = arith.shli %get3A_1412, %broadcast_in_dim3A_77 : vector<16xi32>
          %bitcast3A_1421 = vector.bitcast %shift_left3A_1420 : vector<16xi32> to vector<16xf32>
          %shift_left3A_1422 = arith.shli %get3A_1419, %broadcast_in_dim3A_77 : vector<16xi32>
          %bitcast3A_1423 = vector.bitcast %shift_left3A_1422 : vector<16xi32> to vector<16xf32>
          %bitcast3A_1424 = vector.bitcast %get3A_1412 : vector<16xi32> to vector<16xf32>
          %bitcast3A_1425 = vector.bitcast %get3A_1419 : vector<16xi32> to vector<16xf32>
          %mul3A_1426 = arith.mulf %bitcast3A_1421, %bitcast3A_1423 : vector<16xf32>
          %mul3A_1427 = arith.mulf %bitcast3A_1424, %bitcast3A_1425 : vector<16xf32>
          %add3A_1428 = arith.addf %mul3A_1426, %mul3A_1427 : vector<16xf32>
          %add3A_1429 = arith.addf %add3A_1405, %add3A_1428 : vector<16xf32>
          %add3A_1430 = arith.constant 13 : i32
          %add3A_1431 = arith.addi %mul3A_126, %add3A_1430 : i32
          %get3A_1432 = arith.constant 1 : i32
          %get3A_1433 = arith.index_cast %get3A_1432 : i32 to index
          %get3A_1434 = arith.index_cast %add3A_1431 : i32 to index
          %get3A_1435 = arith.constant 48 : index
          %get3A_1436 = tpu.vector_load %arg8[%get3A_1433, %get3A_1434, %get3A_1435] {strides = array<i32>} : memref<2x80x64xi32, #tpu.memory_space<vmem>>, vector<16xi32>,
          %add3A_1437 = arith.constant 13 : i32
          %add3A_1438 = arith.addi %mul3A_126, %add3A_1437 : i32
          %get3A_1439 = arith.constant 1 : i32
          %get3A_1440 = arith.index_cast %get3A_1439 : i32 to index
          %get3A_1441 = arith.index_cast %add3A_1438 : i32 to index
          %get3A_1442 = arith.constant 48 : index
          %get3A_1443 = tpu.vector_load %arg9[%get3A_1440, %get3A_1441, %get3A_1442] {strides = array<i32>} : memref<2x80x64xi32, #tpu.memory_space<vmem>>, vector<16xi32>,
          %shift_left3A_1444 = arith.shli %get3A_1436, %broadcast_in_dim3A_77 : vector<16xi32>
          %bitcast3A_1445 = vector.bitcast %shift_left3A_1444 : vector<16xi32> to vector<16xf32>
          %shift_left3A_1446 = arith.shli %get3A_1443, %broadcast_in_dim3A_77 : vector<16xi32>
          %bitcast3A_1447 = vector.bitcast %shift_left3A_1446 : vector<16xi32> to vector<16xf32>
          %bitcast3A_1448 = vector.bitcast %get3A_1436 : vector<16xi32> to vector<16xf32>
          %bitcast3A_1449 = vector.bitcast %get3A_1443 : vector<16xi32> to vector<16xf32>
          %mul3A_1450 = arith.mulf %bitcast3A_1445, %bitcast3A_1447 : vector<16xf32>
          %mul3A_1451 = arith.mulf %bitcast3A_1448, %bitcast3A_1449 : vector<16xf32>
          %add3A_1452 = arith.addf %mul3A_1450, %mul3A_1451 : vector<16xf32>
          %add3A_1453 = arith.addf %add3A_1429, %add3A_1452 : vector<16xf32>
          %add3A_1454 = arith.constant 14 : i32
          %add3A_1455 = arith.addi %mul3A_126, %add3A_1454 : i32
          %get3A_1456 = arith.constant 1 : i32
          %get3A_1457 = arith.index_cast %get3A_1456 : i32 to index
          %get3A_1458 = arith.index_cast %add3A_1455 : i32 to index
          %get3A_1459 = arith.constant 0 : index
          %get3A_1460 = tpu.vector_load %arg8[%get3A_1457, %get3A_1458, %get3A_1459] {strides = array<i32>} : memref<2x80x64xi32, #tpu.memory_space<vmem>>, vector<16xi32>,
          %add3A_1461 = arith.constant 14 : i32
          %add3A_1462 = arith.addi %mul3A_126, %add3A_1461 : i32
          %get3A_1463 = arith.constant 1 : i32
          %get3A_1464 = arith.index_cast %get3A_1463 : i32 to index
          %get3A_1465 = arith.index_cast %add3A_1462 : i32 to index
          %get3A_1466 = arith.constant 0 : index
          %get3A_1467 = tpu.vector_load %arg9[%get3A_1464, %get3A_1465, %get3A_1466] {strides = array<i32>} : memref<2x80x64xi32, #tpu.memory_space<vmem>>, vector<16xi32>,
          %shift_left3A_1468 = arith.shli %get3A_1460, %broadcast_in_dim3A_77 : vector<16xi32>
          %bitcast3A_1469 = vector.bitcast %shift_left3A_1468 : vector<16xi32> to vector<16xf32>
          %shift_left3A_1470 = arith.shli %get3A_1467, %broadcast_in_dim3A_77 : vector<16xi32>
          %bitcast3A_1471 = vector.bitcast %shift_left3A_1470 : vector<16xi32> to vector<16xf32>
          %bitcast3A_1472 = vector.bitcast %get3A_1460 : vector<16xi32> to vector<16xf32>
          %bitcast3A_1473 = vector.bitcast %get3A_1467 : vector<16xi32> to vector<16xf32>
          %mul3A_1474 = arith.mulf %bitcast3A_1469, %bitcast3A_1471 : vector<16xf32>
          %mul3A_1475 = arith.mulf %bitcast3A_1472, %bitcast3A_1473 : vector<16xf32>
          %add3A_1476 = arith.addf %mul3A_1474, %mul3A_1475 : vector<16xf32>
          %add3A_1477 = arith.constant 14 : i32
          %add3A_1478 = arith.addi %mul3A_126, %add3A_1477 : i32
          %get3A_1479 = arith.constant 1 : i32
          %get3A_1480 = arith.index_cast %get3A_1479 : i32 to index
          %get3A_1481 = arith.index_cast %add3A_1478 : i32 to index
          %get3A_1482 = arith.constant 16 : index
          %get3A_1483 = tpu.vector_load %arg8[%get3A_1480, %get3A_1481, %get3A_1482] {strides = array<i32>} : memref<2x80x64xi32, #tpu.memory_space<vmem>>, vector<16xi32>,
          %add3A_1484 = arith.constant 14 : i32
          %add3A_1485 = arith.addi %mul3A_126, %add3A_1484 : i32
          %get3A_1486 = arith.constant 1 : i32
          %get3A_1487 = arith.index_cast %get3A_1486 : i32 to index
          %get3A_1488 = arith.index_cast %add3A_1485 : i32 to index
          %get3A_1489 = arith.constant 16 : index
          %get3A_1490 = tpu.vector_load %arg9[%get3A_1487, %get3A_1488, %get3A_1489] {strides = array<i32>} : memref<2x80x64xi32, #tpu.memory_space<vmem>>, vector<16xi32>,
          %shift_left3A_1491 = arith.shli %get3A_1483, %broadcast_in_dim3A_77 : vector<16xi32>
          %bitcast3A_1492 = vector.bitcast %shift_left3A_1491 : vector<16xi32> to vector<16xf32>
          %shift_left3A_1493 = arith.shli %get3A_1490, %broadcast_in_dim3A_77 : vector<16xi32>
          %bitcast3A_1494 = vector.bitcast %shift_left3A_1493 : vector<16xi32> to vector<16xf32>
          %bitcast3A_1495 = vector.bitcast %get3A_1483 : vector<16xi32> to vector<16xf32>
          %bitcast3A_1496 = vector.bitcast %get3A_1490 : vector<16xi32> to vector<16xf32>
          %mul3A_1497 = arith.mulf %bitcast3A_1492, %bitcast3A_1494 : vector<16xf32>
          %mul3A_1498 = arith.mulf %bitcast3A_1495, %bitcast3A_1496 : vector<16xf32>
          %add3A_1499 = arith.addf %mul3A_1497, %mul3A_1498 : vector<16xf32>
          %add3A_1500 = arith.addf %add3A_1476, %add3A_1499 : vector<16xf32>
          %add3A_1501 = arith.constant 14 : i32
          %add3A_1502 = arith.addi %mul3A_126, %add3A_1501 : i32
          %get3A_1503 = arith.constant 1 : i32
          %get3A_1504 = arith.index_cast %get3A_1503 : i32 to index
          %get3A_1505 = arith.index_cast %add3A_1502 : i32 to index
          %get3A_1506 = arith.constant 32 : index
          %get3A_1507 = tpu.vector_load %arg8[%get3A_1504, %get3A_1505, %get3A_1506] {strides = array<i32>} : memref<2x80x64xi32, #tpu.memory_space<vmem>>, vector<16xi32>,
          %add3A_1508 = arith.constant 14 : i32
          %add3A_1509 = arith.addi %mul3A_126, %add3A_1508 : i32
          %get3A_1510 = arith.constant 1 : i32
          %get3A_1511 = arith.index_cast %get3A_1510 : i32 to index
          %get3A_1512 = arith.index_cast %add3A_1509 : i32 to index
          %get3A_1513 = arith.constant 32 : index
          %get3A_1514 = tpu.vector_load %arg9[%get3A_1511, %get3A_1512, %get3A_1513] {strides = array<i32>} : memref<2x80x64xi32, #tpu.memory_space<vmem>>, vector<16xi32>,
          %shift_left3A_1515 = arith.shli %get3A_1507, %broadcast_in_dim3A_77 : vector<16xi32>
          %bitcast3A_1516 = vector.bitcast %shift_left3A_1515 : vector<16xi32> to vector<16xf32>
          %shift_left3A_1517 = arith.shli %get3A_1514, %broadcast_in_dim3A_77 : vector<16xi32>
          %bitcast3A_1518 = vector.bitcast %shift_left3A_1517 : vector<16xi32> to vector<16xf32>
          %bitcast3A_1519 = vector.bitcast %get3A_1507 : vector<16xi32> to vector<16xf32>
          %bitcast3A_1520 = vector.bitcast %get3A_1514 : vector<16xi32> to vector<16xf32>
          %mul3A_1521 = arith.mulf %bitcast3A_1516, %bitcast3A_1518 : vector<16xf32>
          %mul3A_1522 = arith.mulf %bitcast3A_1519, %bitcast3A_1520 : vector<16xf32>
          %add3A_1523 = arith.addf %mul3A_1521, %mul3A_1522 : vector<16xf32>
          %add3A_1524 = arith.addf %add3A_1500, %add3A_1523 : vector<16xf32>
          %add3A_1525 = arith.constant 14 : i32
          %add3A_1526 = arith.addi %mul3A_126, %add3A_1525 : i32
          %get3A_1527 = arith.constant 1 : i32
          %get3A_1528 = arith.index_cast %get3A_1527 : i32 to index
          %get3A_1529 = arith.index_cast %add3A_1526 : i32 to index
          %get3A_1530 = arith.constant 48 : index
          %get3A_1531 = tpu.vector_load %arg8[%get3A_1528, %get3A_1529, %get3A_1530] {strides = array<i32>} : memref<2x80x64xi32, #tpu.memory_space<vmem>>, vector<16xi32>,
          %add3A_1532 = arith.constant 14 : i32
          %add3A_1533 = arith.addi %mul3A_126, %add3A_1532 : i32
          %get3A_1534 = arith.constant 1 : i32
          %get3A_1535 = arith.index_cast %get3A_1534 : i32 to index
          %get3A_1536 = arith.index_cast %add3A_1533 : i32 to index
          %get3A_1537 = arith.constant 48 : index
          %get3A_1538 = tpu.vector_load %arg9[%get3A_1535, %get3A_1536, %get3A_1537] {strides = array<i32>} : memref<2x80x64xi32, #tpu.memory_space<vmem>>, vector<16xi32>,
          %shift_left3A_1539 = arith.shli %get3A_1531, %broadcast_in_dim3A_77 : vector<16xi32>
          %bitcast3A_1540 = vector.bitcast %shift_left3A_1539 : vector<16xi32> to vector<16xf32>
          %shift_left3A_1541 = arith.shli %get3A_1538, %broadcast_in_dim3A_77 : vector<16xi32>
          %bitcast3A_1542 = vector.bitcast %shift_left3A_1541 : vector<16xi32> to vector<16xf32>
          %bitcast3A_1543 = vector.bitcast %get3A_1531 : vector<16xi32> to vector<16xf32>
          %bitcast3A_1544 = vector.bitcast %get3A_1538 : vector<16xi32> to vector<16xf32>
          %mul3A_1545 = arith.mulf %bitcast3A_1540, %bitcast3A_1542 : vector<16xf32>
          %mul3A_1546 = arith.mulf %bitcast3A_1543, %bitcast3A_1544 : vector<16xf32>
          %add3A_1547 = arith.addf %mul3A_1545, %mul3A_1546 : vector<16xf32>
          %add3A_1548 = arith.addf %add3A_1524, %add3A_1547 : vector<16xf32>
          %add3A_1549 = arith.constant 15 : i32
          %add3A_1550 = arith.addi %mul3A_126, %add3A_1549 : i32
          %get3A_1551 = arith.constant 1 : i32
          %get3A_1552 = arith.index_cast %get3A_1551 : i32 to index
          %get3A_1553 = arith.index_cast %add3A_1550 : i32 to index
          %get3A_1554 = arith.constant 0 : index
          %get3A_1555 = tpu.vector_load %arg8[%get3A_1552, %get3A_1553, %get3A_1554] {strides = array<i32>} : memref<2x80x64xi32, #tpu.memory_space<vmem>>, vector<16xi32>,
          %add3A_1556 = arith.constant 15 : i32
          %add3A_1557 = arith.addi %mul3A_126, %add3A_1556 : i32
          %get3A_1558 = arith.constant 1 : i32
          %get3A_1559 = arith.index_cast %get3A_1558 : i32 to index
          %get3A_1560 = arith.index_cast %add3A_1557 : i32 to index
          %get3A_1561 = arith.constant 0 : index
          %get3A_1562 = tpu.vector_load %arg9[%get3A_1559, %get3A_1560, %get3A_1561] {strides = array<i32>} : memref<2x80x64xi32, #tpu.memory_space<vmem>>, vector<16xi32>,
          %shift_left3A_1563 = arith.shli %get3A_1555, %broadcast_in_dim3A_77 : vector<16xi32>
          %bitcast3A_1564 = vector.bitcast %shift_left3A_1563 : vector<16xi32> to vector<16xf32>
          %shift_left3A_1565 = arith.shli %get3A_1562, %broadcast_in_dim3A_77 : vector<16xi32>
          %bitcast3A_1566 = vector.bitcast %shift_left3A_1565 : vector<16xi32> to vector<16xf32>
          %bitcast3A_1567 = vector.bitcast %get3A_1555 : vector<16xi32> to vector<16xf32>
          %bitcast3A_1568 = vector.bitcast %get3A_1562 : vector<16xi32> to vector<16xf32>
          %mul3A_1569 = arith.mulf %bitcast3A_1564, %bitcast3A_1566 : vector<16xf32>
          %mul3A_1570 = arith.mulf %bitcast3A_1567, %bitcast3A_1568 : vector<16xf32>
          %add3A_1571 = arith.addf %mul3A_1569, %mul3A_1570 : vector<16xf32>
          %add3A_1572 = arith.constant 15 : i32
          %add3A_1573 = arith.addi %mul3A_126, %add3A_1572 : i32
          %get3A_1574 = arith.constant 1 : i32
          %get3A_1575 = arith.index_cast %get3A_1574 : i32 to index
          %get3A_1576 = arith.index_cast %add3A_1573 : i32 to index
          %get3A_1577 = arith.constant 16 : index
          %get3A_1578 = tpu.vector_load %arg8[%get3A_1575, %get3A_1576, %get3A_1577] {strides = array<i32>} : memref<2x80x64xi32, #tpu.memory_space<vmem>>, vector<16xi32>,
          %add3A_1579 = arith.constant 15 : i32
          %add3A_1580 = arith.addi %mul3A_126, %add3A_1579 : i32
          %get3A_1581 = arith.constant 1 : i32
          %get3A_1582 = arith.index_cast %get3A_1581 : i32 to index
          %get3A_1583 = arith.index_cast %add3A_1580 : i32 to index
          %get3A_1584 = arith.constant 16 : index
          %get3A_1585 = tpu.vector_load %arg9[%get3A_1582, %get3A_1583, %get3A_1584] {strides = array<i32>} : memref<2x80x64xi32, #tpu.memory_space<vmem>>, vector<16xi32>,
          %shift_left3A_1586 = arith.shli %get3A_1578, %broadcast_in_dim3A_77 : vector<16xi32>
          %bitcast3A_1587 = vector.bitcast %shift_left3A_1586 : vector<16xi32> to vector<16xf32>
          %shift_left3A_1588 = arith.shli %get3A_1585, %broadcast_in_dim3A_77 : vector<16xi32>
          %bitcast3A_1589 = vector.bitcast %shift_left3A_1588 : vector<16xi32> to vector<16xf32>
          %bitcast3A_1590 = vector.bitcast %get3A_1578 : vector<16xi32> to vector<16xf32>
          %bitcast3A_1591 = vector.bitcast %get3A_1585 : vector<16xi32> to vector<16xf32>
          %mul3A_1592 = arith.mulf %bitcast3A_1587, %bitcast3A_1589 : vector<16xf32>
          %mul3A_1593 = arith.mulf %bitcast3A_1590, %bitcast3A_1591 : vector<16xf32>
          %add3A_1594 = arith.addf %mul3A_1592, %mul3A_1593 : vector<16xf32>
          %add3A_1595 = arith.addf %add3A_1571, %add3A_1594 : vector<16xf32>
          %add3A_1596 = arith.constant 15 : i32
          %add3A_1597 = arith.addi %mul3A_126, %add3A_1596 : i32
          %get3A_1598 = arith.constant 1 : i32
          %get3A_1599 = arith.index_cast %get3A_1598 : i32 to index
          %get3A_1600 = arith.index_cast %add3A_1597 : i32 to index
          %get3A_1601 = arith.constant 32 : index
          %get3A_1602 = tpu.vector_load %arg8[%get3A_1599, %get3A_1600, %get3A_1601] {strides = array<i32>} : memref<2x80x64xi32, #tpu.memory_space<vmem>>, vector<16xi32>,
          %add3A_1603 = arith.constant 15 : i32
          %add3A_1604 = arith.addi %mul3A_126, %add3A_1603 : i32
          %get3A_1605 = arith.constant 1 : i32
          %get3A_1606 = arith.index_cast %get3A_1605 : i32 to index
          %get3A_1607 = arith.index_cast %add3A_1604 : i32 to index
          %get3A_1608 = arith.constant 32 : index
          %get3A_1609 = tpu.vector_load %arg9[%get3A_1606, %get3A_1607, %get3A_1608] {strides = array<i32>} : memref<2x80x64xi32, #tpu.memory_space<vmem>>, vector<16xi32>,
          %shift_left3A_1610 = arith.shli %get3A_1602, %broadcast_in_dim3A_77 : vector<16xi32>
          %bitcast3A_1611 = vector.bitcast %shift_left3A_1610 : vector<16xi32> to vector<16xf32>
          %shift_left3A_1612 = arith.shli %get3A_1609, %broadcast_in_dim3A_77 : vector<16xi32>
          %bitcast3A_1613 = vector.bitcast %shift_left3A_1612 : vector<16xi32> to vector<16xf32>
          %bitcast3A_1614 = vector.bitcast %get3A_1602 : vector<16xi32> to vector<16xf32>
          %bitcast3A_1615 = vector.bitcast %get3A_1609 : vector<16xi32> to vector<16xf32>
          %mul3A_1616 = arith.mulf %bitcast3A_1611, %bitcast3A_1613 : vector<16xf32>
          %mul3A_1617 = arith.mulf %bitcast3A_1614, %bitcast3A_1615 : vector<16xf32>
          %add3A_1618 = arith.addf %mul3A_1616, %mul3A_1617 : vector<16xf32>
          %add3A_1619 = arith.addf %add3A_1595, %add3A_1618 : vector<16xf32>
          %add3A_1620 = arith.constant 15 : i32
          %add3A_1621 = arith.addi %mul3A_126, %add3A_1620 : i32
          %get3A_1622 = arith.constant 1 : i32
          %get3A_1623 = arith.index_cast %get3A_1622 : i32 to index
          %get3A_1624 = arith.index_cast %add3A_1621 : i32 to index
          %get3A_1625 = arith.constant 48 : index
          %get3A_1626 = tpu.vector_load %arg8[%get3A_1623, %get3A_1624, %get3A_1625] {strides = array<i32>} : memref<2x80x64xi32, #tpu.memory_space<vmem>>, vector<16xi32>,
          %add3A_1627 = arith.constant 15 : i32
          %add3A_1628 = arith.addi %mul3A_126, %add3A_1627 : i32
          %get3A_1629 = arith.constant 1 : i32
          %get3A_1630 = arith.index_cast %get3A_1629 : i32 to index
          %get3A_1631 = arith.index_cast %add3A_1628 : i32 to index
          %get3A_1632 = arith.constant 48 : index
          %get3A_1633 = tpu.vector_load %arg9[%get3A_1630, %get3A_1631, %get3A_1632] {strides = array<i32>} : memref<2x80x64xi32, #tpu.memory_space<vmem>>, vector<16xi32>,
          %shift_left3A_1634 = arith.shli %get3A_1626, %broadcast_in_dim3A_77 : vector<16xi32>
          %bitcast3A_1635 = vector.bitcast %shift_left3A_1634 : vector<16xi32> to vector<16xf32>
          %shift_left3A_1636 = arith.shli %get3A_1633, %broadcast_in_dim3A_77 : vector<16xi32>
          %bitcast3A_1637 = vector.bitcast %shift_left3A_1636 : vector<16xi32> to vector<16xf32>
          %bitcast3A_1638 = vector.bitcast %get3A_1626 : vector<16xi32> to vector<16xf32>
          %bitcast3A_1639 = vector.bitcast %get3A_1633 : vector<16xi32> to vector<16xf32>
          %mul3A_1640 = arith.mulf %bitcast3A_1635, %bitcast3A_1637 : vector<16xf32>
          %mul3A_1641 = arith.mulf %bitcast3A_1638, %bitcast3A_1639 : vector<16xf32>
          %add3A_1642 = arith.addf %mul3A_1640, %mul3A_1641 : vector<16xf32>
          %add3A_1643 = arith.addf %add3A_1619, %add3A_1642 : vector<16xf32>
          %reshape3A = vector.shape_cast %xor3A_79 : vector<16xi32> to vector<16x1xi32>
          %gather3A = vector.shape_cast %reshape3A : vector<16x1xi32> to vector<16xi32>
          %gather3A_1644 = tpu.dynamic_gather %add3A_218[%gather3A] in [0] : vector<16xf32>, vector<16xi32> -> vector<16xf32>
          %reshape3A_1645 = vector.shape_cast %xor3A_79 : vector<16xi32> to vector<16x1xi32>
          %gather3A_1646 = vector.shape_cast %reshape3A_1645 : vector<16x1xi32> to vector<16xi32>
          %gather3A_1647 = tpu.dynamic_gather %add3A_978[%gather3A_1646] in [0] : vector<16xf32>, vector<16xi32> -> vector<16xf32>
          %select_n3A = arith.select %eq3A_93, %add3A_218, %gather3A_1647 : vector<16xi1>, vector<16xf32>
          %select_n3A_1648 = arith.select %eq3A_93, %gather3A_1644, %add3A_978 : vector<16xi1>, vector<16xf32>
          %add3A_1649 = arith.addf %select_n3A, %select_n3A_1648 : vector<16xf32>
          %reshape3A_1650 = vector.shape_cast %xor3A_79 : vector<16xi32> to vector<16x1xi32>
          %gather3A_1651 = vector.shape_cast %reshape3A_1650 : vector<16x1xi32> to vector<16xi32>
          %gather3A_1652 = tpu.dynamic_gather %add3A_313[%gather3A_1651] in [0] : vector<16xf32>, vector<16xi32> -> vector<16xf32>
          %reshape3A_1653 = vector.shape_cast %xor3A_79 : vector<16xi32> to vector<16x1xi32>
          %gather3A_1654 = vector.shape_cast %reshape3A_1653 : vector<16x1xi32> to vector<16xi32>
          %gather3A_1655 = tpu.dynamic_gather %add3A_1073[%gather3A_1654] in [0] : vector<16xf32>, vector<16xi32> -> vector<16xf32>
          %select_n3A_1656 = arith.select %eq3A_93, %add3A_313, %gather3A_1655 : vector<16xi1>, vector<16xf32>
          %select_n3A_1657 = arith.select %eq3A_93, %gather3A_1652, %add3A_1073 : vector<16xi1>, vector<16xf32>
          %add3A_1658 = arith.addf %select_n3A_1656, %select_n3A_1657 : vector<16xf32>
          %reshape3A_1659 = vector.shape_cast %xor3A_79 : vector<16xi32> to vector<16x1xi32>
          %gather3A_1660 = vector.shape_cast %reshape3A_1659 : vector<16x1xi32> to vector<16xi32>
          %gather3A_1661 = tpu.dynamic_gather %add3A_408[%gather3A_1660] in [0] : vector<16xf32>, vector<16xi32> -> vector<16xf32>
          %reshape3A_1662 = vector.shape_cast %xor3A_79 : vector<16xi32> to vector<16x1xi32>
          %gather3A_1663 = vector.shape_cast %reshape3A_1662 : vector<16x1xi32> to vector<16xi32>
          %gather3A_1664 = tpu.dynamic_gather %add3A_1168[%gather3A_1663] in [0] : vector<16xf32>, vector<16xi32> -> vector<16xf32>
          %select_n3A_1665 = arith.select %eq3A_93, %add3A_408, %gather3A_1664 : vector<16xi1>, vector<16xf32>
          %select_n3A_1666 = arith.select %eq3A_93, %gather3A_1661, %add3A_1168 : vector<16xi1>, vector<16xf32>
          %add3A_1667 = arith.addf %select_n3A_1665, %select_n3A_1666 : vector<16xf32>
          %reshape3A_1668 = vector.shape_cast %xor3A_79 : vector<16xi32> to vector<16x1xi32>
          %gather3A_1669 = vector.shape_cast %reshape3A_1668 : vector<16x1xi32> to vector<16xi32>
          %gather3A_1670 = tpu.dynamic_gather %add3A_503[%gather3A_1669] in [0] : vector<16xf32>, vector<16xi32> -> vector<16xf32>
          %reshape3A_1671 = vector.shape_cast %xor3A_79 : vector<16xi32> to vector<16x1xi32>
          %gather3A_1672 = vector.shape_cast %reshape3A_1671 : vector<16x1xi32> to vector<16xi32>
          %gather3A_1673 = tpu.dynamic_gather %add3A_1263[%gather3A_1672] in [0] : vector<16xf32>, vector<16xi32> -> vector<16xf32>
          %select_n3A_1674 = arith.select %eq3A_93, %add3A_503, %gather3A_1673 : vector<16xi1>, vector<16xf32>
          %select_n3A_1675 = arith.select %eq3A_93, %gather3A_1670, %add3A_1263 : vector<16xi1>, vector<16xf32>
          %add3A_1676 = arith.addf %select_n3A_1674, %select_n3A_1675 : vector<16xf32>
          %reshape3A_1677 = vector.shape_cast %xor3A_79 : vector<16xi32> to vector<16x1xi32>
          %gather3A_1678 = vector.shape_cast %reshape3A_1677 : vector<16x1xi32> to vector<16xi32>
          %gather3A_1679 = tpu.dynamic_gather %add3A_598[%gather3A_1678] in [0] : vector<16xf32>, vector<16xi32> -> vector<16xf32>
          %reshape3A_1680 = vector.shape_cast %xor3A_79 : vector<16xi32> to vector<16x1xi32>
          %gather3A_1681 = vector.shape_cast %reshape3A_1680 : vector<16x1xi32> to vector<16xi32>
          %gather3A_1682 = tpu.dynamic_gather %add3A_1358[%gather3A_1681] in [0] : vector<16xf32>, vector<16xi32> -> vector<16xf32>
          %select_n3A_1683 = arith.select %eq3A_93, %add3A_598, %gather3A_1682 : vector<16xi1>, vector<16xf32>
          %select_n3A_1684 = arith.select %eq3A_93, %gather3A_1679, %add3A_1358 : vector<16xi1>, vector<16xf32>
          %add3A_1685 = arith.addf %select_n3A_1683, %select_n3A_1684 : vector<16xf32>
          %reshape3A_1686 = vector.shape_cast %xor3A_79 : vector<16xi32> to vector<16x1xi32>
          %gather3A_1687 = vector.shape_cast %reshape3A_1686 : vector<16x1xi32> to vector<16xi32>
          %gather3A_1688 = tpu.dynamic_gather %add3A_693[%gather3A_1687] in [0] : vector<16xf32>, vector<16xi32> -> vector<16xf32>
          %reshape3A_1689 = vector.shape_cast %xor3A_79 : vector<16xi32> to vector<16x1xi32>
          %gather3A_1690 = vector.shape_cast %reshape3A_1689 : vector<16x1xi32> to vector<16xi32>
          %gather3A_1691 = tpu.dynamic_gather %add3A_1453[%gather3A_1690] in [0] : vector<16xf32>, vector<16xi32> -> vector<16xf32>
          %select_n3A_1692 = arith.select %eq3A_93, %add3A_693, %gather3A_1691 : vector<16xi1>, vector<16xf32>
          %select_n3A_1693 = arith.select %eq3A_93, %gather3A_1688, %add3A_1453 : vector<16xi1>, vector<16xf32>
          %add3A_1694 = arith.addf %select_n3A_1692, %select_n3A_1693 : vector<16xf32>
          %reshape3A_1695 = vector.shape_cast %xor3A_79 : vector<16xi32> to vector<16x1xi32>
          %gather3A_1696 = vector.shape_cast %reshape3A_1695 : vector<16x1xi32> to vector<16xi32>
          %gather3A_1697 = tpu.dynamic_gather %add3A_788[%gather3A_1696] in [0] : vector<16xf32>, vector<16xi32> -> vector<16xf32>
          %reshape3A_1698 = vector.shape_cast %xor3A_79 : vector<16xi32> to vector<16x1xi32>
          %gather3A_1699 = vector.shape_cast %reshape3A_1698 : vector<16x1xi32> to vector<16xi32>
          %gather3A_1700 = tpu.dynamic_gather %add3A_1548[%gather3A_1699] in [0] : vector<16xf32>, vector<16xi32> -> vector<16xf32>
          %select_n3A_1701 = arith.select %eq3A_93, %add3A_788, %gather3A_1700 : vector<16xi1>, vector<16xf32>
          %select_n3A_1702 = arith.select %eq3A_93, %gather3A_1697, %add3A_1548 : vector<16xi1>, vector<16xf32>
          %add3A_1703 = arith.addf %select_n3A_1701, %select_n3A_1702 : vector<16xf32>
          %reshape3A_1704 = vector.shape_cast %xor3A_79 : vector<16xi32> to vector<16x1xi32>
          %gather3A_1705 = vector.shape_cast %reshape3A_1704 : vector<16x1xi32> to vector<16xi32>
          %gather3A_1706 = tpu.dynamic_gather %add3A_883[%gather3A_1705] in [0] : vector<16xf32>, vector<16xi32> -> vector<16xf32>
          %reshape3A_1707 = vector.shape_cast %xor3A_79 : vector<16xi32> to vector<16x1xi32>
          %gather3A_1708 = vector.shape_cast %reshape3A_1707 : vector<16x1xi32> to vector<16xi32>
          %gather3A_1709 = tpu.dynamic_gather %add3A_1643[%gather3A_1708] in [0] : vector<16xf32>, vector<16xi32> -> vector<16xf32>
          %select_n3A_1710 = arith.select %eq3A_93, %add3A_883, %gather3A_1709 : vector<16xi1>, vector<16xf32>
          %select_n3A_1711 = arith.select %eq3A_93, %gather3A_1706, %add3A_1643 : vector<16xi1>, vector<16xf32>
          %add3A_1712 = arith.addf %select_n3A_1710, %select_n3A_1711 : vector<16xf32>
          %reshape3A_1713 = vector.shape_cast %xor3A_82 : vector<16xi32> to vector<16x1xi32>
          %gather3A_1714 = vector.shape_cast %reshape3A_1713 : vector<16x1xi32> to vector<16xi32>
          %gather3A_1715 = tpu.dynamic_gather %add3A_1649[%gather3A_1714] in [0] : vector<16xf32>, vector<16xi32> -> vector<16xf32>
          %reshape3A_1716 = vector.shape_cast %xor3A_82 : vector<16xi32> to vector<16x1xi32>
          %gather3A_1717 = vector.shape_cast %reshape3A_1716 : vector<16x1xi32> to vector<16xi32>
          %gather3A_1718 = tpu.dynamic_gather %add3A_1685[%gather3A_1717] in [0] : vector<16xf32>, vector<16xi32> -> vector<16xf32>
          %select_n3A_1719 = arith.select %eq3A_99, %add3A_1649, %gather3A_1718 : vector<16xi1>, vector<16xf32>
          %select_n3A_1720 = arith.select %eq3A_99, %gather3A_1715, %add3A_1685 : vector<16xi1>, vector<16xf32>
          %add3A_1721 = arith.addf %select_n3A_1719, %select_n3A_1720 : vector<16xf32>
          %reshape3A_1722 = vector.shape_cast %xor3A_82 : vector<16xi32> to vector<16x1xi32>
          %gather3A_1723 = vector.shape_cast %reshape3A_1722 : vector<16x1xi32> to vector<16xi32>
          %gather3A_1724 = tpu.dynamic_gather %add3A_1658[%gather3A_1723] in [0] : vector<16xf32>, vector<16xi32> -> vector<16xf32>
          %reshape3A_1725 = vector.shape_cast %xor3A_82 : vector<16xi32> to vector<16x1xi32>
          %gather3A_1726 = vector.shape_cast %reshape3A_1725 : vector<16x1xi32> to vector<16xi32>
          %gather3A_1727 = tpu.dynamic_gather %add3A_1694[%gather3A_1726] in [0] : vector<16xf32>, vector<16xi32> -> vector<16xf32>
          %select_n3A_1728 = arith.select %eq3A_99, %add3A_1658, %gather3A_1727 : vector<16xi1>, vector<16xf32>
          %select_n3A_1729 = arith.select %eq3A_99, %gather3A_1724, %add3A_1694 : vector<16xi1>, vector<16xf32>
          %add3A_1730 = arith.addf %select_n3A_1728, %select_n3A_1729 : vector<16xf32>
          %reshape3A_1731 = vector.shape_cast %xor3A_82 : vector<16xi32> to vector<16x1xi32>
          %gather3A_1732 = vector.shape_cast %reshape3A_1731 : vector<16x1xi32> to vector<16xi32>
          %gather3A_1733 = tpu.dynamic_gather %add3A_1667[%gather3A_1732] in [0] : vector<16xf32>, vector<16xi32> -> vector<16xf32>
          %reshape3A_1734 = vector.shape_cast %xor3A_82 : vector<16xi32> to vector<16x1xi32>
          %gather3A_1735 = vector.shape_cast %reshape3A_1734 : vector<16x1xi32> to vector<16xi32>
          %gather3A_1736 = tpu.dynamic_gather %add3A_1703[%gather3A_1735] in [0] : vector<16xf32>, vector<16xi32> -> vector<16xf32>
          %select_n3A_1737 = arith.select %eq3A_99, %add3A_1667, %gather3A_1736 : vector<16xi1>, vector<16xf32>
          %select_n3A_1738 = arith.select %eq3A_99, %gather3A_1733, %add3A_1703 : vector<16xi1>, vector<16xf32>
          %add3A_1739 = arith.addf %select_n3A_1737, %select_n3A_1738 : vector<16xf32>
          %reshape3A_1740 = vector.shape_cast %xor3A_82 : vector<16xi32> to vector<16x1xi32>
          %gather3A_1741 = vector.shape_cast %reshape3A_1740 : vector<16x1xi32> to vector<16xi32>
          %gather3A_1742 = tpu.dynamic_gather %add3A_1676[%gather3A_1741] in [0] : vector<16xf32>, vector<16xi32> -> vector<16xf32>
          %reshape3A_1743 = vector.shape_cast %xor3A_82 : vector<16xi32> to vector<16x1xi32>
          %gather3A_1744 = vector.shape_cast %reshape3A_1743 : vector<16x1xi32> to vector<16xi32>
          %gather3A_1745 = tpu.dynamic_gather %add3A_1712[%gather3A_1744] in [0] : vector<16xf32>, vector<16xi32> -> vector<16xf32>
          %select_n3A_1746 = arith.select %eq3A_99, %add3A_1676, %gather3A_1745 : vector<16xi1>, vector<16xf32>
          %select_n3A_1747 = arith.select %eq3A_99, %gather3A_1742, %add3A_1712 : vector<16xi1>, vector<16xf32>
          %add3A_1748 = arith.addf %select_n3A_1746, %select_n3A_1747 : vector<16xf32>
          %reshape3A_1749 = vector.shape_cast %xor3A_85 : vector<16xi32> to vector<16x1xi32>
          %gather3A_1750 = vector.shape_cast %reshape3A_1749 : vector<16x1xi32> to vector<16xi32>
          %gather3A_1751 = tpu.dynamic_gather %add3A_1721[%gather3A_1750] in [0] : vector<16xf32>, vector<16xi32> -> vector<16xf32>
          %reshape3A_1752 = vector.shape_cast %xor3A_85 : vector<16xi32> to vector<16x1xi32>
          %gather3A_1753 = vector.shape_cast %reshape3A_1752 : vector<16x1xi32> to vector<16xi32>
          %gather3A_1754 = tpu.dynamic_gather %add3A_1739[%gather3A_1753] in [0] : vector<16xf32>, vector<16xi32> -> vector<16xf32>
          %select_n3A_1755 = arith.select %eq3A_105, %add3A_1721, %gather3A_1754 : vector<16xi1>, vector<16xf32>
          %select_n3A_1756 = arith.select %eq3A_105, %gather3A_1751, %add3A_1739 : vector<16xi1>, vector<16xf32>
          %add3A_1757 = arith.addf %select_n3A_1755, %select_n3A_1756 : vector<16xf32>
          %reshape3A_1758 = vector.shape_cast %xor3A_85 : vector<16xi32> to vector<16x1xi32>
          %gather3A_1759 = vector.shape_cast %reshape3A_1758 : vector<16x1xi32> to vector<16xi32>
          %gather3A_1760 = tpu.dynamic_gather %add3A_1730[%gather3A_1759] in [0] : vector<16xf32>, vector<16xi32> -> vector<16xf32>
          %reshape3A_1761 = vector.shape_cast %xor3A_85 : vector<16xi32> to vector<16x1xi32>
          %gather3A_1762 = vector.shape_cast %reshape3A_1761 : vector<16x1xi32> to vector<16xi32>
          %gather3A_1763 = tpu.dynamic_gather %add3A_1748[%gather3A_1762] in [0] : vector<16xf32>, vector<16xi32> -> vector<16xf32>
          %select_n3A_1764 = arith.select %eq3A_105, %add3A_1730, %gather3A_1763 : vector<16xi1>, vector<16xf32>
          %select_n3A_1765 = arith.select %eq3A_105, %gather3A_1760, %add3A_1748 : vector<16xi1>, vector<16xf32>
          %add3A_1766 = arith.addf %select_n3A_1764, %select_n3A_1765 : vector<16xf32>
          %reshape3A_1767 = vector.shape_cast %xor3A_88 : vector<16xi32> to vector<16x1xi32>
          %gather3A_1768 = vector.shape_cast %reshape3A_1767 : vector<16x1xi32> to vector<16xi32>
          %gather3A_1769 = tpu.dynamic_gather %add3A_1757[%gather3A_1768] in [0] : vector<16xf32>, vector<16xi32> -> vector<16xf32>
          %reshape3A_1770 = vector.shape_cast %xor3A_88 : vector<16xi32> to vector<16x1xi32>
          %gather3A_1771 = vector.shape_cast %reshape3A_1770 : vector<16x1xi32> to vector<16xi32>
          %gather3A_1772 = tpu.dynamic_gather %add3A_1766[%gather3A_1771] in [0] : vector<16xf32>, vector<16xi32> -> vector<16xf32>
          %select_n3A_1773 = arith.select %eq3A_111, %add3A_1757, %gather3A_1772 : vector<16xi1>, vector<16xf32>
          %select_n3A_1774 = arith.select %eq3A_111, %gather3A_1769, %add3A_1766 : vector<16xi1>, vector<16xf32>
          %add3A_1775 = arith.addf %select_n3A_1773, %select_n3A_1774 : vector<16xf32>
          %mul3A_1776 = arith.constant 80 : i32
          %mul3A_1777 = arith.muli %scan3A_47, %mul3A_1776 : i32
          %add3A_1778 = arith.addi %mul3A_1777, %mul3A_126 : i32
          %swap3A = arith.index_cast %add3A_1778 : i32 to index
          %swap3A_1779 = tpu.vector_load %arg10[%swap3A] {strides = array<i32>} : memref<10000xf32, #tpu.memory_space<vmem>>, vector<16xf32>,
          tpu.vector_store %arg10[%swap3A], %add3A_1775 {strides = array<i32>} : memref<10000xf32, #tpu.memory_space<vmem>>, vector<16xf32>,
        }
        %scan3A_117 = arith.constant 5 : i32
        %add3A_118 = arith.constant 2 : i32
        %add3A_119 = arith.addi %scan3A_47, %add3A_118 : i32
        %lt3A = arith.constant 125 : i32
        %lt3A_120 = arith.cmpi slt, %add3A_119, %lt3A : i32
        %convert_element_type3A_121 = arith.extui %lt3A_120 : i1 to i32
        %cond3A_122 = arith.constant 0 : i32
        %cond3A_123 = arith.cmpi ne, %convert_element_type3A_121, %cond3A_122 : i32
        scf.if %cond3A_123 {
          %add3A_124 = arith.constant 2 : i32
          %add3A_125 = arith.addi %scan3A_47, %add3A_124 : i32
          %mul3A_126 = arith.constant 80 : i32
          %mul3A_127 = arith.muli %add3A_125, %mul3A_126 : i32
          %mul3A_128 = arith.constant 80 : i32
          %mul3A_129 = arith.muli %add3A_125, %mul3A_128 : i32
          %dma_start3A_130 = arith.constant 1 : i32
          %dma_start3A_131 = arith.constant 0 : i32
          %dma_start3A_132 = arith.constant 0 : i32
          %dma_start3A_133 = tpu.memref_slice %arg8[%dma_start3A_130, %dma_start3A_131, %dma_start3A_132] : memref<2x80x64xi32, #tpu.memory_space<vmem>> -> memref<1x80x64xi32, #tpu.memory_space<vmem>>
          %dma_start3A_134 = tpu.memref_squeeze %dma_start3A_133 : memref<1x80x64xi32, #tpu.memory_space<vmem>> -> memref<80x64xi32, #tpu.memory_space<vmem>>
          %dma_start3A_135 = tpu.memref_slice %arg6[%mul3A_127] : memref<10000xi32, #tpu.memory_space<vmem>> -> memref<80xi32, #tpu.memory_space<vmem>>
          %dma_start3A_136 = arith.constant 0 : i32
          %dma_start3A_137 = arith.constant 0 : i32
          %dma_start3A_138 = tpu.memref_slice %arg2[%dma_start3A_136, %dma_start3A_137] : memref<10000x64xi32, #tpu.memory_space<hbm>> -> memref<10000x64xi32, #tpu.memory_space<hbm>>
          tpu.enqueue_indirect_dma source(%dma_start3A_138 : memref<10000x64xi32, #tpu.memory_space<hbm>>) target(%dma_start3A_134 : memref<80x64xi32, #tpu.memory_space<vmem>>) offsets(%dma_start3A_135 : memref<80xi32, #tpu.memory_space<vmem>>) semaphore(%arg12 : memref<!tpu.dma_semaphore, #tpu.memory_space<semaphore_mem>>)
          %dma_start3A_139 = arith.constant 1 : i32
          %dma_start3A_140 = arith.constant 0 : i32
          %dma_start3A_141 = arith.constant 0 : i32
          %dma_start3A_142 = tpu.memref_slice %arg9[%dma_start3A_139, %dma_start3A_140, %dma_start3A_141] : memref<2x80x64xi32, #tpu.memory_space<vmem>> -> memref<1x80x64xi32, #tpu.memory_space<vmem>>
          %dma_start3A_143 = tpu.memref_squeeze %dma_start3A_142 : memref<1x80x64xi32, #tpu.memory_space<vmem>> -> memref<80x64xi32, #tpu.memory_space<vmem>>
          %dma_start3A_144 = tpu.memref_slice %arg7[%mul3A_129] : memref<10000xi32, #tpu.memory_space<vmem>> -> memref<80xi32, #tpu.memory_space<vmem>>
          %dma_start3A_145 = arith.constant 0 : i32
          %dma_start3A_146 = arith.constant 0 : i32
          %dma_start3A_147 = tpu.memref_slice %arg2[%dma_start3A_145, %dma_start3A_146] : memref<10000x64xi32, #tpu.memory_space<hbm>> -> memref<10000x64xi32, #tpu.memory_space<hbm>>
          tpu.enqueue_indirect_dma source(%dma_start3A_147 : memref<10000x64xi32, #tpu.memory_space<hbm>>) target(%dma_start3A_143 : memref<80x64xi32, #tpu.memory_space<vmem>>) offsets(%dma_start3A_144 : memref<80xi32, #tpu.memory_space<vmem>>) semaphore(%arg12 : memref<!tpu.dma_semaphore, #tpu.memory_space<semaphore_mem>>)
        } else {
        }
      } else {
      }
    }
    %scan3A_46 = arith.constant 125 : i32
    "tpu.region"() ({
      %run_scoped3A = tpu.sem_alloc : memref<!tpu.dma_semaphore, #tpu.memory_space<semaphore_mem>>
      %dma_start3A_47 = tpu.memref_slice %arg5[%mul3A_2] : memref<320000xf32, #tpu.memory_space<hbm>> -> memref<10000xf32, #tpu.memory_space<hbm>>
      %dma_start3A_48 = tpu.memref_slice %arg5[%mul3A_2] : memref<320000xf32, #tpu.memory_space<hbm>> -> memref<10000xf32, #tpu.memory_space<hbm>>
      tpu.enqueue_dma source(%arg10 : memref<10000xf32, #tpu.memory_space<vmem>>) target(%dma_start3A_48 : memref<10000xf32, #tpu.memory_space<hbm>>) target_semaphore(%run_scoped3A : memref<!tpu.dma_semaphore, #tpu.memory_space<semaphore_mem>>)
      %dma_wait3A = tpu.memref_slice %arg5[%mul3A_2] : memref<320000xf32, #tpu.memory_space<hbm>> -> memref<10000xf32, #tpu.memory_space<hbm>>
      %dma_wait3A_49 = tpu.memref_slice %arg5[%mul3A_2] : memref<320000xf32, #tpu.memory_space<hbm>> -> memref<10000xf32, #tpu.memory_space<hbm>>
      tpu.wait_dma2 semaphore(%run_scoped3A : memref<!tpu.dma_semaphore, #tpu.memory_space<semaphore_mem>>) src(%arg10 : memref<10000xf32, #tpu.memory_space<vmem>>) dst(%dma_wait3A_49 : memref<10000xf32, #tpu.memory_space<hbm>>)
      tpu.yield
    }) : () -> ()
    return
  }
}

</mosaic_0001>

<sc_bundles>
// kernel: _scores.3.cloned.1.call-start
scs
__scs_entry_jumppad:
0x0: {  	(pc) =	sbr.rel $0x88, $3  }
0x1: {  	(tag) =	ssettag $0x0;
	lr =	simm.s32 $0x1  }
0x2: {  	[smem:$0x3F9E] =	sst lr;
	_ =	strace $0xD0000000  }
0x3: {  	_ = 	snop  }
0x4: {  	_ = 	snop  }
0x5: {  	_ = 	snop  }
0x6: {  	_ = 	snop  }
0x7: {  	_ = 	snop  }
__scs_overlays_trampoline_lowered:
0x8: {  	[smem:$0x3FAD] =	sst s0  }
0x9: {  	[smem:$0x3FAE] =	sst s1  }
0xa: {  	[smem:$0x3FAF] =	sst s2  }
0xb: {  	[smem:$0x3FB0] =	sst s3  }
0xc: {  	[smem:$0x3FB1] =	sst s4  }
0xd: {  	[smem:$0x3FB2] =	sst s5  }
0xe: {  	[smem:$0x3FB3] =	sst s6  }
0xf: {  	[smem:$0x3FB4] =	sst s7  }
0x10: {  	[smem:$0x3FB5] =	sst s8  }
0x11: {  	[smem:$0x3FB6] =	sst s9;
	s0 =	simm.s32 @!p0 $0x0  }
0x12: {  	s1 =	sld [smem:$0x3F9C];
	s0 =	simm.s32 @p0 $0x1  }
0x13: {  	[smem:$0x3FB7] =	sst s0;
	s0 =	simm.s32 @!p1 $0x0  }
0x14: {  	s2 =	sld [smem:$0x3F9B];
	s0 =	simm.s32 @p1 $0x1  }
0x15: {  	[smem:$0x3FB8] =	sst s0;
	s0 =	simm.s32 @!p2 $0x0  }
0x16: {  	s3 =	sld [smem:$0x3FDB];
	s0 =	simm.s32 @p2 $0x1  }
0x17: {  	s4 =	simm.s32 $0x1BF5;
	[smem:$0x3FBA] =	sst s0  }
0x18: {  	s0 =	sld [smem:$0x3F9D];
	_ =	swait.ge [sflag:s4], $0x0  }
0x19: {  	s7 =	sld [smem:$0x3F9E]  }
0x1a: {  	s8 =	sadd.s32 $0xFFFFE003, lr  }
0x1b: {  	s9 =	sadd.s32 $0xFFFFFEF7, lr;
	s5 =	simm.s32 $0xFFFFFFFF;
	p2 =	slt.u32 s8, $0xFFFFF086  }
0x1c: {  	p1 =	slt.u32 s9, $0xF7A;
	s5 =	simm.s32 @!p2 $0x0  }
0x1d: {  	s5 =	simm.s32 @p1 $0x1;
	p0 =	seq.s32 s7, s2  }
0x1e: {  	s7 =	smul.u32 @!p0 $0xF7A, s2;
	p2 =	seq.s32 @!p0 s5, $0x0  }
0x1f: {  	s9 =	smul.u32 $0xF7A, s1;
	s8 =	simm.s32 @!p0 $0x1BF5;
	p2 =	por !p2, p0  }
0x20: {  	[sflag:s8] =	ssyncset.s32 @!p0 $0xFFFFF086;
	s6 =	sadd.s32 @!p0 s3, s7;
	s7 =	simm.s32 @!p0 $0x108  }
0x21: {  	s3 =	sadd.s32 s3, s9;
	s6 =	sadd.s32 @!p0 $0x88, s6;
	s7 =	simm.s32 @p2 $0x1082  }
0x22: {  	[simem:s7], [sflag:s8] =	dma.local @!p0 [hbm:s6], $0xF7A  }
0x23: {  	s9 =	sor.u32 $0xD0000000, s2;
	s6 =	simm.s32 $0x108;
	_ =	swait.ge @!p0 [sflag:s8], $0x0  }
0x24: {  	s3 =	sadd.s32 $0x88, s3;
	s6 =	simm.s32 @!p1 $0x1082;
	[sflag:s4] =	ssyncset.s32 $0xFFFFF086  }
0x25: {  	[simem:s6], [sflag:s4] =	dma.local [hbm:s3], $0xF7A  }
0x26: {  	[smem:$0x3F9E] =	sst s1;
	(tag) =	ssettag s2;
	_ =	strace s9  }
0x27: {  	s1 =	sld [smem:$0x3FAE]  }
0x28: {  	s2 =	sld [smem:$0x3FAF]  }
0x29: {  	s4 =	sld [smem:$0x3FB1]  }
0x2a: {  	p0 =	seq.s32 s5, $0x0;
	s5 =	sld [smem:$0x3FB2]  }
0x2b: {  	s6 =	sld [smem:$0x3FB3]  }
0x2c: {  	s7 =	sld [smem:$0x3FB4]  }
0x2d: {  	s3 =	simm.s32 $0x108;
	s8 =	sld [smem:$0x3FB5]  }
0x2e: {  	s3 =	simm.s32 @!p0 $0x1082;
	s9 =	sld [smem:$0x3FB6]  }
0x2f: {  	lr =	sadd.s32 s0, s3;
	s0 =	sld [smem:$0x3FAD]  }
0x30: {  	s3 =	sld [smem:$0x3FB0]  }
0x31: {  	[smem:$0x3FB9] =	sst s10  }
0x32: {  	s10 =	sld [smem:$0x3FB7];
	_ =	sdelay $0x3  }
0x33: {  	p0 =	seq.s32 s10, $0x1;
	s10 =	sld [smem:$0x3FB9];
	_ =	sdelay $0x3  }
0x34: {  	[smem:$0x3FB9] =	sst s10  }
0x35: {  	s10 =	sld [smem:$0x3FB8];
	_ =	sdelay $0x3  }
0x36: {  	p1 =	seq.s32 s10, $0x1;
	s10 =	sld [smem:$0x3FB9];
	_ =	sdelay $0x3  }
0x37: {  	[smem:$0x3FB9] =	sst s10  }
0x38: {  	s10 =	sld [smem:$0x3FBA]  }
0x39: {  	_ = 	snop;
	(pc) =	sbr.ind lr, $3  }
0x3a: {  	_ = 	snop  }
0x3b: {  	_ = 	snop  }
0x3c: {  	p2 =	seq.s32 s10, $0x1;
	s10 =	sld [smem:$0x3FB9]  }
0x3d: {  	_ =	shalt  }
0x3e: {  	_ =	shalt  }
0x3f: {  	_ =	shalt  }
0x40: {  	_ =	shalt  }
0x41: {  	_ =	shalt  }
0x42: {  	_ =	shalt  }
0x43: {  	_ =	shalt  }
0x44: {  	_ =	shalt  }
0x45: {  	_ =	shalt  }
0x46: {  	_ =	shalt  }
0x47: {  	_ =	shalt  }
0x48: {  	_ =	shalt  }
0x49: {  	_ =	shalt  }
0x4a: {  	_ =	shalt  }
0x4b: {  	_ =	shalt  }
0x4c: {  	_ =	shalt  }
0x4d: {  	_ =	shalt  }
0x4e: {  	_ =	shalt  }
0x4f: {  	_ =	shalt  }
0x50: {  	_ =	shalt  }
0x51: {  	_ =	shalt  }
0x52: {  	_ =	shalt  }
0x53: {  	_ =	shalt  }
0x54: {  	_ =	shalt  }
0x55: {  	_ =	shalt  }
0x56: {  	_ =	shalt  }
0x57: {  	_ =	shalt  }
0x58: {  	_ =	shalt  }
0x59: {  	_ =	shalt  }
0x5a: {  	_ =	shalt  }
0x5b: {  	_ =	shalt  }
0x5c: {  	_ =	shalt  }
0x5d: {  	_ =	shalt  }
0x5e: {  	_ =	shalt  }
0x5f: {  	_ =	shalt  }
0x60: {  	_ =	shalt  }
0x61: {  	_ =	shalt  }
0x62: {  	_ =	shalt  }
0x63: {  	_ =	shalt  }
0x64: {  	_ =	shalt  }
0x65: {  	_ =	shalt  }
0x66: {  	_ =	shalt  }
0x67: {  	_ =	shalt  }
0x68: {  	_ =	shalt  }
0x69: {  	_ =	shalt  }
0x6a: {  	_ =	shalt  }
0x6b: {  	_ =	shalt  }
0x6c: {  	_ =	shalt  }
0x6d: {  	_ =	shalt  }
0x6e: {  	_ =	shalt  }
0x6f: {  	_ =	shalt  }
0x70: {  	_ =	shalt  }
0x71: {  	_ =	shalt  }
0x72: {  	_ =	shalt  }
0x73: {  	_ =	shalt  }
0x74: {  	_ =	shalt  }
0x75: {  	_ =	shalt  }
0x76: {  	_ =	shalt  }
0x77: {  	_ =	shalt  }
0x78: {  	_ =	shalt  }
0x79: {  	_ =	shalt  }
0x7a: {  	_ =	shalt  }
0x7b: {  	_ =	shalt  }
0x7c: {  	_ =	shalt  }
0x7d: {  	_ =	shalt  }
0x7e: {  	_ =	shalt  }
0x7f: {  	_ =	shalt  }
0x80: {  	_ =	shalt  }
0x81: {  	_ =	shalt  }
0x82: {  	_ =	shalt  }
0x83: {  	_ =	shalt  }
0x84: {  	_ =	shalt  }
0x85: {  	_ =	shalt  }
0x86: {  	_ =	shalt  }
0x87: {  	_ =	shalt  }
.Lfunc_end0:
.L_simem_size_0:
called_computation_lowered:
.L_overlay_start_0:
0x88: {  	s2 =	sld [smem:$0x3FD9]  }
0x89: {  	s3 =	sld [smem:$0x3FFE];
	_ =	sdelay $0x1  }
0x8a: {  	s1 =	srdreg.scid  }
0x8b: {  	s0 =	sand.u32 $0x1, s1  }
0x8c: {  	s17 =	sshll.u32 s0, $0xA;
	s2 =	sadd.s32 s3, s2  }
0x8d: {  	s2 =	sadd.s32 s2, s17  }
0x8e: {  	[smem:$0x3FC5] =	sst s2  }
0x8f: {  	_ = 	snop  }
0x90: {  	s2 =	sld [smem:$0x3FC8]  }
0x91: {  	s18 =	sld [smem:$0x3FC7]  }
0x92: {  	s4 =	sld [smem:$0x3FD0];
	(tm) =	ssettm $0x1  }
0x93: {  	s5 =	sld [smem:$0x3FFB];
	_ =	sdelay $0x3  }
0x94: {  	_ =	strace s5  }
0x95: {  	s5 =	sld [smem:$0x3FFC];
	_ =	sdelay $0x3  }
0x96: {  	_ =	strace s5  }
0x97: {  	s5 =	sld [smem:$0x3FFD];
	_ =	sdelay $0x3  }
0x98: {  	_ =	strace s5  }
0x99: {  	_ =	strace $0x8FFFFFFF  }
0x9a: {  	s19 =	sld [smem:$0x3FDB];
	_ =	sdelay $0x1  }
0x9b: {  	s6 =	simm.s32 $_scs_section_size  }
0x9c: {  	s7 =	simm.s32 $_size__tile_overlayer_lowered;
	s8 =	simm.s32 $_tile_overlayer_lowered  }
0x9d: {  	s22 =	simm.s32 $0x1BFF;
	s21 =	sshll.u32 s8, $0x1;
	s5 =	sadd.s32 s6, s19  }
0x9e: {  	s9 =	simm.s32 $0x0;
	s20 =	sshll.u32 s7, $0x1;
	s7 =	sadd.s32 s21, s5  }
0x9f: {  	[timem:s9], [sflag:s22] =	dma.local [hbm:s7], s20  }
0xa0: {  	_ =	swait.ge [sflag:s22], s20  }
0xa1: {  	s6 =	ssub.s32 $0x0, s20;
	[sflag:s22] =	ssyncset.done $0x0  }
0xa2: {  	[sflag:s22] =	ssyncadd.s32 s6;
	_ =	sdelay $0x1  }
0xa3: {  	s23 =	simm.s32 $0x1B8B  }
0xa4: {  	_ =	swait.ge [sflag:s23], $0x1  }
0xa5: {  	[sflag:s23] =	ssyncset.done $0x0  }
0xa6: {  	s25 =	simm.s32 $0x1B8E;
	s24 =	sld [smem:$0x3FFE];
	[sflag:s23] =	ssyncadd.s32 $0xFFFFFFFF  }
0xa7: {  	s26 =	simm.s32 $execute0_lowered;
	[smem:$0x3FD2] =	sst s25  }
0xa8: {  	s7 =	sshll.u32 s26, $0x1;
	_ =	strace $0x80000046;
	[dreg:$0x1] =	wrdreg $0xFFFFFFFF  }
0xa9: {  	s28 =	simm.s32 $_size_execute0_lowered;
	s5 =	sadd.s32 s5, s7;
	[dreg:$0x0] =	wrdreg $0x0  }
0xaa: {  	s7 =	sshll.u32 s28, $0x1;
	[dreg:$0x2] =	wrdreg s5  }
0xab: {  	[dreg:$0x3] =	wrdreg s7  }
0xac: {  	[dreg:$0x4] =	wrdreg $0xC0  }
0xad: {  	_ =	task [dreg:s9], $0x5FFFF  }
0xae: {  	[dreg:$0x1] =	wrdreg $0xFFFFFFFF  }
0xaf: {  	[dreg:$0x0] =	wrdreg $0x60  }
0xb0: {  	[dreg:$0x2] =	wrdreg s24  }
0xb1: {  	[dreg:$0x3] =	wrdreg s2  }
0xb2: {  	[dreg:$0x4] =	wrdreg s18  }
0xb3: {  	[dreg:$0x5] =	wrdreg s4  }
0xb4: {  	[dreg:$0x6] =	wrdreg $0x9  }
0xb5: {  	_ =	task.clear_ibuf [dreg:s9], $0x7FFFF;
	_ =	strace $0x90000046  }
0xb6: {  	s29 =	simm.s32 $0x9;
	_ =	strace $0x80000048  }
0xb7: {  	_ =	swait.ge [sflag:s29], $0x1  }
0xb8: {  	[sflag:s29] =	ssyncadd.s32 $0xFFFFFFFF  }
0xb9: {  	_ =	strace $0x90000048  }
0xba: {  	_ =	sfence  }
0xbb: {  	s30 =	sld [smem:$0x0];
	_ =	sdelay $0x2  }
0xbc: {  	s31 =	sshll.u32 s1, $0xD;
	s1 =	sshrl.u32 s1, $0x2  }
0xbd: {  	s3 =	sand.u32 $0x4000, s31;
	s1 =	sadd.s32 s1, s30  }
0xbe: {  	s0 =	sor.u32 s3, s0;
	s1 =	sshll.u32 s1, $0x11  }
0xbf: {  	s0 =	sor.u32 s1, s0  }
0xc0: {  	s0 =	sadd.s32 $0x8F2B, s0  }
0xc1: {  	[sflag:s0] =	ssyncadd.remote.s32 $0x1  }
0xc2: {  	_ =	sfence.sel $0xFFFF  }
0xc3: {  	[dreg:$0x0] =	wrdreg $0xFFFFFFFF;
	(pc) =	sbr.abs _section_cstart, $3  }
0xc4: {  	[dreg:$0x1] =	wrdreg $0xFFFFFFFF  }
0xc5: {  	_ =	task.clear_ibuf [dreg:s9], $0x2FFFF;
	_ =	strace $0x9FFFFFFF  }
0xc6: {  	(tm) =	ssettm $0x7FFFFFFF  }
0xc7: {  	_ =	shalt  }
tec
execute0_lowered:
.L_overlay_start_1:
0x0: {  	(tag) =	ssettag $0x1  }
0x1: {  	v0 =	vimm.s32 $0x76543210;
	v1 =	vimm.s32 $0xFEDCBA98;
	v2 =	vimm.s32 $0xBA98FEDC  }
0x2: {  	v3 =	vimm.s32 $0x32107654;
	v4 =	vimm.s32 $0xDCFE98BA;
	v5 =	vimm.s32 $0x54761032  }
0x3: {  	vm0 =	vcmask $0x2F20;
	vm1 =	vcmask $0xF00;
	vm2 =	vcmask $0x1710  }
0x4: {  	vm3 =	vcmask $0x700;
	vm4 =	vcmask $0x300;
	v1 =	vunpack.c.l.s4.s8 v1  }
0x5: {  	v0 =	vunpack.c.l.s4.s8 v0;
	v2 =	vunpack.c.l.s4.s8 v2;
	v3 =	vunpack.c.l.s4.s8 v3  }
0x6: {  	v4 =	vunpack.c.l.s4.s8 v4;
	vm0 =	vmor vm1, vm0;
	v1 =	vunpack.c.0.s8.s32 v1  }
0x7: {  	s3 =	rddreg [dreg:$0x0];
	v0 =	vunpack.c.0.s8.s32 v0;
	v2 =	vunpack.c.0.s8.s32 v2;
	v3 =	vunpack.c.0.s8.s32 v3  }
0x8: {  	s4 =	rddreg [dreg:$0x1];
	vm1 =	vmor vm3, vm2;
	vm3 =	vcmask $0xB08;
	v1 =	vand.u32 $0xF, v1  }
0x9: {  	s5 =	rddreg [dreg:$0x2];
	v0 =	vcombine.low v1, v0;
	v1 =	vcombine.low v3, v2;
	v2 =	vunpack.c.l.s4.s8 v5  }
0xa: {  	s1 =	srdreg.scid;
	s0 =	stileid.u32;
	vm2 =	vcmask $0x2720;
	vm3 =	vmor vm4, vm3  }
0xb: {  	s6 =	rddreg [dreg:$0x3];
	s2 =	simm.s32 $0x0;
	s10 =	simm.s32 $0x50;
	vm4 =	vcmask $0x1310;
	v3 =	vunpack.c.0.s8.s32 v4;
	v2 =	vunpack.c.0.s8.s32 v2  }
0xc: {  	s11 =	simm.s32 $0x4E20;
	s12 =	simm.s32 $0x7620;
	s13 =	simm.s32 $0x6220;
	vm1 =	vmor vm1, vm2;
	vm2 =	vcmask $0x3730;
	vm3 =	vmor vm3, vm4  }
0xd: {  	s14 =	simm.s32 $0x2760;
	s15 =	simm.s32 $0x8A20;
	s16 =	simm.s32 $0x2;
	v4 =	vimm.s32 $0x67452301;
	v2 =	vcombine.low v2, v3;
	v3 =	vimm.s32 $0xEFCDAB89  }
0xe: {  	s17 =	simm.s32 $0x9E20;
	s18 =	simm.s32 $0x1;
	s19 =	simm.s32 $0x0;
	vm4 =	vcmask $0x1B18;
	v4 =	vunpack.c.l.s4.s8 v4;
	v3 =	vunpack.c.l.s4.s8 v3  }
0xf: {  	s7 =	sand.u32 $0x1, s1;
	s8 =	sshll.u32 s0, $0x1;
	s1 =	rddreg [dreg:$0x4];
	vm1 =	vmor vm1, vm2;
	vm2 =	vmor vm3, vm4  }
.Ltmp0:
0x10: {  	s8 =	sor.u32 s7, s8;
	s7 =	ssub.s32 $0x2, s7;
	vm3 =	vcmask $0x2320;
	v4 =	vunpack.c.0.s8.s32 v4;
	v3 =	vunpack.c.0.s8.s32 v3;
	(pc) =	sbr.rel .LBB2_1-.Ltmp0, $4  }
0x11: {  	[smem:$0x7FF] =	sst s2;
	s8 =	smul.u32 $0x4E2, s8;
	s9 =	sshrl.u32 s7, $0x1;
	vm4 =	vcmask $0x2B28;
	vm3 =	vmor vm2, vm3;
	vm2 =	vmmov $0xff  }
0x12: {  	s3 =	sadd.s32 $0x400, s3;
	_ =	strace $0x80000047;
	s7 =	ssub.s32 s7, s9;
	vm3 =	vmor vm3, vm4;
	vm4 =	vcmask $0x3330;
	v3 =	vcombine.low v4, v3  }
0x13: {  	s9 =	simm.s32 $0x2710;
	s4 =	sadd.s32 s4, s8;
	s5 =	sadd.s32 s5, s8;
	vm3 =	vmor vm3, vm4;
	vm4 =	vcmask $0x3B38;
	v1 =	vand.u32 $0xF, v1  }
0x14: {  	s6 =	sadd.s32 s6, s8;
	s7 =	smax.u32 s7, $0x1;
	s8 =	simm.s32 $0x3;
	vm3 =	vmor vm3, vm4;
	v2 =	vand.u32 $0xF, v2;
	v3 =	vand.u32 $0xF, v3  }
.LBB2_10:
0x15: {  	s19 =	sadd.s32 $0x1, s19  }
0x16: {  	p0 =	sne.s32 s19, s7  }
.Ltmp1:
0x17: {  	_ = 	snop;
	(pc) =	sbr.rel @!p0 .LBB2_11-.Ltmp1, $4  }
0x18: {  	[hbm4b:s6+s2] =	stream.linear.scatter [tilespmem:s17], [sflag:$0x3], $0x2710, $0x38;
	[tilespmem:$0xC530] =	vst v63  }
0x19: {  	_ =	swait.ge [sflag:s8], $0x2710  }
0x1a: {  	[sflag:s8] =	ssyncset.done $0x0  }
0x1b: {  	[sflag:s8] =	ssyncadd.s32 $0xFFFFD8F0  }
.LBB2_1:
0x1c: {  	[tilespmem:s2], [sflag:$0x3] =	stream.linear.gather [hbm4b:s4+s2], $0x2710, $0x38;
	[tilespmem:$0xC530] =	vst v63  }
0x1d: {  	_ =	swait.ge [sflag:s8], $0x2710  }
0x1e: {  	[sflag:s8] =	ssyncset.done $0x0  }
0x1f: {  	[sflag:s8] =	ssyncadd.s32 $0xFFFFD8F0  }
0x20: {  	[tilespmem:s9], [sflag:$0x3] =	stream.linear.gather [hbm4b:s5+s2], $0x2710, $0x38;
	[tilespmem:$0xC530] =	vst v63  }
0x21: {  	_ =	swait.ge [sflag:s8], $0x2710  }
0x22: {  	[sflag:s8] =	ssyncset.done $0x0  }
0x23: {  	[sflag:s8] =	ssyncadd.s32 $0xFFFFD8F0  }
0x24: {  	[tilespmem:s11], [sflag:$0x1] =	stream.indirect.gather [hbm4b:s3+s10], $0x40, s2, s10, $0xb8;
	[tilespmem:$0xC530] =	vst v63  }
0x25: {  	_ = 	snop  }
0x26: {  	[tilespmem:s12], [sflag:$0x1] =	stream.indirect.gather [hbm4b:s3+s10], $0x40, s9, s10, $0xb8;
	[tilespmem:$0xC530] =	vst v63  }
.Ltmp2:
0x27: {  	_ = 	snop;
	(pc) =	sbr.rel .LBB2_2-.Ltmp2, $4  }
0x28: {  	_ = 	snop  }
0x29: {  	[tilespmem:s13], [sflag:$0x2] =	stream.indirect.gather [hbm4b:s3+s10], $0x40, s10, s10, $0xb8;
	[tilespmem:$0xC530] =	vst v63  }
0x2a: {  	s20 =	simm.s32 $0x9E20;
	s21 =	simm.s32 $0x0  }
0x2b: {  	[tilespmem:s15], [sflag:$0x2] =	stream.indirect.gather [hbm4b:s3+s10], $0x40, s14, s10, $0xb8;
	[tilespmem:$0xC530] =	vst v63  }
.LBB2_5:
0x2c: {  	p0 =	sgt.u32 s21, $0x7A  }
0x2d: {  	s22 =	smul.u32 @!p0 $0x50, s21;
	_ =	sdelay $0x1  }
0x2e: {  	s24 =	simm.s32 @!p0 $0x50;
	s25 =	simm.s32 @!p0 $0x4E20;
	s23 =	sadd.s32 @!p0 $0xA0, s22  }
0x2f: {  	[tilespmem:s25], [sflag:$0x1] =	stream.indirect.gather @!p0 [hbm4b:s3+s24], $0x40, s23, s24, $0xb8;
	[tilespmem:$0xC530] =	vst v63  }
0x30: {  	s22 =	sadd.s32 @!p0 $0x27B0, s22;
	s23 =	simm.s32 @!p0 $0x7620  }
0x31: {  	[tilespmem:s23], [sflag:$0x1] =	stream.indirect.gather @!p0 [hbm4b:s3+s24], $0x40, s22, s24, $0xb8;
	[tilespmem:$0xC530] =	vst v63  }
.LBB2_9:
0x32: {  	s21 =	sadd.s32 $0x1, s21  }
0x33: {  	p0 =	sne.s32 s21, $0x7D  }
.Ltmp3:
0x34: {  	_ = 	snop;
	(pc) =	sbr.rel @!p0 .LBB2_10-.Ltmp3, $2  }
0x35: {  	_ =	sdelay $0x2  }
0x36: {  	s20 =	sadd.s32 $0x50, s20  }
.LBB2_2:
0x37: {  	s22 =	sand.u32 $0x1, s21  }
0x38: {  	p0 =	seq.s32 s22, $0x1  }
.Ltmp4:
0x39: {  	_ = 	snop;
	(pc) =	sbr.rel @!p0 .LBB2_3-.Ltmp4, $1  }
0x3a: {  	_ =	sdelay $0x3  }
0x3b: {  	_ =	swait.ge [sflag:s16], $0x1400  }
0x3c: {  	[sflag:s16] =	ssyncset.done $0x0  }
0x3d: {  	[sflag:s16] =	ssyncadd.s32 $0xFFFFEC00  }
0x3e: {  	_ =	swait.ge [sflag:s16], $0x1400  }
0x3f: {  	[sflag:s16] =	ssyncset.done $0x0  }
0x40: {  	s22 =	simm.s32 $0x0;
	s23 =	smov.u32 s20;
	[sflag:s16] =	ssyncadd.s32 $0xFFFFEC00  }
.LBB2_7:
0x41: {  	s24 =	sshra.s32 s22, $0x2  }
0x42: {  	v4 =	vld [tilespmem:s24+$0x6220]  }
0x43: {  	v5 =	vld [tilespmem:s24+$0x8A20]  }
0x44: {  	v6 =	vld [tilespmem:s24+$0x6230]  }
0x45: {  	v7 =	vld [tilespmem:s24+$0x8A30]  }
0x46: {  	v8 =	vld [tilespmem:s24+$0x6240]  }
0x47: {  	v9 =	vld [tilespmem:s24+$0x8A40]  }
0x48: {  	v10 =	vld [tilespmem:s24+$0x6250]  }
0x49: {  	v11 =	vld [tilespmem:s24+$0x8A50]  }
0x4a: {  	v12 =	vld [tilespmem:s24+$0x6260]  }
0x4b: {  	v15 =	vld [tilespmem:s24+$0x8A60]  }
0x4c: {  	v48 =	vld [tilespmem:s24+$0x6270]  }
0x4d: {  	v17 =	vld [tilespmem:s24+$0x8A70]  }
0x4e: {  	v49 =	vld [tilespmem:s24+$0x6280]  }
0x4f: {  	v50 =	vld [tilespmem:s24+$0x8A80]  }
0x50: {  	v18 =	vld [tilespmem:s24+$0x6290]  }
0x51: {  	v20 =	vld [tilespmem:s24+$0x8A90]  }
0x52: {  	v55 =	vld [tilespmem:s24+$0x62A0]  }
0x53: {  	v22 =	vld [tilespmem:s24+$0x8AA0];
	v13 =	vshll.u32 v4, $0x10;
	v14 =	vshll.u32 v5, $0x10;
	v4 =	vmul.f32 v5, v4  }
0x54: {  	v57 =	vld [tilespmem:s24+$0x62B0];
	v5 =	vshll.u32 v6, $0x10;
	v16 =	vshll.u32 v7, $0x10;
	v6 =	vmul.f32 v7, v6  }
0x55: {  	v27 =	vld [tilespmem:s24+$0x62D0];
	v51 =	vshll.u32 v8, $0x10;
	v52 =	vshll.u32 v9, $0x10;
	v53 =	vshll.u32 v12, $0x10  }
0x56: {  	v43 =	vld [tilespmem:s24+$0x8AD0];
	v19 =	vshll.u32 v15, $0x10;
	v8 =	vmul.f32 v9, v8;
	v54 =	vshll.u32 v10, $0x10  }
0x57: {  	v59 =	vld [tilespmem:s24+$0x8AB0];
	v12 =	vmul.f32 v15, v12;
	v56 =	vshll.u32 v48, $0x10;
	v21 =	vshll.u32 v17, $0x10  }
0x58: {  	v25 =	vld [tilespmem:s24+$0x8AC0];
	v23 =	vshll.u32 v11, $0x10;
	v60 =	vmul.f32 v11, v10;
	v24 =	vshll.u32 v50, $0x10  }
0x59: {  	v31 =	vld [tilespmem:s24+$0x6320];
	v7 =	vmul.f32 v50, v49;
	v41 =	vshll.u32 v18, $0x10;
	v42 =	vshll.u32 v20, $0x10  }
0x5a: {  	v34 =	vld [tilespmem:s24+$0x8B20];
	v44 =	vshll.u32 v55, $0x10;
	v45 =	vshll.u32 v22, $0x10;
	v47 =	vmul.f32 v20, v18  }
0x5b: {  	v63 =	vld [tilespmem:s24+$0x62C0];
	v50 =	vshll.u32 v57, $0x10;
	v10 =	vmul.f32 v43, v27;
	v13 =	vmul.f32 v14, v13  }
0x5c: {  	v46 =	vld [tilespmem:s24+$0x62E0];
	v36 =	vshll.u32 v27, $0x10;
	v5 =	vmul.f32 v16, v5;
	v16 =	vmul.f32 v19, v53  }
0x5d: {  	v37 =	vld [tilespmem:s24+$0x6330];
	v38 =	vshll.u32 v43, $0x10;
	v15 =	vmul.f32 v21, v56;
	v14 =	vmul.f32 v17, v48  }
0x5e: {  	v39 =	vld [tilespmem:s24+$0x8B30];
	v58 =	vmul.f32 v23, v54;
	v11 =	vmul.f32 v42, v41;
	v56 =	vshll.u32 v25, $0x10  }
0x5f: {  	v48 =	vld [tilespmem:s24+$0x8AE0];
	v17 =	vmul.f32 v34, v31;
	v4 =	vadd.f32 v13, v4;
	v5 =	vadd.f32 v5, v6  }
0x60: {  	v54 =	vld [tilespmem:s24+$0x8AF0];
	v6 =	vmul.f32 v52, v51;
	v61 =	vadd.f32 v16, v12;
	v62 =	vadd.f32 v15, v14  }
0x61: {  	v42 =	vld [tilespmem:s24+$0x6340];
	v13 =	vmul.f32 v45, v44;
	v51 =	vshll.u32 v59, $0x10;
	v12 =	vmul.f32 v25, v63  }
0x62: {  	v52 =	vld [tilespmem:s24+$0x62F0];
	v53 =	vmul.f32 v51, v50;
	v4 =	vadd.f32 v5, v4;
	v5 =	vadd.f32 v6, v8  }
0x63: {  	v44 =	vld [tilespmem:s24+$0x8B40];
	v6 =	vadd.f32 v58, v60;
	v26 =	vadd.f32 v62, v61;
	v8 =	vmul.f32 v59, v57  }
0x64: {  	v25 =	vld [tilespmem:s24+$0x8BE0];
	v60 =	vshll.u32 v46, $0x10;
	v61 =	vshll.u32 v48, $0x10;
	v28 =	vmul.f32 v48, v46  }
0x65: {  	v51 =	vld [tilespmem:s24+$0x6360];
	v30 =	vshll.u32 v54, $0x10;
	v48 =	vshll.u32 v31, $0x10;
	v4 =	vadd.f32 v5, v4  }
0x66: {  	v57 =	vld [tilespmem:s24+$0x6300];
	v5 =	vshll.u32 v49, $0x10;
	v49 =	vmul.f32 v22, v55;
	v55 =	vshll.u32 v63, $0x10  }
0x67: {  	v59 =	vld [tilespmem:s24+$0x8B00];
	v8 =	vadd.f32 v53, v8;
	v53 =	vshll.u32 v39, $0x10;
	v5 =	vmul.f32 v24, v5  }
0x68: {  	v62 =	vld [tilespmem:s24+$0x6310];
	v58 =	vmul.f32 v56, v55;
	v29 =	vshll.u32 v52, $0x10;
	v33 =	vmul.f32 v54, v52  }
0x69: {  	v63 =	vld [tilespmem:s24+$0x8B10];
	v52 =	vshll.u32 v37, $0x10;
	v14 =	vmul.f32 v44, v42;
	v13 =	vadd.f32 v13, v49  }
0x6a: {  	v24 =	vld [tilespmem:s24+$0x8B50];
	v4 =	vadd.f32 v6, v4;
	v32 =	vmul.f32 v30, v29;
	v49 =	vshll.u32 v34, $0x10  }
0x6b: {  	v54 =	vld [tilespmem:s24+$0x8B60];
	v55 =	vmul.f32 v53, v52;
	v30 =	vshll.u32 v51, $0x10;
	v5 =	vadd.f32 v5, v7  }
0x6c: {  	v56 =	vld [tilespmem:s24+$0x6370];
	v7 =	vadd.f32 v11, v47;
	v9 =	vadd.f32 v58, v12;
	v11 =	vmul.f32 v61, v60  }
0x6d: {  	v29 =	vld [tilespmem:s24+$0x8B90];
	v40 =	vshll.u32 v57, $0x10;
	v41 =	vshll.u32 v59, $0x10;
	v15 =	vmul.f32 v59, v57  }
0x6e: {  	v34 =	vld [tilespmem:s24+$0x8BA0];
	v45 =	vshll.u32 v62, $0x10;
	v50 =	vmul.f32 v49, v48;
	v60 =	vshll.u32 v42, $0x10  }
0x6f: {  	v53 =	vld [tilespmem:s24+$0x63F0];
	v61 =	vshll.u32 v44, $0x10;
	v8 =	vadd.f32 v8, v13;
	v6 =	vadd.f32 v32, v33  }
0x70: {  	v47 =	vld [tilespmem:s24+$0x6350];
	v43 =	vmul.f32 v41, v40;
	v5 =	vadd.f32 v5, v26;
	v46 =	vshll.u32 v63, $0x10  }
0x71: {  	v58 =	vld [tilespmem:s24+$0x8B70];
	v12 =	vmul.f32 v63, v62;
	v35 =	vadd.f32 v9, v8;
	v8 =	vmul.f32 v38, v36  }
0x72: {  	v59 =	vld [tilespmem:s24+$0x6380];
	v11 =	vadd.f32 v11, v28;
	v16 =	vmul.f32 v46, v45;
	v9 =	vmul.f32 v39, v37  }
0x73: {  	v44 =	vld [tilespmem:s24+$0x8BC0];
	v28 =	vshll.u32 v24, $0x10;
	v31 =	vshll.u32 v54, $0x10;
	v5 =	vadd.f32 v7, v5  }
0x74: {  	v32 =	vld [tilespmem:s24+$0x63A0];
	v18 =	vmul.f32 v54, v51;
	v6 =	vadd.f32 v6, v11;
	v11 =	vadd.f32 v43, v15  }
0x75: {  	v41 =	vld [tilespmem:s24+$0x63C0];
	v15 =	vadd.f32 v50, v17;
	v26 =	vshll.u32 v29, $0x10;
	v8 =	vadd.f32 v8, v10  }
0x76: {  	v48 =	vld [tilespmem:s24+$0x8BD0];
	v57 =	vadd.f32 v16, v12;
	v9 =	vadd.f32 v55, v9;
	v27 =	vshll.u32 v47, $0x10  }
0x77: {  	v62 =	vld [tilespmem:s24+$0x8B80];
	v33 =	vmul.f32 v24, v47;
	v16 =	vmul.f32 v31, v30;
	v36 =	vshll.u32 v58, $0x10  }
0x78: {  	v63 =	vld [tilespmem:s24+$0x6390];
	v12 =	vmul.f32 v58, v56;
	v42 =	vshll.u32 v59, $0x10;
	v47 =	vshll.u32 v34, $0x10  }
0x79: {  	v37 =	vld [tilespmem:s24+$0x63B0];
	v6 =	vadd.f32 v11, v6;
	v46 =	vshll.u32 v32, $0x10;
	v20 =	vmul.f32 v34, v32  }
0x7a: {  	v39 =	vld [tilespmem:s24+$0x8BB0];
	v55 =	vshll.u32 v41, $0x10;
	v32 =	vshll.u32 v53, $0x10;
	v7 =	vadd.f32 v8, v35  }
0x7b: {  	v45 =	vld [tilespmem:s24+$0x63D0];
	v9 =	vadd.f32 v9, v15;
	v8 =	vmul.f32 v61, v60;
	v15 =	vmul.f32 v28, v27  }
0x7c: {  	v54 =	vld [tilespmem:s24+$0x8BF0];
	v35 =	vshll.u32 v56, $0x10;
	v40 =	vadd.f32 v16, v18;
	v43 =	vshll.u32 v62, $0x10  }
0x7d: {  	v50 =	vld [tilespmem:s24+$0x63E0];
	v10 =	vmul.f32 v62, v59;
	v49 =	vshll.u32 v63, $0x10;
	v11 =	vmul.f32 v29, v63  }
0x7e: {  	v30 =	vld [tilespmem:s24+$0x6420];
	v56 =	vshll.u32 v44, $0x10;
	v16 =	vmul.f32 v44, v41;
	v61 =	vshll.u32 v48, $0x10  }
0x7f: {  	v31 =	vld [tilespmem:s24+$0x8C20];
	v29 =	vshll.u32 v25, $0x10;
	v6 =	vadd.f32 v57, v6;
	v38 =	vmul.f32 v36, v35  }
0x80: {  	v34 =	vld [tilespmem:s24+$0x6430];
	v51 =	vshll.u32 v37, $0x10;
	v52 =	vshll.u32 v39, $0x10;
	v13 =	vmul.f32 v39, v37  }
0x81: {  	v59 =	vld [tilespmem:s24+$0x8C00];
	v58 =	vmul.f32 v56, v55;
	v60 =	vshll.u32 v45, $0x10;
	v36 =	vmul.f32 v54, v53  }
0x82: {  	v41 =	vld [tilespmem:s24+$0x8C40];
	v8 =	vadd.f32 v8, v14;
	v14 =	vadd.f32 v15, v33;
	v15 =	vmul.f32 v47, v46  }
0x83: {  	v62 =	vld [tilespmem:s24+$0x6410];
	v22 =	vmul.f32 v52, v51;
	v28 =	vshll.u32 v50, $0x10;
	v33 =	vshll.u32 v54, $0x10  }
0x84: {  	v63 =	vld [tilespmem:s24+$0x8C10];
	v17 =	vmul.f32 v25, v50;
	v35 =	vmul.f32 v33, v32;
	v8 =	vadd.f32 v8, v9  }
0x85: {  	v57 =	vld [tilespmem:s24+$0x6400];
	v9 =	vadd.f32 v38, v12;
	v12 =	vmul.f32 v43, v42;
	v15 =	vadd.f32 v15, v20  }
0x86: {  	v37 =	vld [tilespmem:s24+$0x8C30];
	v13 =	vadd.f32 v22, v13;
	v42 =	vshll.u32 v30, $0x10;
	v43 =	vshll.u32 v31, $0x10  }
0x87: {  	v46 =	vld [tilespmem:s24+$0x8C50];
	v47 =	vshll.u32 v34, $0x10;
	v55 =	vshll.u32 v41, $0x10;
	v8 =	vadd.f32 v14, v8  }
0x88: {  	v51 =	vld [tilespmem:s24+$0x6470];
	v9 =	vadd.f32 v9, v40;
	v10 =	vadd.f32 v12, v10;
	v12 =	vmul.f32 v26, v49  }
0x89: {  	v44 =	vld [tilespmem:s24+$0x6450];
	v13 =	vadd.f32 v13, v15;
	v15 =	vmul.f32 v61, v60;
	v14 =	vmul.f32 v48, v45  }
0x8a: {  	v53 =	vld [tilespmem:s24+$0x8C70];
	v39 =	vshll.u32 v57, $0x10;
	v40 =	vshll.u32 v59, $0x10;
	v20 =	vmul.f32 v59, v57  }
0x8b: {  	v56 =	vld [tilespmem:s24+$0x6480];
	v45 =	vshll.u32 v62, $0x10;
	v27 =	vshll.u32 v37, $0x10;
	v19 =	vmul.f32 v37, v34  }
0x8c: {  	v38 =	vld [tilespmem:s24+$0x6440];
	v21 =	vmul.f32 v27, v47;
	v59 =	vshll.u32 v46, $0x10;
	v9 =	vadd.f32 v10, v9  }
0x8d: {  	v32 =	vld [tilespmem:s24+$0x8CA0];
	v34 =	vshll.u32 v51, $0x10;
	v10 =	vadd.f32 v58, v16;
	v11 =	vadd.f32 v12, v11  }
0x8e: {  	v48 =	vld [tilespmem:s24+$0x8C60];
	v14 =	vadd.f32 v15, v14;
	v12 =	vmul.f32 v29, v28;
	v15 =	vmul.f32 v31, v30  }
0x8f: {  	v57 =	vld [tilespmem:s24+$0x8C80];
	v29 =	vshll.u32 v63, $0x10;
	v16 =	vmul.f32 v63, v62;
	v58 =	vshll.u32 v44, $0x10  }
0x90: {  	v47 =	vld [tilespmem:s24+$0x64D0];
	v63 =	vmul.f32 v46, v44;
	v50 =	vmul.f32 v29, v45;
	v52 =	vadd.f32 v21, v19  }
0x91: {  	v28 =	vld [tilespmem:s24+$0x6460];
	v54 =	vshll.u32 v38, $0x10;
	v19 =	vmul.f32 v53, v51;
	v13 =	vadd.f32 v10, v13  }
0x92: {  	v62 =	vld [tilespmem:s24+$0x64A0];
	v45 =	vshll.u32 v32, $0x10;
	v10 =	vadd.f32 v11, v9;
	v12 =	vadd.f32 v12, v17  }
0x93: {  	v46 =	vld [tilespmem:s24+$0x8CC0];
	v11 =	vadd.f32 v35, v36;
	v17 =	vmul.f32 v43, v42;
	v35 =	vshll.u32 v53, $0x10  }
0x94: {  	v30 =	vld [tilespmem:s24+$0x6510];
	v61 =	vshll.u32 v48, $0x10;
	v37 =	vmul.f32 v35, v34;
	v9 =	vadd.f32 v14, v13  }
0x95: {  	v21 =	vld [tilespmem:s24+$0x6490];
	v14 =	vmul.f32 v40, v39;
	v11 =	vadd.f32 v11, v12;
	v12 =	vmul.f32 v55, v54  }
0x96: {  	v51 =	vld [tilespmem:s24+$0x8CD0];
	v15 =	vadd.f32 v17, v15;
	v13 =	vmul.f32 v41, v38;
	v17 =	vmul.f32 v59, v58  }
0x97: {  	v36 =	vld [tilespmem:s24+$0x64B0];
	v39 =	vshll.u32 v56, $0x10;
	v40 =	vshll.u32 v57, $0x10;
	v60 =	vshll.u32 v28, $0x10  }
0x98: {  	v43 =	vld [tilespmem:s24+$0x64C0];
	v33 =	vmul.f32 v48, v28;
	v42 =	vmul.f32 v40, v39;
	v44 =	vshll.u32 v62, $0x10  }
0x99: {  	v53 =	vld [tilespmem:s24+$0x64E0];
	v48 =	vmul.f32 v32, v62;
	v49 =	vadd.f32 v14, v20;
	v14 =	vadd.f32 v50, v16  }
0x9a: {  	v34 =	vld [tilespmem:s24+$0x8D00];
	v32 =	vshll.u32 v47, $0x10;
	v15 =	vadd.f32 v52, v15;
	v12 =	vadd.f32 v12, v13  }
0x9b: {  	v38 =	vld [tilespmem:s24+$0x8CB0];
	v18 =	vmul.f32 v61, v60;
	v16 =	vmul.f32 v57, v56;
	v13 =	vadd.f32 v17, v63  }
0x9c: {  	v41 =	vld [tilespmem:s24+$0x8C90];
	v17 =	vmul.f32 v45, v44;
	v55 =	vshll.u32 v21, $0x10;
	v60 =	vshll.u32 v46, $0x10  }
0x9d: {  	v58 =	vld [tilespmem:s24+$0x64F0];
	v59 =	vshll.u32 v43, $0x10;
	v22 =	vmul.f32 v46, v43;
	v11 =	vadd.f32 v49, v11  }
0x9e: {  	v56 =	vld [tilespmem:s24+$0x8CE0];
	v35 =	vshll.u32 v53, $0x10;
	v12 =	vadd.f32 v12, v15;
	v18 =	vadd.f32 v18, v33  }
0x9f: {  	v61 =	vld [tilespmem:s24+$0x8CF0];
	v15 =	vadd.f32 v37, v19;
	v16 =	vadd.f32 v42, v16;
	v49 =	vshll.u32 v36, $0x10  }
0xa0: {  	v63 =	vld [tilespmem:s24+$0x6500];
	v17 =	vadd.f32 v17, v48;
	v62 =	vmul.f32 v60, v59;
	v33 =	vshll.u32 v51, $0x10  }
0xa1: {  	v44 =	vld [tilespmem:s24+$0x6530];
	v50 =	vshll.u32 v38, $0x10;
	v20 =	vmul.f32 v38, v36;
	v57 =	vshll.u32 v41, $0x10  }
0xa2: {  	v45 =	vld [tilespmem:s24+$0x8D30];
	v21 =	vmul.f32 v41, v21;
	v24 =	vmul.f32 v33, v32;
	v39 =	vshll.u32 v58, $0x10  }
0xa3: {  	v15 =	vadd.f32 v15, v18;
	v11 =	vadd.f32 v14, v11;
	v52 =	vmul.f32 v50, v49  }
0xa4: {  	v31 =	vld [tilespmem:s24+$0x65A0];
	v12 =	vadd.f32 v13, v12;
	v18 =	vmul.f32 v51, v47;
	v47 =	vshll.u32 v34, $0x10  }
0xa5: {  	v43 =	vld [tilespmem:s24+$0x8D20];
	v51 =	vshll.u32 v30, $0x10;
	v36 =	vshll.u32 v56, $0x10;
	v40 =	vshll.u32 v61, $0x10  }
0xa6: {  	v38 =	vld [tilespmem:s24+$0x8D10];
	v19 =	vmul.f32 v61, v58;
	v46 =	vshll.u32 v63, $0x10;
	v50 =	vmul.f32 v34, v63  }
0xa7: {  	v41 =	vld [tilespmem:s24+$0x6520];
	v59 =	vshll.u32 v44, $0x10;
	v60 =	vshll.u32 v45, $0x10;
	v34 =	vperm.xlane v5, v0  }
0xa8: {  	v48 =	vld [tilespmem:s24+$0x6540];
	v54 =	vadd.f32 v16, v15;
	v14 =	vadd.f32 v52, v20;
	v15 =	vmul.f32 v57, v55  }
0xa9: {  	v49 =	vld [tilespmem:s24+$0x8D40];
	v37 =	vmul.f32 v36, v35;
	v16 =	vmul.f32 v56, v53;
	v18 =	vadd.f32 v24, v18  }
0xaa: {  	v58 =	vld [tilespmem:s24+$0x6560];
	v42 =	vmul.f32 v40, v39;
	v14 =	vadd.f32 v14, v17;
	v17 =	vadd.f32 v62, v22  }
0xab: {  	v61 =	vld [tilespmem:s24+$0x8D60];
	v55 =	vshll.u32 v43, $0x10;
	v15 =	vadd.f32 v15, v21;
	v16 =	vadd.f32 v37, v16  }
0xac: {  	v63 =	vld [tilespmem:s24+$0x6570];
	v19 =	vadd.f32 v42, v19;
	v57 =	vmul.f32 v38, v30;
	v23 =	vmul.f32 v43, v41  }
0xad: {  	v53 =	vld [tilespmem:s24+$0x6550];
	v52 =	vshll.u32 v38, $0x10;
	v62 =	vmul.f32 v60, v59;
	v21 =	vmul.f32 v45, v44  }
0xae: {  	v56 =	vld [tilespmem:s24+$0x8D50];
	v37 =	vshll.u32 v48, $0x10;
	v38 =	vshll.u32 v49, $0x10;
	v17 =	vadd.f32 v17, v14  }
0xaf: {  	v39 =	vld [tilespmem:s24+$0x6580];
	v14 =	vadd.f32 v15, v54;
	v16 =	vadd.f32 v19, v16;
	v15 =	vmul.f32 v47, v46  }
0xb0: {  	v36 =	vld [tilespmem:s24+$0x8D70];
	v19 =	vmul.f32 v52, v51;
	v54 =	vshll.u32 v41, $0x10;
	v40 =	vmul.f32 v38, v37  }
0xb1: {  	v42 =	vshll.u32 v58, $0x10;
	v43 =	vshll.u32 v61, $0x10;
	v25 =	vmul.f32 v61, v58  }
0xb2: {  	v44 =	vld [tilespmem:s24+$0x6590];
	v47 =	vshll.u32 v63, $0x10;
	v61 =	vshll.u32 v31, $0x10;
	v20 =	vmul.f32 v55, v54  }
0xb3: {  	v41 =	vld [tilespmem:s24+$0x8D80];
	v45 =	vshll.u32 v53, $0x10;
	v32 =	vshll.u32 v56, $0x10;
	v22 =	vmul.f32 v56, v53  }
0xb4: {  	v46 =	vld [tilespmem:s24+$0x8D90];
	v51 =	vshll.u32 v39, $0x10;
	v13 =	vadd.f32 v18, v17;
	v15 =	vadd.f32 v15, v50  }
0xb5: {  	v58 =	vld [tilespmem:s24+$0x8DC0];
	v18 =	vadd.f32 v19, v57;
	v17 =	vmul.f32 v49, v48;
	v48 =	vshll.u32 v36, $0x10  }
0xb6: {  	v53 =	vld [tilespmem:s24+$0x8DB0];
	v19 =	vmul.f32 v43, v42;
	v35 =	vadd.f32 v20, v23;
	v29 =	vmul.f32 v48, v47  }
0xb7: {  	v55 =	vld [tilespmem:s24+$0x65C0];
	v20 =	vmul.f32 v36, v63;
	v15 =	vadd.f32 v15, v16;
	v16 =	vadd.f32 v62, v21  }
0xb8: {  	v60 =	vld [tilespmem:s24+$0x65E0];
	v56 =	vshll.u32 v44, $0x10;
	v17 =	vadd.f32 v40, v17;
	v19 =	vadd.f32 v19, v25  }
0xb9: {  	v49 =	vld [tilespmem:s24+$0x8DA0];
	v20 =	vadd.f32 v29, v20;
	v52 =	vshll.u32 v41, $0x10;
	v21 =	vmul.f32 v41, v39  }
0xba: {  	v50 =	vld [tilespmem:s24+$0x65B0];
	v57 =	vshll.u32 v46, $0x10;
	v59 =	vmul.f32 v46, v44;
	v47 =	vshll.u32 v58, $0x10  }
0xbb: {  	v33 =	vld [tilespmem:s24+$0x6610];
	v15 =	vadd.f32 v18, v15;
	v16 =	vadd.f32 v16, v35;
	v18 =	vmul.f32 v32, v45  }
0xbc: {  	v42 =	vld [tilespmem:s24+$0x8DF0];
	v54 =	vmul.f32 v52, v51;
	v41 =	vshll.u32 v53, $0x10;
	v46 =	vshll.u32 v55, $0x10  }
0xbd: {  	v63 =	vld [tilespmem:s24+$0x8DE0];
	v51 =	vshll.u32 v60, $0x10;
	v32 =	vperm.xlane v4, v0;
	v35 =	vperm.xlane v14, v0  }
0xbe: {  	v38 =	vld [tilespmem:s24+$0x65F0];
	v14 =	vsel vm2, v34, v14;
	v19 =	vadd.f32 v20, v19;
	v20 =	vmul.f32 v57, v56  }
0xbf: {  	v48 =	vld [tilespmem:s24+$0x8DD0];
	v62 =	vshll.u32 v49, $0x10;
	v39 =	vmul.f32 v49, v31;
	v40 =	vshll.u32 v50, $0x10  }
0xc0: {  	v44 =	vmul.f32 v53, v50;
	v50 =	vmul.f32 v58, v55;
	v16 =	vadd.f32 v17, v16  }
0xc1: {  	v55 =	vshll.u32 v42, $0x10;
	v17 =	vadd.f32 v54, v21;
	v18 =	vadd.f32 v18, v22  }
0xc2: {  	v37 =	vmul.f32 v62, v61;
	v43 =	vmul.f32 v41, v40;
	v52 =	vshll.u32 v63, $0x10  }
0xc3: {  	v54 =	vshll.u32 v38, $0x10;
	v56 =	vmul.f32 v63, v60;
	v21 =	vmul.f32 v42, v38  }
0xc4: {  	v60 =	vshll.u32 v48, $0x10;
	v63 =	vshll.u32 v33, $0x10;
	v5 =	vsel vm2, v5, v35  }
0xc5: {  	v45 =	vld [tilespmem:s24+$0x65D0];
	v40 =	vperm.xlane v15, v0;
	v41 =	vperm.xlane v8, v0;
	v36 =	vadd.f32 v20, v59  }
0xc6: {  	v26 =	vmul.f32 v52, v51;
	v5 =	vadd.f32 v5, v14;
	v17 =	vadd.f32 v17, v19  }
0xc7: {  	v49 =	vld [tilespmem:s24+$0x6600];
	v57 =	vmul.f32 v55, v54;
	v16 =	vadd.f32 v18, v16;
	v20 =	vadd.f32 v37, v39  }
0xc8: {  	v53 =	vld [tilespmem:s24+$0x8E00];
	v18 =	vadd.f32 v43, v44;
	v19 =	vmul.f32 v47, v46;
	v37 =	vperm.xlane v7, v0  }
0xc9: {  	v58 =	vld [tilespmem:s24+$0x8E10];
	v39 =	vperm.xlane v6, v0;
	v6 =	vsel vm2, v6, v40;
	v44 =	vperm.xlane v10, v0  }
0xca: {  	v46 =	vperm.xlane v9, v0;
	v59 =	vshll.u32 v45, $0x10;
	v25 =	vmul.f32 v48, v45  }
0xcb: {  	v21 =	vadd.f32 v57, v21;
	v48 =	vperm.xlane v11, v0;
	v52 =	vperm.xlane v5, v1  }
0xcc: {  	v17 =	vadd.f32 v36, v17;
	v18 =	vadd.f32 v18, v20;
	v28 =	vmul.f32 v60, v59  }
0xcd: {  	v20 =	vadd.f32 v26, v56;
	v61 =	vshll.u32 v49, $0x10;
	v62 =	vshll.u32 v53, $0x10  }
0xce: {  	v19 =	vadd.f32 v19, v50;
	v22 =	vmul.f32 v53, v49;
	v29 =	vshll.u32 v58, $0x10  }
0xcf: {  	v30 =	vmul.f32 v58, v33;
	v33 =	vperm.xlane v12, v0;
	v12 =	vsel vm2, v32, v12  }
0xd0: {  	v36 =	vperm.xlane v13, v0;
	v38 =	vsel vm2, v37, v13;
	v13 =	vsel vm2, v39, v15  }
0xd1: {  	v42 =	vperm.xlane v16, v0;
	v23 =	vmul.f32 v62, v61;
	v6 =	vadd.f32 v6, v13  }
0xd2: {  	v20 =	vadd.f32 v21, v20;
	v21 =	vmul.f32 v29, v63;
	v18 =	vadd.f32 v19, v18  }
0xd3: {  	v31 =	vadd.f32 v28, v25;
	v4 =	vsel vm2, v4, v33;
	v22 =	vadd.f32 v23, v22  }
0xd4: {  	v7 =	vsel vm2, v7, v36;
	v43 =	vperm.xlane v17, v0;
	v8 =	vsel vm2, v8, v42  }
0xd5: {  	v45 =	vsel vm2, v44, v17;
	v21 =	vadd.f32 v21, v30;
	v20 =	vadd.f32 v22, v20  }
0xd6: {  	v4 =	vadd.f32 v4, v12;
	v7 =	vadd.f32 v7, v38;
	v12 =	vsel vm2, v41, v16  }
0xd7: {  	v56 =	vperm.xlane v6, v1;
	v18 =	vadd.f32 v31, v18;
	v20 =	vadd.f32 v21, v20  }
0xd8: {  	v8 =	vadd.f32 v8, v12;
	v10 =	vsel vm2, v10, v43;
	v51 =	vperm.xlane v4, v1  }
0xd9: {  	v10 =	vadd.f32 v10, v45;
	v47 =	vperm.xlane v18, v0;
	v49 =	vperm.xlane v20, v0  }
0xda: {  	v54 =	vperm.xlane v7, v1;
	v13 =	vsel vm2, v46, v18;
	v50 =	vperm.xlane v8, v1  }
0xdb: {  	v9 =	vsel vm2, v9, v47;
	v12 =	vsel vm2, v48, v20;
	v11 =	vsel vm2, v11, v49  }
0xdc: {  	v53 =	vperm.xlane v10, v1;
	v9 =	vadd.f32 v9, v13;
	v11 =	vadd.f32 v11, v12  }
0xdd: {  	v8 =	vsel vm0, v51, v8;
	v10 =	vsel vm0, v52, v10;
	v4 =	vsel vm0, v4, v50  }
0xde: {  	v5 =	vsel vm0, v5, v53;
	v55 =	vperm.xlane v9, v1;
	v57 =	vperm.xlane v11, v1  }
0xdf: {  	v4 =	vadd.f32 v4, v8;
	v5 =	vadd.f32 v5, v10;
	v8 =	vsel vm0, v54, v9  }
0xe0: {  	v7 =	vsel vm0, v7, v55;
	v58 =	vsel vm0, v56, v11;
	v6 =	vsel vm0, v6, v57  }
0xe1: {  	v7 =	vadd.f32 v7, v8;
	v6 =	vadd.f32 v6, v58  }
0xe2: {  	v59 =	vperm.xlane v4, v2;
	v10 =	vperm.xlane v5, v2  }
0xe3: {  	v60 =	vperm.xlane v7, v2;
	v61 =	vperm.xlane v6, v2  }
0xe4: {  	v7 =	vsel vm1, v59, v7  }
0xe5: {  	v4 =	vsel vm1, v4, v60;
	v6 =	vsel vm1, v10, v6;
	v5 =	vsel vm1, v5, v61  }
0xe6: {  	v4 =	vadd.f32 v4, v7;
	v5 =	vadd.f32 v5, v6;
	_ =	sdelay $0x1  }
0xe7: {  	p0 =	sne.s32 s22, $0x4000;
	v62 =	vperm.xlane v4, v3;
	v63 =	vperm.xlane v5, v3  }
.Ltmp5:
0xe8: {  	_ = 	snop;
	(pc) =	sbr.rel @p0 .LBB2_7-.Ltmp5, $3  }
0xe9: {  	v5 =	vsel vm3, v62, v5;
	v4 =	vsel vm3, v4, v63  }
0xea: {  	v4 =	vadd.f32 v5, v4;
	_ =	sdelay $0x1  }
0xeb: {  	s22 =	sadd.s32 $0x1000, s22;
	[tilespmem:s23+$0x0] =	vst v4;
	s23 =	sadd.s32 $0x10, s23  }
0xec: {  	p0 =	sgt.u32 s21, $0x7A  }
0xed: {  	s22 =	smul.u32 @!p0 $0x50, s21  }
.Ltmp6:
0xee: {  	_ = 	snop;
	(pc) =	sbr.rel .LBB2_9-.Ltmp6, $4  }
0xef: {  	s24 =	simm.s32 @!p0 $0x50;
	s25 =	simm.s32 @!p0 $0x6220;
	s23 =	sadd.s32 @!p0 $0xA0, s22  }
0xf0: {  	[tilespmem:s25], [sflag:$0x2] =	stream.indirect.gather @!p0 [hbm4b:s3+s24], $0x40, s23, s24, $0xb8;
	[tilespmem:$0xC530] =	vst v63  }
0xf1: {  	s22 =	sadd.s32 @!p0 $0x27B0, s22;
	s23 =	simm.s32 @!p0 $0x8A20  }
0xf2: {  	[tilespmem:s23], [sflag:$0x2] =	stream.indirect.gather @!p0 [hbm4b:s3+s24], $0x40, s22, s24, $0xb8;
	[tilespmem:$0xC530] =	vst v63  }
.LBB2_3:
0xf3: {  	_ =	swait.ge [sflag:s18], $0x1400  }
0xf4: {  	[sflag:s18] =	ssyncset.done $0x0  }
0xf5: {  	[sflag:s18] =	ssyncadd.s32 $0xFFFFEC00  }
0xf6: {  	_ =	swait.ge [sflag:s18], $0x1400  }
0xf7: {  	[sflag:s18] =	ssyncset.done $0x0  }
0xf8: {  	s22 =	simm.s32 $0xFC0;
	s23 =	smov.u32 s20;
	[sflag:s18] =	ssyncadd.s32 $0xFFFFEC00  }
.LBB2_4:
0xf9: {  	s24 =	sshra.s32 s22, $0x2  }
0xfa: {  	v4 =	vld [tilespmem:s24+$0x4A30]  }
0xfb: {  	v5 =	vld [tilespmem:s24+$0x7230]  }
0xfc: {  	v6 =	vld [tilespmem:s24+$0x4A40]  }
0xfd: {  	v7 =	vld [tilespmem:s24+$0x7240]  }
0xfe: {  	v8 =	vld [tilespmem:s24+$0x4A50]  }
0xff: {  	v9 =	vld [tilespmem:s24+$0x7250]  }
0x100: {  	v10 =	vld [tilespmem:s24+$0x4A60]  }
0x101: {  	v11 =	vld [tilespmem:s24+$0x7260]  }
0x102: {  	v12 =	vld [tilespmem:s24+$0x4A70]  }
0x103: {  	v15 =	vld [tilespmem:s24+$0x7270]  }
0x104: {  	v48 =	vld [tilespmem:s24+$0x4A80]  }
0x105: {  	v17 =	vld [tilespmem:s24+$0x7280]  }
0x106: {  	v49 =	vld [tilespmem:s24+$0x4A90]  }
0x107: {  	v50 =	vld [tilespmem:s24+$0x7290]  }
0x108: {  	v18 =	vld [tilespmem:s24+$0x4AA0]  }
0x109: {  	v20 =	vld [tilespmem:s24+$0x72A0]  }
0x10a: {  	v55 =	vld [tilespmem:s24+$0x4AB0]  }
0x10b: {  	v22 =	vld [tilespmem:s24+$0x72B0];
	v13 =	vshll.u32 v4, $0x10;
	v14 =	vshll.u32 v5, $0x10;
	v4 =	vmul.f32 v5, v4  }
0x10c: {  	v57 =	vld [tilespmem:s24+$0x4AC0];
	v5 =	vshll.u32 v6, $0x10;
	v16 =	vshll.u32 v7, $0x10;
	v6 =	vmul.f32 v7, v6  }
0x10d: {  	v27 =	vld [tilespmem:s24+$0x4AE0];
	v51 =	vshll.u32 v8, $0x10;
	v52 =	vshll.u32 v9, $0x10;
	v53 =	vshll.u32 v12, $0x10  }
0x10e: {  	v43 =	vld [tilespmem:s24+$0x72E0];
	v19 =	vshll.u32 v15, $0x10;
	v8 =	vmul.f32 v9, v8;
	v54 =	vshll.u32 v10, $0x10  }
0x10f: {  	v59 =	vld [tilespmem:s24+$0x72C0];
	v12 =	vmul.f32 v15, v12;
	v56 =	vshll.u32 v48, $0x10;
	v21 =	vshll.u32 v17, $0x10  }
0x110: {  	v25 =	vld [tilespmem:s24+$0x72D0];
	v23 =	vshll.u32 v11, $0x10;
	v60 =	vmul.f32 v11, v10;
	v24 =	vshll.u32 v50, $0x10  }
0x111: {  	v31 =	vld [tilespmem:s24+$0x4B30];
	v7 =	vmul.f32 v50, v49;
	v41 =	vshll.u32 v18, $0x10;
	v42 =	vshll.u32 v20, $0x10  }
0x112: {  	v34 =	vld [tilespmem:s24+$0x7330];
	v44 =	vshll.u32 v55, $0x10;
	v45 =	vshll.u32 v22, $0x10;
	v47 =	vmul.f32 v20, v18  }
0x113: {  	v63 =	vld [tilespmem:s24+$0x4AD0];
	v50 =	vshll.u32 v57, $0x10;
	v10 =	vmul.f32 v43, v27;
	v13 =	vmul.f32 v14, v13  }
0x114: {  	v46 =	vld [tilespmem:s24+$0x4AF0];
	v36 =	vshll.u32 v27, $0x10;
	v5 =	vmul.f32 v16, v5;
	v16 =	vmul.f32 v19, v53  }
0x115: {  	v37 =	vld [tilespmem:s24+$0x4B40];
	v38 =	vshll.u32 v43, $0x10;
	v15 =	vmul.f32 v21, v56;
	v14 =	vmul.f32 v17, v48  }
0x116: {  	v39 =	vld [tilespmem:s24+$0x7340];
	v58 =	vmul.f32 v23, v54;
	v11 =	vmul.f32 v42, v41;
	v56 =	vshll.u32 v25, $0x10  }
0x117: {  	v48 =	vld [tilespmem:s24+$0x72F0];
	v17 =	vmul.f32 v34, v31;
	v4 =	vadd.f32 v13, v4;
	v5 =	vadd.f32 v5, v6  }
0x118: {  	v54 =	vld [tilespmem:s24+$0x7300];
	v6 =	vmul.f32 v52, v51;
	v61 =	vadd.f32 v16, v12;
	v62 =	vadd.f32 v15, v14  }
0x119: {  	v42 =	vld [tilespmem:s24+$0x4B50];
	v13 =	vmul.f32 v45, v44;
	v51 =	vshll.u32 v59, $0x10;
	v12 =	vmul.f32 v25, v63  }
0x11a: {  	v52 =	vld [tilespmem:s24+$0x4B00];
	v53 =	vmul.f32 v51, v50;
	v4 =	vadd.f32 v5, v4;
	v5 =	vadd.f32 v6, v8  }
0x11b: {  	v44 =	vld [tilespmem:s24+$0x7350];
	v6 =	vadd.f32 v58, v60;
	v26 =	vadd.f32 v62, v61;
	v8 =	vmul.f32 v59, v57  }
0x11c: {  	v25 =	vld [tilespmem:s24+$0x73F0];
	v60 =	vshll.u32 v46, $0x10;
	v61 =	vshll.u32 v48, $0x10;
	v28 =	vmul.f32 v48, v46  }
0x11d: {  	v51 =	vld [tilespmem:s24+$0x4B70];
	v30 =	vshll.u32 v54, $0x10;
	v48 =	vshll.u32 v31, $0x10;
	v4 =	vadd.f32 v5, v4  }
0x11e: {  	v57 =	vld [tilespmem:s24+$0x4B10];
	v5 =	vshll.u32 v49, $0x10;
	v49 =	vmul.f32 v22, v55;
	v55 =	vshll.u32 v63, $0x10  }
0x11f: {  	v59 =	vld [tilespmem:s24+$0x7310];
	v8 =	vadd.f32 v53, v8;
	v53 =	vshll.u32 v39, $0x10;
	v5 =	vmul.f32 v24, v5  }
0x120: {  	v62 =	vld [tilespmem:s24+$0x4B20];
	v58 =	vmul.f32 v56, v55;
	v29 =	vshll.u32 v52, $0x10;
	v33 =	vmul.f32 v54, v52  }
0x121: {  	v63 =	vld [tilespmem:s24+$0x7320];
	v52 =	vshll.u32 v37, $0x10;
	v14 =	vmul.f32 v44, v42;
	v13 =	vadd.f32 v13, v49  }
0x122: {  	v24 =	vld [tilespmem:s24+$0x7360];
	v4 =	vadd.f32 v6, v4;
	v32 =	vmul.f32 v30, v29;
	v49 =	vshll.u32 v34, $0x10  }
0x123: {  	v54 =	vld [tilespmem:s24+$0x7370];
	v55 =	vmul.f32 v53, v52;
	v30 =	vshll.u32 v51, $0x10;
	v5 =	vadd.f32 v5, v7  }
0x124: {  	v56 =	vld [tilespmem:s24+$0x4B80];
	v7 =	vadd.f32 v11, v47;
	v9 =	vadd.f32 v58, v12;
	v11 =	vmul.f32 v61, v60  }
0x125: {  	v29 =	vld [tilespmem:s24+$0x73A0];
	v40 =	vshll.u32 v57, $0x10;
	v41 =	vshll.u32 v59, $0x10;
	v15 =	vmul.f32 v59, v57  }
0x126: {  	v34 =	vld [tilespmem:s24+$0x73B0];
	v45 =	vshll.u32 v62, $0x10;
	v50 =	vmul.f32 v49, v48;
	v60 =	vshll.u32 v42, $0x10  }
0x127: {  	v53 =	vld [tilespmem:s24+$0x4C00];
	v61 =	vshll.u32 v44, $0x10;
	v8 =	vadd.f32 v8, v13;
	v6 =	vadd.f32 v32, v33  }
0x128: {  	v47 =	vld [tilespmem:s24+$0x4B60];
	v43 =	vmul.f32 v41, v40;
	v5 =	vadd.f32 v5, v26;
	v46 =	vshll.u32 v63, $0x10  }
0x129: {  	v58 =	vld [tilespmem:s24+$0x7380];
	v12 =	vmul.f32 v63, v62;
	v35 =	vadd.f32 v9, v8;
	v8 =	vmul.f32 v38, v36  }
0x12a: {  	v59 =	vld [tilespmem:s24+$0x4B90];
	v11 =	vadd.f32 v11, v28;
	v16 =	vmul.f32 v46, v45;
	v9 =	vmul.f32 v39, v37  }
0x12b: {  	v44 =	vld [tilespmem:s24+$0x73D0];
	v28 =	vshll.u32 v24, $0x10;
	v31 =	vshll.u32 v54, $0x10;
	v5 =	vadd.f32 v7, v5  }
0x12c: {  	v32 =	vld [tilespmem:s24+$0x4BB0];
	v18 =	vmul.f32 v54, v51;
	v6 =	vadd.f32 v6, v11;
	v11 =	vadd.f32 v43, v15  }
0x12d: {  	v41 =	vld [tilespmem:s24+$0x4BD0];
	v15 =	vadd.f32 v50, v17;
	v26 =	vshll.u32 v29, $0x10;
	v8 =	vadd.f32 v8, v10  }
0x12e: {  	v48 =	vld [tilespmem:s24+$0x73E0];
	v57 =	vadd.f32 v16, v12;
	v9 =	vadd.f32 v55, v9;
	v27 =	vshll.u32 v47, $0x10  }
0x12f: {  	v62 =	vld [tilespmem:s24+$0x7390];
	v33 =	vmul.f32 v24, v47;
	v16 =	vmul.f32 v31, v30;
	v36 =	vshll.u32 v58, $0x10  }
0x130: {  	v63 =	vld [tilespmem:s24+$0x4BA0];
	v12 =	vmul.f32 v58, v56;
	v42 =	vshll.u32 v59, $0x10;
	v47 =	vshll.u32 v34, $0x10  }
0x131: {  	v37 =	vld [tilespmem:s24+$0x4BC0];
	v6 =	vadd.f32 v11, v6;
	v46 =	vshll.u32 v32, $0x10;
	v20 =	vmul.f32 v34, v32  }
0x132: {  	v39 =	vld [tilespmem:s24+$0x73C0];
	v55 =	vshll.u32 v41, $0x10;
	v32 =	vshll.u32 v53, $0x10;
	v7 =	vadd.f32 v8, v35  }
0x133: {  	v45 =	vld [tilespmem:s24+$0x4BE0];
	v9 =	vadd.f32 v9, v15;
	v8 =	vmul.f32 v61, v60;
	v15 =	vmul.f32 v28, v27  }
0x134: {  	v54 =	vld [tilespmem:s24+$0x7400];
	v35 =	vshll.u32 v56, $0x10;
	v40 =	vadd.f32 v16, v18;
	v43 =	vshll.u32 v62, $0x10  }
0x135: {  	v50 =	vld [tilespmem:s24+$0x4BF0];
	v10 =	vmul.f32 v62, v59;
	v49 =	vshll.u32 v63, $0x10;
	v11 =	vmul.f32 v29, v63  }
0x136: {  	v30 =	vld [tilespmem:s24+$0x4C30];
	v56 =	vshll.u32 v44, $0x10;
	v16 =	vmul.f32 v44, v41;
	v61 =	vshll.u32 v48, $0x10  }
0x137: {  	v31 =	vld [tilespmem:s24+$0x7430];
	v29 =	vshll.u32 v25, $0x10;
	v6 =	vadd.f32 v57, v6;
	v38 =	vmul.f32 v36, v35  }
0x138: {  	v34 =	vld [tilespmem:s24+$0x4C40];
	v51 =	vshll.u32 v37, $0x10;
	v52 =	vshll.u32 v39, $0x10;
	v13 =	vmul.f32 v39, v37  }
0x139: {  	v59 =	vld [tilespmem:s24+$0x7410];
	v58 =	vmul.f32 v56, v55;
	v60 =	vshll.u32 v45, $0x10;
	v36 =	vmul.f32 v54, v53  }
0x13a: {  	v41 =	vld [tilespmem:s24+$0x7450];
	v8 =	vadd.f32 v8, v14;
	v14 =	vadd.f32 v15, v33;
	v15 =	vmul.f32 v47, v46  }
0x13b: {  	v62 =	vld [tilespmem:s24+$0x4C20];
	v22 =	vmul.f32 v52, v51;
	v28 =	vshll.u32 v50, $0x10;
	v33 =	vshll.u32 v54, $0x10  }
0x13c: {  	v63 =	vld [tilespmem:s24+$0x7420];
	v17 =	vmul.f32 v25, v50;
	v35 =	vmul.f32 v33, v32;
	v8 =	vadd.f32 v8, v9  }
0x13d: {  	v57 =	vld [tilespmem:s24+$0x4C10];
	v9 =	vadd.f32 v38, v12;
	v12 =	vmul.f32 v43, v42;
	v15 =	vadd.f32 v15, v20  }
0x13e: {  	v37 =	vld [tilespmem:s24+$0x7440];
	v13 =	vadd.f32 v22, v13;
	v42 =	vshll.u32 v30, $0x10;
	v43 =	vshll.u32 v31, $0x10  }
0x13f: {  	v46 =	vld [tilespmem:s24+$0x7460];
	v47 =	vshll.u32 v34, $0x10;
	v55 =	vshll.u32 v41, $0x10;
	v8 =	vadd.f32 v14, v8  }
0x140: {  	v51 =	vld [tilespmem:s24+$0x4C80];
	v9 =	vadd.f32 v9, v40;
	v10 =	vadd.f32 v12, v10;
	v12 =	vmul.f32 v26, v49  }
0x141: {  	v44 =	vld [tilespmem:s24+$0x4C60];
	v13 =	vadd.f32 v13, v15;
	v15 =	vmul.f32 v61, v60;
	v14 =	vmul.f32 v48, v45  }
0x142: {  	v53 =	vld [tilespmem:s24+$0x7480];
	v39 =	vshll.u32 v57, $0x10;
	v40 =	vshll.u32 v59, $0x10;
	v20 =	vmul.f32 v59, v57  }
0x143: {  	v56 =	vld [tilespmem:s24+$0x4C90];
	v45 =	vshll.u32 v62, $0x10;
	v27 =	vshll.u32 v37, $0x10;
	v19 =	vmul.f32 v37, v34  }
0x144: {  	v38 =	vld [tilespmem:s24+$0x4C50];
	v21 =	vmul.f32 v27, v47;
	v59 =	vshll.u32 v46, $0x10;
	v9 =	vadd.f32 v10, v9  }
0x145: {  	v32 =	vld [tilespmem:s24+$0x74B0];
	v34 =	vshll.u32 v51, $0x10;
	v10 =	vadd.f32 v58, v16;
	v11 =	vadd.f32 v12, v11  }
0x146: {  	v48 =	vld [tilespmem:s24+$0x7470];
	v14 =	vadd.f32 v15, v14;
	v12 =	vmul.f32 v29, v28;
	v15 =	vmul.f32 v31, v30  }
0x147: {  	v57 =	vld [tilespmem:s24+$0x7490];
	v29 =	vshll.u32 v63, $0x10;
	v16 =	vmul.f32 v63, v62;
	v58 =	vshll.u32 v44, $0x10  }
0x148: {  	v47 =	vld [tilespmem:s24+$0x4CE0];
	v63 =	vmul.f32 v46, v44;
	v50 =	vmul.f32 v29, v45;
	v52 =	vadd.f32 v21, v19  }
0x149: {  	v28 =	vld [tilespmem:s24+$0x4C70];
	v54 =	vshll.u32 v38, $0x10;
	v19 =	vmul.f32 v53, v51;
	v13 =	vadd.f32 v10, v13  }
0x14a: {  	v62 =	vld [tilespmem:s24+$0x4CB0];
	v45 =	vshll.u32 v32, $0x10;
	v10 =	vadd.f32 v11, v9;
	v12 =	vadd.f32 v12, v17  }
0x14b: {  	v46 =	vld [tilespmem:s24+$0x74D0];
	v11 =	vadd.f32 v35, v36;
	v17 =	vmul.f32 v43, v42;
	v35 =	vshll.u32 v53, $0x10  }
0x14c: {  	v30 =	vld [tilespmem:s24+$0x4D20];
	v61 =	vshll.u32 v48, $0x10;
	v37 =	vmul.f32 v35, v34;
	v9 =	vadd.f32 v14, v13  }
0x14d: {  	v21 =	vld [tilespmem:s24+$0x4CA0];
	v14 =	vmul.f32 v40, v39;
	v11 =	vadd.f32 v11, v12;
	v12 =	vmul.f32 v55, v54  }
0x14e: {  	v51 =	vld [tilespmem:s24+$0x74E0];
	v15 =	vadd.f32 v17, v15;
	v13 =	vmul.f32 v41, v38;
	v17 =	vmul.f32 v59, v58  }
0x14f: {  	v36 =	vld [tilespmem:s24+$0x4CC0];
	v39 =	vshll.u32 v56, $0x10;
	v40 =	vshll.u32 v57, $0x10;
	v60 =	vshll.u32 v28, $0x10  }
0x150: {  	v43 =	vld [tilespmem:s24+$0x4CD0];
	v33 =	vmul.f32 v48, v28;
	v42 =	vmul.f32 v40, v39;
	v44 =	vshll.u32 v62, $0x10  }
0x151: {  	v53 =	vld [tilespmem:s24+$0x4CF0];
	v48 =	vmul.f32 v32, v62;
	v49 =	vadd.f32 v14, v20;
	v14 =	vadd.f32 v50, v16  }
0x152: {  	v34 =	vld [tilespmem:s24+$0x7510];
	v32 =	vshll.u32 v47, $0x10;
	v15 =	vadd.f32 v52, v15;
	v12 =	vadd.f32 v12, v13  }
0x153: {  	v38 =	vld [tilespmem:s24+$0x74C0];
	v18 =	vmul.f32 v61, v60;
	v16 =	vmul.f32 v57, v56;
	v13 =	vadd.f32 v17, v63  }
0x154: {  	v41 =	vld [tilespmem:s24+$0x74A0];
	v17 =	vmul.f32 v45, v44;
	v55 =	vshll.u32 v21, $0x10;
	v60 =	vshll.u32 v46, $0x10  }
0x155: {  	v58 =	vld [tilespmem:s24+$0x4D00];
	v59 =	vshll.u32 v43, $0x10;
	v22 =	vmul.f32 v46, v43;
	v11 =	vadd.f32 v49, v11  }
0x156: {  	v56 =	vld [tilespmem:s24+$0x74F0];
	v35 =	vshll.u32 v53, $0x10;
	v12 =	vadd.f32 v12, v15;
	v18 =	vadd.f32 v18, v33  }
0x157: {  	v61 =	vld [tilespmem:s24+$0x7500];
	v15 =	vadd.f32 v37, v19;
	v16 =	vadd.f32 v42, v16;
	v49 =	vshll.u32 v36, $0x10  }
0x158: {  	v63 =	vld [tilespmem:s24+$0x4D10];
	v17 =	vadd.f32 v17, v48;
	v62 =	vmul.f32 v60, v59;
	v33 =	vshll.u32 v51, $0x10  }
0x159: {  	v44 =	vld [tilespmem:s24+$0x4D40];
	v50 =	vshll.u32 v38, $0x10;
	v20 =	vmul.f32 v38, v36;
	v57 =	vshll.u32 v41, $0x10  }
0x15a: {  	v45 =	vld [tilespmem:s24+$0x7540];
	v21 =	vmul.f32 v41, v21;
	v24 =	vmul.f32 v33, v32;
	v39 =	vshll.u32 v58, $0x10  }
0x15b: {  	v15 =	vadd.f32 v15, v18;
	v11 =	vadd.f32 v14, v11;
	v52 =	vmul.f32 v50, v49  }
0x15c: {  	v31 =	vld [tilespmem:s24+$0x4DB0];
	v12 =	vadd.f32 v13, v12;
	v18 =	vmul.f32 v51, v47;
	v47 =	vshll.u32 v34, $0x10  }
0x15d: {  	v43 =	vld [tilespmem:s24+$0x7530];
	v51 =	vshll.u32 v30, $0x10;
	v36 =	vshll.u32 v56, $0x10;
	v40 =	vshll.u32 v61, $0x10  }
0x15e: {  	v38 =	vld [tilespmem:s24+$0x7520];
	v19 =	vmul.f32 v61, v58;
	v46 =	vshll.u32 v63, $0x10;
	v50 =	vmul.f32 v34, v63  }
0x15f: {  	v41 =	vld [tilespmem:s24+$0x4D30];
	v59 =	vshll.u32 v44, $0x10;
	v60 =	vshll.u32 v45, $0x10;
	v34 =	vperm.xlane v5, v0  }
0x160: {  	v48 =	vld [tilespmem:s24+$0x4D50];
	v54 =	vadd.f32 v16, v15;
	v14 =	vadd.f32 v52, v20;
	v15 =	vmul.f32 v57, v55  }
0x161: {  	v49 =	vld [tilespmem:s24+$0x7550];
	v37 =	vmul.f32 v36, v35;
	v16 =	vmul.f32 v56, v53;
	v18 =	vadd.f32 v24, v18  }
0x162: {  	v58 =	vld [tilespmem:s24+$0x4D70];
	v42 =	vmul.f32 v40, v39;
	v14 =	vadd.f32 v14, v17;
	v17 =	vadd.f32 v62, v22  }
0x163: {  	v61 =	vld [tilespmem:s24+$0x7570];
	v55 =	vshll.u32 v43, $0x10;
	v15 =	vadd.f32 v15, v21;
	v16 =	vadd.f32 v37, v16  }
0x164: {  	v63 =	vld [tilespmem:s24+$0x4D80];
	v19 =	vadd.f32 v42, v19;
	v57 =	vmul.f32 v38, v30;
	v23 =	vmul.f32 v43, v41  }
0x165: {  	v53 =	vld [tilespmem:s24+$0x4D60];
	v52 =	vshll.u32 v38, $0x10;
	v62 =	vmul.f32 v60, v59;
	v21 =	vmul.f32 v45, v44  }
0x166: {  	v56 =	vld [tilespmem:s24+$0x7560];
	v37 =	vshll.u32 v48, $0x10;
	v38 =	vshll.u32 v49, $0x10;
	v17 =	vadd.f32 v17, v14  }
0x167: {  	v39 =	vld [tilespmem:s24+$0x4D90];
	v14 =	vadd.f32 v15, v54;
	v16 =	vadd.f32 v19, v16;
	v15 =	vmul.f32 v47, v46  }
0x168: {  	v36 =	vld [tilespmem:s24+$0x7580];
	v19 =	vmul.f32 v52, v51;
	v54 =	vshll.u32 v41, $0x10;
	v40 =	vmul.f32 v38, v37  }
0x169: {  	v42 =	vshll.u32 v58, $0x10;
	v43 =	vshll.u32 v61, $0x10;
	v25 =	vmul.f32 v61, v58  }
0x16a: {  	v44 =	vld [tilespmem:s24+$0x4DA0];
	v47 =	vshll.u32 v63, $0x10;
	v61 =	vshll.u32 v31, $0x10;
	v20 =	vmul.f32 v55, v54  }
0x16b: {  	v41 =	vld [tilespmem:s24+$0x7590];
	v45 =	vshll.u32 v53, $0x10;
	v32 =	vshll.u32 v56, $0x10;
	v22 =	vmul.f32 v56, v53  }
0x16c: {  	v46 =	vld [tilespmem:s24+$0x75A0];
	v51 =	vshll.u32 v39, $0x10;
	v13 =	vadd.f32 v18, v17;
	v15 =	vadd.f32 v15, v50  }
0x16d: {  	v58 =	vld [tilespmem:s24+$0x75D0];
	v18 =	vadd.f32 v19, v57;
	v17 =	vmul.f32 v49, v48;
	v48 =	vshll.u32 v36, $0x10  }
0x16e: {  	v53 =	vld [tilespmem:s24+$0x75C0];
	v19 =	vmul.f32 v43, v42;
	v35 =	vadd.f32 v20, v23;
	v29 =	vmul.f32 v48, v47  }
0x16f: {  	v55 =	vld [tilespmem:s24+$0x4DD0];
	v20 =	vmul.f32 v36, v63;
	v15 =	vadd.f32 v15, v16;
	v16 =	vadd.f32 v62, v21  }
0x170: {  	v60 =	vld [tilespmem:s24+$0x4DF0];
	v56 =	vshll.u32 v44, $0x10;
	v17 =	vadd.f32 v40, v17;
	v19 =	vadd.f32 v19, v25  }
0x171: {  	v49 =	vld [tilespmem:s24+$0x75B0];
	v20 =	vadd.f32 v29, v20;
	v52 =	vshll.u32 v41, $0x10;
	v21 =	vmul.f32 v41, v39  }
0x172: {  	v50 =	vld [tilespmem:s24+$0x4DC0];
	v57 =	vshll.u32 v46, $0x10;
	v59 =	vmul.f32 v46, v44;
	v47 =	vshll.u32 v58, $0x10  }
0x173: {  	v33 =	vld [tilespmem:s24+$0x4E20];
	v15 =	vadd.f32 v18, v15;
	v16 =	vadd.f32 v16, v35;
	v18 =	vmul.f32 v32, v45  }
0x174: {  	v42 =	vld [tilespmem:s24+$0x7600];
	v54 =	vmul.f32 v52, v51;
	v41 =	vshll.u32 v53, $0x10;
	v46 =	vshll.u32 v55, $0x10  }
0x175: {  	v63 =	vld [tilespmem:s24+$0x75F0];
	v51 =	vshll.u32 v60, $0x10;
	v32 =	vperm.xlane v4, v0;
	v35 =	vperm.xlane v14, v0  }
0x176: {  	v38 =	vld [tilespmem:s24+$0x4E00];
	v14 =	vsel vm2, v34, v14;
	v19 =	vadd.f32 v20, v19;
	v20 =	vmul.f32 v57, v56  }
0x177: {  	v48 =	vld [tilespmem:s24+$0x75E0];
	v62 =	vshll.u32 v49, $0x10;
	v39 =	vmul.f32 v49, v31;
	v40 =	vshll.u32 v50, $0x10  }
0x178: {  	v44 =	vmul.f32 v53, v50;
	v50 =	vmul.f32 v58, v55;
	v16 =	vadd.f32 v17, v16  }
0x179: {  	v55 =	vshll.u32 v42, $0x10;
	v17 =	vadd.f32 v54, v21;
	v18 =	vadd.f32 v18, v22  }
0x17a: {  	v37 =	vmul.f32 v62, v61;
	v43 =	vmul.f32 v41, v40;
	v52 =	vshll.u32 v63, $0x10  }
0x17b: {  	v54 =	vshll.u32 v38, $0x10;
	v56 =	vmul.f32 v63, v60;
	v21 =	vmul.f32 v42, v38  }
0x17c: {  	v60 =	vshll.u32 v48, $0x10;
	v63 =	vshll.u32 v33, $0x10;
	v5 =	vsel vm2, v5, v35  }
0x17d: {  	v45 =	vld [tilespmem:s24+$0x4DE0];
	v40 =	vperm.xlane v15, v0;
	v41 =	vperm.xlane v8, v0;
	v36 =	vadd.f32 v20, v59  }
0x17e: {  	v26 =	vmul.f32 v52, v51;
	v5 =	vadd.f32 v5, v14;
	v17 =	vadd.f32 v17, v19  }
0x17f: {  	v49 =	vld [tilespmem:s24+$0x4E10];
	v57 =	vmul.f32 v55, v54;
	v16 =	vadd.f32 v18, v16;
	v20 =	vadd.f32 v37, v39  }
0x180: {  	v53 =	vld [tilespmem:s24+$0x7610];
	v18 =	vadd.f32 v43, v44;
	v19 =	vmul.f32 v47, v46;
	v37 =	vperm.xlane v7, v0  }
0x181: {  	v58 =	vld [tilespmem:s24+$0x7620];
	v39 =	vperm.xlane v6, v0;
	v6 =	vsel vm2, v6, v40;
	v44 =	vperm.xlane v10, v0  }
0x182: {  	v46 =	vperm.xlane v9, v0;
	v59 =	vshll.u32 v45, $0x10;
	v25 =	vmul.f32 v48, v45  }
0x183: {  	v21 =	vadd.f32 v57, v21;
	v48 =	vperm.xlane v11, v0;
	v52 =	vperm.xlane v5, v1  }
0x184: {  	v17 =	vadd.f32 v36, v17;
	v18 =	vadd.f32 v18, v20;
	v28 =	vmul.f32 v60, v59  }
0x185: {  	v20 =	vadd.f32 v26, v56;
	v61 =	vshll.u32 v49, $0x10;
	v62 =	vshll.u32 v53, $0x10  }
0x186: {  	v19 =	vadd.f32 v19, v50;
	v22 =	vmul.f32 v53, v49;
	v29 =	vshll.u32 v58, $0x10  }
0x187: {  	v30 =	vmul.f32 v58, v33;
	v33 =	vperm.xlane v12, v0;
	v12 =	vsel vm2, v32, v12  }
0x188: {  	v36 =	vperm.xlane v13, v0;
	v38 =	vsel vm2, v37, v13;
	v13 =	vsel vm2, v39, v15  }
0x189: {  	v42 =	vperm.xlane v16, v0;
	v23 =	vmul.f32 v62, v61;
	v6 =	vadd.f32 v6, v13  }
0x18a: {  	v20 =	vadd.f32 v21, v20;
	v21 =	vmul.f32 v29, v63;
	v18 =	vadd.f32 v19, v18  }
0x18b: {  	v31 =	vadd.f32 v28, v25;
	v4 =	vsel vm2, v4, v33;
	v22 =	vadd.f32 v23, v22  }
0x18c: {  	v7 =	vsel vm2, v7, v36;
	v43 =	vperm.xlane v17, v0;
	v8 =	vsel vm2, v8, v42  }
0x18d: {  	v45 =	vsel vm2, v44, v17;
	v21 =	vadd.f32 v21, v30;
	v20 =	vadd.f32 v22, v20  }
0x18e: {  	v4 =	vadd.f32 v4, v12;
	v7 =	vadd.f32 v7, v38;
	v12 =	vsel vm2, v41, v16  }
0x18f: {  	v56 =	vperm.xlane v6, v1;
	v18 =	vadd.f32 v31, v18;
	v20 =	vadd.f32 v21, v20  }
0x190: {  	v8 =	vadd.f32 v8, v12;
	v10 =	vsel vm2, v10, v43;
	v51 =	vperm.xlane v4, v1  }
0x191: {  	v10 =	vadd.f32 v10, v45;
	v47 =	vperm.xlane v18, v0;
	v49 =	vperm.xlane v20, v0  }
0x192: {  	v54 =	vperm.xlane v7, v1;
	v13 =	vsel vm2, v46, v18;
	v50 =	vperm.xlane v8, v1  }
0x193: {  	v9 =	vsel vm2, v9, v47;
	v12 =	vsel vm2, v48, v20;
	v11 =	vsel vm2, v11, v49  }
0x194: {  	v53 =	vperm.xlane v10, v1;
	v9 =	vadd.f32 v9, v13;
	v11 =	vadd.f32 v11, v12  }
0x195: {  	v8 =	vsel vm0, v51, v8;
	v10 =	vsel vm0, v52, v10;
	v4 =	vsel vm0, v4, v50  }
0x196: {  	v5 =	vsel vm0, v5, v53;
	v55 =	vperm.xlane v9, v1;
	v57 =	vperm.xlane v11, v1  }
0x197: {  	v4 =	vadd.f32 v4, v8;
	v5 =	vadd.f32 v5, v10;
	v8 =	vsel vm0, v54, v9  }
0x198: {  	v7 =	vsel vm0, v7, v55;
	v58 =	vsel vm0, v56, v11;
	v6 =	vsel vm0, v6, v57  }
0x199: {  	v7 =	vadd.f32 v7, v8;
	v6 =	vadd.f32 v6, v58  }
0x19a: {  	v59 =	vperm.xlane v4, v2;
	v10 =	vperm.xlane v5, v2  }
0x19b: {  	v60 =	vperm.xlane v7, v2;
	v61 =	vperm.xlane v6, v2  }
0x19c: {  	v7 =	vsel vm1, v59, v7  }
0x19d: {  	v4 =	vsel vm1, v4, v60;
	v6 =	vsel vm1, v10, v6;
	v5 =	vsel vm1, v5, v61  }
0x19e: {  	v4 =	vadd.f32 v4, v7;
	v5 =	vadd.f32 v5, v6;
	_ =	sdelay $0x1  }
0x19f: {  	p0 =	sne.s32 s22, $0x4FC0;
	v62 =	vperm.xlane v4, v3;
	v63 =	vperm.xlane v5, v3  }
.Ltmp7:
0x1a0: {  	_ = 	snop;
	(pc) =	sbr.rel @p0 .LBB2_4-.Ltmp7, $3  }
0x1a1: {  	v5 =	vsel vm3, v62, v5;
	v4 =	vsel vm3, v4, v63  }
0x1a2: {  	v4 =	vadd.f32 v5, v4;
	_ =	sdelay $0x1  }
0x1a3: {  	s22 =	sadd.s32 $0x1000, s22;
	[tilespmem:s23+$0x0] =	vst v4;
	s23 =	sadd.s32 $0x10, s23  }
.Ltmp8:
0x1a4: {  	_ = 	snop;
	(pc) =	sbr.rel .LBB2_5-.Ltmp8, $1  }
0x1a5: {  	_ =	sdelay $0x3  }
.LBB2_11:
0x1a6: {  	_ =	sfence.sel $0x180000  }
0x1a7: {  	[bflag:$0x0] =	sbarrier.arrive $0xFFFF  }
0x1a8: {  	p0 =	sne.s32 s0, $0x0;
	_ =	strace $0x90000047  }
0x1a9: {  	s0 =	sadd.s32 @!p0 $0x100000, s1;
	[bflag:$0x2] =	sbarrier.arrive $0xFFFF  }
0x1aa: {  	[sflag:s0] =	ssyncadd.tile.s32 @!p0 $0x1;
	_ =	shalt  }
.Lfunc_end2:
_tile_overlayer_lowered:
.L_overlay_start_2:
0x1ab: {  	(tag) =	ssettag $0x2  }
0x1ac: {  	s0 =	rddreg [dreg:$0x0];
	s2 =	stileid.u32  }
0x1ad: {  	s1 =	rddreg [dreg:$0x1];
	p0 =	sne.s32 s2, $0x0  }
0x1ae: {  	s3 =	rddreg [dreg:$0x2];
	[bflag:$0x3] =	sbarrier.arrive $0xFFFF;
	s2 =	simm.s32 @!p0 $0x1C03  }
0x1af: {  	[timem:s3], [sflag:s2] =	dma.local @!p0 [hbm:s0], s1  }
0x1b0: {  	s0 =	simm.s32 @!p0 $0x3  }
0x1b1: {  	_ =	swait.ge @!p0 [sflag:s0], s1  }
0x1b2: {  	s1 =	ssub.s32 @!p0 $0x0, s1;
	[sflag:s0] =	ssyncset.done @!p0 $0x0  }
0x1b3: {  	[sflag:s0] =	ssyncadd.s32 @!p0 s1  }
0x1b4: {  	[bflag:$0x3] =	sbarrier.arrive $0xFFFF  }
0x1b5: {  	_ =	shalt  }

</sc_bundles>
